<compile_context>
chip_gen: v7x
topology: tpu7x:2x2x1
jax: 0.10.2.dev20260603
libtpu: 0.0.44.dev20260713+nightly
codegen_flags: <defaults>
</compile_context>

<pallas_src>
import functools

import jax
import jax.numpy as jnp
from jax import lax
from jax.experimental import pallas as pl
from jax.experimental.pallas import tpu as pltpu
from jax.experimental.pallas import tpu_sc as plsc

_L = 16


def _make_sc_kernel(rows, D, num_cores, num_subcores):
    NW = num_cores * num_subcores
    rows_per_w = rows // NW
    R = 16
    NCH = rows_per_w // R
    n_slices = D // _L
    mesh = plsc.VectorSubcoreMesh(core_axis_name="c", subcore_axis_name="s")

    @functools.partial(
        pl.kernel,
        mesh=mesh,
        out_type=jax.ShapeDtypeStruct((rows, D), jnp.float32),
        scratch_types=[
            pltpu.VMEM((8,), jnp.int32),
            pltpu.VMEM((8, D), jnp.float32),
            pltpu.VMEM((R, D), jnp.float32),
            pltpu.VMEM((R, D), jnp.float32),
            pltpu.VMEM((R, D), jnp.float32),
            pltpu.VMEM((R, D), jnp.float32),
            pltpu.SemaphoreType.DMA,
            pltpu.SemaphoreType.DMA,
            pltpu.SemaphoreType.DMA,
            pltpu.SemaphoreType.DMA,
            pltpu.SemaphoreType.DMA,
        ],
    )
    def sc_kernel(idx_hbm, emb_hbm, feat_hbm, out_hbm,
                  idx_v, row_v, in0, in1, ob0, ob1,
                  sem_row, si0, si1, so0, so1):
        c = lax.axis_index("c")
        s = lax.axis_index("s")
        wid = s * num_cores + c
        base = wid * rows_per_w

        pltpu.sync_copy(idx_hbm, idx_v)
        pltpu.make_async_copy(emb_hbm.at[idx_v], row_v, sem_row).start()

        in_bufs = (in0, in1)
        out_bufs = (ob0, ob1)
        isems = (si0, si1)
        osems = (so0, so1)

        def in_cp(g, b):
            return pltpu.make_async_copy(
                feat_hbm.at[pl.ds(base + g * R, R)], in_bufs[b], isems[b])

        def out_cp(g, b):
            return pltpu.make_async_copy(
                out_bufs[b], out_hbm.at[pl.ds(base + g * R, R)], osems[b])

        in_cp(0, 0).start()
        in_cp(1, 1).start()
        pltpu.make_async_copy(emb_hbm.at[idx_v], row_v, sem_row).wait()

        def add_chunk(src, dst):
            for q in range(n_slices // 16):
                held = [row_v[0, pl.ds((q * 16 + j) * _L, _L)]
                        for j in range(16)]

                @plsc.parallel_loop(0, R, unroll=2)
                def row_body(r):
                    for j in range(16):
                        off = (q * 16 + j) * _L
                        dst[r, pl.ds(off, _L)] = (
                            src[r, pl.ds(off, _L)] + held[j])

        def step(t, carry):
            for b in range(2):
                g = 2 * t + b
                in_cp(g, b).wait()

                @pl.when(g >= 2)
                def _():
                    out_cp(g - 2, b).wait()

                add_chunk(in_bufs[b], out_bufs[b])

                @pl.when(g + 2 < NCH)
                def _():
                    in_cp(g + 2, b).start()

                out_cp(g, b).start()
            return carry

        lax.fori_loop(0, NCH // 2, step, 0)
        out_cp(NCH - 2, 0).wait()
        out_cp(NCH - 1, 1).wait()

    return sc_kernel


def kernel(features, view_type_id, type_embedding):
    squeeze = False
    if features.ndim == 2:
        features = features[None, :, :]
        squeeze = True
    B, N, D = features.shape
    rows = B * N
    flat = features.reshape(rows, D)
    idx = jnp.full((8,), view_type_id, dtype=jnp.int32)

    info = plsc.get_sparse_core_info()
    sc = _make_sc_kernel(rows, D, info.num_cores, info.num_subcores)
    out = sc(idx, type_embedding, flat)

    out = out.reshape(B, N, D)
    if squeeze:
        return out[0]
    return out

# --- scband reference (transcript-rebuilt; emitter-appended) ---
"""Pipeline reference for scband-view-type-encoder-83288005804562 (READ-ONLY COPY).

The authoritative reference and input builder live on the scoring server;
editing this copy changes nothing except your own understanding.
"""

import jax, jax.numpy as jnp
import numpy as np

NUM_VIEW_TYPES = 7
EMBED_DIM = 1024


def setup_inputs(seed: int = 0) -> dict:
    key = jax.random.key(seed)
    k1, k2 = jax.random.split(key)
    features = jax.random.normal(k1, (4, 4096, 1024), dtype=jnp.float32)
    view_type_id = 3
    type_embedding = jax.random.normal(k2, (NUM_VIEW_TYPES, EMBED_DIM), dtype=jnp.float32)
    return {"features": features, "view_type_id": view_type_id, "type_embedding": type_embedding}


def reference(features, view_type_id, type_embedding):
    # features: [B, N, D] (2-D inputs would be unsqueezed to [1, N, D])
    squeeze = False
    if features.ndim == 2:
        features = features[None, :, :]
        squeeze = True
    # type_embedding lookup: embedding(tensor([view_type_id])) -> [1, D]
    idx = jnp.array([view_type_id], dtype=jnp.int32)
    type_emb = jnp.take(type_embedding, idx, axis=0)  # [1, D]
    # unsqueeze(1) -> [1, 1, D], broadcast add
    features_with_type = features + type_emb[:, None, :]
    if squeeze:
        return features_with_type[0]
    return features_with_type

if __name__ == "__main__":
    import jax
    _d = setup_inputs()
    print(jax.jit(kernel)(*tuple(_d.values())))

</pallas_src>

<mosaic_0001>
#map = affine_map<(d0, d1) -> (0)>
#map1 = affine_map<(d0, d1) -> (0, 0)>
module attributes {stable_mosaic.version = 14 : i64} {
  func.func @sc_kernel(%arg0: i32, %arg1: i32, %arg2: memref<8xi32, #tpu.memory_space<hbm>>, %arg3: memref<7x1024xf32, #tpu.memory_space<hbm>>, %arg4: memref<16384x1024xf32, #tpu.memory_space<hbm>>, %arg5: memref<16384x1024xf32, #tpu.memory_space<hbm>>, %arg6: memref<8xi32, #tpu.memory_space<vmem>>, %arg7: memref<8x1024xf32, #tpu.memory_space<vmem>>, %arg8: memref<16x1024xf32, #tpu.memory_space<vmem>>, %arg9: memref<16x1024xf32, #tpu.memory_space<vmem>>, %arg10: memref<16x1024xf32, #tpu.memory_space<vmem>>, %arg11: memref<16x1024xf32, #tpu.memory_space<vmem>>, %arg12: memref<!tpu.dma_semaphore, #tpu.memory_space<semaphore_mem>>, %arg13: memref<!tpu.dma_semaphore, #tpu.memory_space<semaphore_mem>>, %arg14: memref<!tpu.dma_semaphore, #tpu.memory_space<semaphore_mem>>, %arg15: memref<!tpu.dma_semaphore, #tpu.memory_space<semaphore_mem>>, %arg16: memref<!tpu.dma_semaphore, #tpu.memory_space<semaphore_mem>>) attributes {dimension_semantics = [#tpu.dimension_semantics<core_parallel>, #tpu.dimension_semantics<subcore_parallel>], iteration_bounds = array<i64: 2, 16>, scalar_prefetch = 0 : i64, scratch_operands = 11 : i64, tpu.core_type = #tpu.core_type<sc_vector_subcore>, window_params = [{transform_indices = #map}, {transform_indices = #map1}, {transform_indices = #map1}, {transform_indices = #map1}]} {
    %mul3A = arith.constant 2 : i32
    %mul3A_0 = arith.muli %arg1, %mul3A : i32
    %add3A = arith.addi %mul3A_0, %arg0 : i32
    %mul3A_1 = arith.constant 512 : i32
    %mul3A_2 = arith.muli %add3A, %mul3A_1 : i32
    "tpu.region"() ({
      %run_scoped3A = tpu.sem_alloc : memref<!tpu.dma_semaphore, #tpu.memory_space<semaphore_mem>>
      tpu.enqueue_dma source(%arg2 : memref<8xi32, #tpu.memory_space<hbm>>) target(%arg6 : memref<8xi32, #tpu.memory_space<vmem>>) target_semaphore(%run_scoped3A : memref<!tpu.dma_semaphore, #tpu.memory_space<semaphore_mem>>)
      tpu.wait_dma2 semaphore(%run_scoped3A : memref<!tpu.dma_semaphore, #tpu.memory_space<semaphore_mem>>) src(%arg2 : memref<8xi32, #tpu.memory_space<hbm>>) dst(%arg6 : memref<8xi32, #tpu.memory_space<vmem>>)
      tpu.yield
    }) : () -> ()
    %dma_start3A = arith.constant 0 : i32
    %dma_start3A_3 = arith.constant 0 : i32
    %dma_start3A_4 = tpu.memref_slice %arg3[%dma_start3A, %dma_start3A_3] : memref<7x1024xf32, #tpu.memory_space<hbm>> -> memref<7x1024xf32, #tpu.memory_space<hbm>>
    tpu.enqueue_indirect_dma source(%dma_start3A_4 : memref<7x1024xf32, #tpu.memory_space<hbm>>) target(%arg7 : memref<8x1024xf32, #tpu.memory_space<vmem>>) offsets(%arg6 : memref<8xi32, #tpu.memory_space<vmem>>) semaphore(%arg12 : memref<!tpu.dma_semaphore, #tpu.memory_space<semaphore_mem>>)
    %add3A_5 = arith.constant 0 : i32
    %add3A_6 = arith.addi %mul3A_2, %add3A_5 : i32
    %dma_start3A_7 = arith.constant 0 : i32
    %dma_start3A_8 = tpu.memref_slice %arg4[%add3A_6, %dma_start3A_7] : memref<16384x1024xf32, #tpu.memory_space<hbm>> -> memref<16x1024xf32, #tpu.memory_space<hbm>>
    %dma_start3A_9 = arith.constant 0 : i32
    %dma_start3A_10 = tpu.memref_slice %arg4[%add3A_6, %dma_start3A_9] : memref<16384x1024xf32, #tpu.memory_space<hbm>> -> memref<16x1024xf32, #tpu.memory_space<hbm>>
    tpu.enqueue_dma source(%dma_start3A_10 : memref<16x1024xf32, #tpu.memory_space<hbm>>) target(%arg8 : memref<16x1024xf32, #tpu.memory_space<vmem>>) target_semaphore(%arg13 : memref<!tpu.dma_semaphore, #tpu.memory_space<semaphore_mem>>)
    %add3A_11 = arith.constant 16 : i32
    %add3A_12 = arith.addi %mul3A_2, %add3A_11 : i32
    %dma_start3A_13 = arith.constant 0 : i32
    %dma_start3A_14 = tpu.memref_slice %arg4[%add3A_12, %dma_start3A_13] : memref<16384x1024xf32, #tpu.memory_space<hbm>> -> memref<16x1024xf32, #tpu.memory_space<hbm>>
    %dma_start3A_15 = arith.constant 0 : i32
    %dma_start3A_16 = tpu.memref_slice %arg4[%add3A_12, %dma_start3A_15] : memref<16384x1024xf32, #tpu.memory_space<hbm>> -> memref<16x1024xf32, #tpu.memory_space<hbm>>
    tpu.enqueue_dma source(%dma_start3A_16 : memref<16x1024xf32, #tpu.memory_space<hbm>>) target(%arg9 : memref<16x1024xf32, #tpu.memory_space<vmem>>) target_semaphore(%arg14 : memref<!tpu.dma_semaphore, #tpu.memory_space<semaphore_mem>>)
    %dma_wait3A = arith.constant 0 : i32
    %dma_wait3A_17 = arith.constant 0 : i32
    %dma_wait3A_18 = tpu.memref_slice %arg3[%dma_wait3A, %dma_wait3A_17] : memref<7x1024xf32, #tpu.memory_space<hbm>> -> memref<7x1024xf32, #tpu.memory_space<hbm>>
    tpu.wait_indirect_dma semaphore(%arg12 : memref<!tpu.dma_semaphore, #tpu.memory_space<semaphore_mem>>) src(%dma_wait3A_18 : memref<7x1024xf32, #tpu.memory_space<hbm>>) dst(%arg7 : memref<8x1024xf32, #tpu.memory_space<vmem>>)
    %scan3A = arith.constant 0 : i32
    %scan3A_19 = arith.constant 0 : i32
    %scan3A_20 = arith.constant 16 : i32
    %scan3A_21 = arith.addi %scan3A_19, %scan3A_20 : i32
    %scan3A_22 = arith.constant 1 : i32
    scf.for %scan3A_36 = %scan3A_19 to %scan3A_21 step %scan3A_22  : i32 {
      %mul3A_37 = arith.constant 2 : i32
      %mul3A_38 = arith.muli %mul3A_37, %scan3A_36 : i32
      %add3A_39 = arith.constant 0 : i32
      %add3A_40 = arith.addi %mul3A_38, %add3A_39 : i32
      %mul3A_41 = arith.constant 16 : i32
      %mul3A_42 = arith.muli %add3A_40, %mul3A_41 : i32
      %add3A_43 = arith.addi %mul3A_2, %mul3A_42 : i32
      %dma_wait3A_44 = arith.constant 0 : i32
      %dma_wait3A_45 = tpu.memref_slice %arg4[%add3A_43, %dma_wait3A_44] : memref<16384x1024xf32, #tpu.memory_space<hbm>> -> memref<16x1024xf32, #tpu.memory_space<hbm>>
      %dma_wait3A_46 = arith.constant 0 : i32
      %dma_wait3A_47 = tpu.memref_slice %arg4[%add3A_43, %dma_wait3A_46] : memref<16384x1024xf32, #tpu.memory_space<hbm>> -> memref<16x1024xf32, #tpu.memory_space<hbm>>
      tpu.wait_dma2 semaphore(%arg13 : memref<!tpu.dma_semaphore, #tpu.memory_space<semaphore_mem>>) src(%dma_wait3A_47 : memref<16x1024xf32, #tpu.memory_space<hbm>>) dst(%arg8 : memref<16x1024xf32, #tpu.memory_space<vmem>>)
      %ge3A = arith.constant 2 : i32
      %ge3A_48 = arith.cmpi sge, %add3A_40, %ge3A : i32
      %convert_element_type3A = arith.extui %ge3A_48 : i1 to i32
      %cond3A = arith.constant 0 : i32
      %cond3A_49 = arith.cmpi ne, %convert_element_type3A, %cond3A : i32
      scf.if %cond3A_49 {
        %sub3A = arith.constant 2 : i32
        %sub3A_755 = arith.subi %add3A_40, %sub3A : i32
        %mul3A_756 = arith.constant 16 : i32
        %mul3A_757 = arith.muli %sub3A_755, %mul3A_756 : i32
        %add3A_758 = arith.addi %mul3A_2, %mul3A_757 : i32
        %dma_wait3A_759 = arith.constant 0 : i32
        %dma_wait3A_760 = tpu.memref_slice %arg5[%add3A_758, %dma_wait3A_759] : memref<16384x1024xf32, #tpu.memory_space<hbm>> -> memref<16x1024xf32, #tpu.memory_space<hbm>>
        %dma_wait3A_761 = arith.constant 0 : i32
        %dma_wait3A_762 = tpu.memref_slice %arg5[%add3A_758, %dma_wait3A_761] : memref<16384x1024xf32, #tpu.memory_space<hbm>> -> memref<16x1024xf32, #tpu.memory_space<hbm>>
        tpu.wait_dma2 semaphore(%arg15 : memref<!tpu.dma_semaphore, #tpu.memory_space<semaphore_mem>>) src(%arg10 : memref<16x1024xf32, #tpu.memory_space<vmem>>) dst(%dma_wait3A_762 : memref<16x1024xf32, #tpu.memory_space<hbm>>)
      } else {
      }
      %get3A = arith.constant 0 : i32
      %get3A_50 = arith.index_cast %get3A : i32 to index
      %get3A_51 = arith.constant 0 : index
      %get3A_52 = tpu.vector_load %arg7[%get3A_50, %get3A_51] {strides = array<i32>} : memref<8x1024xf32, #tpu.memory_space<vmem>>, vector<1x16xf32>,
      %get3A_53 = vector.shape_cast %get3A_52 : vector<1x16xf32> to vector<16xf32>
      %get3A_54 = arith.constant 0 : i32
      %get3A_55 = arith.index_cast %get3A_54 : i32 to index
      %get3A_56 = arith.constant 16 : index
      %get3A_57 = tpu.vector_load %arg7[%get3A_55, %get3A_56] {strides = array<i32>} : memref<8x1024xf32, #tpu.memory_space<vmem>>, vector<1x16xf32>,
      %get3A_58 = vector.shape_cast %get3A_57 : vector<1x16xf32> to vector<16xf32>
      %get3A_59 = arith.constant 0 : i32
      %get3A_60 = arith.index_cast %get3A_59 : i32 to index
      %get3A_61 = arith.constant 32 : index
      %get3A_62 = tpu.vector_load %arg7[%get3A_60, %get3A_61] {strides = array<i32>} : memref<8x1024xf32, #tpu.memory_space<vmem>>, vector<1x16xf32>,
      %get3A_63 = vector.shape_cast %get3A_62 : vector<1x16xf32> to vector<16xf32>
      %get3A_64 = arith.constant 0 : i32
      %get3A_65 = arith.index_cast %get3A_64 : i32 to index
      %get3A_66 = arith.constant 48 : index
      %get3A_67 = tpu.vector_load %arg7[%get3A_65, %get3A_66] {strides = array<i32>} : memref<8x1024xf32, #tpu.memory_space<vmem>>, vector<1x16xf32>,
      %get3A_68 = vector.shape_cast %get3A_67 : vector<1x16xf32> to vector<16xf32>
      %get3A_69 = arith.constant 0 : i32
      %get3A_70 = arith.index_cast %get3A_69 : i32 to index
      %get3A_71 = arith.constant 64 : index
      %get3A_72 = tpu.vector_load %arg7[%get3A_70, %get3A_71] {strides = array<i32>} : memref<8x1024xf32, #tpu.memory_space<vmem>>, vector<1x16xf32>,
      %get3A_73 = vector.shape_cast %get3A_72 : vector<1x16xf32> to vector<16xf32>
      %get3A_74 = arith.constant 0 : i32
      %get3A_75 = arith.index_cast %get3A_74 : i32 to index
      %get3A_76 = arith.constant 80 : index
      %get3A_77 = tpu.vector_load %arg7[%get3A_75, %get3A_76] {strides = array<i32>} : memref<8x1024xf32, #tpu.memory_space<vmem>>, vector<1x16xf32>,
      %get3A_78 = vector.shape_cast %get3A_77 : vector<1x16xf32> to vector<16xf32>
      %get3A_79 = arith.constant 0 : i32
      %get3A_80 = arith.index_cast %get3A_79 : i32 to index
      %get3A_81 = arith.constant 96 : index
      %get3A_82 = tpu.vector_load %arg7[%get3A_80, %get3A_81] {strides = array<i32>} : memref<8x1024xf32, #tpu.memory_space<vmem>>, vector<1x16xf32>,
      %get3A_83 = vector.shape_cast %get3A_82 : vector<1x16xf32> to vector<16xf32>
      %get3A_84 = arith.constant 0 : i32
      %get3A_85 = arith.index_cast %get3A_84 : i32 to index
      %get3A_86 = arith.constant 112 : index
      %get3A_87 = tpu.vector_load %arg7[%get3A_85, %get3A_86] {strides = array<i32>} : memref<8x1024xf32, #tpu.memory_space<vmem>>, vector<1x16xf32>,
      %get3A_88 = vector.shape_cast %get3A_87 : vector<1x16xf32> to vector<16xf32>
      %get3A_89 = arith.constant 0 : i32
      %get3A_90 = arith.index_cast %get3A_89 : i32 to index
      %get3A_91 = arith.constant 128 : index
      %get3A_92 = tpu.vector_load %arg7[%get3A_90, %get3A_91] {strides = array<i32>} : memref<8x1024xf32, #tpu.memory_space<vmem>>, vector<1x16xf32>,
      %get3A_93 = vector.shape_cast %get3A_92 : vector<1x16xf32> to vector<16xf32>
      %get3A_94 = arith.constant 0 : i32
      %get3A_95 = arith.index_cast %get3A_94 : i32 to index
      %get3A_96 = arith.constant 144 : index
      %get3A_97 = tpu.vector_load %arg7[%get3A_95, %get3A_96] {strides = array<i32>} : memref<8x1024xf32, #tpu.memory_space<vmem>>, vector<1x16xf32>,
      %get3A_98 = vector.shape_cast %get3A_97 : vector<1x16xf32> to vector<16xf32>
      %get3A_99 = arith.constant 0 : i32
      %get3A_100 = arith.index_cast %get3A_99 : i32 to index
      %get3A_101 = arith.constant 160 : index
      %get3A_102 = tpu.vector_load %arg7[%get3A_100, %get3A_101] {strides = array<i32>} : memref<8x1024xf32, #tpu.memory_space<vmem>>, vector<1x16xf32>,
      %get3A_103 = vector.shape_cast %get3A_102 : vector<1x16xf32> to vector<16xf32>
      %get3A_104 = arith.constant 0 : i32
      %get3A_105 = arith.index_cast %get3A_104 : i32 to index
      %get3A_106 = arith.constant 176 : index
      %get3A_107 = tpu.vector_load %arg7[%get3A_105, %get3A_106] {strides = array<i32>} : memref<8x1024xf32, #tpu.memory_space<vmem>>, vector<1x16xf32>,
      %get3A_108 = vector.shape_cast %get3A_107 : vector<1x16xf32> to vector<16xf32>
      %get3A_109 = arith.constant 0 : i32
      %get3A_110 = arith.index_cast %get3A_109 : i32 to index
      %get3A_111 = arith.constant 192 : index
      %get3A_112 = tpu.vector_load %arg7[%get3A_110, %get3A_111] {strides = array<i32>} : memref<8x1024xf32, #tpu.memory_space<vmem>>, vector<1x16xf32>,
      %get3A_113 = vector.shape_cast %get3A_112 : vector<1x16xf32> to vector<16xf32>
      %get3A_114 = arith.constant 0 : i32
      %get3A_115 = arith.index_cast %get3A_114 : i32 to index
      %get3A_116 = arith.constant 208 : index
      %get3A_117 = tpu.vector_load %arg7[%get3A_115, %get3A_116] {strides = array<i32>} : memref<8x1024xf32, #tpu.memory_space<vmem>>, vector<1x16xf32>,
      %get3A_118 = vector.shape_cast %get3A_117 : vector<1x16xf32> to vector<16xf32>
      %get3A_119 = arith.constant 0 : i32
      %get3A_120 = arith.index_cast %get3A_119 : i32 to index
      %get3A_121 = arith.constant 224 : index
      %get3A_122 = tpu.vector_load %arg7[%get3A_120, %get3A_121] {strides = array<i32>} : memref<8x1024xf32, #tpu.memory_space<vmem>>, vector<1x16xf32>,
      %get3A_123 = vector.shape_cast %get3A_122 : vector<1x16xf32> to vector<16xf32>
      %get3A_124 = arith.constant 0 : i32
      %get3A_125 = arith.index_cast %get3A_124 : i32 to index
      %get3A_126 = arith.constant 240 : index
      %get3A_127 = tpu.vector_load %arg7[%get3A_125, %get3A_126] {strides = array<i32>} : memref<8x1024xf32, #tpu.memory_space<vmem>>, vector<1x16xf32>,
      %get3A_128 = vector.shape_cast %get3A_127 : vector<1x16xf32> to vector<16xf32>
      %parallel_loop3A = arith.constant 0 : i32
      %parallel_loop3A_129 = arith.constant 16 : i32
      %parallel_loop3A_130 = arith.constant 1 : i32
      scf.for %parallel_loop3A_755 = %parallel_loop3A to %parallel_loop3A_129 step %parallel_loop3A_130  : i32 {
        %parallel_loop3A_756 = arith.index_cast %parallel_loop3A_755 : i32 to index
        %parallel_loop3A_757 = arith.constant 0 : index
        %parallel_loop3A_758 = tpu.vector_load %arg8[%parallel_loop3A_756, %parallel_loop3A_757] {strides = array<i32>} : memref<16x1024xf32, #tpu.memory_space<vmem>>, vector<1x16xf32>,
        %parallel_loop3A_759 = vector.shape_cast %parallel_loop3A_758 : vector<1x16xf32> to vector<16xf32>
        %parallel_loop3A_760 = arith.addf %parallel_loop3A_759, %get3A_53 : vector<16xf32>
        %parallel_loop3A_761 = arith.index_cast %parallel_loop3A_755 : i32 to index
        %parallel_loop3A_762 = arith.constant 0 : index
        %parallel_loop3A_763 = tpu.vector_load %arg10[%parallel_loop3A_761, %parallel_loop3A_762] {strides = array<i32>} : memref<16x1024xf32, #tpu.memory_space<vmem>>, vector<1x16xf32>,
        %parallel_loop3A_764 = vector.shape_cast %parallel_loop3A_763 : vector<1x16xf32> to vector<16xf32>
        %parallel_loop3A_765 = vector.shape_cast %parallel_loop3A_760 : vector<16xf32> to vector<1x16xf32>
        tpu.vector_store %arg10[%parallel_loop3A_761, %parallel_loop3A_762], %parallel_loop3A_765 {strides = array<i32>} : memref<16x1024xf32, #tpu.memory_space<vmem>>, vector<1x16xf32>,
        %parallel_loop3A_766 = arith.index_cast %parallel_loop3A_755 : i32 to index
        %parallel_loop3A_767 = arith.constant 16 : index
        %parallel_loop3A_768 = tpu.vector_load %arg8[%parallel_loop3A_766, %parallel_loop3A_767] {strides = array<i32>} : memref<16x1024xf32, #tpu.memory_space<vmem>>, vector<1x16xf32>,
        %parallel_loop3A_769 = vector.shape_cast %parallel_loop3A_768 : vector<1x16xf32> to vector<16xf32>
        %parallel_loop3A_770 = arith.addf %parallel_loop3A_769, %get3A_58 : vector<16xf32>
        %parallel_loop3A_771 = arith.index_cast %parallel_loop3A_755 : i32 to index
        %parallel_loop3A_772 = arith.constant 16 : index
        %parallel_loop3A_773 = tpu.vector_load %arg10[%parallel_loop3A_771, %parallel_loop3A_772] {strides = array<i32>} : memref<16x1024xf32, #tpu.memory_space<vmem>>, vector<1x16xf32>,
        %parallel_loop3A_774 = vector.shape_cast %parallel_loop3A_773 : vector<1x16xf32> to vector<16xf32>
        %parallel_loop3A_775 = vector.shape_cast %parallel_loop3A_770 : vector<16xf32> to vector<1x16xf32>
        tpu.vector_store %arg10[%parallel_loop3A_771, %parallel_loop3A_772], %parallel_loop3A_775 {strides = array<i32>} : memref<16x1024xf32, #tpu.memory_space<vmem>>, vector<1x16xf32>,
        %parallel_loop3A_776 = arith.index_cast %parallel_loop3A_755 : i32 to index
        %parallel_loop3A_777 = arith.constant 32 : index
        %parallel_loop3A_778 = tpu.vector_load %arg8[%parallel_loop3A_776, %parallel_loop3A_777] {strides = array<i32>} : memref<16x1024xf32, #tpu.memory_space<vmem>>, vector<1x16xf32>,
        %parallel_loop3A_779 = vector.shape_cast %parallel_loop3A_778 : vector<1x16xf32> to vector<16xf32>
        %parallel_loop3A_780 = arith.addf %parallel_loop3A_779, %get3A_63 : vector<16xf32>
        %parallel_loop3A_781 = arith.index_cast %parallel_loop3A_755 : i32 to index
        %parallel_loop3A_782 = arith.constant 32 : index
        %parallel_loop3A_783 = tpu.vector_load %arg10[%parallel_loop3A_781, %parallel_loop3A_782] {strides = array<i32>} : memref<16x1024xf32, #tpu.memory_space<vmem>>, vector<1x16xf32>,
        %parallel_loop3A_784 = vector.shape_cast %parallel_loop3A_783 : vector<1x16xf32> to vector<16xf32>
        %parallel_loop3A_785 = vector.shape_cast %parallel_loop3A_780 : vector<16xf32> to vector<1x16xf32>
        tpu.vector_store %arg10[%parallel_loop3A_781, %parallel_loop3A_782], %parallel_loop3A_785 {strides = array<i32>} : memref<16x1024xf32, #tpu.memory_space<vmem>>, vector<1x16xf32>,
        %parallel_loop3A_786 = arith.index_cast %parallel_loop3A_755 : i32 to index
        %parallel_loop3A_787 = arith.constant 48 : index
        %parallel_loop3A_788 = tpu.vector_load %arg8[%parallel_loop3A_786, %parallel_loop3A_787] {strides = array<i32>} : memref<16x1024xf32, #tpu.memory_space<vmem>>, vector<1x16xf32>,
        %parallel_loop3A_789 = vector.shape_cast %parallel_loop3A_788 : vector<1x16xf32> to vector<16xf32>
        %parallel_loop3A_790 = arith.addf %parallel_loop3A_789, %get3A_68 : vector<16xf32>
        %parallel_loop3A_791 = arith.index_cast %parallel_loop3A_755 : i32 to index
        %parallel_loop3A_792 = arith.constant 48 : index
        %parallel_loop3A_793 = tpu.vector_load %arg10[%parallel_loop3A_791, %parallel_loop3A_792] {strides = array<i32>} : memref<16x1024xf32, #tpu.memory_space<vmem>>, vector<1x16xf32>,
        %parallel_loop3A_794 = vector.shape_cast %parallel_loop3A_793 : vector<1x16xf32> to vector<16xf32>
        %parallel_loop3A_795 = vector.shape_cast %parallel_loop3A_790 : vector<16xf32> to vector<1x16xf32>
        tpu.vector_store %arg10[%parallel_loop3A_791, %parallel_loop3A_792], %parallel_loop3A_795 {strides = array<i32>} : memref<16x1024xf32, #tpu.memory_space<vmem>>, vector<1x16xf32>,
        %parallel_loop3A_796 = arith.index_cast %parallel_loop3A_755 : i32 to index
        %parallel_loop3A_797 = arith.constant 64 : index
        %parallel_loop3A_798 = tpu.vector_load %arg8[%parallel_loop3A_796, %parallel_loop3A_797] {strides = array<i32>} : memref<16x1024xf32, #tpu.memory_space<vmem>>, vector<1x16xf32>,
        %parallel_loop3A_799 = vector.shape_cast %parallel_loop3A_798 : vector<1x16xf32> to vector<16xf32>
        %parallel_loop3A_800 = arith.addf %parallel_loop3A_799, %get3A_73 : vector<16xf32>
        %parallel_loop3A_801 = arith.index_cast %parallel_loop3A_755 : i32 to index
        %parallel_loop3A_802 = arith.constant 64 : index
        %parallel_loop3A_803 = tpu.vector_load %arg10[%parallel_loop3A_801, %parallel_loop3A_802] {strides = array<i32>} : memref<16x1024xf32, #tpu.memory_space<vmem>>, vector<1x16xf32>,
        %parallel_loop3A_804 = vector.shape_cast %parallel_loop3A_803 : vector<1x16xf32> to vector<16xf32>
        %parallel_loop3A_805 = vector.shape_cast %parallel_loop3A_800 : vector<16xf32> to vector<1x16xf32>
        tpu.vector_store %arg10[%parallel_loop3A_801, %parallel_loop3A_802], %parallel_loop3A_805 {strides = array<i32>} : memref<16x1024xf32, #tpu.memory_space<vmem>>, vector<1x16xf32>,
        %parallel_loop3A_806 = arith.index_cast %parallel_loop3A_755 : i32 to index
        %parallel_loop3A_807 = arith.constant 80 : index
        %parallel_loop3A_808 = tpu.vector_load %arg8[%parallel_loop3A_806, %parallel_loop3A_807] {strides = array<i32>} : memref<16x1024xf32, #tpu.memory_space<vmem>>, vector<1x16xf32>,
        %parallel_loop3A_809 = vector.shape_cast %parallel_loop3A_808 : vector<1x16xf32> to vector<16xf32>
        %parallel_loop3A_810 = arith.addf %parallel_loop3A_809, %get3A_78 : vector<16xf32>
        %parallel_loop3A_811 = arith.index_cast %parallel_loop3A_755 : i32 to index
        %parallel_loop3A_812 = arith.constant 80 : index
        %parallel_loop3A_813 = tpu.vector_load %arg10[%parallel_loop3A_811, %parallel_loop3A_812] {strides = array<i32>} : memref<16x1024xf32, #tpu.memory_space<vmem>>, vector<1x16xf32>,
        %parallel_loop3A_814 = vector.shape_cast %parallel_loop3A_813 : vector<1x16xf32> to vector<16xf32>
        %parallel_loop3A_815 = vector.shape_cast %parallel_loop3A_810 : vector<16xf32> to vector<1x16xf32>
        tpu.vector_store %arg10[%parallel_loop3A_811, %parallel_loop3A_812], %parallel_loop3A_815 {strides = array<i32>} : memref<16x1024xf32, #tpu.memory_space<vmem>>, vector<1x16xf32>,
        %parallel_loop3A_816 = arith.index_cast %parallel_loop3A_755 : i32 to index
        %parallel_loop3A_817 = arith.constant 96 : index
        %parallel_loop3A_818 = tpu.vector_load %arg8[%parallel_loop3A_816, %parallel_loop3A_817] {strides = array<i32>} : memref<16x1024xf32, #tpu.memory_space<vmem>>, vector<1x16xf32>,
        %parallel_loop3A_819 = vector.shape_cast %parallel_loop3A_818 : vector<1x16xf32> to vector<16xf32>
        %parallel_loop3A_820 = arith.addf %parallel_loop3A_819, %get3A_83 : vector<16xf32>
        %parallel_loop3A_821 = arith.index_cast %parallel_loop3A_755 : i32 to index
        %parallel_loop3A_822 = arith.constant 96 : index
        %parallel_loop3A_823 = tpu.vector_load %arg10[%parallel_loop3A_821, %parallel_loop3A_822] {strides = array<i32>} : memref<16x1024xf32, #tpu.memory_space<vmem>>, vector<1x16xf32>,
        %parallel_loop3A_824 = vector.shape_cast %parallel_loop3A_823 : vector<1x16xf32> to vector<16xf32>
        %parallel_loop3A_825 = vector.shape_cast %parallel_loop3A_820 : vector<16xf32> to vector<1x16xf32>
        tpu.vector_store %arg10[%parallel_loop3A_821, %parallel_loop3A_822], %parallel_loop3A_825 {strides = array<i32>} : memref<16x1024xf32, #tpu.memory_space<vmem>>, vector<1x16xf32>,
        %parallel_loop3A_826 = arith.index_cast %parallel_loop3A_755 : i32 to index
        %parallel_loop3A_827 = arith.constant 112 : index
        %parallel_loop3A_828 = tpu.vector_load %arg8[%parallel_loop3A_826, %parallel_loop3A_827] {strides = array<i32>} : memref<16x1024xf32, #tpu.memory_space<vmem>>, vector<1x16xf32>,
        %parallel_loop3A_829 = vector.shape_cast %parallel_loop3A_828 : vector<1x16xf32> to vector<16xf32>
        %parallel_loop3A_830 = arith.addf %parallel_loop3A_829, %get3A_88 : vector<16xf32>
        %parallel_loop3A_831 = arith.index_cast %parallel_loop3A_755 : i32 to index
        %parallel_loop3A_832 = arith.constant 112 : index
        %parallel_loop3A_833 = tpu.vector_load %arg10[%parallel_loop3A_831, %parallel_loop3A_832] {strides = array<i32>} : memref<16x1024xf32, #tpu.memory_space<vmem>>, vector<1x16xf32>,
        %parallel_loop3A_834 = vector.shape_cast %parallel_loop3A_833 : vector<1x16xf32> to vector<16xf32>
        %parallel_loop3A_835 = vector.shape_cast %parallel_loop3A_830 : vector<16xf32> to vector<1x16xf32>
        tpu.vector_store %arg10[%parallel_loop3A_831, %parallel_loop3A_832], %parallel_loop3A_835 {strides = array<i32>} : memref<16x1024xf32, #tpu.memory_space<vmem>>, vector<1x16xf32>,
        %parallel_loop3A_836 = arith.index_cast %parallel_loop3A_755 : i32 to index
        %parallel_loop3A_837 = arith.constant 128 : index
        %parallel_loop3A_838 = tpu.vector_load %arg8[%parallel_loop3A_836, %parallel_loop3A_837] {strides = array<i32>} : memref<16x1024xf32, #tpu.memory_space<vmem>>, vector<1x16xf32>,
        %parallel_loop3A_839 = vector.shape_cast %parallel_loop3A_838 : vector<1x16xf32> to vector<16xf32>
        %parallel_loop3A_840 = arith.addf %parallel_loop3A_839, %get3A_93 : vector<16xf32>
        %parallel_loop3A_841 = arith.index_cast %parallel_loop3A_755 : i32 to index
        %parallel_loop3A_842 = arith.constant 128 : index
        %parallel_loop3A_843 = tpu.vector_load %arg10[%parallel_loop3A_841, %parallel_loop3A_842] {strides = array<i32>} : memref<16x1024xf32, #tpu.memory_space<vmem>>, vector<1x16xf32>,
        %parallel_loop3A_844 = vector.shape_cast %parallel_loop3A_843 : vector<1x16xf32> to vector<16xf32>
        %parallel_loop3A_845 = vector.shape_cast %parallel_loop3A_840 : vector<16xf32> to vector<1x16xf32>
        tpu.vector_store %arg10[%parallel_loop3A_841, %parallel_loop3A_842], %parallel_loop3A_845 {strides = array<i32>} : memref<16x1024xf32, #tpu.memory_space<vmem>>, vector<1x16xf32>,
        %parallel_loop3A_846 = arith.index_cast %parallel_loop3A_755 : i32 to index
        %parallel_loop3A_847 = arith.constant 144 : index
        %parallel_loop3A_848 = tpu.vector_load %arg8[%parallel_loop3A_846, %parallel_loop3A_847] {strides = array<i32>} : memref<16x1024xf32, #tpu.memory_space<vmem>>, vector<1x16xf32>,
        %parallel_loop3A_849 = vector.shape_cast %parallel_loop3A_848 : vector<1x16xf32> to vector<16xf32>
        %parallel_loop3A_850 = arith.addf %parallel_loop3A_849, %get3A_98 : vector<16xf32>
        %parallel_loop3A_851 = arith.index_cast %parallel_loop3A_755 : i32 to index
        %parallel_loop3A_852 = arith.constant 144 : index
        %parallel_loop3A_853 = tpu.vector_load %arg10[%parallel_loop3A_851, %parallel_loop3A_852] {strides = array<i32>} : memref<16x1024xf32, #tpu.memory_space<vmem>>, vector<1x16xf32>,
        %parallel_loop3A_854 = vector.shape_cast %parallel_loop3A_853 : vector<1x16xf32> to vector<16xf32>
        %parallel_loop3A_855 = vector.shape_cast %parallel_loop3A_850 : vector<16xf32> to vector<1x16xf32>
        tpu.vector_store %arg10[%parallel_loop3A_851, %parallel_loop3A_852], %parallel_loop3A_855 {strides = array<i32>} : memref<16x1024xf32, #tpu.memory_space<vmem>>, vector<1x16xf32>,
        %parallel_loop3A_856 = arith.index_cast %parallel_loop3A_755 : i32 to index
        %parallel_loop3A_857 = arith.constant 160 : index
        %parallel_loop3A_858 = tpu.vector_load %arg8[%parallel_loop3A_856, %parallel_loop3A_857] {strides = array<i32>} : memref<16x1024xf32, #tpu.memory_space<vmem>>, vector<1x16xf32>,
        %parallel_loop3A_859 = vector.shape_cast %parallel_loop3A_858 : vector<1x16xf32> to vector<16xf32>
        %parallel_loop3A_860 = arith.addf %parallel_loop3A_859, %get3A_103 : vector<16xf32>
        %parallel_loop3A_861 = arith.index_cast %parallel_loop3A_755 : i32 to index
        %parallel_loop3A_862 = arith.constant 160 : index
        %parallel_loop3A_863 = tpu.vector_load %arg10[%parallel_loop3A_861, %parallel_loop3A_862] {strides = array<i32>} : memref<16x1024xf32, #tpu.memory_space<vmem>>, vector<1x16xf32>,
        %parallel_loop3A_864 = vector.shape_cast %parallel_loop3A_863 : vector<1x16xf32> to vector<16xf32>
        %parallel_loop3A_865 = vector.shape_cast %parallel_loop3A_860 : vector<16xf32> to vector<1x16xf32>
        tpu.vector_store %arg10[%parallel_loop3A_861, %parallel_loop3A_862], %parallel_loop3A_865 {strides = array<i32>} : memref<16x1024xf32, #tpu.memory_space<vmem>>, vector<1x16xf32>,
        %parallel_loop3A_866 = arith.index_cast %parallel_loop3A_755 : i32 to index
        %parallel_loop3A_867 = arith.constant 176 : index
        %parallel_loop3A_868 = tpu.vector_load %arg8[%parallel_loop3A_866, %parallel_loop3A_867] {strides = array<i32>} : memref<16x1024xf32, #tpu.memory_space<vmem>>, vector<1x16xf32>,
        %parallel_loop3A_869 = vector.shape_cast %parallel_loop3A_868 : vector<1x16xf32> to vector<16xf32>
        %parallel_loop3A_870 = arith.addf %parallel_loop3A_869, %get3A_108 : vector<16xf32>
        %parallel_loop3A_871 = arith.index_cast %parallel_loop3A_755 : i32 to index
        %parallel_loop3A_872 = arith.constant 176 : index
        %parallel_loop3A_873 = tpu.vector_load %arg10[%parallel_loop3A_871, %parallel_loop3A_872] {strides = array<i32>} : memref<16x1024xf32, #tpu.memory_space<vmem>>, vector<1x16xf32>,
        %parallel_loop3A_874 = vector.shape_cast %parallel_loop3A_873 : vector<1x16xf32> to vector<16xf32>
        %parallel_loop3A_875 = vector.shape_cast %parallel_loop3A_870 : vector<16xf32> to vector<1x16xf32>
        tpu.vector_store %arg10[%parallel_loop3A_871, %parallel_loop3A_872], %parallel_loop3A_875 {strides = array<i32>} : memref<16x1024xf32, #tpu.memory_space<vmem>>, vector<1x16xf32>,
        %parallel_loop3A_876 = arith.index_cast %parallel_loop3A_755 : i32 to index
        %parallel_loop3A_877 = arith.constant 192 : index
        %parallel_loop3A_878 = tpu.vector_load %arg8[%parallel_loop3A_876, %parallel_loop3A_877] {strides = array<i32>} : memref<16x1024xf32, #tpu.memory_space<vmem>>, vector<1x16xf32>,
        %parallel_loop3A_879 = vector.shape_cast %parallel_loop3A_878 : vector<1x16xf32> to vector<16xf32>
        %parallel_loop3A_880 = arith.addf %parallel_loop3A_879, %get3A_113 : vector<16xf32>
        %parallel_loop3A_881 = arith.index_cast %parallel_loop3A_755 : i32 to index
        %parallel_loop3A_882 = arith.constant 192 : index
        %parallel_loop3A_883 = tpu.vector_load %arg10[%parallel_loop3A_881, %parallel_loop3A_882] {strides = array<i32>} : memref<16x1024xf32, #tpu.memory_space<vmem>>, vector<1x16xf32>,
        %parallel_loop3A_884 = vector.shape_cast %parallel_loop3A_883 : vector<1x16xf32> to vector<16xf32>
        %parallel_loop3A_885 = vector.shape_cast %parallel_loop3A_880 : vector<16xf32> to vector<1x16xf32>
        tpu.vector_store %arg10[%parallel_loop3A_881, %parallel_loop3A_882], %parallel_loop3A_885 {strides = array<i32>} : memref<16x1024xf32, #tpu.memory_space<vmem>>, vector<1x16xf32>,
        %parallel_loop3A_886 = arith.index_cast %parallel_loop3A_755 : i32 to index
        %parallel_loop3A_887 = arith.constant 208 : index
        %parallel_loop3A_888 = tpu.vector_load %arg8[%parallel_loop3A_886, %parallel_loop3A_887] {strides = array<i32>} : memref<16x1024xf32, #tpu.memory_space<vmem>>, vector<1x16xf32>,
        %parallel_loop3A_889 = vector.shape_cast %parallel_loop3A_888 : vector<1x16xf32> to vector<16xf32>
        %parallel_loop3A_890 = arith.addf %parallel_loop3A_889, %get3A_118 : vector<16xf32>
        %parallel_loop3A_891 = arith.index_cast %parallel_loop3A_755 : i32 to index
        %parallel_loop3A_892 = arith.constant 208 : index
        %parallel_loop3A_893 = tpu.vector_load %arg10[%parallel_loop3A_891, %parallel_loop3A_892] {strides = array<i32>} : memref<16x1024xf32, #tpu.memory_space<vmem>>, vector<1x16xf32>,
        %parallel_loop3A_894 = vector.shape_cast %parallel_loop3A_893 : vector<1x16xf32> to vector<16xf32>
        %parallel_loop3A_895 = vector.shape_cast %parallel_loop3A_890 : vector<16xf32> to vector<1x16xf32>
        tpu.vector_store %arg10[%parallel_loop3A_891, %parallel_loop3A_892], %parallel_loop3A_895 {strides = array<i32>} : memref<16x1024xf32, #tpu.memory_space<vmem>>, vector<1x16xf32>,
        %parallel_loop3A_896 = arith.index_cast %parallel_loop3A_755 : i32 to index
        %parallel_loop3A_897 = arith.constant 224 : index
        %parallel_loop3A_898 = tpu.vector_load %arg8[%parallel_loop3A_896, %parallel_loop3A_897] {strides = array<i32>} : memref<16x1024xf32, #tpu.memory_space<vmem>>, vector<1x16xf32>,
        %parallel_loop3A_899 = vector.shape_cast %parallel_loop3A_898 : vector<1x16xf32> to vector<16xf32>
        %parallel_loop3A_900 = arith.addf %parallel_loop3A_899, %get3A_123 : vector<16xf32>
        %parallel_loop3A_901 = arith.index_cast %parallel_loop3A_755 : i32 to index
        %parallel_loop3A_902 = arith.constant 224 : index
        %parallel_loop3A_903 = tpu.vector_load %arg10[%parallel_loop3A_901, %parallel_loop3A_902] {strides = array<i32>} : memref<16x1024xf32, #tpu.memory_space<vmem>>, vector<1x16xf32>,
        %parallel_loop3A_904 = vector.shape_cast %parallel_loop3A_903 : vector<1x16xf32> to vector<16xf32>
        %parallel_loop3A_905 = vector.shape_cast %parallel_loop3A_900 : vector<16xf32> to vector<1x16xf32>
        tpu.vector_store %arg10[%parallel_loop3A_901, %parallel_loop3A_902], %parallel_loop3A_905 {strides = array<i32>} : memref<16x1024xf32, #tpu.memory_space<vmem>>, vector<1x16xf32>,
        %parallel_loop3A_906 = arith.index_cast %parallel_loop3A_755 : i32 to index
        %parallel_loop3A_907 = arith.constant 240 : index
        %parallel_loop3A_908 = tpu.vector_load %arg8[%parallel_loop3A_906, %parallel_loop3A_907] {strides = array<i32>} : memref<16x1024xf32, #tpu.memory_space<vmem>>, vector<1x16xf32>,
        %parallel_loop3A_909 = vector.shape_cast %parallel_loop3A_908 : vector<1x16xf32> to vector<16xf32>
        %parallel_loop3A_910 = arith.addf %parallel_loop3A_909, %get3A_128 : vector<16xf32>
        %parallel_loop3A_911 = arith.index_cast %parallel_loop3A_755 : i32 to index
        %parallel_loop3A_912 = arith.constant 240 : index
        %parallel_loop3A_913 = tpu.vector_load %arg10[%parallel_loop3A_911, %parallel_loop3A_912] {strides = array<i32>} : memref<16x1024xf32, #tpu.memory_space<vmem>>, vector<1x16xf32>,
        %parallel_loop3A_914 = vector.shape_cast %parallel_loop3A_913 : vector<1x16xf32> to vector<16xf32>
        %parallel_loop3A_915 = vector.shape_cast %parallel_loop3A_910 : vector<16xf32> to vector<1x16xf32>
        tpu.vector_store %arg10[%parallel_loop3A_911, %parallel_loop3A_912], %parallel_loop3A_915 {strides = array<i32>} : memref<16x1024xf32, #tpu.memory_space<vmem>>, vector<1x16xf32>,
      } {sc.loop_unroll_factor = 2 : i64, sc.parallel_access}
      %get3A_131 = arith.constant 0 : i32
      %get3A_132 = arith.index_cast %get3A_131 : i32 to index
      %get3A_133 = arith.constant 256 : index
      %get3A_134 = tpu.vector_load %arg7[%get3A_132, %get3A_133] {strides = array<i32>} : memref<8x1024xf32, #tpu.memory_space<vmem>>, vector<1x16xf32>,
      %get3A_135 = vector.shape_cast %get3A_134 : vector<1x16xf32> to vector<16xf32>
      %get3A_136 = arith.constant 0 : i32
      %get3A_137 = arith.index_cast %get3A_136 : i32 to index
      %get3A_138 = arith.constant 272 : index
      %get3A_139 = tpu.vector_load %arg7[%get3A_137, %get3A_138] {strides = array<i32>} : memref<8x1024xf32, #tpu.memory_space<vmem>>, vector<1x16xf32>,
      %get3A_140 = vector.shape_cast %get3A_139 : vector<1x16xf32> to vector<16xf32>
      %get3A_141 = arith.constant 0 : i32
      %get3A_142 = arith.index_cast %get3A_141 : i32 to index
      %get3A_143 = arith.constant 288 : index
      %get3A_144 = tpu.vector_load %arg7[%get3A_142, %get3A_143] {strides = array<i32>} : memref<8x1024xf32, #tpu.memory_space<vmem>>, vector<1x16xf32>,
      %get3A_145 = vector.shape_cast %get3A_144 : vector<1x16xf32> to vector<16xf32>
      %get3A_146 = arith.constant 0 : i32
      %get3A_147 = arith.index_cast %get3A_146 : i32 to index
      %get3A_148 = arith.constant 304 : index
      %get3A_149 = tpu.vector_load %arg7[%get3A_147, %get3A_148] {strides = array<i32>} : memref<8x1024xf32, #tpu.memory_space<vmem>>, vector<1x16xf32>,
      %get3A_150 = vector.shape_cast %get3A_149 : vector<1x16xf32> to vector<16xf32>
      %get3A_151 = arith.constant 0 : i32
      %get3A_152 = arith.index_cast %get3A_151 : i32 to index
      %get3A_153 = arith.constant 320 : index
      %get3A_154 = tpu.vector_load %arg7[%get3A_152, %get3A_153] {strides = array<i32>} : memref<8x1024xf32, #tpu.memory_space<vmem>>, vector<1x16xf32>,
      %get3A_155 = vector.shape_cast %get3A_154 : vector<1x16xf32> to vector<16xf32>
      %get3A_156 = arith.constant 0 : i32
      %get3A_157 = arith.index_cast %get3A_156 : i32 to index
      %get3A_158 = arith.constant 336 : index
      %get3A_159 = tpu.vector_load %arg7[%get3A_157, %get3A_158] {strides = array<i32>} : memref<8x1024xf32, #tpu.memory_space<vmem>>, vector<1x16xf32>,
      %get3A_160 = vector.shape_cast %get3A_159 : vector<1x16xf32> to vector<16xf32>
      %get3A_161 = arith.constant 0 : i32
      %get3A_162 = arith.index_cast %get3A_161 : i32 to index
      %get3A_163 = arith.constant 352 : index
      %get3A_164 = tpu.vector_load %arg7[%get3A_162, %get3A_163] {strides = array<i32>} : memref<8x1024xf32, #tpu.memory_space<vmem>>, vector<1x16xf32>,
      %get3A_165 = vector.shape_cast %get3A_164 : vector<1x16xf32> to vector<16xf32>
      %get3A_166 = arith.constant 0 : i32
      %get3A_167 = arith.index_cast %get3A_166 : i32 to index
      %get3A_168 = arith.constant 368 : index
      %get3A_169 = tpu.vector_load %arg7[%get3A_167, %get3A_168] {strides = array<i32>} : memref<8x1024xf32, #tpu.memory_space<vmem>>, vector<1x16xf32>,
      %get3A_170 = vector.shape_cast %get3A_169 : vector<1x16xf32> to vector<16xf32>
      %get3A_171 = arith.constant 0 : i32
      %get3A_172 = arith.index_cast %get3A_171 : i32 to index
      %get3A_173 = arith.constant 384 : index
      %get3A_174 = tpu.vector_load %arg7[%get3A_172, %get3A_173] {strides = array<i32>} : memref<8x1024xf32, #tpu.memory_space<vmem>>, vector<1x16xf32>,
      %get3A_175 = vector.shape_cast %get3A_174 : vector<1x16xf32> to vector<16xf32>
      %get3A_176 = arith.constant 0 : i32
      %get3A_177 = arith.index_cast %get3A_176 : i32 to index
      %get3A_178 = arith.constant 400 : index
      %get3A_179 = tpu.vector_load %arg7[%get3A_177, %get3A_178] {strides = array<i32>} : memref<8x1024xf32, #tpu.memory_space<vmem>>, vector<1x16xf32>,
      %get3A_180 = vector.shape_cast %get3A_179 : vector<1x16xf32> to vector<16xf32>
      %get3A_181 = arith.constant 0 : i32
      %get3A_182 = arith.index_cast %get3A_181 : i32 to index
      %get3A_183 = arith.constant 416 : index
      %get3A_184 = tpu.vector_load %arg7[%get3A_182, %get3A_183] {strides = array<i32>} : memref<8x1024xf32, #tpu.memory_space<vmem>>, vector<1x16xf32>,
      %get3A_185 = vector.shape_cast %get3A_184 : vector<1x16xf32> to vector<16xf32>
      %get3A_186 = arith.constant 0 : i32
      %get3A_187 = arith.index_cast %get3A_186 : i32 to index
      %get3A_188 = arith.constant 432 : index
      %get3A_189 = tpu.vector_load %arg7[%get3A_187, %get3A_188] {strides = array<i32>} : memref<8x1024xf32, #tpu.memory_space<vmem>>, vector<1x16xf32>,
      %get3A_190 = vector.shape_cast %get3A_189 : vector<1x16xf32> to vector<16xf32>
      %get3A_191 = arith.constant 0 : i32
      %get3A_192 = arith.index_cast %get3A_191 : i32 to index
      %get3A_193 = arith.constant 448 : index
      %get3A_194 = tpu.vector_load %arg7[%get3A_192, %get3A_193] {strides = array<i32>} : memref<8x1024xf32, #tpu.memory_space<vmem>>, vector<1x16xf32>,
      %get3A_195 = vector.shape_cast %get3A_194 : vector<1x16xf32> to vector<16xf32>
      %get3A_196 = arith.constant 0 : i32
      %get3A_197 = arith.index_cast %get3A_196 : i32 to index
      %get3A_198 = arith.constant 464 : index
      %get3A_199 = tpu.vector_load %arg7[%get3A_197, %get3A_198] {strides = array<i32>} : memref<8x1024xf32, #tpu.memory_space<vmem>>, vector<1x16xf32>,
      %get3A_200 = vector.shape_cast %get3A_199 : vector<1x16xf32> to vector<16xf32>
      %get3A_201 = arith.constant 0 : i32
      %get3A_202 = arith.index_cast %get3A_201 : i32 to index
      %get3A_203 = arith.constant 480 : index
      %get3A_204 = tpu.vector_load %arg7[%get3A_202, %get3A_203] {strides = array<i32>} : memref<8x1024xf32, #tpu.memory_space<vmem>>, vector<1x16xf32>,
      %get3A_205 = vector.shape_cast %get3A_204 : vector<1x16xf32> to vector<16xf32>
      %get3A_206 = arith.constant 0 : i32
      %get3A_207 = arith.index_cast %get3A_206 : i32 to index
      %get3A_208 = arith.constant 496 : index
      %get3A_209 = tpu.vector_load %arg7[%get3A_207, %get3A_208] {strides = array<i32>} : memref<8x1024xf32, #tpu.memory_space<vmem>>, vector<1x16xf32>,
      %get3A_210 = vector.shape_cast %get3A_209 : vector<1x16xf32> to vector<16xf32>
      %parallel_loop3A_211 = arith.constant 0 : i32
      %parallel_loop3A_212 = arith.constant 16 : i32
      %parallel_loop3A_213 = arith.constant 1 : i32
      scf.for %parallel_loop3A_755 = %parallel_loop3A_211 to %parallel_loop3A_212 step %parallel_loop3A_213  : i32 {
        %parallel_loop3A_756 = arith.index_cast %parallel_loop3A_755 : i32 to index
        %parallel_loop3A_757 = arith.constant 256 : index
        %parallel_loop3A_758 = tpu.vector_load %arg8[%parallel_loop3A_756, %parallel_loop3A_757] {strides = array<i32>} : memref<16x1024xf32, #tpu.memory_space<vmem>>, vector<1x16xf32>,
        %parallel_loop3A_759 = vector.shape_cast %parallel_loop3A_758 : vector<1x16xf32> to vector<16xf32>
        %parallel_loop3A_760 = arith.addf %parallel_loop3A_759, %get3A_135 : vector<16xf32>
        %parallel_loop3A_761 = arith.index_cast %parallel_loop3A_755 : i32 to index
        %parallel_loop3A_762 = arith.constant 256 : index
        %parallel_loop3A_763 = tpu.vector_load %arg10[%parallel_loop3A_761, %parallel_loop3A_762] {strides = array<i32>} : memref<16x1024xf32, #tpu.memory_space<vmem>>, vector<1x16xf32>,
        %parallel_loop3A_764 = vector.shape_cast %parallel_loop3A_763 : vector<1x16xf32> to vector<16xf32>
        %parallel_loop3A_765 = vector.shape_cast %parallel_loop3A_760 : vector<16xf32> to vector<1x16xf32>
        tpu.vector_store %arg10[%parallel_loop3A_761, %parallel_loop3A_762], %parallel_loop3A_765 {strides = array<i32>} : memref<16x1024xf32, #tpu.memory_space<vmem>>, vector<1x16xf32>,
        %parallel_loop3A_766 = arith.index_cast %parallel_loop3A_755 : i32 to index
        %parallel_loop3A_767 = arith.constant 272 : index
        %parallel_loop3A_768 = tpu.vector_load %arg8[%parallel_loop3A_766, %parallel_loop3A_767] {strides = array<i32>} : memref<16x1024xf32, #tpu.memory_space<vmem>>, vector<1x16xf32>,
        %parallel_loop3A_769 = vector.shape_cast %parallel_loop3A_768 : vector<1x16xf32> to vector<16xf32>
        %parallel_loop3A_770 = arith.addf %parallel_loop3A_769, %get3A_140 : vector<16xf32>
        %parallel_loop3A_771 = arith.index_cast %parallel_loop3A_755 : i32 to index
        %parallel_loop3A_772 = arith.constant 272 : index
        %parallel_loop3A_773 = tpu.vector_load %arg10[%parallel_loop3A_771, %parallel_loop3A_772] {strides = array<i32>} : memref<16x1024xf32, #tpu.memory_space<vmem>>, vector<1x16xf32>,
        %parallel_loop3A_774 = vector.shape_cast %parallel_loop3A_773 : vector<1x16xf32> to vector<16xf32>
        %parallel_loop3A_775 = vector.shape_cast %parallel_loop3A_770 : vector<16xf32> to vector<1x16xf32>
        tpu.vector_store %arg10[%parallel_loop3A_771, %parallel_loop3A_772], %parallel_loop3A_775 {strides = array<i32>} : memref<16x1024xf32, #tpu.memory_space<vmem>>, vector<1x16xf32>,
        %parallel_loop3A_776 = arith.index_cast %parallel_loop3A_755 : i32 to index
        %parallel_loop3A_777 = arith.constant 288 : index
        %parallel_loop3A_778 = tpu.vector_load %arg8[%parallel_loop3A_776, %parallel_loop3A_777] {strides = array<i32>} : memref<16x1024xf32, #tpu.memory_space<vmem>>, vector<1x16xf32>,
        %parallel_loop3A_779 = vector.shape_cast %parallel_loop3A_778 : vector<1x16xf32> to vector<16xf32>
        %parallel_loop3A_780 = arith.addf %parallel_loop3A_779, %get3A_145 : vector<16xf32>
        %parallel_loop3A_781 = arith.index_cast %parallel_loop3A_755 : i32 to index
        %parallel_loop3A_782 = arith.constant 288 : index
        %parallel_loop3A_783 = tpu.vector_load %arg10[%parallel_loop3A_781, %parallel_loop3A_782] {strides = array<i32>} : memref<16x1024xf32, #tpu.memory_space<vmem>>, vector<1x16xf32>,
        %parallel_loop3A_784 = vector.shape_cast %parallel_loop3A_783 : vector<1x16xf32> to vector<16xf32>
        %parallel_loop3A_785 = vector.shape_cast %parallel_loop3A_780 : vector<16xf32> to vector<1x16xf32>
        tpu.vector_store %arg10[%parallel_loop3A_781, %parallel_loop3A_782], %parallel_loop3A_785 {strides = array<i32>} : memref<16x1024xf32, #tpu.memory_space<vmem>>, vector<1x16xf32>,
        %parallel_loop3A_786 = arith.index_cast %parallel_loop3A_755 : i32 to index
        %parallel_loop3A_787 = arith.constant 304 : index
        %parallel_loop3A_788 = tpu.vector_load %arg8[%parallel_loop3A_786, %parallel_loop3A_787] {strides = array<i32>} : memref<16x1024xf32, #tpu.memory_space<vmem>>, vector<1x16xf32>,
        %parallel_loop3A_789 = vector.shape_cast %parallel_loop3A_788 : vector<1x16xf32> to vector<16xf32>
        %parallel_loop3A_790 = arith.addf %parallel_loop3A_789, %get3A_150 : vector<16xf32>
        %parallel_loop3A_791 = arith.index_cast %parallel_loop3A_755 : i32 to index
        %parallel_loop3A_792 = arith.constant 304 : index
        %parallel_loop3A_793 = tpu.vector_load %arg10[%parallel_loop3A_791, %parallel_loop3A_792] {strides = array<i32>} : memref<16x1024xf32, #tpu.memory_space<vmem>>, vector<1x16xf32>,
        %parallel_loop3A_794 = vector.shape_cast %parallel_loop3A_793 : vector<1x16xf32> to vector<16xf32>
        %parallel_loop3A_795 = vector.shape_cast %parallel_loop3A_790 : vector<16xf32> to vector<1x16xf32>
        tpu.vector_store %arg10[%parallel_loop3A_791, %parallel_loop3A_792], %parallel_loop3A_795 {strides = array<i32>} : memref<16x1024xf32, #tpu.memory_space<vmem>>, vector<1x16xf32>,
        %parallel_loop3A_796 = arith.index_cast %parallel_loop3A_755 : i32 to index
        %parallel_loop3A_797 = arith.constant 320 : index
        %parallel_loop3A_798 = tpu.vector_load %arg8[%parallel_loop3A_796, %parallel_loop3A_797] {strides = array<i32>} : memref<16x1024xf32, #tpu.memory_space<vmem>>, vector<1x16xf32>,
        %parallel_loop3A_799 = vector.shape_cast %parallel_loop3A_798 : vector<1x16xf32> to vector<16xf32>
        %parallel_loop3A_800 = arith.addf %parallel_loop3A_799, %get3A_155 : vector<16xf32>
        %parallel_loop3A_801 = arith.index_cast %parallel_loop3A_755 : i32 to index
        %parallel_loop3A_802 = arith.constant 320 : index
        %parallel_loop3A_803 = tpu.vector_load %arg10[%parallel_loop3A_801, %parallel_loop3A_802] {strides = array<i32>} : memref<16x1024xf32, #tpu.memory_space<vmem>>, vector<1x16xf32>,
        %parallel_loop3A_804 = vector.shape_cast %parallel_loop3A_803 : vector<1x16xf32> to vector<16xf32>
        %parallel_loop3A_805 = vector.shape_cast %parallel_loop3A_800 : vector<16xf32> to vector<1x16xf32>
        tpu.vector_store %arg10[%parallel_loop3A_801, %parallel_loop3A_802], %parallel_loop3A_805 {strides = array<i32>} : memref<16x1024xf32, #tpu.memory_space<vmem>>, vector<1x16xf32>,
        %parallel_loop3A_806 = arith.index_cast %parallel_loop3A_755 : i32 to index
        %parallel_loop3A_807 = arith.constant 336 : index
        %parallel_loop3A_808 = tpu.vector_load %arg8[%parallel_loop3A_806, %parallel_loop3A_807] {strides = array<i32>} : memref<16x1024xf32, #tpu.memory_space<vmem>>, vector<1x16xf32>,
        %parallel_loop3A_809 = vector.shape_cast %parallel_loop3A_808 : vector<1x16xf32> to vector<16xf32>
        %parallel_loop3A_810 = arith.addf %parallel_loop3A_809, %get3A_160 : vector<16xf32>
        %parallel_loop3A_811 = arith.index_cast %parallel_loop3A_755 : i32 to index
        %parallel_loop3A_812 = arith.constant 336 : index
        %parallel_loop3A_813 = tpu.vector_load %arg10[%parallel_loop3A_811, %parallel_loop3A_812] {strides = array<i32>} : memref<16x1024xf32, #tpu.memory_space<vmem>>, vector<1x16xf32>,
        %parallel_loop3A_814 = vector.shape_cast %parallel_loop3A_813 : vector<1x16xf32> to vector<16xf32>
        %parallel_loop3A_815 = vector.shape_cast %parallel_loop3A_810 : vector<16xf32> to vector<1x16xf32>
        tpu.vector_store %arg10[%parallel_loop3A_811, %parallel_loop3A_812], %parallel_loop3A_815 {strides = array<i32>} : memref<16x1024xf32, #tpu.memory_space<vmem>>, vector<1x16xf32>,
        %parallel_loop3A_816 = arith.index_cast %parallel_loop3A_755 : i32 to index
        %parallel_loop3A_817 = arith.constant 352 : index
        %parallel_loop3A_818 = tpu.vector_load %arg8[%parallel_loop3A_816, %parallel_loop3A_817] {strides = array<i32>} : memref<16x1024xf32, #tpu.memory_space<vmem>>, vector<1x16xf32>,
        %parallel_loop3A_819 = vector.shape_cast %parallel_loop3A_818 : vector<1x16xf32> to vector<16xf32>
        %parallel_loop3A_820 = arith.addf %parallel_loop3A_819, %get3A_165 : vector<16xf32>
        %parallel_loop3A_821 = arith.index_cast %parallel_loop3A_755 : i32 to index
        %parallel_loop3A_822 = arith.constant 352 : index
        %parallel_loop3A_823 = tpu.vector_load %arg10[%parallel_loop3A_821, %parallel_loop3A_822] {strides = array<i32>} : memref<16x1024xf32, #tpu.memory_space<vmem>>, vector<1x16xf32>,
        %parallel_loop3A_824 = vector.shape_cast %parallel_loop3A_823 : vector<1x16xf32> to vector<16xf32>
        %parallel_loop3A_825 = vector.shape_cast %parallel_loop3A_820 : vector<16xf32> to vector<1x16xf32>
        tpu.vector_store %arg10[%parallel_loop3A_821, %parallel_loop3A_822], %parallel_loop3A_825 {strides = array<i32>} : memref<16x1024xf32, #tpu.memory_space<vmem>>, vector<1x16xf32>,
        %parallel_loop3A_826 = arith.index_cast %parallel_loop3A_755 : i32 to index
        %parallel_loop3A_827 = arith.constant 368 : index
        %parallel_loop3A_828 = tpu.vector_load %arg8[%parallel_loop3A_826, %parallel_loop3A_827] {strides = array<i32>} : memref<16x1024xf32, #tpu.memory_space<vmem>>, vector<1x16xf32>,
        %parallel_loop3A_829 = vector.shape_cast %parallel_loop3A_828 : vector<1x16xf32> to vector<16xf32>
        %parallel_loop3A_830 = arith.addf %parallel_loop3A_829, %get3A_170 : vector<16xf32>
        %parallel_loop3A_831 = arith.index_cast %parallel_loop3A_755 : i32 to index
        %parallel_loop3A_832 = arith.constant 368 : index
        %parallel_loop3A_833 = tpu.vector_load %arg10[%parallel_loop3A_831, %parallel_loop3A_832] {strides = array<i32>} : memref<16x1024xf32, #tpu.memory_space<vmem>>, vector<1x16xf32>,
        %parallel_loop3A_834 = vector.shape_cast %parallel_loop3A_833 : vector<1x16xf32> to vector<16xf32>
        %parallel_loop3A_835 = vector.shape_cast %parallel_loop3A_830 : vector<16xf32> to vector<1x16xf32>
        tpu.vector_store %arg10[%parallel_loop3A_831, %parallel_loop3A_832], %parallel_loop3A_835 {strides = array<i32>} : memref<16x1024xf32, #tpu.memory_space<vmem>>, vector<1x16xf32>,
        %parallel_loop3A_836 = arith.index_cast %parallel_loop3A_755 : i32 to index
        %parallel_loop3A_837 = arith.constant 384 : index
        %parallel_loop3A_838 = tpu.vector_load %arg8[%parallel_loop3A_836, %parallel_loop3A_837] {strides = array<i32>} : memref<16x1024xf32, #tpu.memory_space<vmem>>, vector<1x16xf32>,
        %parallel_loop3A_839 = vector.shape_cast %parallel_loop3A_838 : vector<1x16xf32> to vector<16xf32>
        %parallel_loop3A_840 = arith.addf %parallel_loop3A_839, %get3A_175 : vector<16xf32>
        %parallel_loop3A_841 = arith.index_cast %parallel_loop3A_755 : i32 to index
        %parallel_loop3A_842 = arith.constant 384 : index
        %parallel_loop3A_843 = tpu.vector_load %arg10[%parallel_loop3A_841, %parallel_loop3A_842] {strides = array<i32>} : memref<16x1024xf32, #tpu.memory_space<vmem>>, vector<1x16xf32>,
        %parallel_loop3A_844 = vector.shape_cast %parallel_loop3A_843 : vector<1x16xf32> to vector<16xf32>
        %parallel_loop3A_845 = vector.shape_cast %parallel_loop3A_840 : vector<16xf32> to vector<1x16xf32>
        tpu.vector_store %arg10[%parallel_loop3A_841, %parallel_loop3A_842], %parallel_loop3A_845 {strides = array<i32>} : memref<16x1024xf32, #tpu.memory_space<vmem>>, vector<1x16xf32>,
        %parallel_loop3A_846 = arith.index_cast %parallel_loop3A_755 : i32 to index
        %parallel_loop3A_847 = arith.constant 400 : index
        %parallel_loop3A_848 = tpu.vector_load %arg8[%parallel_loop3A_846, %parallel_loop3A_847] {strides = array<i32>} : memref<16x1024xf32, #tpu.memory_space<vmem>>, vector<1x16xf32>,
        %parallel_loop3A_849 = vector.shape_cast %parallel_loop3A_848 : vector<1x16xf32> to vector<16xf32>
        %parallel_loop3A_850 = arith.addf %parallel_loop3A_849, %get3A_180 : vector<16xf32>
        %parallel_loop3A_851 = arith.index_cast %parallel_loop3A_755 : i32 to index
        %parallel_loop3A_852 = arith.constant 400 : index
        %parallel_loop3A_853 = tpu.vector_load %arg10[%parallel_loop3A_851, %parallel_loop3A_852] {strides = array<i32>} : memref<16x1024xf32, #tpu.memory_space<vmem>>, vector<1x16xf32>,
        %parallel_loop3A_854 = vector.shape_cast %parallel_loop3A_853 : vector<1x16xf32> to vector<16xf32>
        %parallel_loop3A_855 = vector.shape_cast %parallel_loop3A_850 : vector<16xf32> to vector<1x16xf32>
        tpu.vector_store %arg10[%parallel_loop3A_851, %parallel_loop3A_852], %parallel_loop3A_855 {strides = array<i32>} : memref<16x1024xf32, #tpu.memory_space<vmem>>, vector<1x16xf32>,
        %parallel_loop3A_856 = arith.index_cast %parallel_loop3A_755 : i32 to index
        %parallel_loop3A_857 = arith.constant 416 : index
        %parallel_loop3A_858 = tpu.vector_load %arg8[%parallel_loop3A_856, %parallel_loop3A_857] {strides = array<i32>} : memref<16x1024xf32, #tpu.memory_space<vmem>>, vector<1x16xf32>,
        %parallel_loop3A_859 = vector.shape_cast %parallel_loop3A_858 : vector<1x16xf32> to vector<16xf32>
        %parallel_loop3A_860 = arith.addf %parallel_loop3A_859, %get3A_185 : vector<16xf32>
        %parallel_loop3A_861 = arith.index_cast %parallel_loop3A_755 : i32 to index
        %parallel_loop3A_862 = arith.constant 416 : index
        %parallel_loop3A_863 = tpu.vector_load %arg10[%parallel_loop3A_861, %parallel_loop3A_862] {strides = array<i32>} : memref<16x1024xf32, #tpu.memory_space<vmem>>, vector<1x16xf32>,
        %parallel_loop3A_864 = vector.shape_cast %parallel_loop3A_863 : vector<1x16xf32> to vector<16xf32>
        %parallel_loop3A_865 = vector.shape_cast %parallel_loop3A_860 : vector<16xf32> to vector<1x16xf32>
        tpu.vector_store %arg10[%parallel_loop3A_861, %parallel_loop3A_862], %parallel_loop3A_865 {strides = array<i32>} : memref<16x1024xf32, #tpu.memory_space<vmem>>, vector<1x16xf32>,
        %parallel_loop3A_866 = arith.index_cast %parallel_loop3A_755 : i32 to index
        %parallel_loop3A_867 = arith.constant 432 : index
        %parallel_loop3A_868 = tpu.vector_load %arg8[%parallel_loop3A_866, %parallel_loop3A_867] {strides = array<i32>} : memref<16x1024xf32, #tpu.memory_space<vmem>>, vector<1x16xf32>,
        %parallel_loop3A_869 = vector.shape_cast %parallel_loop3A_868 : vector<1x16xf32> to vector<16xf32>
        %parallel_loop3A_870 = arith.addf %parallel_loop3A_869, %get3A_190 : vector<16xf32>
        %parallel_loop3A_871 = arith.index_cast %parallel_loop3A_755 : i32 to index
        %parallel_loop3A_872 = arith.constant 432 : index
        %parallel_loop3A_873 = tpu.vector_load %arg10[%parallel_loop3A_871, %parallel_loop3A_872] {strides = array<i32>} : memref<16x1024xf32, #tpu.memory_space<vmem>>, vector<1x16xf32>,
        %parallel_loop3A_874 = vector.shape_cast %parallel_loop3A_873 : vector<1x16xf32> to vector<16xf32>
        %parallel_loop3A_875 = vector.shape_cast %parallel_loop3A_870 : vector<16xf32> to vector<1x16xf32>
        tpu.vector_store %arg10[%parallel_loop3A_871, %parallel_loop3A_872], %parallel_loop3A_875 {strides = array<i32>} : memref<16x1024xf32, #tpu.memory_space<vmem>>, vector<1x16xf32>,
        %parallel_loop3A_876 = arith.index_cast %parallel_loop3A_755 : i32 to index
        %parallel_loop3A_877 = arith.constant 448 : index
        %parallel_loop3A_878 = tpu.vector_load %arg8[%parallel_loop3A_876, %parallel_loop3A_877] {strides = array<i32>} : memref<16x1024xf32, #tpu.memory_space<vmem>>, vector<1x16xf32>,
        %parallel_loop3A_879 = vector.shape_cast %parallel_loop3A_878 : vector<1x16xf32> to vector<16xf32>
        %parallel_loop3A_880 = arith.addf %parallel_loop3A_879, %get3A_195 : vector<16xf32>
        %parallel_loop3A_881 = arith.index_cast %parallel_loop3A_755 : i32 to index
        %parallel_loop3A_882 = arith.constant 448 : index
        %parallel_loop3A_883 = tpu.vector_load %arg10[%parallel_loop3A_881, %parallel_loop3A_882] {strides = array<i32>} : memref<16x1024xf32, #tpu.memory_space<vmem>>, vector<1x16xf32>,
        %parallel_loop3A_884 = vector.shape_cast %parallel_loop3A_883 : vector<1x16xf32> to vector<16xf32>
        %parallel_loop3A_885 = vector.shape_cast %parallel_loop3A_880 : vector<16xf32> to vector<1x16xf32>
        tpu.vector_store %arg10[%parallel_loop3A_881, %parallel_loop3A_882], %parallel_loop3A_885 {strides = array<i32>} : memref<16x1024xf32, #tpu.memory_space<vmem>>, vector<1x16xf32>,
        %parallel_loop3A_886 = arith.index_cast %parallel_loop3A_755 : i32 to index
        %parallel_loop3A_887 = arith.constant 464 : index
        %parallel_loop3A_888 = tpu.vector_load %arg8[%parallel_loop3A_886, %parallel_loop3A_887] {strides = array<i32>} : memref<16x1024xf32, #tpu.memory_space<vmem>>, vector<1x16xf32>,
        %parallel_loop3A_889 = vector.shape_cast %parallel_loop3A_888 : vector<1x16xf32> to vector<16xf32>
        %parallel_loop3A_890 = arith.addf %parallel_loop3A_889, %get3A_200 : vector<16xf32>
        %parallel_loop3A_891 = arith.index_cast %parallel_loop3A_755 : i32 to index
        %parallel_loop3A_892 = arith.constant 464 : index
        %parallel_loop3A_893 = tpu.vector_load %arg10[%parallel_loop3A_891, %parallel_loop3A_892] {strides = array<i32>} : memref<16x1024xf32, #tpu.memory_space<vmem>>, vector<1x16xf32>,
        %parallel_loop3A_894 = vector.shape_cast %parallel_loop3A_893 : vector<1x16xf32> to vector<16xf32>
        %parallel_loop3A_895 = vector.shape_cast %parallel_loop3A_890 : vector<16xf32> to vector<1x16xf32>
        tpu.vector_store %arg10[%parallel_loop3A_891, %parallel_loop3A_892], %parallel_loop3A_895 {strides = array<i32>} : memref<16x1024xf32, #tpu.memory_space<vmem>>, vector<1x16xf32>,
        %parallel_loop3A_896 = arith.index_cast %parallel_loop3A_755 : i32 to index
        %parallel_loop3A_897 = arith.constant 480 : index
        %parallel_loop3A_898 = tpu.vector_load %arg8[%parallel_loop3A_896, %parallel_loop3A_897] {strides = array<i32>} : memref<16x1024xf32, #tpu.memory_space<vmem>>, vector<1x16xf32>,
        %parallel_loop3A_899 = vector.shape_cast %parallel_loop3A_898 : vector<1x16xf32> to vector<16xf32>
        %parallel_loop3A_900 = arith.addf %parallel_loop3A_899, %get3A_205 : vector<16xf32>
        %parallel_loop3A_901 = arith.index_cast %parallel_loop3A_755 : i32 to index
        %parallel_loop3A_902 = arith.constant 480 : index
        %parallel_loop3A_903 = tpu.vector_load %arg10[%parallel_loop3A_901, %parallel_loop3A_902] {strides = array<i32>} : memref<16x1024xf32, #tpu.memory_space<vmem>>, vector<1x16xf32>,
        %parallel_loop3A_904 = vector.shape_cast %parallel_loop3A_903 : vector<1x16xf32> to vector<16xf32>
        %parallel_loop3A_905 = vector.shape_cast %parallel_loop3A_900 : vector<16xf32> to vector<1x16xf32>
        tpu.vector_store %arg10[%parallel_loop3A_901, %parallel_loop3A_902], %parallel_loop3A_905 {strides = array<i32>} : memref<16x1024xf32, #tpu.memory_space<vmem>>, vector<1x16xf32>,
        %parallel_loop3A_906 = arith.index_cast %parallel_loop3A_755 : i32 to index
        %parallel_loop3A_907 = arith.constant 496 : index
        %parallel_loop3A_908 = tpu.vector_load %arg8[%parallel_loop3A_906, %parallel_loop3A_907] {strides = array<i32>} : memref<16x1024xf32, #tpu.memory_space<vmem>>, vector<1x16xf32>,
        %parallel_loop3A_909 = vector.shape_cast %parallel_loop3A_908 : vector<1x16xf32> to vector<16xf32>
        %parallel_loop3A_910 = arith.addf %parallel_loop3A_909, %get3A_210 : vector<16xf32>
        %parallel_loop3A_911 = arith.index_cast %parallel_loop3A_755 : i32 to index
        %parallel_loop3A_912 = arith.constant 496 : index
        %parallel_loop3A_913 = tpu.vector_load %arg10[%parallel_loop3A_911, %parallel_loop3A_912] {strides = array<i32>} : memref<16x1024xf32, #tpu.memory_space<vmem>>, vector<1x16xf32>,
        %parallel_loop3A_914 = vector.shape_cast %parallel_loop3A_913 : vector<1x16xf32> to vector<16xf32>
        %parallel_loop3A_915 = vector.shape_cast %parallel_loop3A_910 : vector<16xf32> to vector<1x16xf32>
        tpu.vector_store %arg10[%parallel_loop3A_911, %parallel_loop3A_912], %parallel_loop3A_915 {strides = array<i32>} : memref<16x1024xf32, #tpu.memory_space<vmem>>, vector<1x16xf32>,
      } {sc.loop_unroll_factor = 2 : i64, sc.parallel_access}
      %get3A_214 = arith.constant 0 : i32
      %get3A_215 = arith.index_cast %get3A_214 : i32 to index
      %get3A_216 = arith.constant 512 : index
      %get3A_217 = tpu.vector_load %arg7[%get3A_215, %get3A_216] {strides = array<i32>} : memref<8x1024xf32, #tpu.memory_space<vmem>>, vector<1x16xf32>,
      %get3A_218 = vector.shape_cast %get3A_217 : vector<1x16xf32> to vector<16xf32>
      %get3A_219 = arith.constant 0 : i32
      %get3A_220 = arith.index_cast %get3A_219 : i32 to index
      %get3A_221 = arith.constant 528 : index
      %get3A_222 = tpu.vector_load %arg7[%get3A_220, %get3A_221] {strides = array<i32>} : memref<8x1024xf32, #tpu.memory_space<vmem>>, vector<1x16xf32>,
      %get3A_223 = vector.shape_cast %get3A_222 : vector<1x16xf32> to vector<16xf32>
      %get3A_224 = arith.constant 0 : i32
      %get3A_225 = arith.index_cast %get3A_224 : i32 to index
      %get3A_226 = arith.constant 544 : index
      %get3A_227 = tpu.vector_load %arg7[%get3A_225, %get3A_226] {strides = array<i32>} : memref<8x1024xf32, #tpu.memory_space<vmem>>, vector<1x16xf32>,
      %get3A_228 = vector.shape_cast %get3A_227 : vector<1x16xf32> to vector<16xf32>
      %get3A_229 = arith.constant 0 : i32
      %get3A_230 = arith.index_cast %get3A_229 : i32 to index
      %get3A_231 = arith.constant 560 : index
      %get3A_232 = tpu.vector_load %arg7[%get3A_230, %get3A_231] {strides = array<i32>} : memref<8x1024xf32, #tpu.memory_space<vmem>>, vector<1x16xf32>,
      %get3A_233 = vector.shape_cast %get3A_232 : vector<1x16xf32> to vector<16xf32>
      %get3A_234 = arith.constant 0 : i32
      %get3A_235 = arith.index_cast %get3A_234 : i32 to index
      %get3A_236 = arith.constant 576 : index
      %get3A_237 = tpu.vector_load %arg7[%get3A_235, %get3A_236] {strides = array<i32>} : memref<8x1024xf32, #tpu.memory_space<vmem>>, vector<1x16xf32>,
      %get3A_238 = vector.shape_cast %get3A_237 : vector<1x16xf32> to vector<16xf32>
      %get3A_239 = arith.constant 0 : i32
      %get3A_240 = arith.index_cast %get3A_239 : i32 to index
      %get3A_241 = arith.constant 592 : index
      %get3A_242 = tpu.vector_load %arg7[%get3A_240, %get3A_241] {strides = array<i32>} : memref<8x1024xf32, #tpu.memory_space<vmem>>, vector<1x16xf32>,
      %get3A_243 = vector.shape_cast %get3A_242 : vector<1x16xf32> to vector<16xf32>
      %get3A_244 = arith.constant 0 : i32
      %get3A_245 = arith.index_cast %get3A_244 : i32 to index
      %get3A_246 = arith.constant 608 : index
      %get3A_247 = tpu.vector_load %arg7[%get3A_245, %get3A_246] {strides = array<i32>} : memref<8x1024xf32, #tpu.memory_space<vmem>>, vector<1x16xf32>,
      %get3A_248 = vector.shape_cast %get3A_247 : vector<1x16xf32> to vector<16xf32>
      %get3A_249 = arith.constant 0 : i32
      %get3A_250 = arith.index_cast %get3A_249 : i32 to index
      %get3A_251 = arith.constant 624 : index
      %get3A_252 = tpu.vector_load %arg7[%get3A_250, %get3A_251] {strides = array<i32>} : memref<8x1024xf32, #tpu.memory_space<vmem>>, vector<1x16xf32>,
      %get3A_253 = vector.shape_cast %get3A_252 : vector<1x16xf32> to vector<16xf32>
      %get3A_254 = arith.constant 0 : i32
      %get3A_255 = arith.index_cast %get3A_254 : i32 to index
      %get3A_256 = arith.constant 640 : index
      %get3A_257 = tpu.vector_load %arg7[%get3A_255, %get3A_256] {strides = array<i32>} : memref<8x1024xf32, #tpu.memory_space<vmem>>, vector<1x16xf32>,
      %get3A_258 = vector.shape_cast %get3A_257 : vector<1x16xf32> to vector<16xf32>
      %get3A_259 = arith.constant 0 : i32
      %get3A_260 = arith.index_cast %get3A_259 : i32 to index
      %get3A_261 = arith.constant 656 : index
      %get3A_262 = tpu.vector_load %arg7[%get3A_260, %get3A_261] {strides = array<i32>} : memref<8x1024xf32, #tpu.memory_space<vmem>>, vector<1x16xf32>,
      %get3A_263 = vector.shape_cast %get3A_262 : vector<1x16xf32> to vector<16xf32>
      %get3A_264 = arith.constant 0 : i32
      %get3A_265 = arith.index_cast %get3A_264 : i32 to index
      %get3A_266 = arith.constant 672 : index
      %get3A_267 = tpu.vector_load %arg7[%get3A_265, %get3A_266] {strides = array<i32>} : memref<8x1024xf32, #tpu.memory_space<vmem>>, vector<1x16xf32>,
      %get3A_268 = vector.shape_cast %get3A_267 : vector<1x16xf32> to vector<16xf32>
      %get3A_269 = arith.constant 0 : i32
      %get3A_270 = arith.index_cast %get3A_269 : i32 to index
      %get3A_271 = arith.constant 688 : index
      %get3A_272 = tpu.vector_load %arg7[%get3A_270, %get3A_271] {strides = array<i32>} : memref<8x1024xf32, #tpu.memory_space<vmem>>, vector<1x16xf32>,
      %get3A_273 = vector.shape_cast %get3A_272 : vector<1x16xf32> to vector<16xf32>
      %get3A_274 = arith.constant 0 : i32
      %get3A_275 = arith.index_cast %get3A_274 : i32 to index
      %get3A_276 = arith.constant 704 : index
      %get3A_277 = tpu.vector_load %arg7[%get3A_275, %get3A_276] {strides = array<i32>} : memref<8x1024xf32, #tpu.memory_space<vmem>>, vector<1x16xf32>,
      %get3A_278 = vector.shape_cast %get3A_277 : vector<1x16xf32> to vector<16xf32>
      %get3A_279 = arith.constant 0 : i32
      %get3A_280 = arith.index_cast %get3A_279 : i32 to index
      %get3A_281 = arith.constant 720 : index
      %get3A_282 = tpu.vector_load %arg7[%get3A_280, %get3A_281] {strides = array<i32>} : memref<8x1024xf32, #tpu.memory_space<vmem>>, vector<1x16xf32>,
      %get3A_283 = vector.shape_cast %get3A_282 : vector<1x16xf32> to vector<16xf32>
      %get3A_284 = arith.constant 0 : i32
      %get3A_285 = arith.index_cast %get3A_284 : i32 to index
      %get3A_286 = arith.constant 736 : index
      %get3A_287 = tpu.vector_load %arg7[%get3A_285, %get3A_286] {strides = array<i32>} : memref<8x1024xf32, #tpu.memory_space<vmem>>, vector<1x16xf32>,
      %get3A_288 = vector.shape_cast %get3A_287 : vector<1x16xf32> to vector<16xf32>
      %get3A_289 = arith.constant 0 : i32
      %get3A_290 = arith.index_cast %get3A_289 : i32 to index
      %get3A_291 = arith.constant 752 : index
      %get3A_292 = tpu.vector_load %arg7[%get3A_290, %get3A_291] {strides = array<i32>} : memref<8x1024xf32, #tpu.memory_space<vmem>>, vector<1x16xf32>,
      %get3A_293 = vector.shape_cast %get3A_292 : vector<1x16xf32> to vector<16xf32>
      %parallel_loop3A_294 = arith.constant 0 : i32
      %parallel_loop3A_295 = arith.constant 16 : i32
      %parallel_loop3A_296 = arith.constant 1 : i32
      scf.for %parallel_loop3A_755 = %parallel_loop3A_294 to %parallel_loop3A_295 step %parallel_loop3A_296  : i32 {
        %parallel_loop3A_756 = arith.index_cast %parallel_loop3A_755 : i32 to index
        %parallel_loop3A_757 = arith.constant 512 : index
        %parallel_loop3A_758 = tpu.vector_load %arg8[%parallel_loop3A_756, %parallel_loop3A_757] {strides = array<i32>} : memref<16x1024xf32, #tpu.memory_space<vmem>>, vector<1x16xf32>,
        %parallel_loop3A_759 = vector.shape_cast %parallel_loop3A_758 : vector<1x16xf32> to vector<16xf32>
        %parallel_loop3A_760 = arith.addf %parallel_loop3A_759, %get3A_218 : vector<16xf32>
        %parallel_loop3A_761 = arith.index_cast %parallel_loop3A_755 : i32 to index
        %parallel_loop3A_762 = arith.constant 512 : index
        %parallel_loop3A_763 = tpu.vector_load %arg10[%parallel_loop3A_761, %parallel_loop3A_762] {strides = array<i32>} : memref<16x1024xf32, #tpu.memory_space<vmem>>, vector<1x16xf32>,
        %parallel_loop3A_764 = vector.shape_cast %parallel_loop3A_763 : vector<1x16xf32> to vector<16xf32>
        %parallel_loop3A_765 = vector.shape_cast %parallel_loop3A_760 : vector<16xf32> to vector<1x16xf32>
        tpu.vector_store %arg10[%parallel_loop3A_761, %parallel_loop3A_762], %parallel_loop3A_765 {strides = array<i32>} : memref<16x1024xf32, #tpu.memory_space<vmem>>, vector<1x16xf32>,
        %parallel_loop3A_766 = arith.index_cast %parallel_loop3A_755 : i32 to index
        %parallel_loop3A_767 = arith.constant 528 : index
        %parallel_loop3A_768 = tpu.vector_load %arg8[%parallel_loop3A_766, %parallel_loop3A_767] {strides = array<i32>} : memref<16x1024xf32, #tpu.memory_space<vmem>>, vector<1x16xf32>,
        %parallel_loop3A_769 = vector.shape_cast %parallel_loop3A_768 : vector<1x16xf32> to vector<16xf32>
        %parallel_loop3A_770 = arith.addf %parallel_loop3A_769, %get3A_223 : vector<16xf32>
        %parallel_loop3A_771 = arith.index_cast %parallel_loop3A_755 : i32 to index
        %parallel_loop3A_772 = arith.constant 528 : index
        %parallel_loop3A_773 = tpu.vector_load %arg10[%parallel_loop3A_771, %parallel_loop3A_772] {strides = array<i32>} : memref<16x1024xf32, #tpu.memory_space<vmem>>, vector<1x16xf32>,
        %parallel_loop3A_774 = vector.shape_cast %parallel_loop3A_773 : vector<1x16xf32> to vector<16xf32>
        %parallel_loop3A_775 = vector.shape_cast %parallel_loop3A_770 : vector<16xf32> to vector<1x16xf32>
        tpu.vector_store %arg10[%parallel_loop3A_771, %parallel_loop3A_772], %parallel_loop3A_775 {strides = array<i32>} : memref<16x1024xf32, #tpu.memory_space<vmem>>, vector<1x16xf32>,
        %parallel_loop3A_776 = arith.index_cast %parallel_loop3A_755 : i32 to index
        %parallel_loop3A_777 = arith.constant 544 : index
        %parallel_loop3A_778 = tpu.vector_load %arg8[%parallel_loop3A_776, %parallel_loop3A_777] {strides = array<i32>} : memref<16x1024xf32, #tpu.memory_space<vmem>>, vector<1x16xf32>,
        %parallel_loop3A_779 = vector.shape_cast %parallel_loop3A_778 : vector<1x16xf32> to vector<16xf32>
        %parallel_loop3A_780 = arith.addf %parallel_loop3A_779, %get3A_228 : vector<16xf32>
        %parallel_loop3A_781 = arith.index_cast %parallel_loop3A_755 : i32 to index
        %parallel_loop3A_782 = arith.constant 544 : index
        %parallel_loop3A_783 = tpu.vector_load %arg10[%parallel_loop3A_781, %parallel_loop3A_782] {strides = array<i32>} : memref<16x1024xf32, #tpu.memory_space<vmem>>, vector<1x16xf32>,
        %parallel_loop3A_784 = vector.shape_cast %parallel_loop3A_783 : vector<1x16xf32> to vector<16xf32>
        %parallel_loop3A_785 = vector.shape_cast %parallel_loop3A_780 : vector<16xf32> to vector<1x16xf32>
        tpu.vector_store %arg10[%parallel_loop3A_781, %parallel_loop3A_782], %parallel_loop3A_785 {strides = array<i32>} : memref<16x1024xf32, #tpu.memory_space<vmem>>, vector<1x16xf32>,
        %parallel_loop3A_786 = arith.index_cast %parallel_loop3A_755 : i32 to index
        %parallel_loop3A_787 = arith.constant 560 : index
        %parallel_loop3A_788 = tpu.vector_load %arg8[%parallel_loop3A_786, %parallel_loop3A_787] {strides = array<i32>} : memref<16x1024xf32, #tpu.memory_space<vmem>>, vector<1x16xf32>,
        %parallel_loop3A_789 = vector.shape_cast %parallel_loop3A_788 : vector<1x16xf32> to vector<16xf32>
        %parallel_loop3A_790 = arith.addf %parallel_loop3A_789, %get3A_233 : vector<16xf32>
        %parallel_loop3A_791 = arith.index_cast %parallel_loop3A_755 : i32 to index
        %parallel_loop3A_792 = arith.constant 560 : index
        %parallel_loop3A_793 = tpu.vector_load %arg10[%parallel_loop3A_791, %parallel_loop3A_792] {strides = array<i32>} : memref<16x1024xf32, #tpu.memory_space<vmem>>, vector<1x16xf32>,
        %parallel_loop3A_794 = vector.shape_cast %parallel_loop3A_793 : vector<1x16xf32> to vector<16xf32>
        %parallel_loop3A_795 = vector.shape_cast %parallel_loop3A_790 : vector<16xf32> to vector<1x16xf32>
        tpu.vector_store %arg10[%parallel_loop3A_791, %parallel_loop3A_792], %parallel_loop3A_795 {strides = array<i32>} : memref<16x1024xf32, #tpu.memory_space<vmem>>, vector<1x16xf32>,
        %parallel_loop3A_796 = arith.index_cast %parallel_loop3A_755 : i32 to index
        %parallel_loop3A_797 = arith.constant 576 : index
        %parallel_loop3A_798 = tpu.vector_load %arg8[%parallel_loop3A_796, %parallel_loop3A_797] {strides = array<i32>} : memref<16x1024xf32, #tpu.memory_space<vmem>>, vector<1x16xf32>,
        %parallel_loop3A_799 = vector.shape_cast %parallel_loop3A_798 : vector<1x16xf32> to vector<16xf32>
        %parallel_loop3A_800 = arith.addf %parallel_loop3A_799, %get3A_238 : vector<16xf32>
        %parallel_loop3A_801 = arith.index_cast %parallel_loop3A_755 : i32 to index
        %parallel_loop3A_802 = arith.constant 576 : index
        %parallel_loop3A_803 = tpu.vector_load %arg10[%parallel_loop3A_801, %parallel_loop3A_802] {strides = array<i32>} : memref<16x1024xf32, #tpu.memory_space<vmem>>, vector<1x16xf32>,
        %parallel_loop3A_804 = vector.shape_cast %parallel_loop3A_803 : vector<1x16xf32> to vector<16xf32>
        %parallel_loop3A_805 = vector.shape_cast %parallel_loop3A_800 : vector<16xf32> to vector<1x16xf32>
        tpu.vector_store %arg10[%parallel_loop3A_801, %parallel_loop3A_802], %parallel_loop3A_805 {strides = array<i32>} : memref<16x1024xf32, #tpu.memory_space<vmem>>, vector<1x16xf32>,
        %parallel_loop3A_806 = arith.index_cast %parallel_loop3A_755 : i32 to index
        %parallel_loop3A_807 = arith.constant 592 : index
        %parallel_loop3A_808 = tpu.vector_load %arg8[%parallel_loop3A_806, %parallel_loop3A_807] {strides = array<i32>} : memref<16x1024xf32, #tpu.memory_space<vmem>>, vector<1x16xf32>,
        %parallel_loop3A_809 = vector.shape_cast %parallel_loop3A_808 : vector<1x16xf32> to vector<16xf32>
        %parallel_loop3A_810 = arith.addf %parallel_loop3A_809, %get3A_243 : vector<16xf32>
        %parallel_loop3A_811 = arith.index_cast %parallel_loop3A_755 : i32 to index
        %parallel_loop3A_812 = arith.constant 592 : index
        %parallel_loop3A_813 = tpu.vector_load %arg10[%parallel_loop3A_811, %parallel_loop3A_812] {strides = array<i32>} : memref<16x1024xf32, #tpu.memory_space<vmem>>, vector<1x16xf32>,
        %parallel_loop3A_814 = vector.shape_cast %parallel_loop3A_813 : vector<1x16xf32> to vector<16xf32>
        %parallel_loop3A_815 = vector.shape_cast %parallel_loop3A_810 : vector<16xf32> to vector<1x16xf32>
        tpu.vector_store %arg10[%parallel_loop3A_811, %parallel_loop3A_812], %parallel_loop3A_815 {strides = array<i32>} : memref<16x1024xf32, #tpu.memory_space<vmem>>, vector<1x16xf32>,
        %parallel_loop3A_816 = arith.index_cast %parallel_loop3A_755 : i32 to index
        %parallel_loop3A_817 = arith.constant 608 : index
        %parallel_loop3A_818 = tpu.vector_load %arg8[%parallel_loop3A_816, %parallel_loop3A_817] {strides = array<i32>} : memref<16x1024xf32, #tpu.memory_space<vmem>>, vector<1x16xf32>,
        %parallel_loop3A_819 = vector.shape_cast %parallel_loop3A_818 : vector<1x16xf32> to vector<16xf32>
        %parallel_loop3A_820 = arith.addf %parallel_loop3A_819, %get3A_248 : vector<16xf32>
        %parallel_loop3A_821 = arith.index_cast %parallel_loop3A_755 : i32 to index
        %parallel_loop3A_822 = arith.constant 608 : index
        %parallel_loop3A_823 = tpu.vector_load %arg10[%parallel_loop3A_821, %parallel_loop3A_822] {strides = array<i32>} : memref<16x1024xf32, #tpu.memory_space<vmem>>, vector<1x16xf32>,
        %parallel_loop3A_824 = vector.shape_cast %parallel_loop3A_823 : vector<1x16xf32> to vector<16xf32>
        %parallel_loop3A_825 = vector.shape_cast %parallel_loop3A_820 : vector<16xf32> to vector<1x16xf32>
        tpu.vector_store %arg10[%parallel_loop3A_821, %parallel_loop3A_822], %parallel_loop3A_825 {strides = array<i32>} : memref<16x1024xf32, #tpu.memory_space<vmem>>, vector<1x16xf32>,
        %parallel_loop3A_826 = arith.index_cast %parallel_loop3A_755 : i32 to index
        %parallel_loop3A_827 = arith.constant 624 : index
        %parallel_loop3A_828 = tpu.vector_load %arg8[%parallel_loop3A_826, %parallel_loop3A_827] {strides = array<i32>} : memref<16x1024xf32, #tpu.memory_space<vmem>>, vector<1x16xf32>,
        %parallel_loop3A_829 = vector.shape_cast %parallel_loop3A_828 : vector<1x16xf32> to vector<16xf32>
        %parallel_loop3A_830 = arith.addf %parallel_loop3A_829, %get3A_253 : vector<16xf32>
        %parallel_loop3A_831 = arith.index_cast %parallel_loop3A_755 : i32 to index
        %parallel_loop3A_832 = arith.constant 624 : index
        %parallel_loop3A_833 = tpu.vector_load %arg10[%parallel_loop3A_831, %parallel_loop3A_832] {strides = array<i32>} : memref<16x1024xf32, #tpu.memory_space<vmem>>, vector<1x16xf32>,
        %parallel_loop3A_834 = vector.shape_cast %parallel_loop3A_833 : vector<1x16xf32> to vector<16xf32>
        %parallel_loop3A_835 = vector.shape_cast %parallel_loop3A_830 : vector<16xf32> to vector<1x16xf32>
        tpu.vector_store %arg10[%parallel_loop3A_831, %parallel_loop3A_832], %parallel_loop3A_835 {strides = array<i32>} : memref<16x1024xf32, #tpu.memory_space<vmem>>, vector<1x16xf32>,
        %parallel_loop3A_836 = arith.index_cast %parallel_loop3A_755 : i32 to index
        %parallel_loop3A_837 = arith.constant 640 : index
        %parallel_loop3A_838 = tpu.vector_load %arg8[%parallel_loop3A_836, %parallel_loop3A_837] {strides = array<i32>} : memref<16x1024xf32, #tpu.memory_space<vmem>>, vector<1x16xf32>,
        %parallel_loop3A_839 = vector.shape_cast %parallel_loop3A_838 : vector<1x16xf32> to vector<16xf32>
        %parallel_loop3A_840 = arith.addf %parallel_loop3A_839, %get3A_258 : vector<16xf32>
        %parallel_loop3A_841 = arith.index_cast %parallel_loop3A_755 : i32 to index
        %parallel_loop3A_842 = arith.constant 640 : index
        %parallel_loop3A_843 = tpu.vector_load %arg10[%parallel_loop3A_841, %parallel_loop3A_842] {strides = array<i32>} : memref<16x1024xf32, #tpu.memory_space<vmem>>, vector<1x16xf32>,
        %parallel_loop3A_844 = vector.shape_cast %parallel_loop3A_843 : vector<1x16xf32> to vector<16xf32>
        %parallel_loop3A_845 = vector.shape_cast %parallel_loop3A_840 : vector<16xf32> to vector<1x16xf32>
        tpu.vector_store %arg10[%parallel_loop3A_841, %parallel_loop3A_842], %parallel_loop3A_845 {strides = array<i32>} : memref<16x1024xf32, #tpu.memory_space<vmem>>, vector<1x16xf32>,
        %parallel_loop3A_846 = arith.index_cast %parallel_loop3A_755 : i32 to index
        %parallel_loop3A_847 = arith.constant 656 : index
        %parallel_loop3A_848 = tpu.vector_load %arg8[%parallel_loop3A_846, %parallel_loop3A_847] {strides = array<i32>} : memref<16x1024xf32, #tpu.memory_space<vmem>>, vector<1x16xf32>,
        %parallel_loop3A_849 = vector.shape_cast %parallel_loop3A_848 : vector<1x16xf32> to vector<16xf32>
        %parallel_loop3A_850 = arith.addf %parallel_loop3A_849, %get3A_263 : vector<16xf32>
        %parallel_loop3A_851 = arith.index_cast %parallel_loop3A_755 : i32 to index
        %parallel_loop3A_852 = arith.constant 656 : index
        %parallel_loop3A_853 = tpu.vector_load %arg10[%parallel_loop3A_851, %parallel_loop3A_852] {strides = array<i32>} : memref<16x1024xf32, #tpu.memory_space<vmem>>, vector<1x16xf32>,
        %parallel_loop3A_854 = vector.shape_cast %parallel_loop3A_853 : vector<1x16xf32> to vector<16xf32>
        %parallel_loop3A_855 = vector.shape_cast %parallel_loop3A_850 : vector<16xf32> to vector<1x16xf32>
        tpu.vector_store %arg10[%parallel_loop3A_851, %parallel_loop3A_852], %parallel_loop3A_855 {strides = array<i32>} : memref<16x1024xf32, #tpu.memory_space<vmem>>, vector<1x16xf32>,
        %parallel_loop3A_856 = arith.index_cast %parallel_loop3A_755 : i32 to index
        %parallel_loop3A_857 = arith.constant 672 : index
        %parallel_loop3A_858 = tpu.vector_load %arg8[%parallel_loop3A_856, %parallel_loop3A_857] {strides = array<i32>} : memref<16x1024xf32, #tpu.memory_space<vmem>>, vector<1x16xf32>,
        %parallel_loop3A_859 = vector.shape_cast %parallel_loop3A_858 : vector<1x16xf32> to vector<16xf32>
        %parallel_loop3A_860 = arith.addf %parallel_loop3A_859, %get3A_268 : vector<16xf32>
        %parallel_loop3A_861 = arith.index_cast %parallel_loop3A_755 : i32 to index
        %parallel_loop3A_862 = arith.constant 672 : index
        %parallel_loop3A_863 = tpu.vector_load %arg10[%parallel_loop3A_861, %parallel_loop3A_862] {strides = array<i32>} : memref<16x1024xf32, #tpu.memory_space<vmem>>, vector<1x16xf32>,
        %parallel_loop3A_864 = vector.shape_cast %parallel_loop3A_863 : vector<1x16xf32> to vector<16xf32>
        %parallel_loop3A_865 = vector.shape_cast %parallel_loop3A_860 : vector<16xf32> to vector<1x16xf32>
        tpu.vector_store %arg10[%parallel_loop3A_861, %parallel_loop3A_862], %parallel_loop3A_865 {strides = array<i32>} : memref<16x1024xf32, #tpu.memory_space<vmem>>, vector<1x16xf32>,
        %parallel_loop3A_866 = arith.index_cast %parallel_loop3A_755 : i32 to index
        %parallel_loop3A_867 = arith.constant 688 : index
        %parallel_loop3A_868 = tpu.vector_load %arg8[%parallel_loop3A_866, %parallel_loop3A_867] {strides = array<i32>} : memref<16x1024xf32, #tpu.memory_space<vmem>>, vector<1x16xf32>,
        %parallel_loop3A_869 = vector.shape_cast %parallel_loop3A_868 : vector<1x16xf32> to vector<16xf32>
        %parallel_loop3A_870 = arith.addf %parallel_loop3A_869, %get3A_273 : vector<16xf32>
        %parallel_loop3A_871 = arith.index_cast %parallel_loop3A_755 : i32 to index
        %parallel_loop3A_872 = arith.constant 688 : index
        %parallel_loop3A_873 = tpu.vector_load %arg10[%parallel_loop3A_871, %parallel_loop3A_872] {strides = array<i32>} : memref<16x1024xf32, #tpu.memory_space<vmem>>, vector<1x16xf32>,
        %parallel_loop3A_874 = vector.shape_cast %parallel_loop3A_873 : vector<1x16xf32> to vector<16xf32>
        %parallel_loop3A_875 = vector.shape_cast %parallel_loop3A_870 : vector<16xf32> to vector<1x16xf32>
        tpu.vector_store %arg10[%parallel_loop3A_871, %parallel_loop3A_872], %parallel_loop3A_875 {strides = array<i32>} : memref<16x1024xf32, #tpu.memory_space<vmem>>, vector<1x16xf32>,
        %parallel_loop3A_876 = arith.index_cast %parallel_loop3A_755 : i32 to index
        %parallel_loop3A_877 = arith.constant 704 : index
        %parallel_loop3A_878 = tpu.vector_load %arg8[%parallel_loop3A_876, %parallel_loop3A_877] {strides = array<i32>} : memref<16x1024xf32, #tpu.memory_space<vmem>>, vector<1x16xf32>,
        %parallel_loop3A_879 = vector.shape_cast %parallel_loop3A_878 : vector<1x16xf32> to vector<16xf32>
        %parallel_loop3A_880 = arith.addf %parallel_loop3A_879, %get3A_278 : vector<16xf32>
        %parallel_loop3A_881 = arith.index_cast %parallel_loop3A_755 : i32 to index
        %parallel_loop3A_882 = arith.constant 704 : index
        %parallel_loop3A_883 = tpu.vector_load %arg10[%parallel_loop3A_881, %parallel_loop3A_882] {strides = array<i32>} : memref<16x1024xf32, #tpu.memory_space<vmem>>, vector<1x16xf32>,
        %parallel_loop3A_884 = vector.shape_cast %parallel_loop3A_883 : vector<1x16xf32> to vector<16xf32>
        %parallel_loop3A_885 = vector.shape_cast %parallel_loop3A_880 : vector<16xf32> to vector<1x16xf32>
        tpu.vector_store %arg10[%parallel_loop3A_881, %parallel_loop3A_882], %parallel_loop3A_885 {strides = array<i32>} : memref<16x1024xf32, #tpu.memory_space<vmem>>, vector<1x16xf32>,
        %parallel_loop3A_886 = arith.index_cast %parallel_loop3A_755 : i32 to index
        %parallel_loop3A_887 = arith.constant 720 : index
        %parallel_loop3A_888 = tpu.vector_load %arg8[%parallel_loop3A_886, %parallel_loop3A_887] {strides = array<i32>} : memref<16x1024xf32, #tpu.memory_space<vmem>>, vector<1x16xf32>,
        %parallel_loop3A_889 = vector.shape_cast %parallel_loop3A_888 : vector<1x16xf32> to vector<16xf32>
        %parallel_loop3A_890 = arith.addf %parallel_loop3A_889, %get3A_283 : vector<16xf32>
        %parallel_loop3A_891 = arith.index_cast %parallel_loop3A_755 : i32 to index
        %parallel_loop3A_892 = arith.constant 720 : index
        %parallel_loop3A_893 = tpu.vector_load %arg10[%parallel_loop3A_891, %parallel_loop3A_892] {strides = array<i32>} : memref<16x1024xf32, #tpu.memory_space<vmem>>, vector<1x16xf32>,
        %parallel_loop3A_894 = vector.shape_cast %parallel_loop3A_893 : vector<1x16xf32> to vector<16xf32>
        %parallel_loop3A_895 = vector.shape_cast %parallel_loop3A_890 : vector<16xf32> to vector<1x16xf32>
        tpu.vector_store %arg10[%parallel_loop3A_891, %parallel_loop3A_892], %parallel_loop3A_895 {strides = array<i32>} : memref<16x1024xf32, #tpu.memory_space<vmem>>, vector<1x16xf32>,
        %parallel_loop3A_896 = arith.index_cast %parallel_loop3A_755 : i32 to index
        %parallel_loop3A_897 = arith.constant 736 : index
        %parallel_loop3A_898 = tpu.vector_load %arg8[%parallel_loop3A_896, %parallel_loop3A_897] {strides = array<i32>} : memref<16x1024xf32, #tpu.memory_space<vmem>>, vector<1x16xf32>,
        %parallel_loop3A_899 = vector.shape_cast %parallel_loop3A_898 : vector<1x16xf32> to vector<16xf32>
        %parallel_loop3A_900 = arith.addf %parallel_loop3A_899, %get3A_288 : vector<16xf32>
        %parallel_loop3A_901 = arith.index_cast %parallel_loop3A_755 : i32 to index
        %parallel_loop3A_902 = arith.constant 736 : index
        %parallel_loop3A_903 = tpu.vector_load %arg10[%parallel_loop3A_901, %parallel_loop3A_902] {strides = array<i32>} : memref<16x1024xf32, #tpu.memory_space<vmem>>, vector<1x16xf32>,
        %parallel_loop3A_904 = vector.shape_cast %parallel_loop3A_903 : vector<1x16xf32> to vector<16xf32>
        %parallel_loop3A_905 = vector.shape_cast %parallel_loop3A_900 : vector<16xf32> to vector<1x16xf32>
        tpu.vector_store %arg10[%parallel_loop3A_901, %parallel_loop3A_902], %parallel_loop3A_905 {strides = array<i32>} : memref<16x1024xf32, #tpu.memory_space<vmem>>, vector<1x16xf32>,
        %parallel_loop3A_906 = arith.index_cast %parallel_loop3A_755 : i32 to index
        %parallel_loop3A_907 = arith.constant 752 : index
        %parallel_loop3A_908 = tpu.vector_load %arg8[%parallel_loop3A_906, %parallel_loop3A_907] {strides = array<i32>} : memref<16x1024xf32, #tpu.memory_space<vmem>>, vector<1x16xf32>,
        %parallel_loop3A_909 = vector.shape_cast %parallel_loop3A_908 : vector<1x16xf32> to vector<16xf32>
        %parallel_loop3A_910 = arith.addf %parallel_loop3A_909, %get3A_293 : vector<16xf32>
        %parallel_loop3A_911 = arith.index_cast %parallel_loop3A_755 : i32 to index
        %parallel_loop3A_912 = arith.constant 752 : index
        %parallel_loop3A_913 = tpu.vector_load %arg10[%parallel_loop3A_911, %parallel_loop3A_912] {strides = array<i32>} : memref<16x1024xf32, #tpu.memory_space<vmem>>, vector<1x16xf32>,
        %parallel_loop3A_914 = vector.shape_cast %parallel_loop3A_913 : vector<1x16xf32> to vector<16xf32>
        %parallel_loop3A_915 = vector.shape_cast %parallel_loop3A_910 : vector<16xf32> to vector<1x16xf32>
        tpu.vector_store %arg10[%parallel_loop3A_911, %parallel_loop3A_912], %parallel_loop3A_915 {strides = array<i32>} : memref<16x1024xf32, #tpu.memory_space<vmem>>, vector<1x16xf32>,
      } {sc.loop_unroll_factor = 2 : i64, sc.parallel_access}
      %get3A_297 = arith.constant 0 : i32
      %get3A_298 = arith.index_cast %get3A_297 : i32 to index
      %get3A_299 = arith.constant 768 : index
      %get3A_300 = tpu.vector_load %arg7[%get3A_298, %get3A_299] {strides = array<i32>} : memref<8x1024xf32, #tpu.memory_space<vmem>>, vector<1x16xf32>,
      %get3A_301 = vector.shape_cast %get3A_300 : vector<1x16xf32> to vector<16xf32>
      %get3A_302 = arith.constant 0 : i32
      %get3A_303 = arith.index_cast %get3A_302 : i32 to index
      %get3A_304 = arith.constant 784 : index
      %get3A_305 = tpu.vector_load %arg7[%get3A_303, %get3A_304] {strides = array<i32>} : memref<8x1024xf32, #tpu.memory_space<vmem>>, vector<1x16xf32>,
      %get3A_306 = vector.shape_cast %get3A_305 : vector<1x16xf32> to vector<16xf32>
      %get3A_307 = arith.constant 0 : i32
      %get3A_308 = arith.index_cast %get3A_307 : i32 to index
      %get3A_309 = arith.constant 800 : index
      %get3A_310 = tpu.vector_load %arg7[%get3A_308, %get3A_309] {strides = array<i32>} : memref<8x1024xf32, #tpu.memory_space<vmem>>, vector<1x16xf32>,
      %get3A_311 = vector.shape_cast %get3A_310 : vector<1x16xf32> to vector<16xf32>
      %get3A_312 = arith.constant 0 : i32
      %get3A_313 = arith.index_cast %get3A_312 : i32 to index
      %get3A_314 = arith.constant 816 : index
      %get3A_315 = tpu.vector_load %arg7[%get3A_313, %get3A_314] {strides = array<i32>} : memref<8x1024xf32, #tpu.memory_space<vmem>>, vector<1x16xf32>,
      %get3A_316 = vector.shape_cast %get3A_315 : vector<1x16xf32> to vector<16xf32>
      %get3A_317 = arith.constant 0 : i32
      %get3A_318 = arith.index_cast %get3A_317 : i32 to index
      %get3A_319 = arith.constant 832 : index
      %get3A_320 = tpu.vector_load %arg7[%get3A_318, %get3A_319] {strides = array<i32>} : memref<8x1024xf32, #tpu.memory_space<vmem>>, vector<1x16xf32>,
      %get3A_321 = vector.shape_cast %get3A_320 : vector<1x16xf32> to vector<16xf32>
      %get3A_322 = arith.constant 0 : i32
      %get3A_323 = arith.index_cast %get3A_322 : i32 to index
      %get3A_324 = arith.constant 848 : index
      %get3A_325 = tpu.vector_load %arg7[%get3A_323, %get3A_324] {strides = array<i32>} : memref<8x1024xf32, #tpu.memory_space<vmem>>, vector<1x16xf32>,
      %get3A_326 = vector.shape_cast %get3A_325 : vector<1x16xf32> to vector<16xf32>
      %get3A_327 = arith.constant 0 : i32
      %get3A_328 = arith.index_cast %get3A_327 : i32 to index
      %get3A_329 = arith.constant 864 : index
      %get3A_330 = tpu.vector_load %arg7[%get3A_328, %get3A_329] {strides = array<i32>} : memref<8x1024xf32, #tpu.memory_space<vmem>>, vector<1x16xf32>,
      %get3A_331 = vector.shape_cast %get3A_330 : vector<1x16xf32> to vector<16xf32>
      %get3A_332 = arith.constant 0 : i32
      %get3A_333 = arith.index_cast %get3A_332 : i32 to index
      %get3A_334 = arith.constant 880 : index
      %get3A_335 = tpu.vector_load %arg7[%get3A_333, %get3A_334] {strides = array<i32>} : memref<8x1024xf32, #tpu.memory_space<vmem>>, vector<1x16xf32>,
      %get3A_336 = vector.shape_cast %get3A_335 : vector<1x16xf32> to vector<16xf32>
      %get3A_337 = arith.constant 0 : i32
      %get3A_338 = arith.index_cast %get3A_337 : i32 to index
      %get3A_339 = arith.constant 896 : index
      %get3A_340 = tpu.vector_load %arg7[%get3A_338, %get3A_339] {strides = array<i32>} : memref<8x1024xf32, #tpu.memory_space<vmem>>, vector<1x16xf32>,
      %get3A_341 = vector.shape_cast %get3A_340 : vector<1x16xf32> to vector<16xf32>
      %get3A_342 = arith.constant 0 : i32
      %get3A_343 = arith.index_cast %get3A_342 : i32 to index
      %get3A_344 = arith.constant 912 : index
      %get3A_345 = tpu.vector_load %arg7[%get3A_343, %get3A_344] {strides = array<i32>} : memref<8x1024xf32, #tpu.memory_space<vmem>>, vector<1x16xf32>,
      %get3A_346 = vector.shape_cast %get3A_345 : vector<1x16xf32> to vector<16xf32>
      %get3A_347 = arith.constant 0 : i32
      %get3A_348 = arith.index_cast %get3A_347 : i32 to index
      %get3A_349 = arith.constant 928 : index
      %get3A_350 = tpu.vector_load %arg7[%get3A_348, %get3A_349] {strides = array<i32>} : memref<8x1024xf32, #tpu.memory_space<vmem>>, vector<1x16xf32>,
      %get3A_351 = vector.shape_cast %get3A_350 : vector<1x16xf32> to vector<16xf32>
      %get3A_352 = arith.constant 0 : i32
      %get3A_353 = arith.index_cast %get3A_352 : i32 to index
      %get3A_354 = arith.constant 944 : index
      %get3A_355 = tpu.vector_load %arg7[%get3A_353, %get3A_354] {strides = array<i32>} : memref<8x1024xf32, #tpu.memory_space<vmem>>, vector<1x16xf32>,
      %get3A_356 = vector.shape_cast %get3A_355 : vector<1x16xf32> to vector<16xf32>
      %get3A_357 = arith.constant 0 : i32
      %get3A_358 = arith.index_cast %get3A_357 : i32 to index
      %get3A_359 = arith.constant 960 : index
      %get3A_360 = tpu.vector_load %arg7[%get3A_358, %get3A_359] {strides = array<i32>} : memref<8x1024xf32, #tpu.memory_space<vmem>>, vector<1x16xf32>,
      %get3A_361 = vector.shape_cast %get3A_360 : vector<1x16xf32> to vector<16xf32>
      %get3A_362 = arith.constant 0 : i32
      %get3A_363 = arith.index_cast %get3A_362 : i32 to index
      %get3A_364 = arith.constant 976 : index
      %get3A_365 = tpu.vector_load %arg7[%get3A_363, %get3A_364] {strides = array<i32>} : memref<8x1024xf32, #tpu.memory_space<vmem>>, vector<1x16xf32>,
      %get3A_366 = vector.shape_cast %get3A_365 : vector<1x16xf32> to vector<16xf32>
      %get3A_367 = arith.constant 0 : i32
      %get3A_368 = arith.index_cast %get3A_367 : i32 to index
      %get3A_369 = arith.constant 992 : index
      %get3A_370 = tpu.vector_load %arg7[%get3A_368, %get3A_369] {strides = array<i32>} : memref<8x1024xf32, #tpu.memory_space<vmem>>, vector<1x16xf32>,
      %get3A_371 = vector.shape_cast %get3A_370 : vector<1x16xf32> to vector<16xf32>
      %get3A_372 = arith.constant 0 : i32
      %get3A_373 = arith.index_cast %get3A_372 : i32 to index
      %get3A_374 = arith.constant 1008 : index
      %get3A_375 = tpu.vector_load %arg7[%get3A_373, %get3A_374] {strides = array<i32>} : memref<8x1024xf32, #tpu.memory_space<vmem>>, vector<1x16xf32>,
      %get3A_376 = vector.shape_cast %get3A_375 : vector<1x16xf32> to vector<16xf32>
      %parallel_loop3A_377 = arith.constant 0 : i32
      %parallel_loop3A_378 = arith.constant 16 : i32
      %parallel_loop3A_379 = arith.constant 1 : i32
      scf.for %parallel_loop3A_755 = %parallel_loop3A_377 to %parallel_loop3A_378 step %parallel_loop3A_379  : i32 {
        %parallel_loop3A_756 = arith.index_cast %parallel_loop3A_755 : i32 to index
        %parallel_loop3A_757 = arith.constant 768 : index
        %parallel_loop3A_758 = tpu.vector_load %arg8[%parallel_loop3A_756, %parallel_loop3A_757] {strides = array<i32>} : memref<16x1024xf32, #tpu.memory_space<vmem>>, vector<1x16xf32>,
        %parallel_loop3A_759 = vector.shape_cast %parallel_loop3A_758 : vector<1x16xf32> to vector<16xf32>
        %parallel_loop3A_760 = arith.addf %parallel_loop3A_759, %get3A_301 : vector<16xf32>
        %parallel_loop3A_761 = arith.index_cast %parallel_loop3A_755 : i32 to index
        %parallel_loop3A_762 = arith.constant 768 : index
        %parallel_loop3A_763 = tpu.vector_load %arg10[%parallel_loop3A_761, %parallel_loop3A_762] {strides = array<i32>} : memref<16x1024xf32, #tpu.memory_space<vmem>>, vector<1x16xf32>,
        %parallel_loop3A_764 = vector.shape_cast %parallel_loop3A_763 : vector<1x16xf32> to vector<16xf32>
        %parallel_loop3A_765 = vector.shape_cast %parallel_loop3A_760 : vector<16xf32> to vector<1x16xf32>
        tpu.vector_store %arg10[%parallel_loop3A_761, %parallel_loop3A_762], %parallel_loop3A_765 {strides = array<i32>} : memref<16x1024xf32, #tpu.memory_space<vmem>>, vector<1x16xf32>,
        %parallel_loop3A_766 = arith.index_cast %parallel_loop3A_755 : i32 to index
        %parallel_loop3A_767 = arith.constant 784 : index
        %parallel_loop3A_768 = tpu.vector_load %arg8[%parallel_loop3A_766, %parallel_loop3A_767] {strides = array<i32>} : memref<16x1024xf32, #tpu.memory_space<vmem>>, vector<1x16xf32>,
        %parallel_loop3A_769 = vector.shape_cast %parallel_loop3A_768 : vector<1x16xf32> to vector<16xf32>
        %parallel_loop3A_770 = arith.addf %parallel_loop3A_769, %get3A_306 : vector<16xf32>
        %parallel_loop3A_771 = arith.index_cast %parallel_loop3A_755 : i32 to index
        %parallel_loop3A_772 = arith.constant 784 : index
        %parallel_loop3A_773 = tpu.vector_load %arg10[%parallel_loop3A_771, %parallel_loop3A_772] {strides = array<i32>} : memref<16x1024xf32, #tpu.memory_space<vmem>>, vector<1x16xf32>,
        %parallel_loop3A_774 = vector.shape_cast %parallel_loop3A_773 : vector<1x16xf32> to vector<16xf32>
        %parallel_loop3A_775 = vector.shape_cast %parallel_loop3A_770 : vector<16xf32> to vector<1x16xf32>
        tpu.vector_store %arg10[%parallel_loop3A_771, %parallel_loop3A_772], %parallel_loop3A_775 {strides = array<i32>} : memref<16x1024xf32, #tpu.memory_space<vmem>>, vector<1x16xf32>,
        %parallel_loop3A_776 = arith.index_cast %parallel_loop3A_755 : i32 to index
        %parallel_loop3A_777 = arith.constant 800 : index
        %parallel_loop3A_778 = tpu.vector_load %arg8[%parallel_loop3A_776, %parallel_loop3A_777] {strides = array<i32>} : memref<16x1024xf32, #tpu.memory_space<vmem>>, vector<1x16xf32>,
        %parallel_loop3A_779 = vector.shape_cast %parallel_loop3A_778 : vector<1x16xf32> to vector<16xf32>
        %parallel_loop3A_780 = arith.addf %parallel_loop3A_779, %get3A_311 : vector<16xf32>
        %parallel_loop3A_781 = arith.index_cast %parallel_loop3A_755 : i32 to index
        %parallel_loop3A_782 = arith.constant 800 : index
        %parallel_loop3A_783 = tpu.vector_load %arg10[%parallel_loop3A_781, %parallel_loop3A_782] {strides = array<i32>} : memref<16x1024xf32, #tpu.memory_space<vmem>>, vector<1x16xf32>,
        %parallel_loop3A_784 = vector.shape_cast %parallel_loop3A_783 : vector<1x16xf32> to vector<16xf32>
        %parallel_loop3A_785 = vector.shape_cast %parallel_loop3A_780 : vector<16xf32> to vector<1x16xf32>
        tpu.vector_store %arg10[%parallel_loop3A_781, %parallel_loop3A_782], %parallel_loop3A_785 {strides = array<i32>} : memref<16x1024xf32, #tpu.memory_space<vmem>>, vector<1x16xf32>,
        %parallel_loop3A_786 = arith.index_cast %parallel_loop3A_755 : i32 to index
        %parallel_loop3A_787 = arith.constant 816 : index
        %parallel_loop3A_788 = tpu.vector_load %arg8[%parallel_loop3A_786, %parallel_loop3A_787] {strides = array<i32>} : memref<16x1024xf32, #tpu.memory_space<vmem>>, vector<1x16xf32>,
        %parallel_loop3A_789 = vector.shape_cast %parallel_loop3A_788 : vector<1x16xf32> to vector<16xf32>
        %parallel_loop3A_790 = arith.addf %parallel_loop3A_789, %get3A_316 : vector<16xf32>
        %parallel_loop3A_791 = arith.index_cast %parallel_loop3A_755 : i32 to index
        %parallel_loop3A_792 = arith.constant 816 : index
        %parallel_loop3A_793 = tpu.vector_load %arg10[%parallel_loop3A_791, %parallel_loop3A_792] {strides = array<i32>} : memref<16x1024xf32, #tpu.memory_space<vmem>>, vector<1x16xf32>,
        %parallel_loop3A_794 = vector.shape_cast %parallel_loop3A_793 : vector<1x16xf32> to vector<16xf32>
        %parallel_loop3A_795 = vector.shape_cast %parallel_loop3A_790 : vector<16xf32> to vector<1x16xf32>
        tpu.vector_store %arg10[%parallel_loop3A_791, %parallel_loop3A_792], %parallel_loop3A_795 {strides = array<i32>} : memref<16x1024xf32, #tpu.memory_space<vmem>>, vector<1x16xf32>,
        %parallel_loop3A_796 = arith.index_cast %parallel_loop3A_755 : i32 to index
        %parallel_loop3A_797 = arith.constant 832 : index
        %parallel_loop3A_798 = tpu.vector_load %arg8[%parallel_loop3A_796, %parallel_loop3A_797] {strides = array<i32>} : memref<16x1024xf32, #tpu.memory_space<vmem>>, vector<1x16xf32>,
        %parallel_loop3A_799 = vector.shape_cast %parallel_loop3A_798 : vector<1x16xf32> to vector<16xf32>
        %parallel_loop3A_800 = arith.addf %parallel_loop3A_799, %get3A_321 : vector<16xf32>
        %parallel_loop3A_801 = arith.index_cast %parallel_loop3A_755 : i32 to index
        %parallel_loop3A_802 = arith.constant 832 : index
        %parallel_loop3A_803 = tpu.vector_load %arg10[%parallel_loop3A_801, %parallel_loop3A_802] {strides = array<i32>} : memref<16x1024xf32, #tpu.memory_space<vmem>>, vector<1x16xf32>,
        %parallel_loop3A_804 = vector.shape_cast %parallel_loop3A_803 : vector<1x16xf32> to vector<16xf32>
        %parallel_loop3A_805 = vector.shape_cast %parallel_loop3A_800 : vector<16xf32> to vector<1x16xf32>
        tpu.vector_store %arg10[%parallel_loop3A_801, %parallel_loop3A_802], %parallel_loop3A_805 {strides = array<i32>} : memref<16x1024xf32, #tpu.memory_space<vmem>>, vector<1x16xf32>,
        %parallel_loop3A_806 = arith.index_cast %parallel_loop3A_755 : i32 to index
        %parallel_loop3A_807 = arith.constant 848 : index
        %parallel_loop3A_808 = tpu.vector_load %arg8[%parallel_loop3A_806, %parallel_loop3A_807] {strides = array<i32>} : memref<16x1024xf32, #tpu.memory_space<vmem>>, vector<1x16xf32>,
        %parallel_loop3A_809 = vector.shape_cast %parallel_loop3A_808 : vector<1x16xf32> to vector<16xf32>
        %parallel_loop3A_810 = arith.addf %parallel_loop3A_809, %get3A_326 : vector<16xf32>
        %parallel_loop3A_811 = arith.index_cast %parallel_loop3A_755 : i32 to index
        %parallel_loop3A_812 = arith.constant 848 : index
        %parallel_loop3A_813 = tpu.vector_load %arg10[%parallel_loop3A_811, %parallel_loop3A_812] {strides = array<i32>} : memref<16x1024xf32, #tpu.memory_space<vmem>>, vector<1x16xf32>,
        %parallel_loop3A_814 = vector.shape_cast %parallel_loop3A_813 : vector<1x16xf32> to vector<16xf32>
        %parallel_loop3A_815 = vector.shape_cast %parallel_loop3A_810 : vector<16xf32> to vector<1x16xf32>
        tpu.vector_store %arg10[%parallel_loop3A_811, %parallel_loop3A_812], %parallel_loop3A_815 {strides = array<i32>} : memref<16x1024xf32, #tpu.memory_space<vmem>>, vector<1x16xf32>,
        %parallel_loop3A_816 = arith.index_cast %parallel_loop3A_755 : i32 to index
        %parallel_loop3A_817 = arith.constant 864 : index
        %parallel_loop3A_818 = tpu.vector_load %arg8[%parallel_loop3A_816, %parallel_loop3A_817] {strides = array<i32>} : memref<16x1024xf32, #tpu.memory_space<vmem>>, vector<1x16xf32>,
        %parallel_loop3A_819 = vector.shape_cast %parallel_loop3A_818 : vector<1x16xf32> to vector<16xf32>
        %parallel_loop3A_820 = arith.addf %parallel_loop3A_819, %get3A_331 : vector<16xf32>
        %parallel_loop3A_821 = arith.index_cast %parallel_loop3A_755 : i32 to index
        %parallel_loop3A_822 = arith.constant 864 : index
        %parallel_loop3A_823 = tpu.vector_load %arg10[%parallel_loop3A_821, %parallel_loop3A_822] {strides = array<i32>} : memref<16x1024xf32, #tpu.memory_space<vmem>>, vector<1x16xf32>,
        %parallel_loop3A_824 = vector.shape_cast %parallel_loop3A_823 : vector<1x16xf32> to vector<16xf32>
        %parallel_loop3A_825 = vector.shape_cast %parallel_loop3A_820 : vector<16xf32> to vector<1x16xf32>
        tpu.vector_store %arg10[%parallel_loop3A_821, %parallel_loop3A_822], %parallel_loop3A_825 {strides = array<i32>} : memref<16x1024xf32, #tpu.memory_space<vmem>>, vector<1x16xf32>,
        %parallel_loop3A_826 = arith.index_cast %parallel_loop3A_755 : i32 to index
        %parallel_loop3A_827 = arith.constant 880 : index
        %parallel_loop3A_828 = tpu.vector_load %arg8[%parallel_loop3A_826, %parallel_loop3A_827] {strides = array<i32>} : memref<16x1024xf32, #tpu.memory_space<vmem>>, vector<1x16xf32>,
        %parallel_loop3A_829 = vector.shape_cast %parallel_loop3A_828 : vector<1x16xf32> to vector<16xf32>
        %parallel_loop3A_830 = arith.addf %parallel_loop3A_829, %get3A_336 : vector<16xf32>
        %parallel_loop3A_831 = arith.index_cast %parallel_loop3A_755 : i32 to index
        %parallel_loop3A_832 = arith.constant 880 : index
        %parallel_loop3A_833 = tpu.vector_load %arg10[%parallel_loop3A_831, %parallel_loop3A_832] {strides = array<i32>} : memref<16x1024xf32, #tpu.memory_space<vmem>>, vector<1x16xf32>,
        %parallel_loop3A_834 = vector.shape_cast %parallel_loop3A_833 : vector<1x16xf32> to vector<16xf32>
        %parallel_loop3A_835 = vector.shape_cast %parallel_loop3A_830 : vector<16xf32> to vector<1x16xf32>
        tpu.vector_store %arg10[%parallel_loop3A_831, %parallel_loop3A_832], %parallel_loop3A_835 {strides = array<i32>} : memref<16x1024xf32, #tpu.memory_space<vmem>>, vector<1x16xf32>,
        %parallel_loop3A_836 = arith.index_cast %parallel_loop3A_755 : i32 to index
        %parallel_loop3A_837 = arith.constant 896 : index
        %parallel_loop3A_838 = tpu.vector_load %arg8[%parallel_loop3A_836, %parallel_loop3A_837] {strides = array<i32>} : memref<16x1024xf32, #tpu.memory_space<vmem>>, vector<1x16xf32>,
        %parallel_loop3A_839 = vector.shape_cast %parallel_loop3A_838 : vector<1x16xf32> to vector<16xf32>
        %parallel_loop3A_840 = arith.addf %parallel_loop3A_839, %get3A_341 : vector<16xf32>
        %parallel_loop3A_841 = arith.index_cast %parallel_loop3A_755 : i32 to index
        %parallel_loop3A_842 = arith.constant 896 : index
        %parallel_loop3A_843 = tpu.vector_load %arg10[%parallel_loop3A_841, %parallel_loop3A_842] {strides = array<i32>} : memref<16x1024xf32, #tpu.memory_space<vmem>>, vector<1x16xf32>,
        %parallel_loop3A_844 = vector.shape_cast %parallel_loop3A_843 : vector<1x16xf32> to vector<16xf32>
        %parallel_loop3A_845 = vector.shape_cast %parallel_loop3A_840 : vector<16xf32> to vector<1x16xf32>
        tpu.vector_store %arg10[%parallel_loop3A_841, %parallel_loop3A_842], %parallel_loop3A_845 {strides = array<i32>} : memref<16x1024xf32, #tpu.memory_space<vmem>>, vector<1x16xf32>,
        %parallel_loop3A_846 = arith.index_cast %parallel_loop3A_755 : i32 to index
        %parallel_loop3A_847 = arith.constant 912 : index
        %parallel_loop3A_848 = tpu.vector_load %arg8[%parallel_loop3A_846, %parallel_loop3A_847] {strides = array<i32>} : memref<16x1024xf32, #tpu.memory_space<vmem>>, vector<1x16xf32>,
        %parallel_loop3A_849 = vector.shape_cast %parallel_loop3A_848 : vector<1x16xf32> to vector<16xf32>
        %parallel_loop3A_850 = arith.addf %parallel_loop3A_849, %get3A_346 : vector<16xf32>
        %parallel_loop3A_851 = arith.index_cast %parallel_loop3A_755 : i32 to index
        %parallel_loop3A_852 = arith.constant 912 : index
        %parallel_loop3A_853 = tpu.vector_load %arg10[%parallel_loop3A_851, %parallel_loop3A_852] {strides = array<i32>} : memref<16x1024xf32, #tpu.memory_space<vmem>>, vector<1x16xf32>,
        %parallel_loop3A_854 = vector.shape_cast %parallel_loop3A_853 : vector<1x16xf32> to vector<16xf32>
        %parallel_loop3A_855 = vector.shape_cast %parallel_loop3A_850 : vector<16xf32> to vector<1x16xf32>
        tpu.vector_store %arg10[%parallel_loop3A_851, %parallel_loop3A_852], %parallel_loop3A_855 {strides = array<i32>} : memref<16x1024xf32, #tpu.memory_space<vmem>>, vector<1x16xf32>,
        %parallel_loop3A_856 = arith.index_cast %parallel_loop3A_755 : i32 to index
        %parallel_loop3A_857 = arith.constant 928 : index
        %parallel_loop3A_858 = tpu.vector_load %arg8[%parallel_loop3A_856, %parallel_loop3A_857] {strides = array<i32>} : memref<16x1024xf32, #tpu.memory_space<vmem>>, vector<1x16xf32>,
        %parallel_loop3A_859 = vector.shape_cast %parallel_loop3A_858 : vector<1x16xf32> to vector<16xf32>
        %parallel_loop3A_860 = arith.addf %parallel_loop3A_859, %get3A_351 : vector<16xf32>
        %parallel_loop3A_861 = arith.index_cast %parallel_loop3A_755 : i32 to index
        %parallel_loop3A_862 = arith.constant 928 : index
        %parallel_loop3A_863 = tpu.vector_load %arg10[%parallel_loop3A_861, %parallel_loop3A_862] {strides = array<i32>} : memref<16x1024xf32, #tpu.memory_space<vmem>>, vector<1x16xf32>,
        %parallel_loop3A_864 = vector.shape_cast %parallel_loop3A_863 : vector<1x16xf32> to vector<16xf32>
        %parallel_loop3A_865 = vector.shape_cast %parallel_loop3A_860 : vector<16xf32> to vector<1x16xf32>
        tpu.vector_store %arg10[%parallel_loop3A_861, %parallel_loop3A_862], %parallel_loop3A_865 {strides = array<i32>} : memref<16x1024xf32, #tpu.memory_space<vmem>>, vector<1x16xf32>,
        %parallel_loop3A_866 = arith.index_cast %parallel_loop3A_755 : i32 to index
        %parallel_loop3A_867 = arith.constant 944 : index
        %parallel_loop3A_868 = tpu.vector_load %arg8[%parallel_loop3A_866, %parallel_loop3A_867] {strides = array<i32>} : memref<16x1024xf32, #tpu.memory_space<vmem>>, vector<1x16xf32>,
        %parallel_loop3A_869 = vector.shape_cast %parallel_loop3A_868 : vector<1x16xf32> to vector<16xf32>
        %parallel_loop3A_870 = arith.addf %parallel_loop3A_869, %get3A_356 : vector<16xf32>
        %parallel_loop3A_871 = arith.index_cast %parallel_loop3A_755 : i32 to index
        %parallel_loop3A_872 = arith.constant 944 : index
        %parallel_loop3A_873 = tpu.vector_load %arg10[%parallel_loop3A_871, %parallel_loop3A_872] {strides = array<i32>} : memref<16x1024xf32, #tpu.memory_space<vmem>>, vector<1x16xf32>,
        %parallel_loop3A_874 = vector.shape_cast %parallel_loop3A_873 : vector<1x16xf32> to vector<16xf32>
        %parallel_loop3A_875 = vector.shape_cast %parallel_loop3A_870 : vector<16xf32> to vector<1x16xf32>
        tpu.vector_store %arg10[%parallel_loop3A_871, %parallel_loop3A_872], %parallel_loop3A_875 {strides = array<i32>} : memref<16x1024xf32, #tpu.memory_space<vmem>>, vector<1x16xf32>,
        %parallel_loop3A_876 = arith.index_cast %parallel_loop3A_755 : i32 to index
        %parallel_loop3A_877 = arith.constant 960 : index
        %parallel_loop3A_878 = tpu.vector_load %arg8[%parallel_loop3A_876, %parallel_loop3A_877] {strides = array<i32>} : memref<16x1024xf32, #tpu.memory_space<vmem>>, vector<1x16xf32>,
        %parallel_loop3A_879 = vector.shape_cast %parallel_loop3A_878 : vector<1x16xf32> to vector<16xf32>
        %parallel_loop3A_880 = arith.addf %parallel_loop3A_879, %get3A_361 : vector<16xf32>
        %parallel_loop3A_881 = arith.index_cast %parallel_loop3A_755 : i32 to index
        %parallel_loop3A_882 = arith.constant 960 : index
        %parallel_loop3A_883 = tpu.vector_load %arg10[%parallel_loop3A_881, %parallel_loop3A_882] {strides = array<i32>} : memref<16x1024xf32, #tpu.memory_space<vmem>>, vector<1x16xf32>,
        %parallel_loop3A_884 = vector.shape_cast %parallel_loop3A_883 : vector<1x16xf32> to vector<16xf32>
        %parallel_loop3A_885 = vector.shape_cast %parallel_loop3A_880 : vector<16xf32> to vector<1x16xf32>
        tpu.vector_store %arg10[%parallel_loop3A_881, %parallel_loop3A_882], %parallel_loop3A_885 {strides = array<i32>} : memref<16x1024xf32, #tpu.memory_space<vmem>>, vector<1x16xf32>,
        %parallel_loop3A_886 = arith.index_cast %parallel_loop3A_755 : i32 to index
        %parallel_loop3A_887 = arith.constant 976 : index
        %parallel_loop3A_888 = tpu.vector_load %arg8[%parallel_loop3A_886, %parallel_loop3A_887] {strides = array<i32>} : memref<16x1024xf32, #tpu.memory_space<vmem>>, vector<1x16xf32>,
        %parallel_loop3A_889 = vector.shape_cast %parallel_loop3A_888 : vector<1x16xf32> to vector<16xf32>
        %parallel_loop3A_890 = arith.addf %parallel_loop3A_889, %get3A_366 : vector<16xf32>
        %parallel_loop3A_891 = arith.index_cast %parallel_loop3A_755 : i32 to index
        %parallel_loop3A_892 = arith.constant 976 : index
        %parallel_loop3A_893 = tpu.vector_load %arg10[%parallel_loop3A_891, %parallel_loop3A_892] {strides = array<i32>} : memref<16x1024xf32, #tpu.memory_space<vmem>>, vector<1x16xf32>,
        %parallel_loop3A_894 = vector.shape_cast %parallel_loop3A_893 : vector<1x16xf32> to vector<16xf32>
        %parallel_loop3A_895 = vector.shape_cast %parallel_loop3A_890 : vector<16xf32> to vector<1x16xf32>
        tpu.vector_store %arg10[%parallel_loop3A_891, %parallel_loop3A_892], %parallel_loop3A_895 {strides = array<i32>} : memref<16x1024xf32, #tpu.memory_space<vmem>>, vector<1x16xf32>,
        %parallel_loop3A_896 = arith.index_cast %parallel_loop3A_755 : i32 to index
        %parallel_loop3A_897 = arith.constant 992 : index
        %parallel_loop3A_898 = tpu.vector_load %arg8[%parallel_loop3A_896, %parallel_loop3A_897] {strides = array<i32>} : memref<16x1024xf32, #tpu.memory_space<vmem>>, vector<1x16xf32>,
        %parallel_loop3A_899 = vector.shape_cast %parallel_loop3A_898 : vector<1x16xf32> to vector<16xf32>
        %parallel_loop3A_900 = arith.addf %parallel_loop3A_899, %get3A_371 : vector<16xf32>
        %parallel_loop3A_901 = arith.index_cast %parallel_loop3A_755 : i32 to index
        %parallel_loop3A_902 = arith.constant 992 : index
        %parallel_loop3A_903 = tpu.vector_load %arg10[%parallel_loop3A_901, %parallel_loop3A_902] {strides = array<i32>} : memref<16x1024xf32, #tpu.memory_space<vmem>>, vector<1x16xf32>,
        %parallel_loop3A_904 = vector.shape_cast %parallel_loop3A_903 : vector<1x16xf32> to vector<16xf32>
        %parallel_loop3A_905 = vector.shape_cast %parallel_loop3A_900 : vector<16xf32> to vector<1x16xf32>
        tpu.vector_store %arg10[%parallel_loop3A_901, %parallel_loop3A_902], %parallel_loop3A_905 {strides = array<i32>} : memref<16x1024xf32, #tpu.memory_space<vmem>>, vector<1x16xf32>,
        %parallel_loop3A_906 = arith.index_cast %parallel_loop3A_755 : i32 to index
        %parallel_loop3A_907 = arith.constant 1008 : index
        %parallel_loop3A_908 = tpu.vector_load %arg8[%parallel_loop3A_906, %parallel_loop3A_907] {strides = array<i32>} : memref<16x1024xf32, #tpu.memory_space<vmem>>, vector<1x16xf32>,
        %parallel_loop3A_909 = vector.shape_cast %parallel_loop3A_908 : vector<1x16xf32> to vector<16xf32>
        %parallel_loop3A_910 = arith.addf %parallel_loop3A_909, %get3A_376 : vector<16xf32>
        %parallel_loop3A_911 = arith.index_cast %parallel_loop3A_755 : i32 to index
        %parallel_loop3A_912 = arith.constant 1008 : index
        %parallel_loop3A_913 = tpu.vector_load %arg10[%parallel_loop3A_911, %parallel_loop3A_912] {strides = array<i32>} : memref<16x1024xf32, #tpu.memory_space<vmem>>, vector<1x16xf32>,
        %parallel_loop3A_914 = vector.shape_cast %parallel_loop3A_913 : vector<1x16xf32> to vector<16xf32>
        %parallel_loop3A_915 = vector.shape_cast %parallel_loop3A_910 : vector<16xf32> to vector<1x16xf32>
        tpu.vector_store %arg10[%parallel_loop3A_911, %parallel_loop3A_912], %parallel_loop3A_915 {strides = array<i32>} : memref<16x1024xf32, #tpu.memory_space<vmem>>, vector<1x16xf32>,
      } {sc.loop_unroll_factor = 2 : i64, sc.parallel_access}
      %add3A_380 = arith.constant 2 : i32
      %add3A_381 = arith.addi %add3A_40, %add3A_380 : i32
      %lt3A = arith.constant 32 : i32
      %lt3A_382 = arith.cmpi slt, %add3A_381, %lt3A : i32
      %convert_element_type3A_383 = arith.extui %lt3A_382 : i1 to i32
      %cond3A_384 = arith.constant 0 : i32
      %cond3A_385 = arith.cmpi ne, %convert_element_type3A_383, %cond3A_384 : i32
      scf.if %cond3A_385 {
        %add3A_755 = arith.constant 2 : i32
        %add3A_756 = arith.addi %add3A_40, %add3A_755 : i32
        %mul3A_757 = arith.constant 16 : i32
        %mul3A_758 = arith.muli %add3A_756, %mul3A_757 : i32
        %add3A_759 = arith.addi %mul3A_2, %mul3A_758 : i32
        %dma_start3A_760 = arith.constant 0 : i32
        %dma_start3A_761 = tpu.memref_slice %arg4[%add3A_759, %dma_start3A_760] : memref<16384x1024xf32, #tpu.memory_space<hbm>> -> memref<16x1024xf32, #tpu.memory_space<hbm>>
        %dma_start3A_762 = arith.constant 0 : i32
        %dma_start3A_763 = tpu.memref_slice %arg4[%add3A_759, %dma_start3A_762] : memref<16384x1024xf32, #tpu.memory_space<hbm>> -> memref<16x1024xf32, #tpu.memory_space<hbm>>
        tpu.enqueue_dma source(%dma_start3A_763 : memref<16x1024xf32, #tpu.memory_space<hbm>>) target(%arg8 : memref<16x1024xf32, #tpu.memory_space<vmem>>) target_semaphore(%arg13 : memref<!tpu.dma_semaphore, #tpu.memory_space<semaphore_mem>>)
      } else {
      }
      %mul3A_386 = arith.constant 16 : i32
      %mul3A_387 = arith.muli %add3A_40, %mul3A_386 : i32
      %add3A_388 = arith.addi %mul3A_2, %mul3A_387 : i32
      %dma_start3A_389 = arith.constant 0 : i32
      %dma_start3A_390 = tpu.memref_slice %arg5[%add3A_388, %dma_start3A_389] : memref<16384x1024xf32, #tpu.memory_space<hbm>> -> memref<16x1024xf32, #tpu.memory_space<hbm>>
      %dma_start3A_391 = arith.constant 0 : i32
      %dma_start3A_392 = tpu.memref_slice %arg5[%add3A_388, %dma_start3A_391] : memref<16384x1024xf32, #tpu.memory_space<hbm>> -> memref<16x1024xf32, #tpu.memory_space<hbm>>
      tpu.enqueue_dma source(%arg10 : memref<16x1024xf32, #tpu.memory_space<vmem>>) target(%dma_start3A_392 : memref<16x1024xf32, #tpu.memory_space<hbm>>) target_semaphore(%arg15 : memref<!tpu.dma_semaphore, #tpu.memory_space<semaphore_mem>>)
      %mul3A_393 = arith.constant 2 : i32
      %mul3A_394 = arith.muli %mul3A_393, %scan3A_36 : i32
      %add3A_395 = arith.constant 1 : i32
      %add3A_396 = arith.addi %mul3A_394, %add3A_395 : i32
      %mul3A_397 = arith.constant 16 : i32
      %mul3A_398 = arith.muli %add3A_396, %mul3A_397 : i32
      %add3A_399 = arith.addi %mul3A_2, %mul3A_398 : i32
      %dma_wait3A_400 = arith.constant 0 : i32
      %dma_wait3A_401 = tpu.memref_slice %arg4[%add3A_399, %dma_wait3A_400] : memref<16384x1024xf32, #tpu.memory_space<hbm>> -> memref<16x1024xf32, #tpu.memory_space<hbm>>
      %dma_wait3A_402 = arith.constant 0 : i32
      %dma_wait3A_403 = tpu.memref_slice %arg4[%add3A_399, %dma_wait3A_402] : memref<16384x1024xf32, #tpu.memory_space<hbm>> -> memref<16x1024xf32, #tpu.memory_space<hbm>>
      tpu.wait_dma2 semaphore(%arg14 : memref<!tpu.dma_semaphore, #tpu.memory_space<semaphore_mem>>) src(%dma_wait3A_403 : memref<16x1024xf32, #tpu.memory_space<hbm>>) dst(%arg9 : memref<16x1024xf32, #tpu.memory_space<vmem>>)
      %ge3A_404 = arith.constant 2 : i32
      %ge3A_405 = arith.cmpi sge, %add3A_396, %ge3A_404 : i32
      %convert_element_type3A_406 = arith.extui %ge3A_405 : i1 to i32
      %cond3A_407 = arith.constant 0 : i32
      %cond3A_408 = arith.cmpi ne, %convert_element_type3A_406, %cond3A_407 : i32
      scf.if %cond3A_408 {
        %sub3A = arith.constant 2 : i32
        %sub3A_755 = arith.subi %add3A_396, %sub3A : i32
        %mul3A_756 = arith.constant 16 : i32
        %mul3A_757 = arith.muli %sub3A_755, %mul3A_756 : i32
        %add3A_758 = arith.addi %mul3A_2, %mul3A_757 : i32
        %dma_wait3A_759 = arith.constant 0 : i32
        %dma_wait3A_760 = tpu.memref_slice %arg5[%add3A_758, %dma_wait3A_759] : memref<16384x1024xf32, #tpu.memory_space<hbm>> -> memref<16x1024xf32, #tpu.memory_space<hbm>>
        %dma_wait3A_761 = arith.constant 0 : i32
        %dma_wait3A_762 = tpu.memref_slice %arg5[%add3A_758, %dma_wait3A_761] : memref<16384x1024xf32, #tpu.memory_space<hbm>> -> memref<16x1024xf32, #tpu.memory_space<hbm>>
        tpu.wait_dma2 semaphore(%arg16 : memref<!tpu.dma_semaphore, #tpu.memory_space<semaphore_mem>>) src(%arg11 : memref<16x1024xf32, #tpu.memory_space<vmem>>) dst(%dma_wait3A_762 : memref<16x1024xf32, #tpu.memory_space<hbm>>)
      } else {
      }
      %get3A_409 = arith.constant 0 : i32
      %get3A_410 = arith.index_cast %get3A_409 : i32 to index
      %get3A_411 = arith.constant 0 : index
      %get3A_412 = tpu.vector_load %arg7[%get3A_410, %get3A_411] {strides = array<i32>} : memref<8x1024xf32, #tpu.memory_space<vmem>>, vector<1x16xf32>,
      %get3A_413 = vector.shape_cast %get3A_412 : vector<1x16xf32> to vector<16xf32>
      %get3A_414 = arith.constant 0 : i32
      %get3A_415 = arith.index_cast %get3A_414 : i32 to index
      %get3A_416 = arith.constant 16 : index
      %get3A_417 = tpu.vector_load %arg7[%get3A_415, %get3A_416] {strides = array<i32>} : memref<8x1024xf32, #tpu.memory_space<vmem>>, vector<1x16xf32>,
      %get3A_418 = vector.shape_cast %get3A_417 : vector<1x16xf32> to vector<16xf32>
      %get3A_419 = arith.constant 0 : i32
      %get3A_420 = arith.index_cast %get3A_419 : i32 to index
      %get3A_421 = arith.constant 32 : index
      %get3A_422 = tpu.vector_load %arg7[%get3A_420, %get3A_421] {strides = array<i32>} : memref<8x1024xf32, #tpu.memory_space<vmem>>, vector<1x16xf32>,
      %get3A_423 = vector.shape_cast %get3A_422 : vector<1x16xf32> to vector<16xf32>
      %get3A_424 = arith.constant 0 : i32
      %get3A_425 = arith.index_cast %get3A_424 : i32 to index
      %get3A_426 = arith.constant 48 : index
      %get3A_427 = tpu.vector_load %arg7[%get3A_425, %get3A_426] {strides = array<i32>} : memref<8x1024xf32, #tpu.memory_space<vmem>>, vector<1x16xf32>,
      %get3A_428 = vector.shape_cast %get3A_427 : vector<1x16xf32> to vector<16xf32>
      %get3A_429 = arith.constant 0 : i32
      %get3A_430 = arith.index_cast %get3A_429 : i32 to index
      %get3A_431 = arith.constant 64 : index
      %get3A_432 = tpu.vector_load %arg7[%get3A_430, %get3A_431] {strides = array<i32>} : memref<8x1024xf32, #tpu.memory_space<vmem>>, vector<1x16xf32>,
      %get3A_433 = vector.shape_cast %get3A_432 : vector<1x16xf32> to vector<16xf32>
      %get3A_434 = arith.constant 0 : i32
      %get3A_435 = arith.index_cast %get3A_434 : i32 to index
      %get3A_436 = arith.constant 80 : index
      %get3A_437 = tpu.vector_load %arg7[%get3A_435, %get3A_436] {strides = array<i32>} : memref<8x1024xf32, #tpu.memory_space<vmem>>, vector<1x16xf32>,
      %get3A_438 = vector.shape_cast %get3A_437 : vector<1x16xf32> to vector<16xf32>
      %get3A_439 = arith.constant 0 : i32
      %get3A_440 = arith.index_cast %get3A_439 : i32 to index
      %get3A_441 = arith.constant 96 : index
      %get3A_442 = tpu.vector_load %arg7[%get3A_440, %get3A_441] {strides = array<i32>} : memref<8x1024xf32, #tpu.memory_space<vmem>>, vector<1x16xf32>,
      %get3A_443 = vector.shape_cast %get3A_442 : vector<1x16xf32> to vector<16xf32>
      %get3A_444 = arith.constant 0 : i32
      %get3A_445 = arith.index_cast %get3A_444 : i32 to index
      %get3A_446 = arith.constant 112 : index
      %get3A_447 = tpu.vector_load %arg7[%get3A_445, %get3A_446] {strides = array<i32>} : memref<8x1024xf32, #tpu.memory_space<vmem>>, vector<1x16xf32>,
      %get3A_448 = vector.shape_cast %get3A_447 : vector<1x16xf32> to vector<16xf32>
      %get3A_449 = arith.constant 0 : i32
      %get3A_450 = arith.index_cast %get3A_449 : i32 to index
      %get3A_451 = arith.constant 128 : index
      %get3A_452 = tpu.vector_load %arg7[%get3A_450, %get3A_451] {strides = array<i32>} : memref<8x1024xf32, #tpu.memory_space<vmem>>, vector<1x16xf32>,
      %get3A_453 = vector.shape_cast %get3A_452 : vector<1x16xf32> to vector<16xf32>
      %get3A_454 = arith.constant 0 : i32
      %get3A_455 = arith.index_cast %get3A_454 : i32 to index
      %get3A_456 = arith.constant 144 : index
      %get3A_457 = tpu.vector_load %arg7[%get3A_455, %get3A_456] {strides = array<i32>} : memref<8x1024xf32, #tpu.memory_space<vmem>>, vector<1x16xf32>,
      %get3A_458 = vector.shape_cast %get3A_457 : vector<1x16xf32> to vector<16xf32>
      %get3A_459 = arith.constant 0 : i32
      %get3A_460 = arith.index_cast %get3A_459 : i32 to index
      %get3A_461 = arith.constant 160 : index
      %get3A_462 = tpu.vector_load %arg7[%get3A_460, %get3A_461] {strides = array<i32>} : memref<8x1024xf32, #tpu.memory_space<vmem>>, vector<1x16xf32>,
      %get3A_463 = vector.shape_cast %get3A_462 : vector<1x16xf32> to vector<16xf32>
      %get3A_464 = arith.constant 0 : i32
      %get3A_465 = arith.index_cast %get3A_464 : i32 to index
      %get3A_466 = arith.constant 176 : index
      %get3A_467 = tpu.vector_load %arg7[%get3A_465, %get3A_466] {strides = array<i32>} : memref<8x1024xf32, #tpu.memory_space<vmem>>, vector<1x16xf32>,
      %get3A_468 = vector.shape_cast %get3A_467 : vector<1x16xf32> to vector<16xf32>
      %get3A_469 = arith.constant 0 : i32
      %get3A_470 = arith.index_cast %get3A_469 : i32 to index
      %get3A_471 = arith.constant 192 : index
      %get3A_472 = tpu.vector_load %arg7[%get3A_470, %get3A_471] {strides = array<i32>} : memref<8x1024xf32, #tpu.memory_space<vmem>>, vector<1x16xf32>,
      %get3A_473 = vector.shape_cast %get3A_472 : vector<1x16xf32> to vector<16xf32>
      %get3A_474 = arith.constant 0 : i32
      %get3A_475 = arith.index_cast %get3A_474 : i32 to index
      %get3A_476 = arith.constant 208 : index
      %get3A_477 = tpu.vector_load %arg7[%get3A_475, %get3A_476] {strides = array<i32>} : memref<8x1024xf32, #tpu.memory_space<vmem>>, vector<1x16xf32>,
      %get3A_478 = vector.shape_cast %get3A_477 : vector<1x16xf32> to vector<16xf32>
      %get3A_479 = arith.constant 0 : i32
      %get3A_480 = arith.index_cast %get3A_479 : i32 to index
      %get3A_481 = arith.constant 224 : index
      %get3A_482 = tpu.vector_load %arg7[%get3A_480, %get3A_481] {strides = array<i32>} : memref<8x1024xf32, #tpu.memory_space<vmem>>, vector<1x16xf32>,
      %get3A_483 = vector.shape_cast %get3A_482 : vector<1x16xf32> to vector<16xf32>
      %get3A_484 = arith.constant 0 : i32
      %get3A_485 = arith.index_cast %get3A_484 : i32 to index
      %get3A_486 = arith.constant 240 : index
      %get3A_487 = tpu.vector_load %arg7[%get3A_485, %get3A_486] {strides = array<i32>} : memref<8x1024xf32, #tpu.memory_space<vmem>>, vector<1x16xf32>,
      %get3A_488 = vector.shape_cast %get3A_487 : vector<1x16xf32> to vector<16xf32>
      %parallel_loop3A_489 = arith.constant 0 : i32
      %parallel_loop3A_490 = arith.constant 16 : i32
      %parallel_loop3A_491 = arith.constant 1 : i32
      scf.for %parallel_loop3A_755 = %parallel_loop3A_489 to %parallel_loop3A_490 step %parallel_loop3A_491  : i32 {
        %parallel_loop3A_756 = arith.index_cast %parallel_loop3A_755 : i32 to index
        %parallel_loop3A_757 = arith.constant 0 : index
        %parallel_loop3A_758 = tpu.vector_load %arg9[%parallel_loop3A_756, %parallel_loop3A_757] {strides = array<i32>} : memref<16x1024xf32, #tpu.memory_space<vmem>>, vector<1x16xf32>,
        %parallel_loop3A_759 = vector.shape_cast %parallel_loop3A_758 : vector<1x16xf32> to vector<16xf32>
        %parallel_loop3A_760 = arith.addf %parallel_loop3A_759, %get3A_413 : vector<16xf32>
        %parallel_loop3A_761 = arith.index_cast %parallel_loop3A_755 : i32 to index
        %parallel_loop3A_762 = arith.constant 0 : index
        %parallel_loop3A_763 = tpu.vector_load %arg11[%parallel_loop3A_761, %parallel_loop3A_762] {strides = array<i32>} : memref<16x1024xf32, #tpu.memory_space<vmem>>, vector<1x16xf32>,
        %parallel_loop3A_764 = vector.shape_cast %parallel_loop3A_763 : vector<1x16xf32> to vector<16xf32>
        %parallel_loop3A_765 = vector.shape_cast %parallel_loop3A_760 : vector<16xf32> to vector<1x16xf32>
        tpu.vector_store %arg11[%parallel_loop3A_761, %parallel_loop3A_762], %parallel_loop3A_765 {strides = array<i32>} : memref<16x1024xf32, #tpu.memory_space<vmem>>, vector<1x16xf32>,
        %parallel_loop3A_766 = arith.index_cast %parallel_loop3A_755 : i32 to index
        %parallel_loop3A_767 = arith.constant 16 : index
        %parallel_loop3A_768 = tpu.vector_load %arg9[%parallel_loop3A_766, %parallel_loop3A_767] {strides = array<i32>} : memref<16x1024xf32, #tpu.memory_space<vmem>>, vector<1x16xf32>,
        %parallel_loop3A_769 = vector.shape_cast %parallel_loop3A_768 : vector<1x16xf32> to vector<16xf32>
        %parallel_loop3A_770 = arith.addf %parallel_loop3A_769, %get3A_418 : vector<16xf32>
        %parallel_loop3A_771 = arith.index_cast %parallel_loop3A_755 : i32 to index
        %parallel_loop3A_772 = arith.constant 16 : index
        %parallel_loop3A_773 = tpu.vector_load %arg11[%parallel_loop3A_771, %parallel_loop3A_772] {strides = array<i32>} : memref<16x1024xf32, #tpu.memory_space<vmem>>, vector<1x16xf32>,
        %parallel_loop3A_774 = vector.shape_cast %parallel_loop3A_773 : vector<1x16xf32> to vector<16xf32>
        %parallel_loop3A_775 = vector.shape_cast %parallel_loop3A_770 : vector<16xf32> to vector<1x16xf32>
        tpu.vector_store %arg11[%parallel_loop3A_771, %parallel_loop3A_772], %parallel_loop3A_775 {strides = array<i32>} : memref<16x1024xf32, #tpu.memory_space<vmem>>, vector<1x16xf32>,
        %parallel_loop3A_776 = arith.index_cast %parallel_loop3A_755 : i32 to index
        %parallel_loop3A_777 = arith.constant 32 : index
        %parallel_loop3A_778 = tpu.vector_load %arg9[%parallel_loop3A_776, %parallel_loop3A_777] {strides = array<i32>} : memref<16x1024xf32, #tpu.memory_space<vmem>>, vector<1x16xf32>,
        %parallel_loop3A_779 = vector.shape_cast %parallel_loop3A_778 : vector<1x16xf32> to vector<16xf32>
        %parallel_loop3A_780 = arith.addf %parallel_loop3A_779, %get3A_423 : vector<16xf32>
        %parallel_loop3A_781 = arith.index_cast %parallel_loop3A_755 : i32 to index
        %parallel_loop3A_782 = arith.constant 32 : index
        %parallel_loop3A_783 = tpu.vector_load %arg11[%parallel_loop3A_781, %parallel_loop3A_782] {strides = array<i32>} : memref<16x1024xf32, #tpu.memory_space<vmem>>, vector<1x16xf32>,
        %parallel_loop3A_784 = vector.shape_cast %parallel_loop3A_783 : vector<1x16xf32> to vector<16xf32>
        %parallel_loop3A_785 = vector.shape_cast %parallel_loop3A_780 : vector<16xf32> to vector<1x16xf32>
        tpu.vector_store %arg11[%parallel_loop3A_781, %parallel_loop3A_782], %parallel_loop3A_785 {strides = array<i32>} : memref<16x1024xf32, #tpu.memory_space<vmem>>, vector<1x16xf32>,
        %parallel_loop3A_786 = arith.index_cast %parallel_loop3A_755 : i32 to index
        %parallel_loop3A_787 = arith.constant 48 : index
        %parallel_loop3A_788 = tpu.vector_load %arg9[%parallel_loop3A_786, %parallel_loop3A_787] {strides = array<i32>} : memref<16x1024xf32, #tpu.memory_space<vmem>>, vector<1x16xf32>,
        %parallel_loop3A_789 = vector.shape_cast %parallel_loop3A_788 : vector<1x16xf32> to vector<16xf32>
        %parallel_loop3A_790 = arith.addf %parallel_loop3A_789, %get3A_428 : vector<16xf32>
        %parallel_loop3A_791 = arith.index_cast %parallel_loop3A_755 : i32 to index
        %parallel_loop3A_792 = arith.constant 48 : index
        %parallel_loop3A_793 = tpu.vector_load %arg11[%parallel_loop3A_791, %parallel_loop3A_792] {strides = array<i32>} : memref<16x1024xf32, #tpu.memory_space<vmem>>, vector<1x16xf32>,
        %parallel_loop3A_794 = vector.shape_cast %parallel_loop3A_793 : vector<1x16xf32> to vector<16xf32>
        %parallel_loop3A_795 = vector.shape_cast %parallel_loop3A_790 : vector<16xf32> to vector<1x16xf32>
        tpu.vector_store %arg11[%parallel_loop3A_791, %parallel_loop3A_792], %parallel_loop3A_795 {strides = array<i32>} : memref<16x1024xf32, #tpu.memory_space<vmem>>, vector<1x16xf32>,
        %parallel_loop3A_796 = arith.index_cast %parallel_loop3A_755 : i32 to index
        %parallel_loop3A_797 = arith.constant 64 : index
        %parallel_loop3A_798 = tpu.vector_load %arg9[%parallel_loop3A_796, %parallel_loop3A_797] {strides = array<i32>} : memref<16x1024xf32, #tpu.memory_space<vmem>>, vector<1x16xf32>,
        %parallel_loop3A_799 = vector.shape_cast %parallel_loop3A_798 : vector<1x16xf32> to vector<16xf32>
        %parallel_loop3A_800 = arith.addf %parallel_loop3A_799, %get3A_433 : vector<16xf32>
        %parallel_loop3A_801 = arith.index_cast %parallel_loop3A_755 : i32 to index
        %parallel_loop3A_802 = arith.constant 64 : index
        %parallel_loop3A_803 = tpu.vector_load %arg11[%parallel_loop3A_801, %parallel_loop3A_802] {strides = array<i32>} : memref<16x1024xf32, #tpu.memory_space<vmem>>, vector<1x16xf32>,
        %parallel_loop3A_804 = vector.shape_cast %parallel_loop3A_803 : vector<1x16xf32> to vector<16xf32>
        %parallel_loop3A_805 = vector.shape_cast %parallel_loop3A_800 : vector<16xf32> to vector<1x16xf32>
        tpu.vector_store %arg11[%parallel_loop3A_801, %parallel_loop3A_802], %parallel_loop3A_805 {strides = array<i32>} : memref<16x1024xf32, #tpu.memory_space<vmem>>, vector<1x16xf32>,
        %parallel_loop3A_806 = arith.index_cast %parallel_loop3A_755 : i32 to index
        %parallel_loop3A_807 = arith.constant 80 : index
        %parallel_loop3A_808 = tpu.vector_load %arg9[%parallel_loop3A_806, %parallel_loop3A_807] {strides = array<i32>} : memref<16x1024xf32, #tpu.memory_space<vmem>>, vector<1x16xf32>,
        %parallel_loop3A_809 = vector.shape_cast %parallel_loop3A_808 : vector<1x16xf32> to vector<16xf32>
        %parallel_loop3A_810 = arith.addf %parallel_loop3A_809, %get3A_438 : vector<16xf32>
        %parallel_loop3A_811 = arith.index_cast %parallel_loop3A_755 : i32 to index
        %parallel_loop3A_812 = arith.constant 80 : index
        %parallel_loop3A_813 = tpu.vector_load %arg11[%parallel_loop3A_811, %parallel_loop3A_812] {strides = array<i32>} : memref<16x1024xf32, #tpu.memory_space<vmem>>, vector<1x16xf32>,
        %parallel_loop3A_814 = vector.shape_cast %parallel_loop3A_813 : vector<1x16xf32> to vector<16xf32>
        %parallel_loop3A_815 = vector.shape_cast %parallel_loop3A_810 : vector<16xf32> to vector<1x16xf32>
        tpu.vector_store %arg11[%parallel_loop3A_811, %parallel_loop3A_812], %parallel_loop3A_815 {strides = array<i32>} : memref<16x1024xf32, #tpu.memory_space<vmem>>, vector<1x16xf32>,
        %parallel_loop3A_816 = arith.index_cast %parallel_loop3A_755 : i32 to index
        %parallel_loop3A_817 = arith.constant 96 : index
        %parallel_loop3A_818 = tpu.vector_load %arg9[%parallel_loop3A_816, %parallel_loop3A_817] {strides = array<i32>} : memref<16x1024xf32, #tpu.memory_space<vmem>>, vector<1x16xf32>,
        %parallel_loop3A_819 = vector.shape_cast %parallel_loop3A_818 : vector<1x16xf32> to vector<16xf32>
        %parallel_loop3A_820 = arith.addf %parallel_loop3A_819, %get3A_443 : vector<16xf32>
        %parallel_loop3A_821 = arith.index_cast %parallel_loop3A_755 : i32 to index
        %parallel_loop3A_822 = arith.constant 96 : index
        %parallel_loop3A_823 = tpu.vector_load %arg11[%parallel_loop3A_821, %parallel_loop3A_822] {strides = array<i32>} : memref<16x1024xf32, #tpu.memory_space<vmem>>, vector<1x16xf32>,
        %parallel_loop3A_824 = vector.shape_cast %parallel_loop3A_823 : vector<1x16xf32> to vector<16xf32>
        %parallel_loop3A_825 = vector.shape_cast %parallel_loop3A_820 : vector<16xf32> to vector<1x16xf32>
        tpu.vector_store %arg11[%parallel_loop3A_821, %parallel_loop3A_822], %parallel_loop3A_825 {strides = array<i32>} : memref<16x1024xf32, #tpu.memory_space<vmem>>, vector<1x16xf32>,
        %parallel_loop3A_826 = arith.index_cast %parallel_loop3A_755 : i32 to index
        %parallel_loop3A_827 = arith.constant 112 : index
        %parallel_loop3A_828 = tpu.vector_load %arg9[%parallel_loop3A_826, %parallel_loop3A_827] {strides = array<i32>} : memref<16x1024xf32, #tpu.memory_space<vmem>>, vector<1x16xf32>,
        %parallel_loop3A_829 = vector.shape_cast %parallel_loop3A_828 : vector<1x16xf32> to vector<16xf32>
        %parallel_loop3A_830 = arith.addf %parallel_loop3A_829, %get3A_448 : vector<16xf32>
        %parallel_loop3A_831 = arith.index_cast %parallel_loop3A_755 : i32 to index
        %parallel_loop3A_832 = arith.constant 112 : index
        %parallel_loop3A_833 = tpu.vector_load %arg11[%parallel_loop3A_831, %parallel_loop3A_832] {strides = array<i32>} : memref<16x1024xf32, #tpu.memory_space<vmem>>, vector<1x16xf32>,
        %parallel_loop3A_834 = vector.shape_cast %parallel_loop3A_833 : vector<1x16xf32> to vector<16xf32>
        %parallel_loop3A_835 = vector.shape_cast %parallel_loop3A_830 : vector<16xf32> to vector<1x16xf32>
        tpu.vector_store %arg11[%parallel_loop3A_831, %parallel_loop3A_832], %parallel_loop3A_835 {strides = array<i32>} : memref<16x1024xf32, #tpu.memory_space<vmem>>, vector<1x16xf32>,
        %parallel_loop3A_836 = arith.index_cast %parallel_loop3A_755 : i32 to index
        %parallel_loop3A_837 = arith.constant 128 : index
        %parallel_loop3A_838 = tpu.vector_load %arg9[%parallel_loop3A_836, %parallel_loop3A_837] {strides = array<i32>} : memref<16x1024xf32, #tpu.memory_space<vmem>>, vector<1x16xf32>,
        %parallel_loop3A_839 = vector.shape_cast %parallel_loop3A_838 : vector<1x16xf32> to vector<16xf32>
        %parallel_loop3A_840 = arith.addf %parallel_loop3A_839, %get3A_453 : vector<16xf32>
        %parallel_loop3A_841 = arith.index_cast %parallel_loop3A_755 : i32 to index
        %parallel_loop3A_842 = arith.constant 128 : index
        %parallel_loop3A_843 = tpu.vector_load %arg11[%parallel_loop3A_841, %parallel_loop3A_842] {strides = array<i32>} : memref<16x1024xf32, #tpu.memory_space<vmem>>, vector<1x16xf32>,
        %parallel_loop3A_844 = vector.shape_cast %parallel_loop3A_843 : vector<1x16xf32> to vector<16xf32>
        %parallel_loop3A_845 = vector.shape_cast %parallel_loop3A_840 : vector<16xf32> to vector<1x16xf32>
        tpu.vector_store %arg11[%parallel_loop3A_841, %parallel_loop3A_842], %parallel_loop3A_845 {strides = array<i32>} : memref<16x1024xf32, #tpu.memory_space<vmem>>, vector<1x16xf32>,
        %parallel_loop3A_846 = arith.index_cast %parallel_loop3A_755 : i32 to index
        %parallel_loop3A_847 = arith.constant 144 : index
        %parallel_loop3A_848 = tpu.vector_load %arg9[%parallel_loop3A_846, %parallel_loop3A_847] {strides = array<i32>} : memref<16x1024xf32, #tpu.memory_space<vmem>>, vector<1x16xf32>,
        %parallel_loop3A_849 = vector.shape_cast %parallel_loop3A_848 : vector<1x16xf32> to vector<16xf32>
        %parallel_loop3A_850 = arith.addf %parallel_loop3A_849, %get3A_458 : vector<16xf32>
        %parallel_loop3A_851 = arith.index_cast %parallel_loop3A_755 : i32 to index
        %parallel_loop3A_852 = arith.constant 144 : index
        %parallel_loop3A_853 = tpu.vector_load %arg11[%parallel_loop3A_851, %parallel_loop3A_852] {strides = array<i32>} : memref<16x1024xf32, #tpu.memory_space<vmem>>, vector<1x16xf32>,
        %parallel_loop3A_854 = vector.shape_cast %parallel_loop3A_853 : vector<1x16xf32> to vector<16xf32>
        %parallel_loop3A_855 = vector.shape_cast %parallel_loop3A_850 : vector<16xf32> to vector<1x16xf32>
        tpu.vector_store %arg11[%parallel_loop3A_851, %parallel_loop3A_852], %parallel_loop3A_855 {strides = array<i32>} : memref<16x1024xf32, #tpu.memory_space<vmem>>, vector<1x16xf32>,
        %parallel_loop3A_856 = arith.index_cast %parallel_loop3A_755 : i32 to index
        %parallel_loop3A_857 = arith.constant 160 : index
        %parallel_loop3A_858 = tpu.vector_load %arg9[%parallel_loop3A_856, %parallel_loop3A_857] {strides = array<i32>} : memref<16x1024xf32, #tpu.memory_space<vmem>>, vector<1x16xf32>,
        %parallel_loop3A_859 = vector.shape_cast %parallel_loop3A_858 : vector<1x16xf32> to vector<16xf32>
        %parallel_loop3A_860 = arith.addf %parallel_loop3A_859, %get3A_463 : vector<16xf32>
        %parallel_loop3A_861 = arith.index_cast %parallel_loop3A_755 : i32 to index
        %parallel_loop3A_862 = arith.constant 160 : index
        %parallel_loop3A_863 = tpu.vector_load %arg11[%parallel_loop3A_861, %parallel_loop3A_862] {strides = array<i32>} : memref<16x1024xf32, #tpu.memory_space<vmem>>, vector<1x16xf32>,
        %parallel_loop3A_864 = vector.shape_cast %parallel_loop3A_863 : vector<1x16xf32> to vector<16xf32>
        %parallel_loop3A_865 = vector.shape_cast %parallel_loop3A_860 : vector<16xf32> to vector<1x16xf32>
        tpu.vector_store %arg11[%parallel_loop3A_861, %parallel_loop3A_862], %parallel_loop3A_865 {strides = array<i32>} : memref<16x1024xf32, #tpu.memory_space<vmem>>, vector<1x16xf32>,
        %parallel_loop3A_866 = arith.index_cast %parallel_loop3A_755 : i32 to index
        %parallel_loop3A_867 = arith.constant 176 : index
        %parallel_loop3A_868 = tpu.vector_load %arg9[%parallel_loop3A_866, %parallel_loop3A_867] {strides = array<i32>} : memref<16x1024xf32, #tpu.memory_space<vmem>>, vector<1x16xf32>,
        %parallel_loop3A_869 = vector.shape_cast %parallel_loop3A_868 : vector<1x16xf32> to vector<16xf32>
        %parallel_loop3A_870 = arith.addf %parallel_loop3A_869, %get3A_468 : vector<16xf32>
        %parallel_loop3A_871 = arith.index_cast %parallel_loop3A_755 : i32 to index
        %parallel_loop3A_872 = arith.constant 176 : index
        %parallel_loop3A_873 = tpu.vector_load %arg11[%parallel_loop3A_871, %parallel_loop3A_872] {strides = array<i32>} : memref<16x1024xf32, #tpu.memory_space<vmem>>, vector<1x16xf32>,
        %parallel_loop3A_874 = vector.shape_cast %parallel_loop3A_873 : vector<1x16xf32> to vector<16xf32>
        %parallel_loop3A_875 = vector.shape_cast %parallel_loop3A_870 : vector<16xf32> to vector<1x16xf32>
        tpu.vector_store %arg11[%parallel_loop3A_871, %parallel_loop3A_872], %parallel_loop3A_875 {strides = array<i32>} : memref<16x1024xf32, #tpu.memory_space<vmem>>, vector<1x16xf32>,
        %parallel_loop3A_876 = arith.index_cast %parallel_loop3A_755 : i32 to index
        %parallel_loop3A_877 = arith.constant 192 : index
        %parallel_loop3A_878 = tpu.vector_load %arg9[%parallel_loop3A_876, %parallel_loop3A_877] {strides = array<i32>} : memref<16x1024xf32, #tpu.memory_space<vmem>>, vector<1x16xf32>,
        %parallel_loop3A_879 = vector.shape_cast %parallel_loop3A_878 : vector<1x16xf32> to vector<16xf32>
        %parallel_loop3A_880 = arith.addf %parallel_loop3A_879, %get3A_473 : vector<16xf32>
        %parallel_loop3A_881 = arith.index_cast %parallel_loop3A_755 : i32 to index
        %parallel_loop3A_882 = arith.constant 192 : index
        %parallel_loop3A_883 = tpu.vector_load %arg11[%parallel_loop3A_881, %parallel_loop3A_882] {strides = array<i32>} : memref<16x1024xf32, #tpu.memory_space<vmem>>, vector<1x16xf32>,
        %parallel_loop3A_884 = vector.shape_cast %parallel_loop3A_883 : vector<1x16xf32> to vector<16xf32>
        %parallel_loop3A_885 = vector.shape_cast %parallel_loop3A_880 : vector<16xf32> to vector<1x16xf32>
        tpu.vector_store %arg11[%parallel_loop3A_881, %parallel_loop3A_882], %parallel_loop3A_885 {strides = array<i32>} : memref<16x1024xf32, #tpu.memory_space<vmem>>, vector<1x16xf32>,
        %parallel_loop3A_886 = arith.index_cast %parallel_loop3A_755 : i32 to index
        %parallel_loop3A_887 = arith.constant 208 : index
        %parallel_loop3A_888 = tpu.vector_load %arg9[%parallel_loop3A_886, %parallel_loop3A_887] {strides = array<i32>} : memref<16x1024xf32, #tpu.memory_space<vmem>>, vector<1x16xf32>,
        %parallel_loop3A_889 = vector.shape_cast %parallel_loop3A_888 : vector<1x16xf32> to vector<16xf32>
        %parallel_loop3A_890 = arith.addf %parallel_loop3A_889, %get3A_478 : vector<16xf32>
        %parallel_loop3A_891 = arith.index_cast %parallel_loop3A_755 : i32 to index
        %parallel_loop3A_892 = arith.constant 208 : index
        %parallel_loop3A_893 = tpu.vector_load %arg11[%parallel_loop3A_891, %parallel_loop3A_892] {strides = array<i32>} : memref<16x1024xf32, #tpu.memory_space<vmem>>, vector<1x16xf32>,
        %parallel_loop3A_894 = vector.shape_cast %parallel_loop3A_893 : vector<1x16xf32> to vector<16xf32>
        %parallel_loop3A_895 = vector.shape_cast %parallel_loop3A_890 : vector<16xf32> to vector<1x16xf32>
        tpu.vector_store %arg11[%parallel_loop3A_891, %parallel_loop3A_892], %parallel_loop3A_895 {strides = array<i32>} : memref<16x1024xf32, #tpu.memory_space<vmem>>, vector<1x16xf32>,
        %parallel_loop3A_896 = arith.index_cast %parallel_loop3A_755 : i32 to index
        %parallel_loop3A_897 = arith.constant 224 : index
        %parallel_loop3A_898 = tpu.vector_load %arg9[%parallel_loop3A_896, %parallel_loop3A_897] {strides = array<i32>} : memref<16x1024xf32, #tpu.memory_space<vmem>>, vector<1x16xf32>,
        %parallel_loop3A_899 = vector.shape_cast %parallel_loop3A_898 : vector<1x16xf32> to vector<16xf32>
        %parallel_loop3A_900 = arith.addf %parallel_loop3A_899, %get3A_483 : vector<16xf32>
        %parallel_loop3A_901 = arith.index_cast %parallel_loop3A_755 : i32 to index
        %parallel_loop3A_902 = arith.constant 224 : index
        %parallel_loop3A_903 = tpu.vector_load %arg11[%parallel_loop3A_901, %parallel_loop3A_902] {strides = array<i32>} : memref<16x1024xf32, #tpu.memory_space<vmem>>, vector<1x16xf32>,
        %parallel_loop3A_904 = vector.shape_cast %parallel_loop3A_903 : vector<1x16xf32> to vector<16xf32>
        %parallel_loop3A_905 = vector.shape_cast %parallel_loop3A_900 : vector<16xf32> to vector<1x16xf32>
        tpu.vector_store %arg11[%parallel_loop3A_901, %parallel_loop3A_902], %parallel_loop3A_905 {strides = array<i32>} : memref<16x1024xf32, #tpu.memory_space<vmem>>, vector<1x16xf32>,
        %parallel_loop3A_906 = arith.index_cast %parallel_loop3A_755 : i32 to index
        %parallel_loop3A_907 = arith.constant 240 : index
        %parallel_loop3A_908 = tpu.vector_load %arg9[%parallel_loop3A_906, %parallel_loop3A_907] {strides = array<i32>} : memref<16x1024xf32, #tpu.memory_space<vmem>>, vector<1x16xf32>,
        %parallel_loop3A_909 = vector.shape_cast %parallel_loop3A_908 : vector<1x16xf32> to vector<16xf32>
        %parallel_loop3A_910 = arith.addf %parallel_loop3A_909, %get3A_488 : vector<16xf32>
        %parallel_loop3A_911 = arith.index_cast %parallel_loop3A_755 : i32 to index
        %parallel_loop3A_912 = arith.constant 240 : index
        %parallel_loop3A_913 = tpu.vector_load %arg11[%parallel_loop3A_911, %parallel_loop3A_912] {strides = array<i32>} : memref<16x1024xf32, #tpu.memory_space<vmem>>, vector<1x16xf32>,
        %parallel_loop3A_914 = vector.shape_cast %parallel_loop3A_913 : vector<1x16xf32> to vector<16xf32>
        %parallel_loop3A_915 = vector.shape_cast %parallel_loop3A_910 : vector<16xf32> to vector<1x16xf32>
        tpu.vector_store %arg11[%parallel_loop3A_911, %parallel_loop3A_912], %parallel_loop3A_915 {strides = array<i32>} : memref<16x1024xf32, #tpu.memory_space<vmem>>, vector<1x16xf32>,
      } {sc.loop_unroll_factor = 2 : i64, sc.parallel_access}
      %get3A_492 = arith.constant 0 : i32
      %get3A_493 = arith.index_cast %get3A_492 : i32 to index
      %get3A_494 = arith.constant 256 : index
      %get3A_495 = tpu.vector_load %arg7[%get3A_493, %get3A_494] {strides = array<i32>} : memref<8x1024xf32, #tpu.memory_space<vmem>>, vector<1x16xf32>,
      %get3A_496 = vector.shape_cast %get3A_495 : vector<1x16xf32> to vector<16xf32>
      %get3A_497 = arith.constant 0 : i32
      %get3A_498 = arith.index_cast %get3A_497 : i32 to index
      %get3A_499 = arith.constant 272 : index
      %get3A_500 = tpu.vector_load %arg7[%get3A_498, %get3A_499] {strides = array<i32>} : memref<8x1024xf32, #tpu.memory_space<vmem>>, vector<1x16xf32>,
      %get3A_501 = vector.shape_cast %get3A_500 : vector<1x16xf32> to vector<16xf32>
      %get3A_502 = arith.constant 0 : i32
      %get3A_503 = arith.index_cast %get3A_502 : i32 to index
      %get3A_504 = arith.constant 288 : index
      %get3A_505 = tpu.vector_load %arg7[%get3A_503, %get3A_504] {strides = array<i32>} : memref<8x1024xf32, #tpu.memory_space<vmem>>, vector<1x16xf32>,
      %get3A_506 = vector.shape_cast %get3A_505 : vector<1x16xf32> to vector<16xf32>
      %get3A_507 = arith.constant 0 : i32
      %get3A_508 = arith.index_cast %get3A_507 : i32 to index
      %get3A_509 = arith.constant 304 : index
      %get3A_510 = tpu.vector_load %arg7[%get3A_508, %get3A_509] {strides = array<i32>} : memref<8x1024xf32, #tpu.memory_space<vmem>>, vector<1x16xf32>,
      %get3A_511 = vector.shape_cast %get3A_510 : vector<1x16xf32> to vector<16xf32>
      %get3A_512 = arith.constant 0 : i32
      %get3A_513 = arith.index_cast %get3A_512 : i32 to index
      %get3A_514 = arith.constant 320 : index
      %get3A_515 = tpu.vector_load %arg7[%get3A_513, %get3A_514] {strides = array<i32>} : memref<8x1024xf32, #tpu.memory_space<vmem>>, vector<1x16xf32>,
      %get3A_516 = vector.shape_cast %get3A_515 : vector<1x16xf32> to vector<16xf32>
      %get3A_517 = arith.constant 0 : i32
      %get3A_518 = arith.index_cast %get3A_517 : i32 to index
      %get3A_519 = arith.constant 336 : index
      %get3A_520 = tpu.vector_load %arg7[%get3A_518, %get3A_519] {strides = array<i32>} : memref<8x1024xf32, #tpu.memory_space<vmem>>, vector<1x16xf32>,
      %get3A_521 = vector.shape_cast %get3A_520 : vector<1x16xf32> to vector<16xf32>
      %get3A_522 = arith.constant 0 : i32
      %get3A_523 = arith.index_cast %get3A_522 : i32 to index
      %get3A_524 = arith.constant 352 : index
      %get3A_525 = tpu.vector_load %arg7[%get3A_523, %get3A_524] {strides = array<i32>} : memref<8x1024xf32, #tpu.memory_space<vmem>>, vector<1x16xf32>,
      %get3A_526 = vector.shape_cast %get3A_525 : vector<1x16xf32> to vector<16xf32>
      %get3A_527 = arith.constant 0 : i32
      %get3A_528 = arith.index_cast %get3A_527 : i32 to index
      %get3A_529 = arith.constant 368 : index
      %get3A_530 = tpu.vector_load %arg7[%get3A_528, %get3A_529] {strides = array<i32>} : memref<8x1024xf32, #tpu.memory_space<vmem>>, vector<1x16xf32>,
      %get3A_531 = vector.shape_cast %get3A_530 : vector<1x16xf32> to vector<16xf32>
      %get3A_532 = arith.constant 0 : i32
      %get3A_533 = arith.index_cast %get3A_532 : i32 to index
      %get3A_534 = arith.constant 384 : index
      %get3A_535 = tpu.vector_load %arg7[%get3A_533, %get3A_534] {strides = array<i32>} : memref<8x1024xf32, #tpu.memory_space<vmem>>, vector<1x16xf32>,
      %get3A_536 = vector.shape_cast %get3A_535 : vector<1x16xf32> to vector<16xf32>
      %get3A_537 = arith.constant 0 : i32
      %get3A_538 = arith.index_cast %get3A_537 : i32 to index
      %get3A_539 = arith.constant 400 : index
      %get3A_540 = tpu.vector_load %arg7[%get3A_538, %get3A_539] {strides = array<i32>} : memref<8x1024xf32, #tpu.memory_space<vmem>>, vector<1x16xf32>,
      %get3A_541 = vector.shape_cast %get3A_540 : vector<1x16xf32> to vector<16xf32>
      %get3A_542 = arith.constant 0 : i32
      %get3A_543 = arith.index_cast %get3A_542 : i32 to index
      %get3A_544 = arith.constant 416 : index
      %get3A_545 = tpu.vector_load %arg7[%get3A_543, %get3A_544] {strides = array<i32>} : memref<8x1024xf32, #tpu.memory_space<vmem>>, vector<1x16xf32>,
      %get3A_546 = vector.shape_cast %get3A_545 : vector<1x16xf32> to vector<16xf32>
      %get3A_547 = arith.constant 0 : i32
      %get3A_548 = arith.index_cast %get3A_547 : i32 to index
      %get3A_549 = arith.constant 432 : index
      %get3A_550 = tpu.vector_load %arg7[%get3A_548, %get3A_549] {strides = array<i32>} : memref<8x1024xf32, #tpu.memory_space<vmem>>, vector<1x16xf32>,
      %get3A_551 = vector.shape_cast %get3A_550 : vector<1x16xf32> to vector<16xf32>
      %get3A_552 = arith.constant 0 : i32
      %get3A_553 = arith.index_cast %get3A_552 : i32 to index
      %get3A_554 = arith.constant 448 : index
      %get3A_555 = tpu.vector_load %arg7[%get3A_553, %get3A_554] {strides = array<i32>} : memref<8x1024xf32, #tpu.memory_space<vmem>>, vector<1x16xf32>,
      %get3A_556 = vector.shape_cast %get3A_555 : vector<1x16xf32> to vector<16xf32>
      %get3A_557 = arith.constant 0 : i32
      %get3A_558 = arith.index_cast %get3A_557 : i32 to index
      %get3A_559 = arith.constant 464 : index
      %get3A_560 = tpu.vector_load %arg7[%get3A_558, %get3A_559] {strides = array<i32>} : memref<8x1024xf32, #tpu.memory_space<vmem>>, vector<1x16xf32>,
      %get3A_561 = vector.shape_cast %get3A_560 : vector<1x16xf32> to vector<16xf32>
      %get3A_562 = arith.constant 0 : i32
      %get3A_563 = arith.index_cast %get3A_562 : i32 to index
      %get3A_564 = arith.constant 480 : index
      %get3A_565 = tpu.vector_load %arg7[%get3A_563, %get3A_564] {strides = array<i32>} : memref<8x1024xf32, #tpu.memory_space<vmem>>, vector<1x16xf32>,
      %get3A_566 = vector.shape_cast %get3A_565 : vector<1x16xf32> to vector<16xf32>
      %get3A_567 = arith.constant 0 : i32
      %get3A_568 = arith.index_cast %get3A_567 : i32 to index
      %get3A_569 = arith.constant 496 : index
      %get3A_570 = tpu.vector_load %arg7[%get3A_568, %get3A_569] {strides = array<i32>} : memref<8x1024xf32, #tpu.memory_space<vmem>>, vector<1x16xf32>,
      %get3A_571 = vector.shape_cast %get3A_570 : vector<1x16xf32> to vector<16xf32>
      %parallel_loop3A_572 = arith.constant 0 : i32
      %parallel_loop3A_573 = arith.constant 16 : i32
      %parallel_loop3A_574 = arith.constant 1 : i32
      scf.for %parallel_loop3A_755 = %parallel_loop3A_572 to %parallel_loop3A_573 step %parallel_loop3A_574  : i32 {
        %parallel_loop3A_756 = arith.index_cast %parallel_loop3A_755 : i32 to index
        %parallel_loop3A_757 = arith.constant 256 : index
        %parallel_loop3A_758 = tpu.vector_load %arg9[%parallel_loop3A_756, %parallel_loop3A_757] {strides = array<i32>} : memref<16x1024xf32, #tpu.memory_space<vmem>>, vector<1x16xf32>,
        %parallel_loop3A_759 = vector.shape_cast %parallel_loop3A_758 : vector<1x16xf32> to vector<16xf32>
        %parallel_loop3A_760 = arith.addf %parallel_loop3A_759, %get3A_496 : vector<16xf32>
        %parallel_loop3A_761 = arith.index_cast %parallel_loop3A_755 : i32 to index
        %parallel_loop3A_762 = arith.constant 256 : index
        %parallel_loop3A_763 = tpu.vector_load %arg11[%parallel_loop3A_761, %parallel_loop3A_762] {strides = array<i32>} : memref<16x1024xf32, #tpu.memory_space<vmem>>, vector<1x16xf32>,
        %parallel_loop3A_764 = vector.shape_cast %parallel_loop3A_763 : vector<1x16xf32> to vector<16xf32>
        %parallel_loop3A_765 = vector.shape_cast %parallel_loop3A_760 : vector<16xf32> to vector<1x16xf32>
        tpu.vector_store %arg11[%parallel_loop3A_761, %parallel_loop3A_762], %parallel_loop3A_765 {strides = array<i32>} : memref<16x1024xf32, #tpu.memory_space<vmem>>, vector<1x16xf32>,
        %parallel_loop3A_766 = arith.index_cast %parallel_loop3A_755 : i32 to index
        %parallel_loop3A_767 = arith.constant 272 : index
        %parallel_loop3A_768 = tpu.vector_load %arg9[%parallel_loop3A_766, %parallel_loop3A_767] {strides = array<i32>} : memref<16x1024xf32, #tpu.memory_space<vmem>>, vector<1x16xf32>,
        %parallel_loop3A_769 = vector.shape_cast %parallel_loop3A_768 : vector<1x16xf32> to vector<16xf32>
        %parallel_loop3A_770 = arith.addf %parallel_loop3A_769, %get3A_501 : vector<16xf32>
        %parallel_loop3A_771 = arith.index_cast %parallel_loop3A_755 : i32 to index
        %parallel_loop3A_772 = arith.constant 272 : index
        %parallel_loop3A_773 = tpu.vector_load %arg11[%parallel_loop3A_771, %parallel_loop3A_772] {strides = array<i32>} : memref<16x1024xf32, #tpu.memory_space<vmem>>, vector<1x16xf32>,
        %parallel_loop3A_774 = vector.shape_cast %parallel_loop3A_773 : vector<1x16xf32> to vector<16xf32>
        %parallel_loop3A_775 = vector.shape_cast %parallel_loop3A_770 : vector<16xf32> to vector<1x16xf32>
        tpu.vector_store %arg11[%parallel_loop3A_771, %parallel_loop3A_772], %parallel_loop3A_775 {strides = array<i32>} : memref<16x1024xf32, #tpu.memory_space<vmem>>, vector<1x16xf32>,
        %parallel_loop3A_776 = arith.index_cast %parallel_loop3A_755 : i32 to index
        %parallel_loop3A_777 = arith.constant 288 : index
        %parallel_loop3A_778 = tpu.vector_load %arg9[%parallel_loop3A_776, %parallel_loop3A_777] {strides = array<i32>} : memref<16x1024xf32, #tpu.memory_space<vmem>>, vector<1x16xf32>,
        %parallel_loop3A_779 = vector.shape_cast %parallel_loop3A_778 : vector<1x16xf32> to vector<16xf32>
        %parallel_loop3A_780 = arith.addf %parallel_loop3A_779, %get3A_506 : vector<16xf32>
        %parallel_loop3A_781 = arith.index_cast %parallel_loop3A_755 : i32 to index
        %parallel_loop3A_782 = arith.constant 288 : index
        %parallel_loop3A_783 = tpu.vector_load %arg11[%parallel_loop3A_781, %parallel_loop3A_782] {strides = array<i32>} : memref<16x1024xf32, #tpu.memory_space<vmem>>, vector<1x16xf32>,
        %parallel_loop3A_784 = vector.shape_cast %parallel_loop3A_783 : vector<1x16xf32> to vector<16xf32>
        %parallel_loop3A_785 = vector.shape_cast %parallel_loop3A_780 : vector<16xf32> to vector<1x16xf32>
        tpu.vector_store %arg11[%parallel_loop3A_781, %parallel_loop3A_782], %parallel_loop3A_785 {strides = array<i32>} : memref<16x1024xf32, #tpu.memory_space<vmem>>, vector<1x16xf32>,
        %parallel_loop3A_786 = arith.index_cast %parallel_loop3A_755 : i32 to index
        %parallel_loop3A_787 = arith.constant 304 : index
        %parallel_loop3A_788 = tpu.vector_load %arg9[%parallel_loop3A_786, %parallel_loop3A_787] {strides = array<i32>} : memref<16x1024xf32, #tpu.memory_space<vmem>>, vector<1x16xf32>,
        %parallel_loop3A_789 = vector.shape_cast %parallel_loop3A_788 : vector<1x16xf32> to vector<16xf32>
        %parallel_loop3A_790 = arith.addf %parallel_loop3A_789, %get3A_511 : vector<16xf32>
        %parallel_loop3A_791 = arith.index_cast %parallel_loop3A_755 : i32 to index
        %parallel_loop3A_792 = arith.constant 304 : index
        %parallel_loop3A_793 = tpu.vector_load %arg11[%parallel_loop3A_791, %parallel_loop3A_792] {strides = array<i32>} : memref<16x1024xf32, #tpu.memory_space<vmem>>, vector<1x16xf32>,
        %parallel_loop3A_794 = vector.shape_cast %parallel_loop3A_793 : vector<1x16xf32> to vector<16xf32>
        %parallel_loop3A_795 = vector.shape_cast %parallel_loop3A_790 : vector<16xf32> to vector<1x16xf32>
        tpu.vector_store %arg11[%parallel_loop3A_791, %parallel_loop3A_792], %parallel_loop3A_795 {strides = array<i32>} : memref<16x1024xf32, #tpu.memory_space<vmem>>, vector<1x16xf32>,
        %parallel_loop3A_796 = arith.index_cast %parallel_loop3A_755 : i32 to index
        %parallel_loop3A_797 = arith.constant 320 : index
        %parallel_loop3A_798 = tpu.vector_load %arg9[%parallel_loop3A_796, %parallel_loop3A_797] {strides = array<i32>} : memref<16x1024xf32, #tpu.memory_space<vmem>>, vector<1x16xf32>,
        %parallel_loop3A_799 = vector.shape_cast %parallel_loop3A_798 : vector<1x16xf32> to vector<16xf32>
        %parallel_loop3A_800 = arith.addf %parallel_loop3A_799, %get3A_516 : vector<16xf32>
        %parallel_loop3A_801 = arith.index_cast %parallel_loop3A_755 : i32 to index
        %parallel_loop3A_802 = arith.constant 320 : index
        %parallel_loop3A_803 = tpu.vector_load %arg11[%parallel_loop3A_801, %parallel_loop3A_802] {strides = array<i32>} : memref<16x1024xf32, #tpu.memory_space<vmem>>, vector<1x16xf32>,
        %parallel_loop3A_804 = vector.shape_cast %parallel_loop3A_803 : vector<1x16xf32> to vector<16xf32>
        %parallel_loop3A_805 = vector.shape_cast %parallel_loop3A_800 : vector<16xf32> to vector<1x16xf32>
        tpu.vector_store %arg11[%parallel_loop3A_801, %parallel_loop3A_802], %parallel_loop3A_805 {strides = array<i32>} : memref<16x1024xf32, #tpu.memory_space<vmem>>, vector<1x16xf32>,
        %parallel_loop3A_806 = arith.index_cast %parallel_loop3A_755 : i32 to index
        %parallel_loop3A_807 = arith.constant 336 : index
        %parallel_loop3A_808 = tpu.vector_load %arg9[%parallel_loop3A_806, %parallel_loop3A_807] {strides = array<i32>} : memref<16x1024xf32, #tpu.memory_space<vmem>>, vector<1x16xf32>,
        %parallel_loop3A_809 = vector.shape_cast %parallel_loop3A_808 : vector<1x16xf32> to vector<16xf32>
        %parallel_loop3A_810 = arith.addf %parallel_loop3A_809, %get3A_521 : vector<16xf32>
        %parallel_loop3A_811 = arith.index_cast %parallel_loop3A_755 : i32 to index
        %parallel_loop3A_812 = arith.constant 336 : index
        %parallel_loop3A_813 = tpu.vector_load %arg11[%parallel_loop3A_811, %parallel_loop3A_812] {strides = array<i32>} : memref<16x1024xf32, #tpu.memory_space<vmem>>, vector<1x16xf32>,
        %parallel_loop3A_814 = vector.shape_cast %parallel_loop3A_813 : vector<1x16xf32> to vector<16xf32>
        %parallel_loop3A_815 = vector.shape_cast %parallel_loop3A_810 : vector<16xf32> to vector<1x16xf32>
        tpu.vector_store %arg11[%parallel_loop3A_811, %parallel_loop3A_812], %parallel_loop3A_815 {strides = array<i32>} : memref<16x1024xf32, #tpu.memory_space<vmem>>, vector<1x16xf32>,
        %parallel_loop3A_816 = arith.index_cast %parallel_loop3A_755 : i32 to index
        %parallel_loop3A_817 = arith.constant 352 : index
        %parallel_loop3A_818 = tpu.vector_load %arg9[%parallel_loop3A_816, %parallel_loop3A_817] {strides = array<i32>} : memref<16x1024xf32, #tpu.memory_space<vmem>>, vector<1x16xf32>,
        %parallel_loop3A_819 = vector.shape_cast %parallel_loop3A_818 : vector<1x16xf32> to vector<16xf32>
        %parallel_loop3A_820 = arith.addf %parallel_loop3A_819, %get3A_526 : vector<16xf32>
        %parallel_loop3A_821 = arith.index_cast %parallel_loop3A_755 : i32 to index
        %parallel_loop3A_822 = arith.constant 352 : index
        %parallel_loop3A_823 = tpu.vector_load %arg11[%parallel_loop3A_821, %parallel_loop3A_822] {strides = array<i32>} : memref<16x1024xf32, #tpu.memory_space<vmem>>, vector<1x16xf32>,
        %parallel_loop3A_824 = vector.shape_cast %parallel_loop3A_823 : vector<1x16xf32> to vector<16xf32>
        %parallel_loop3A_825 = vector.shape_cast %parallel_loop3A_820 : vector<16xf32> to vector<1x16xf32>
        tpu.vector_store %arg11[%parallel_loop3A_821, %parallel_loop3A_822], %parallel_loop3A_825 {strides = array<i32>} : memref<16x1024xf32, #tpu.memory_space<vmem>>, vector<1x16xf32>,
        %parallel_loop3A_826 = arith.index_cast %parallel_loop3A_755 : i32 to index
        %parallel_loop3A_827 = arith.constant 368 : index
        %parallel_loop3A_828 = tpu.vector_load %arg9[%parallel_loop3A_826, %parallel_loop3A_827] {strides = array<i32>} : memref<16x1024xf32, #tpu.memory_space<vmem>>, vector<1x16xf32>,
        %parallel_loop3A_829 = vector.shape_cast %parallel_loop3A_828 : vector<1x16xf32> to vector<16xf32>
        %parallel_loop3A_830 = arith.addf %parallel_loop3A_829, %get3A_531 : vector<16xf32>
        %parallel_loop3A_831 = arith.index_cast %parallel_loop3A_755 : i32 to index
        %parallel_loop3A_832 = arith.constant 368 : index
        %parallel_loop3A_833 = tpu.vector_load %arg11[%parallel_loop3A_831, %parallel_loop3A_832] {strides = array<i32>} : memref<16x1024xf32, #tpu.memory_space<vmem>>, vector<1x16xf32>,
        %parallel_loop3A_834 = vector.shape_cast %parallel_loop3A_833 : vector<1x16xf32> to vector<16xf32>
        %parallel_loop3A_835 = vector.shape_cast %parallel_loop3A_830 : vector<16xf32> to vector<1x16xf32>
        tpu.vector_store %arg11[%parallel_loop3A_831, %parallel_loop3A_832], %parallel_loop3A_835 {strides = array<i32>} : memref<16x1024xf32, #tpu.memory_space<vmem>>, vector<1x16xf32>,
        %parallel_loop3A_836 = arith.index_cast %parallel_loop3A_755 : i32 to index
        %parallel_loop3A_837 = arith.constant 384 : index
        %parallel_loop3A_838 = tpu.vector_load %arg9[%parallel_loop3A_836, %parallel_loop3A_837] {strides = array<i32>} : memref<16x1024xf32, #tpu.memory_space<vmem>>, vector<1x16xf32>,
        %parallel_loop3A_839 = vector.shape_cast %parallel_loop3A_838 : vector<1x16xf32> to vector<16xf32>
        %parallel_loop3A_840 = arith.addf %parallel_loop3A_839, %get3A_536 : vector<16xf32>
        %parallel_loop3A_841 = arith.index_cast %parallel_loop3A_755 : i32 to index
        %parallel_loop3A_842 = arith.constant 384 : index
        %parallel_loop3A_843 = tpu.vector_load %arg11[%parallel_loop3A_841, %parallel_loop3A_842] {strides = array<i32>} : memref<16x1024xf32, #tpu.memory_space<vmem>>, vector<1x16xf32>,
        %parallel_loop3A_844 = vector.shape_cast %parallel_loop3A_843 : vector<1x16xf32> to vector<16xf32>
        %parallel_loop3A_845 = vector.shape_cast %parallel_loop3A_840 : vector<16xf32> to vector<1x16xf32>
        tpu.vector_store %arg11[%parallel_loop3A_841, %parallel_loop3A_842], %parallel_loop3A_845 {strides = array<i32>} : memref<16x1024xf32, #tpu.memory_space<vmem>>, vector<1x16xf32>,
        %parallel_loop3A_846 = arith.index_cast %parallel_loop3A_755 : i32 to index
        %parallel_loop3A_847 = arith.constant 400 : index
        %parallel_loop3A_848 = tpu.vector_load %arg9[%parallel_loop3A_846, %parallel_loop3A_847] {strides = array<i32>} : memref<16x1024xf32, #tpu.memory_space<vmem>>, vector<1x16xf32>,
        %parallel_loop3A_849 = vector.shape_cast %parallel_loop3A_848 : vector<1x16xf32> to vector<16xf32>
        %parallel_loop3A_850 = arith.addf %parallel_loop3A_849, %get3A_541 : vector<16xf32>
        %parallel_loop3A_851 = arith.index_cast %parallel_loop3A_755 : i32 to index
        %parallel_loop3A_852 = arith.constant 400 : index
        %parallel_loop3A_853 = tpu.vector_load %arg11[%parallel_loop3A_851, %parallel_loop3A_852] {strides = array<i32>} : memref<16x1024xf32, #tpu.memory_space<vmem>>, vector<1x16xf32>,
        %parallel_loop3A_854 = vector.shape_cast %parallel_loop3A_853 : vector<1x16xf32> to vector<16xf32>
        %parallel_loop3A_855 = vector.shape_cast %parallel_loop3A_850 : vector<16xf32> to vector<1x16xf32>
        tpu.vector_store %arg11[%parallel_loop3A_851, %parallel_loop3A_852], %parallel_loop3A_855 {strides = array<i32>} : memref<16x1024xf32, #tpu.memory_space<vmem>>, vector<1x16xf32>,
        %parallel_loop3A_856 = arith.index_cast %parallel_loop3A_755 : i32 to index
        %parallel_loop3A_857 = arith.constant 416 : index
        %parallel_loop3A_858 = tpu.vector_load %arg9[%parallel_loop3A_856, %parallel_loop3A_857] {strides = array<i32>} : memref<16x1024xf32, #tpu.memory_space<vmem>>, vector<1x16xf32>,
        %parallel_loop3A_859 = vector.shape_cast %parallel_loop3A_858 : vector<1x16xf32> to vector<16xf32>
        %parallel_loop3A_860 = arith.addf %parallel_loop3A_859, %get3A_546 : vector<16xf32>
        %parallel_loop3A_861 = arith.index_cast %parallel_loop3A_755 : i32 to index
        %parallel_loop3A_862 = arith.constant 416 : index
        %parallel_loop3A_863 = tpu.vector_load %arg11[%parallel_loop3A_861, %parallel_loop3A_862] {strides = array<i32>} : memref<16x1024xf32, #tpu.memory_space<vmem>>, vector<1x16xf32>,
        %parallel_loop3A_864 = vector.shape_cast %parallel_loop3A_863 : vector<1x16xf32> to vector<16xf32>
        %parallel_loop3A_865 = vector.shape_cast %parallel_loop3A_860 : vector<16xf32> to vector<1x16xf32>
        tpu.vector_store %arg11[%parallel_loop3A_861, %parallel_loop3A_862], %parallel_loop3A_865 {strides = array<i32>} : memref<16x1024xf32, #tpu.memory_space<vmem>>, vector<1x16xf32>,
        %parallel_loop3A_866 = arith.index_cast %parallel_loop3A_755 : i32 to index
        %parallel_loop3A_867 = arith.constant 432 : index
        %parallel_loop3A_868 = tpu.vector_load %arg9[%parallel_loop3A_866, %parallel_loop3A_867] {strides = array<i32>} : memref<16x1024xf32, #tpu.memory_space<vmem>>, vector<1x16xf32>,
        %parallel_loop3A_869 = vector.shape_cast %parallel_loop3A_868 : vector<1x16xf32> to vector<16xf32>
        %parallel_loop3A_870 = arith.addf %parallel_loop3A_869, %get3A_551 : vector<16xf32>
        %parallel_loop3A_871 = arith.index_cast %parallel_loop3A_755 : i32 to index
        %parallel_loop3A_872 = arith.constant 432 : index
        %parallel_loop3A_873 = tpu.vector_load %arg11[%parallel_loop3A_871, %parallel_loop3A_872] {strides = array<i32>} : memref<16x1024xf32, #tpu.memory_space<vmem>>, vector<1x16xf32>,
        %parallel_loop3A_874 = vector.shape_cast %parallel_loop3A_873 : vector<1x16xf32> to vector<16xf32>
        %parallel_loop3A_875 = vector.shape_cast %parallel_loop3A_870 : vector<16xf32> to vector<1x16xf32>
        tpu.vector_store %arg11[%parallel_loop3A_871, %parallel_loop3A_872], %parallel_loop3A_875 {strides = array<i32>} : memref<16x1024xf32, #tpu.memory_space<vmem>>, vector<1x16xf32>,
        %parallel_loop3A_876 = arith.index_cast %parallel_loop3A_755 : i32 to index
        %parallel_loop3A_877 = arith.constant 448 : index
        %parallel_loop3A_878 = tpu.vector_load %arg9[%parallel_loop3A_876, %parallel_loop3A_877] {strides = array<i32>} : memref<16x1024xf32, #tpu.memory_space<vmem>>, vector<1x16xf32>,
        %parallel_loop3A_879 = vector.shape_cast %parallel_loop3A_878 : vector<1x16xf32> to vector<16xf32>
        %parallel_loop3A_880 = arith.addf %parallel_loop3A_879, %get3A_556 : vector<16xf32>
        %parallel_loop3A_881 = arith.index_cast %parallel_loop3A_755 : i32 to index
        %parallel_loop3A_882 = arith.constant 448 : index
        %parallel_loop3A_883 = tpu.vector_load %arg11[%parallel_loop3A_881, %parallel_loop3A_882] {strides = array<i32>} : memref<16x1024xf32, #tpu.memory_space<vmem>>, vector<1x16xf32>,
        %parallel_loop3A_884 = vector.shape_cast %parallel_loop3A_883 : vector<1x16xf32> to vector<16xf32>
        %parallel_loop3A_885 = vector.shape_cast %parallel_loop3A_880 : vector<16xf32> to vector<1x16xf32>
        tpu.vector_store %arg11[%parallel_loop3A_881, %parallel_loop3A_882], %parallel_loop3A_885 {strides = array<i32>} : memref<16x1024xf32, #tpu.memory_space<vmem>>, vector<1x16xf32>,
        %parallel_loop3A_886 = arith.index_cast %parallel_loop3A_755 : i32 to index
        %parallel_loop3A_887 = arith.constant 464 : index
        %parallel_loop3A_888 = tpu.vector_load %arg9[%parallel_loop3A_886, %parallel_loop3A_887] {strides = array<i32>} : memref<16x1024xf32, #tpu.memory_space<vmem>>, vector<1x16xf32>,
        %parallel_loop3A_889 = vector.shape_cast %parallel_loop3A_888 : vector<1x16xf32> to vector<16xf32>
        %parallel_loop3A_890 = arith.addf %parallel_loop3A_889, %get3A_561 : vector<16xf32>
        %parallel_loop3A_891 = arith.index_cast %parallel_loop3A_755 : i32 to index
        %parallel_loop3A_892 = arith.constant 464 : index
        %parallel_loop3A_893 = tpu.vector_load %arg11[%parallel_loop3A_891, %parallel_loop3A_892] {strides = array<i32>} : memref<16x1024xf32, #tpu.memory_space<vmem>>, vector<1x16xf32>,
        %parallel_loop3A_894 = vector.shape_cast %parallel_loop3A_893 : vector<1x16xf32> to vector<16xf32>
        %parallel_loop3A_895 = vector.shape_cast %parallel_loop3A_890 : vector<16xf32> to vector<1x16xf32>
        tpu.vector_store %arg11[%parallel_loop3A_891, %parallel_loop3A_892], %parallel_loop3A_895 {strides = array<i32>} : memref<16x1024xf32, #tpu.memory_space<vmem>>, vector<1x16xf32>,
        %parallel_loop3A_896 = arith.index_cast %parallel_loop3A_755 : i32 to index
        %parallel_loop3A_897 = arith.constant 480 : index
        %parallel_loop3A_898 = tpu.vector_load %arg9[%parallel_loop3A_896, %parallel_loop3A_897] {strides = array<i32>} : memref<16x1024xf32, #tpu.memory_space<vmem>>, vector<1x16xf32>,
        %parallel_loop3A_899 = vector.shape_cast %parallel_loop3A_898 : vector<1x16xf32> to vector<16xf32>
        %parallel_loop3A_900 = arith.addf %parallel_loop3A_899, %get3A_566 : vector<16xf32>
        %parallel_loop3A_901 = arith.index_cast %parallel_loop3A_755 : i32 to index
        %parallel_loop3A_902 = arith.constant 480 : index
        %parallel_loop3A_903 = tpu.vector_load %arg11[%parallel_loop3A_901, %parallel_loop3A_902] {strides = array<i32>} : memref<16x1024xf32, #tpu.memory_space<vmem>>, vector<1x16xf32>,
        %parallel_loop3A_904 = vector.shape_cast %parallel_loop3A_903 : vector<1x16xf32> to vector<16xf32>
        %parallel_loop3A_905 = vector.shape_cast %parallel_loop3A_900 : vector<16xf32> to vector<1x16xf32>
        tpu.vector_store %arg11[%parallel_loop3A_901, %parallel_loop3A_902], %parallel_loop3A_905 {strides = array<i32>} : memref<16x1024xf32, #tpu.memory_space<vmem>>, vector<1x16xf32>,
        %parallel_loop3A_906 = arith.index_cast %parallel_loop3A_755 : i32 to index
        %parallel_loop3A_907 = arith.constant 496 : index
        %parallel_loop3A_908 = tpu.vector_load %arg9[%parallel_loop3A_906, %parallel_loop3A_907] {strides = array<i32>} : memref<16x1024xf32, #tpu.memory_space<vmem>>, vector<1x16xf32>,
        %parallel_loop3A_909 = vector.shape_cast %parallel_loop3A_908 : vector<1x16xf32> to vector<16xf32>
        %parallel_loop3A_910 = arith.addf %parallel_loop3A_909, %get3A_571 : vector<16xf32>
        %parallel_loop3A_911 = arith.index_cast %parallel_loop3A_755 : i32 to index
        %parallel_loop3A_912 = arith.constant 496 : index
        %parallel_loop3A_913 = tpu.vector_load %arg11[%parallel_loop3A_911, %parallel_loop3A_912] {strides = array<i32>} : memref<16x1024xf32, #tpu.memory_space<vmem>>, vector<1x16xf32>,
        %parallel_loop3A_914 = vector.shape_cast %parallel_loop3A_913 : vector<1x16xf32> to vector<16xf32>
        %parallel_loop3A_915 = vector.shape_cast %parallel_loop3A_910 : vector<16xf32> to vector<1x16xf32>
        tpu.vector_store %arg11[%parallel_loop3A_911, %parallel_loop3A_912], %parallel_loop3A_915 {strides = array<i32>} : memref<16x1024xf32, #tpu.memory_space<vmem>>, vector<1x16xf32>,
      } {sc.loop_unroll_factor = 2 : i64, sc.parallel_access}
      %get3A_575 = arith.constant 0 : i32
      %get3A_576 = arith.index_cast %get3A_575 : i32 to index
      %get3A_577 = arith.constant 512 : index
      %get3A_578 = tpu.vector_load %arg7[%get3A_576, %get3A_577] {strides = array<i32>} : memref<8x1024xf32, #tpu.memory_space<vmem>>, vector<1x16xf32>,
      %get3A_579 = vector.shape_cast %get3A_578 : vector<1x16xf32> to vector<16xf32>
      %get3A_580 = arith.constant 0 : i32
      %get3A_581 = arith.index_cast %get3A_580 : i32 to index
      %get3A_582 = arith.constant 528 : index
      %get3A_583 = tpu.vector_load %arg7[%get3A_581, %get3A_582] {strides = array<i32>} : memref<8x1024xf32, #tpu.memory_space<vmem>>, vector<1x16xf32>,
      %get3A_584 = vector.shape_cast %get3A_583 : vector<1x16xf32> to vector<16xf32>
      %get3A_585 = arith.constant 0 : i32
      %get3A_586 = arith.index_cast %get3A_585 : i32 to index
      %get3A_587 = arith.constant 544 : index
      %get3A_588 = tpu.vector_load %arg7[%get3A_586, %get3A_587] {strides = array<i32>} : memref<8x1024xf32, #tpu.memory_space<vmem>>, vector<1x16xf32>,
      %get3A_589 = vector.shape_cast %get3A_588 : vector<1x16xf32> to vector<16xf32>
      %get3A_590 = arith.constant 0 : i32
      %get3A_591 = arith.index_cast %get3A_590 : i32 to index
      %get3A_592 = arith.constant 560 : index
      %get3A_593 = tpu.vector_load %arg7[%get3A_591, %get3A_592] {strides = array<i32>} : memref<8x1024xf32, #tpu.memory_space<vmem>>, vector<1x16xf32>,
      %get3A_594 = vector.shape_cast %get3A_593 : vector<1x16xf32> to vector<16xf32>
      %get3A_595 = arith.constant 0 : i32
      %get3A_596 = arith.index_cast %get3A_595 : i32 to index
      %get3A_597 = arith.constant 576 : index
      %get3A_598 = tpu.vector_load %arg7[%get3A_596, %get3A_597] {strides = array<i32>} : memref<8x1024xf32, #tpu.memory_space<vmem>>, vector<1x16xf32>,
      %get3A_599 = vector.shape_cast %get3A_598 : vector<1x16xf32> to vector<16xf32>
      %get3A_600 = arith.constant 0 : i32
      %get3A_601 = arith.index_cast %get3A_600 : i32 to index
      %get3A_602 = arith.constant 592 : index
      %get3A_603 = tpu.vector_load %arg7[%get3A_601, %get3A_602] {strides = array<i32>} : memref<8x1024xf32, #tpu.memory_space<vmem>>, vector<1x16xf32>,
      %get3A_604 = vector.shape_cast %get3A_603 : vector<1x16xf32> to vector<16xf32>
      %get3A_605 = arith.constant 0 : i32
      %get3A_606 = arith.index_cast %get3A_605 : i32 to index
      %get3A_607 = arith.constant 608 : index
      %get3A_608 = tpu.vector_load %arg7[%get3A_606, %get3A_607] {strides = array<i32>} : memref<8x1024xf32, #tpu.memory_space<vmem>>, vector<1x16xf32>,
      %get3A_609 = vector.shape_cast %get3A_608 : vector<1x16xf32> to vector<16xf32>
      %get3A_610 = arith.constant 0 : i32
      %get3A_611 = arith.index_cast %get3A_610 : i32 to index
      %get3A_612 = arith.constant 624 : index
      %get3A_613 = tpu.vector_load %arg7[%get3A_611, %get3A_612] {strides = array<i32>} : memref<8x1024xf32, #tpu.memory_space<vmem>>, vector<1x16xf32>,
      %get3A_614 = vector.shape_cast %get3A_613 : vector<1x16xf32> to vector<16xf32>
      %get3A_615 = arith.constant 0 : i32
      %get3A_616 = arith.index_cast %get3A_615 : i32 to index
      %get3A_617 = arith.constant 640 : index
      %get3A_618 = tpu.vector_load %arg7[%get3A_616, %get3A_617] {strides = array<i32>} : memref<8x1024xf32, #tpu.memory_space<vmem>>, vector<1x16xf32>,
      %get3A_619 = vector.shape_cast %get3A_618 : vector<1x16xf32> to vector<16xf32>
      %get3A_620 = arith.constant 0 : i32
      %get3A_621 = arith.index_cast %get3A_620 : i32 to index
      %get3A_622 = arith.constant 656 : index
      %get3A_623 = tpu.vector_load %arg7[%get3A_621, %get3A_622] {strides = array<i32>} : memref<8x1024xf32, #tpu.memory_space<vmem>>, vector<1x16xf32>,
      %get3A_624 = vector.shape_cast %get3A_623 : vector<1x16xf32> to vector<16xf32>
      %get3A_625 = arith.constant 0 : i32
      %get3A_626 = arith.index_cast %get3A_625 : i32 to index
      %get3A_627 = arith.constant 672 : index
      %get3A_628 = tpu.vector_load %arg7[%get3A_626, %get3A_627] {strides = array<i32>} : memref<8x1024xf32, #tpu.memory_space<vmem>>, vector<1x16xf32>,
      %get3A_629 = vector.shape_cast %get3A_628 : vector<1x16xf32> to vector<16xf32>
      %get3A_630 = arith.constant 0 : i32
      %get3A_631 = arith.index_cast %get3A_630 : i32 to index
      %get3A_632 = arith.constant 688 : index
      %get3A_633 = tpu.vector_load %arg7[%get3A_631, %get3A_632] {strides = array<i32>} : memref<8x1024xf32, #tpu.memory_space<vmem>>, vector<1x16xf32>,
      %get3A_634 = vector.shape_cast %get3A_633 : vector<1x16xf32> to vector<16xf32>
      %get3A_635 = arith.constant 0 : i32
      %get3A_636 = arith.index_cast %get3A_635 : i32 to index
      %get3A_637 = arith.constant 704 : index
      %get3A_638 = tpu.vector_load %arg7[%get3A_636, %get3A_637] {strides = array<i32>} : memref<8x1024xf32, #tpu.memory_space<vmem>>, vector<1x16xf32>,
      %get3A_639 = vector.shape_cast %get3A_638 : vector<1x16xf32> to vector<16xf32>
      %get3A_640 = arith.constant 0 : i32
      %get3A_641 = arith.index_cast %get3A_640 : i32 to index
      %get3A_642 = arith.constant 720 : index
      %get3A_643 = tpu.vector_load %arg7[%get3A_641, %get3A_642] {strides = array<i32>} : memref<8x1024xf32, #tpu.memory_space<vmem>>, vector<1x16xf32>,
      %get3A_644 = vector.shape_cast %get3A_643 : vector<1x16xf32> to vector<16xf32>
      %get3A_645 = arith.constant 0 : i32
      %get3A_646 = arith.index_cast %get3A_645 : i32 to index
      %get3A_647 = arith.constant 736 : index
      %get3A_648 = tpu.vector_load %arg7[%get3A_646, %get3A_647] {strides = array<i32>} : memref<8x1024xf32, #tpu.memory_space<vmem>>, vector<1x16xf32>,
      %get3A_649 = vector.shape_cast %get3A_648 : vector<1x16xf32> to vector<16xf32>
      %get3A_650 = arith.constant 0 : i32
      %get3A_651 = arith.index_cast %get3A_650 : i32 to index
      %get3A_652 = arith.constant 752 : index
      %get3A_653 = tpu.vector_load %arg7[%get3A_651, %get3A_652] {strides = array<i32>} : memref<8x1024xf32, #tpu.memory_space<vmem>>, vector<1x16xf32>,
      %get3A_654 = vector.shape_cast %get3A_653 : vector<1x16xf32> to vector<16xf32>
      %parallel_loop3A_655 = arith.constant 0 : i32
      %parallel_loop3A_656 = arith.constant 16 : i32
      %parallel_loop3A_657 = arith.constant 1 : i32
      scf.for %parallel_loop3A_755 = %parallel_loop3A_655 to %parallel_loop3A_656 step %parallel_loop3A_657  : i32 {
        %parallel_loop3A_756 = arith.index_cast %parallel_loop3A_755 : i32 to index
        %parallel_loop3A_757 = arith.constant 512 : index
        %parallel_loop3A_758 = tpu.vector_load %arg9[%parallel_loop3A_756, %parallel_loop3A_757] {strides = array<i32>} : memref<16x1024xf32, #tpu.memory_space<vmem>>, vector<1x16xf32>,
        %parallel_loop3A_759 = vector.shape_cast %parallel_loop3A_758 : vector<1x16xf32> to vector<16xf32>
        %parallel_loop3A_760 = arith.addf %parallel_loop3A_759, %get3A_579 : vector<16xf32>
        %parallel_loop3A_761 = arith.index_cast %parallel_loop3A_755 : i32 to index
        %parallel_loop3A_762 = arith.constant 512 : index
        %parallel_loop3A_763 = tpu.vector_load %arg11[%parallel_loop3A_761, %parallel_loop3A_762] {strides = array<i32>} : memref<16x1024xf32, #tpu.memory_space<vmem>>, vector<1x16xf32>,
        %parallel_loop3A_764 = vector.shape_cast %parallel_loop3A_763 : vector<1x16xf32> to vector<16xf32>
        %parallel_loop3A_765 = vector.shape_cast %parallel_loop3A_760 : vector<16xf32> to vector<1x16xf32>
        tpu.vector_store %arg11[%parallel_loop3A_761, %parallel_loop3A_762], %parallel_loop3A_765 {strides = array<i32>} : memref<16x1024xf32, #tpu.memory_space<vmem>>, vector<1x16xf32>,
        %parallel_loop3A_766 = arith.index_cast %parallel_loop3A_755 : i32 to index
        %parallel_loop3A_767 = arith.constant 528 : index
        %parallel_loop3A_768 = tpu.vector_load %arg9[%parallel_loop3A_766, %parallel_loop3A_767] {strides = array<i32>} : memref<16x1024xf32, #tpu.memory_space<vmem>>, vector<1x16xf32>,
        %parallel_loop3A_769 = vector.shape_cast %parallel_loop3A_768 : vector<1x16xf32> to vector<16xf32>
        %parallel_loop3A_770 = arith.addf %parallel_loop3A_769, %get3A_584 : vector<16xf32>
        %parallel_loop3A_771 = arith.index_cast %parallel_loop3A_755 : i32 to index
        %parallel_loop3A_772 = arith.constant 528 : index
        %parallel_loop3A_773 = tpu.vector_load %arg11[%parallel_loop3A_771, %parallel_loop3A_772] {strides = array<i32>} : memref<16x1024xf32, #tpu.memory_space<vmem>>, vector<1x16xf32>,
        %parallel_loop3A_774 = vector.shape_cast %parallel_loop3A_773 : vector<1x16xf32> to vector<16xf32>
        %parallel_loop3A_775 = vector.shape_cast %parallel_loop3A_770 : vector<16xf32> to vector<1x16xf32>
        tpu.vector_store %arg11[%parallel_loop3A_771, %parallel_loop3A_772], %parallel_loop3A_775 {strides = array<i32>} : memref<16x1024xf32, #tpu.memory_space<vmem>>, vector<1x16xf32>,
        %parallel_loop3A_776 = arith.index_cast %parallel_loop3A_755 : i32 to index
        %parallel_loop3A_777 = arith.constant 544 : index
        %parallel_loop3A_778 = tpu.vector_load %arg9[%parallel_loop3A_776, %parallel_loop3A_777] {strides = array<i32>} : memref<16x1024xf32, #tpu.memory_space<vmem>>, vector<1x16xf32>,
        %parallel_loop3A_779 = vector.shape_cast %parallel_loop3A_778 : vector<1x16xf32> to vector<16xf32>
        %parallel_loop3A_780 = arith.addf %parallel_loop3A_779, %get3A_589 : vector<16xf32>
        %parallel_loop3A_781 = arith.index_cast %parallel_loop3A_755 : i32 to index
        %parallel_loop3A_782 = arith.constant 544 : index
        %parallel_loop3A_783 = tpu.vector_load %arg11[%parallel_loop3A_781, %parallel_loop3A_782] {strides = array<i32>} : memref<16x1024xf32, #tpu.memory_space<vmem>>, vector<1x16xf32>,
        %parallel_loop3A_784 = vector.shape_cast %parallel_loop3A_783 : vector<1x16xf32> to vector<16xf32>
        %parallel_loop3A_785 = vector.shape_cast %parallel_loop3A_780 : vector<16xf32> to vector<1x16xf32>
        tpu.vector_store %arg11[%parallel_loop3A_781, %parallel_loop3A_782], %parallel_loop3A_785 {strides = array<i32>} : memref<16x1024xf32, #tpu.memory_space<vmem>>, vector<1x16xf32>,
        %parallel_loop3A_786 = arith.index_cast %parallel_loop3A_755 : i32 to index
        %parallel_loop3A_787 = arith.constant 560 : index
        %parallel_loop3A_788 = tpu.vector_load %arg9[%parallel_loop3A_786, %parallel_loop3A_787] {strides = array<i32>} : memref<16x1024xf32, #tpu.memory_space<vmem>>, vector<1x16xf32>,
        %parallel_loop3A_789 = vector.shape_cast %parallel_loop3A_788 : vector<1x16xf32> to vector<16xf32>
        %parallel_loop3A_790 = arith.addf %parallel_loop3A_789, %get3A_594 : vector<16xf32>
        %parallel_loop3A_791 = arith.index_cast %parallel_loop3A_755 : i32 to index
        %parallel_loop3A_792 = arith.constant 560 : index
        %parallel_loop3A_793 = tpu.vector_load %arg11[%parallel_loop3A_791, %parallel_loop3A_792] {strides = array<i32>} : memref<16x1024xf32, #tpu.memory_space<vmem>>, vector<1x16xf32>,
        %parallel_loop3A_794 = vector.shape_cast %parallel_loop3A_793 : vector<1x16xf32> to vector<16xf32>
        %parallel_loop3A_795 = vector.shape_cast %parallel_loop3A_790 : vector<16xf32> to vector<1x16xf32>
        tpu.vector_store %arg11[%parallel_loop3A_791, %parallel_loop3A_792], %parallel_loop3A_795 {strides = array<i32>} : memref<16x1024xf32, #tpu.memory_space<vmem>>, vector<1x16xf32>,
        %parallel_loop3A_796 = arith.index_cast %parallel_loop3A_755 : i32 to index
        %parallel_loop3A_797 = arith.constant 576 : index
        %parallel_loop3A_798 = tpu.vector_load %arg9[%parallel_loop3A_796, %parallel_loop3A_797] {strides = array<i32>} : memref<16x1024xf32, #tpu.memory_space<vmem>>, vector<1x16xf32>,
        %parallel_loop3A_799 = vector.shape_cast %parallel_loop3A_798 : vector<1x16xf32> to vector<16xf32>
        %parallel_loop3A_800 = arith.addf %parallel_loop3A_799, %get3A_599 : vector<16xf32>
        %parallel_loop3A_801 = arith.index_cast %parallel_loop3A_755 : i32 to index
        %parallel_loop3A_802 = arith.constant 576 : index
        %parallel_loop3A_803 = tpu.vector_load %arg11[%parallel_loop3A_801, %parallel_loop3A_802] {strides = array<i32>} : memref<16x1024xf32, #tpu.memory_space<vmem>>, vector<1x16xf32>,
        %parallel_loop3A_804 = vector.shape_cast %parallel_loop3A_803 : vector<1x16xf32> to vector<16xf32>
        %parallel_loop3A_805 = vector.shape_cast %parallel_loop3A_800 : vector<16xf32> to vector<1x16xf32>
        tpu.vector_store %arg11[%parallel_loop3A_801, %parallel_loop3A_802], %parallel_loop3A_805 {strides = array<i32>} : memref<16x1024xf32, #tpu.memory_space<vmem>>, vector<1x16xf32>,
        %parallel_loop3A_806 = arith.index_cast %parallel_loop3A_755 : i32 to index
        %parallel_loop3A_807 = arith.constant 592 : index
        %parallel_loop3A_808 = tpu.vector_load %arg9[%parallel_loop3A_806, %parallel_loop3A_807] {strides = array<i32>} : memref<16x1024xf32, #tpu.memory_space<vmem>>, vector<1x16xf32>,
        %parallel_loop3A_809 = vector.shape_cast %parallel_loop3A_808 : vector<1x16xf32> to vector<16xf32>
        %parallel_loop3A_810 = arith.addf %parallel_loop3A_809, %get3A_604 : vector<16xf32>
        %parallel_loop3A_811 = arith.index_cast %parallel_loop3A_755 : i32 to index
        %parallel_loop3A_812 = arith.constant 592 : index
        %parallel_loop3A_813 = tpu.vector_load %arg11[%parallel_loop3A_811, %parallel_loop3A_812] {strides = array<i32>} : memref<16x1024xf32, #tpu.memory_space<vmem>>, vector<1x16xf32>,
        %parallel_loop3A_814 = vector.shape_cast %parallel_loop3A_813 : vector<1x16xf32> to vector<16xf32>
        %parallel_loop3A_815 = vector.shape_cast %parallel_loop3A_810 : vector<16xf32> to vector<1x16xf32>
        tpu.vector_store %arg11[%parallel_loop3A_811, %parallel_loop3A_812], %parallel_loop3A_815 {strides = array<i32>} : memref<16x1024xf32, #tpu.memory_space<vmem>>, vector<1x16xf32>,
        %parallel_loop3A_816 = arith.index_cast %parallel_loop3A_755 : i32 to index
        %parallel_loop3A_817 = arith.constant 608 : index
        %parallel_loop3A_818 = tpu.vector_load %arg9[%parallel_loop3A_816, %parallel_loop3A_817] {strides = array<i32>} : memref<16x1024xf32, #tpu.memory_space<vmem>>, vector<1x16xf32>,
        %parallel_loop3A_819 = vector.shape_cast %parallel_loop3A_818 : vector<1x16xf32> to vector<16xf32>
        %parallel_loop3A_820 = arith.addf %parallel_loop3A_819, %get3A_609 : vector<16xf32>
        %parallel_loop3A_821 = arith.index_cast %parallel_loop3A_755 : i32 to index
        %parallel_loop3A_822 = arith.constant 608 : index
        %parallel_loop3A_823 = tpu.vector_load %arg11[%parallel_loop3A_821, %parallel_loop3A_822] {strides = array<i32>} : memref<16x1024xf32, #tpu.memory_space<vmem>>, vector<1x16xf32>,
        %parallel_loop3A_824 = vector.shape_cast %parallel_loop3A_823 : vector<1x16xf32> to vector<16xf32>
        %parallel_loop3A_825 = vector.shape_cast %parallel_loop3A_820 : vector<16xf32> to vector<1x16xf32>
        tpu.vector_store %arg11[%parallel_loop3A_821, %parallel_loop3A_822], %parallel_loop3A_825 {strides = array<i32>} : memref<16x1024xf32, #tpu.memory_space<vmem>>, vector<1x16xf32>,
        %parallel_loop3A_826 = arith.index_cast %parallel_loop3A_755 : i32 to index
        %parallel_loop3A_827 = arith.constant 624 : index
        %parallel_loop3A_828 = tpu.vector_load %arg9[%parallel_loop3A_826, %parallel_loop3A_827] {strides = array<i32>} : memref<16x1024xf32, #tpu.memory_space<vmem>>, vector<1x16xf32>,
        %parallel_loop3A_829 = vector.shape_cast %parallel_loop3A_828 : vector<1x16xf32> to vector<16xf32>
        %parallel_loop3A_830 = arith.addf %parallel_loop3A_829, %get3A_614 : vector<16xf32>
        %parallel_loop3A_831 = arith.index_cast %parallel_loop3A_755 : i32 to index
        %parallel_loop3A_832 = arith.constant 624 : index
        %parallel_loop3A_833 = tpu.vector_load %arg11[%parallel_loop3A_831, %parallel_loop3A_832] {strides = array<i32>} : memref<16x1024xf32, #tpu.memory_space<vmem>>, vector<1x16xf32>,
        %parallel_loop3A_834 = vector.shape_cast %parallel_loop3A_833 : vector<1x16xf32> to vector<16xf32>
        %parallel_loop3A_835 = vector.shape_cast %parallel_loop3A_830 : vector<16xf32> to vector<1x16xf32>
        tpu.vector_store %arg11[%parallel_loop3A_831, %parallel_loop3A_832], %parallel_loop3A_835 {strides = array<i32>} : memref<16x1024xf32, #tpu.memory_space<vmem>>, vector<1x16xf32>,
        %parallel_loop3A_836 = arith.index_cast %parallel_loop3A_755 : i32 to index
        %parallel_loop3A_837 = arith.constant 640 : index
        %parallel_loop3A_838 = tpu.vector_load %arg9[%parallel_loop3A_836, %parallel_loop3A_837] {strides = array<i32>} : memref<16x1024xf32, #tpu.memory_space<vmem>>, vector<1x16xf32>,
        %parallel_loop3A_839 = vector.shape_cast %parallel_loop3A_838 : vector<1x16xf32> to vector<16xf32>
        %parallel_loop3A_840 = arith.addf %parallel_loop3A_839, %get3A_619 : vector<16xf32>
        %parallel_loop3A_841 = arith.index_cast %parallel_loop3A_755 : i32 to index
        %parallel_loop3A_842 = arith.constant 640 : index
        %parallel_loop3A_843 = tpu.vector_load %arg11[%parallel_loop3A_841, %parallel_loop3A_842] {strides = array<i32>} : memref<16x1024xf32, #tpu.memory_space<vmem>>, vector<1x16xf32>,
        %parallel_loop3A_844 = vector.shape_cast %parallel_loop3A_843 : vector<1x16xf32> to vector<16xf32>
        %parallel_loop3A_845 = vector.shape_cast %parallel_loop3A_840 : vector<16xf32> to vector<1x16xf32>
        tpu.vector_store %arg11[%parallel_loop3A_841, %parallel_loop3A_842], %parallel_loop3A_845 {strides = array<i32>} : memref<16x1024xf32, #tpu.memory_space<vmem>>, vector<1x16xf32>,
        %parallel_loop3A_846 = arith.index_cast %parallel_loop3A_755 : i32 to index
        %parallel_loop3A_847 = arith.constant 656 : index
        %parallel_loop3A_848 = tpu.vector_load %arg9[%parallel_loop3A_846, %parallel_loop3A_847] {strides = array<i32>} : memref<16x1024xf32, #tpu.memory_space<vmem>>, vector<1x16xf32>,
        %parallel_loop3A_849 = vector.shape_cast %parallel_loop3A_848 : vector<1x16xf32> to vector<16xf32>
        %parallel_loop3A_850 = arith.addf %parallel_loop3A_849, %get3A_624 : vector<16xf32>
        %parallel_loop3A_851 = arith.index_cast %parallel_loop3A_755 : i32 to index
        %parallel_loop3A_852 = arith.constant 656 : index
        %parallel_loop3A_853 = tpu.vector_load %arg11[%parallel_loop3A_851, %parallel_loop3A_852] {strides = array<i32>} : memref<16x1024xf32, #tpu.memory_space<vmem>>, vector<1x16xf32>,
        %parallel_loop3A_854 = vector.shape_cast %parallel_loop3A_853 : vector<1x16xf32> to vector<16xf32>
        %parallel_loop3A_855 = vector.shape_cast %parallel_loop3A_850 : vector<16xf32> to vector<1x16xf32>
        tpu.vector_store %arg11[%parallel_loop3A_851, %parallel_loop3A_852], %parallel_loop3A_855 {strides = array<i32>} : memref<16x1024xf32, #tpu.memory_space<vmem>>, vector<1x16xf32>,
        %parallel_loop3A_856 = arith.index_cast %parallel_loop3A_755 : i32 to index
        %parallel_loop3A_857 = arith.constant 672 : index
        %parallel_loop3A_858 = tpu.vector_load %arg9[%parallel_loop3A_856, %parallel_loop3A_857] {strides = array<i32>} : memref<16x1024xf32, #tpu.memory_space<vmem>>, vector<1x16xf32>,
        %parallel_loop3A_859 = vector.shape_cast %parallel_loop3A_858 : vector<1x16xf32> to vector<16xf32>
        %parallel_loop3A_860 = arith.addf %parallel_loop3A_859, %get3A_629 : vector<16xf32>
        %parallel_loop3A_861 = arith.index_cast %parallel_loop3A_755 : i32 to index
        %parallel_loop3A_862 = arith.constant 672 : index
        %parallel_loop3A_863 = tpu.vector_load %arg11[%parallel_loop3A_861, %parallel_loop3A_862] {strides = array<i32>} : memref<16x1024xf32, #tpu.memory_space<vmem>>, vector<1x16xf32>,
        %parallel_loop3A_864 = vector.shape_cast %parallel_loop3A_863 : vector<1x16xf32> to vector<16xf32>
        %parallel_loop3A_865 = vector.shape_cast %parallel_loop3A_860 : vector<16xf32> to vector<1x16xf32>
        tpu.vector_store %arg11[%parallel_loop3A_861, %parallel_loop3A_862], %parallel_loop3A_865 {strides = array<i32>} : memref<16x1024xf32, #tpu.memory_space<vmem>>, vector<1x16xf32>,
        %parallel_loop3A_866 = arith.index_cast %parallel_loop3A_755 : i32 to index
        %parallel_loop3A_867 = arith.constant 688 : index
        %parallel_loop3A_868 = tpu.vector_load %arg9[%parallel_loop3A_866, %parallel_loop3A_867] {strides = array<i32>} : memref<16x1024xf32, #tpu.memory_space<vmem>>, vector<1x16xf32>,
        %parallel_loop3A_869 = vector.shape_cast %parallel_loop3A_868 : vector<1x16xf32> to vector<16xf32>
        %parallel_loop3A_870 = arith.addf %parallel_loop3A_869, %get3A_634 : vector<16xf32>
        %parallel_loop3A_871 = arith.index_cast %parallel_loop3A_755 : i32 to index
        %parallel_loop3A_872 = arith.constant 688 : index
        %parallel_loop3A_873 = tpu.vector_load %arg11[%parallel_loop3A_871, %parallel_loop3A_872] {strides = array<i32>} : memref<16x1024xf32, #tpu.memory_space<vmem>>, vector<1x16xf32>,
        %parallel_loop3A_874 = vector.shape_cast %parallel_loop3A_873 : vector<1x16xf32> to vector<16xf32>
        %parallel_loop3A_875 = vector.shape_cast %parallel_loop3A_870 : vector<16xf32> to vector<1x16xf32>
        tpu.vector_store %arg11[%parallel_loop3A_871, %parallel_loop3A_872], %parallel_loop3A_875 {strides = array<i32>} : memref<16x1024xf32, #tpu.memory_space<vmem>>, vector<1x16xf32>,
        %parallel_loop3A_876 = arith.index_cast %parallel_loop3A_755 : i32 to index
        %parallel_loop3A_877 = arith.constant 704 : index
        %parallel_loop3A_878 = tpu.vector_load %arg9[%parallel_loop3A_876, %parallel_loop3A_877] {strides = array<i32>} : memref<16x1024xf32, #tpu.memory_space<vmem>>, vector<1x16xf32>,
        %parallel_loop3A_879 = vector.shape_cast %parallel_loop3A_878 : vector<1x16xf32> to vector<16xf32>
        %parallel_loop3A_880 = arith.addf %parallel_loop3A_879, %get3A_639 : vector<16xf32>
        %parallel_loop3A_881 = arith.index_cast %parallel_loop3A_755 : i32 to index
        %parallel_loop3A_882 = arith.constant 704 : index
        %parallel_loop3A_883 = tpu.vector_load %arg11[%parallel_loop3A_881, %parallel_loop3A_882] {strides = array<i32>} : memref<16x1024xf32, #tpu.memory_space<vmem>>, vector<1x16xf32>,
        %parallel_loop3A_884 = vector.shape_cast %parallel_loop3A_883 : vector<1x16xf32> to vector<16xf32>
        %parallel_loop3A_885 = vector.shape_cast %parallel_loop3A_880 : vector<16xf32> to vector<1x16xf32>
        tpu.vector_store %arg11[%parallel_loop3A_881, %parallel_loop3A_882], %parallel_loop3A_885 {strides = array<i32>} : memref<16x1024xf32, #tpu.memory_space<vmem>>, vector<1x16xf32>,
        %parallel_loop3A_886 = arith.index_cast %parallel_loop3A_755 : i32 to index
        %parallel_loop3A_887 = arith.constant 720 : index
        %parallel_loop3A_888 = tpu.vector_load %arg9[%parallel_loop3A_886, %parallel_loop3A_887] {strides = array<i32>} : memref<16x1024xf32, #tpu.memory_space<vmem>>, vector<1x16xf32>,
        %parallel_loop3A_889 = vector.shape_cast %parallel_loop3A_888 : vector<1x16xf32> to vector<16xf32>
        %parallel_loop3A_890 = arith.addf %parallel_loop3A_889, %get3A_644 : vector<16xf32>
        %parallel_loop3A_891 = arith.index_cast %parallel_loop3A_755 : i32 to index
        %parallel_loop3A_892 = arith.constant 720 : index
        %parallel_loop3A_893 = tpu.vector_load %arg11[%parallel_loop3A_891, %parallel_loop3A_892] {strides = array<i32>} : memref<16x1024xf32, #tpu.memory_space<vmem>>, vector<1x16xf32>,
        %parallel_loop3A_894 = vector.shape_cast %parallel_loop3A_893 : vector<1x16xf32> to vector<16xf32>
        %parallel_loop3A_895 = vector.shape_cast %parallel_loop3A_890 : vector<16xf32> to vector<1x16xf32>
        tpu.vector_store %arg11[%parallel_loop3A_891, %parallel_loop3A_892], %parallel_loop3A_895 {strides = array<i32>} : memref<16x1024xf32, #tpu.memory_space<vmem>>, vector<1x16xf32>,
        %parallel_loop3A_896 = arith.index_cast %parallel_loop3A_755 : i32 to index
        %parallel_loop3A_897 = arith.constant 736 : index
        %parallel_loop3A_898 = tpu.vector_load %arg9[%parallel_loop3A_896, %parallel_loop3A_897] {strides = array<i32>} : memref<16x1024xf32, #tpu.memory_space<vmem>>, vector<1x16xf32>,
        %parallel_loop3A_899 = vector.shape_cast %parallel_loop3A_898 : vector<1x16xf32> to vector<16xf32>
        %parallel_loop3A_900 = arith.addf %parallel_loop3A_899, %get3A_649 : vector<16xf32>
        %parallel_loop3A_901 = arith.index_cast %parallel_loop3A_755 : i32 to index
        %parallel_loop3A_902 = arith.constant 736 : index
        %parallel_loop3A_903 = tpu.vector_load %arg11[%parallel_loop3A_901, %parallel_loop3A_902] {strides = array<i32>} : memref<16x1024xf32, #tpu.memory_space<vmem>>, vector<1x16xf32>,
        %parallel_loop3A_904 = vector.shape_cast %parallel_loop3A_903 : vector<1x16xf32> to vector<16xf32>
        %parallel_loop3A_905 = vector.shape_cast %parallel_loop3A_900 : vector<16xf32> to vector<1x16xf32>
        tpu.vector_store %arg11[%parallel_loop3A_901, %parallel_loop3A_902], %parallel_loop3A_905 {strides = array<i32>} : memref<16x1024xf32, #tpu.memory_space<vmem>>, vector<1x16xf32>,
        %parallel_loop3A_906 = arith.index_cast %parallel_loop3A_755 : i32 to index
        %parallel_loop3A_907 = arith.constant 752 : index
        %parallel_loop3A_908 = tpu.vector_load %arg9[%parallel_loop3A_906, %parallel_loop3A_907] {strides = array<i32>} : memref<16x1024xf32, #tpu.memory_space<vmem>>, vector<1x16xf32>,
        %parallel_loop3A_909 = vector.shape_cast %parallel_loop3A_908 : vector<1x16xf32> to vector<16xf32>
        %parallel_loop3A_910 = arith.addf %parallel_loop3A_909, %get3A_654 : vector<16xf32>
        %parallel_loop3A_911 = arith.index_cast %parallel_loop3A_755 : i32 to index
        %parallel_loop3A_912 = arith.constant 752 : index
        %parallel_loop3A_913 = tpu.vector_load %arg11[%parallel_loop3A_911, %parallel_loop3A_912] {strides = array<i32>} : memref<16x1024xf32, #tpu.memory_space<vmem>>, vector<1x16xf32>,
        %parallel_loop3A_914 = vector.shape_cast %parallel_loop3A_913 : vector<1x16xf32> to vector<16xf32>
        %parallel_loop3A_915 = vector.shape_cast %parallel_loop3A_910 : vector<16xf32> to vector<1x16xf32>
        tpu.vector_store %arg11[%parallel_loop3A_911, %parallel_loop3A_912], %parallel_loop3A_915 {strides = array<i32>} : memref<16x1024xf32, #tpu.memory_space<vmem>>, vector<1x16xf32>,
      } {sc.loop_unroll_factor = 2 : i64, sc.parallel_access}
      %get3A_658 = arith.constant 0 : i32
      %get3A_659 = arith.index_cast %get3A_658 : i32 to index
      %get3A_660 = arith.constant 768 : index
      %get3A_661 = tpu.vector_load %arg7[%get3A_659, %get3A_660] {strides = array<i32>} : memref<8x1024xf32, #tpu.memory_space<vmem>>, vector<1x16xf32>,
      %get3A_662 = vector.shape_cast %get3A_661 : vector<1x16xf32> to vector<16xf32>
      %get3A_663 = arith.constant 0 : i32
      %get3A_664 = arith.index_cast %get3A_663 : i32 to index
      %get3A_665 = arith.constant 784 : index
      %get3A_666 = tpu.vector_load %arg7[%get3A_664, %get3A_665] {strides = array<i32>} : memref<8x1024xf32, #tpu.memory_space<vmem>>, vector<1x16xf32>,
      %get3A_667 = vector.shape_cast %get3A_666 : vector<1x16xf32> to vector<16xf32>
      %get3A_668 = arith.constant 0 : i32
      %get3A_669 = arith.index_cast %get3A_668 : i32 to index
      %get3A_670 = arith.constant 800 : index
      %get3A_671 = tpu.vector_load %arg7[%get3A_669, %get3A_670] {strides = array<i32>} : memref<8x1024xf32, #tpu.memory_space<vmem>>, vector<1x16xf32>,
      %get3A_672 = vector.shape_cast %get3A_671 : vector<1x16xf32> to vector<16xf32>
      %get3A_673 = arith.constant 0 : i32
      %get3A_674 = arith.index_cast %get3A_673 : i32 to index
      %get3A_675 = arith.constant 816 : index
      %get3A_676 = tpu.vector_load %arg7[%get3A_674, %get3A_675] {strides = array<i32>} : memref<8x1024xf32, #tpu.memory_space<vmem>>, vector<1x16xf32>,
      %get3A_677 = vector.shape_cast %get3A_676 : vector<1x16xf32> to vector<16xf32>
      %get3A_678 = arith.constant 0 : i32
      %get3A_679 = arith.index_cast %get3A_678 : i32 to index
      %get3A_680 = arith.constant 832 : index
      %get3A_681 = tpu.vector_load %arg7[%get3A_679, %get3A_680] {strides = array<i32>} : memref<8x1024xf32, #tpu.memory_space<vmem>>, vector<1x16xf32>,
      %get3A_682 = vector.shape_cast %get3A_681 : vector<1x16xf32> to vector<16xf32>
      %get3A_683 = arith.constant 0 : i32
      %get3A_684 = arith.index_cast %get3A_683 : i32 to index
      %get3A_685 = arith.constant 848 : index
      %get3A_686 = tpu.vector_load %arg7[%get3A_684, %get3A_685] {strides = array<i32>} : memref<8x1024xf32, #tpu.memory_space<vmem>>, vector<1x16xf32>,
      %get3A_687 = vector.shape_cast %get3A_686 : vector<1x16xf32> to vector<16xf32>
      %get3A_688 = arith.constant 0 : i32
      %get3A_689 = arith.index_cast %get3A_688 : i32 to index
      %get3A_690 = arith.constant 864 : index
      %get3A_691 = tpu.vector_load %arg7[%get3A_689, %get3A_690] {strides = array<i32>} : memref<8x1024xf32, #tpu.memory_space<vmem>>, vector<1x16xf32>,
      %get3A_692 = vector.shape_cast %get3A_691 : vector<1x16xf32> to vector<16xf32>
      %get3A_693 = arith.constant 0 : i32
      %get3A_694 = arith.index_cast %get3A_693 : i32 to index
      %get3A_695 = arith.constant 880 : index
      %get3A_696 = tpu.vector_load %arg7[%get3A_694, %get3A_695] {strides = array<i32>} : memref<8x1024xf32, #tpu.memory_space<vmem>>, vector<1x16xf32>,
      %get3A_697 = vector.shape_cast %get3A_696 : vector<1x16xf32> to vector<16xf32>
      %get3A_698 = arith.constant 0 : i32
      %get3A_699 = arith.index_cast %get3A_698 : i32 to index
      %get3A_700 = arith.constant 896 : index
      %get3A_701 = tpu.vector_load %arg7[%get3A_699, %get3A_700] {strides = array<i32>} : memref<8x1024xf32, #tpu.memory_space<vmem>>, vector<1x16xf32>,
      %get3A_702 = vector.shape_cast %get3A_701 : vector<1x16xf32> to vector<16xf32>
      %get3A_703 = arith.constant 0 : i32
      %get3A_704 = arith.index_cast %get3A_703 : i32 to index
      %get3A_705 = arith.constant 912 : index
      %get3A_706 = tpu.vector_load %arg7[%get3A_704, %get3A_705] {strides = array<i32>} : memref<8x1024xf32, #tpu.memory_space<vmem>>, vector<1x16xf32>,
      %get3A_707 = vector.shape_cast %get3A_706 : vector<1x16xf32> to vector<16xf32>
      %get3A_708 = arith.constant 0 : i32
      %get3A_709 = arith.index_cast %get3A_708 : i32 to index
      %get3A_710 = arith.constant 928 : index
      %get3A_711 = tpu.vector_load %arg7[%get3A_709, %get3A_710] {strides = array<i32>} : memref<8x1024xf32, #tpu.memory_space<vmem>>, vector<1x16xf32>,
      %get3A_712 = vector.shape_cast %get3A_711 : vector<1x16xf32> to vector<16xf32>
      %get3A_713 = arith.constant 0 : i32
      %get3A_714 = arith.index_cast %get3A_713 : i32 to index
      %get3A_715 = arith.constant 944 : index
      %get3A_716 = tpu.vector_load %arg7[%get3A_714, %get3A_715] {strides = array<i32>} : memref<8x1024xf32, #tpu.memory_space<vmem>>, vector<1x16xf32>,
      %get3A_717 = vector.shape_cast %get3A_716 : vector<1x16xf32> to vector<16xf32>
      %get3A_718 = arith.constant 0 : i32
      %get3A_719 = arith.index_cast %get3A_718 : i32 to index
      %get3A_720 = arith.constant 960 : index
      %get3A_721 = tpu.vector_load %arg7[%get3A_719, %get3A_720] {strides = array<i32>} : memref<8x1024xf32, #tpu.memory_space<vmem>>, vector<1x16xf32>,
      %get3A_722 = vector.shape_cast %get3A_721 : vector<1x16xf32> to vector<16xf32>
      %get3A_723 = arith.constant 0 : i32
      %get3A_724 = arith.index_cast %get3A_723 : i32 to index
      %get3A_725 = arith.constant 976 : index
      %get3A_726 = tpu.vector_load %arg7[%get3A_724, %get3A_725] {strides = array<i32>} : memref<8x1024xf32, #tpu.memory_space<vmem>>, vector<1x16xf32>,
      %get3A_727 = vector.shape_cast %get3A_726 : vector<1x16xf32> to vector<16xf32>
      %get3A_728 = arith.constant 0 : i32
      %get3A_729 = arith.index_cast %get3A_728 : i32 to index
      %get3A_730 = arith.constant 992 : index
      %get3A_731 = tpu.vector_load %arg7[%get3A_729, %get3A_730] {strides = array<i32>} : memref<8x1024xf32, #tpu.memory_space<vmem>>, vector<1x16xf32>,
      %get3A_732 = vector.shape_cast %get3A_731 : vector<1x16xf32> to vector<16xf32>
      %get3A_733 = arith.constant 0 : i32
      %get3A_734 = arith.index_cast %get3A_733 : i32 to index
      %get3A_735 = arith.constant 1008 : index
      %get3A_736 = tpu.vector_load %arg7[%get3A_734, %get3A_735] {strides = array<i32>} : memref<8x1024xf32, #tpu.memory_space<vmem>>, vector<1x16xf32>,
      %get3A_737 = vector.shape_cast %get3A_736 : vector<1x16xf32> to vector<16xf32>
      %parallel_loop3A_738 = arith.constant 0 : i32
      %parallel_loop3A_739 = arith.constant 16 : i32
      %parallel_loop3A_740 = arith.constant 1 : i32
      scf.for %parallel_loop3A_755 = %parallel_loop3A_738 to %parallel_loop3A_739 step %parallel_loop3A_740  : i32 {
        %parallel_loop3A_756 = arith.index_cast %parallel_loop3A_755 : i32 to index
        %parallel_loop3A_757 = arith.constant 768 : index
        %parallel_loop3A_758 = tpu.vector_load %arg9[%parallel_loop3A_756, %parallel_loop3A_757] {strides = array<i32>} : memref<16x1024xf32, #tpu.memory_space<vmem>>, vector<1x16xf32>,
        %parallel_loop3A_759 = vector.shape_cast %parallel_loop3A_758 : vector<1x16xf32> to vector<16xf32>
        %parallel_loop3A_760 = arith.addf %parallel_loop3A_759, %get3A_662 : vector<16xf32>
        %parallel_loop3A_761 = arith.index_cast %parallel_loop3A_755 : i32 to index
        %parallel_loop3A_762 = arith.constant 768 : index
        %parallel_loop3A_763 = tpu.vector_load %arg11[%parallel_loop3A_761, %parallel_loop3A_762] {strides = array<i32>} : memref<16x1024xf32, #tpu.memory_space<vmem>>, vector<1x16xf32>,
        %parallel_loop3A_764 = vector.shape_cast %parallel_loop3A_763 : vector<1x16xf32> to vector<16xf32>
        %parallel_loop3A_765 = vector.shape_cast %parallel_loop3A_760 : vector<16xf32> to vector<1x16xf32>
        tpu.vector_store %arg11[%parallel_loop3A_761, %parallel_loop3A_762], %parallel_loop3A_765 {strides = array<i32>} : memref<16x1024xf32, #tpu.memory_space<vmem>>, vector<1x16xf32>,
        %parallel_loop3A_766 = arith.index_cast %parallel_loop3A_755 : i32 to index
        %parallel_loop3A_767 = arith.constant 784 : index
        %parallel_loop3A_768 = tpu.vector_load %arg9[%parallel_loop3A_766, %parallel_loop3A_767] {strides = array<i32>} : memref<16x1024xf32, #tpu.memory_space<vmem>>, vector<1x16xf32>,
        %parallel_loop3A_769 = vector.shape_cast %parallel_loop3A_768 : vector<1x16xf32> to vector<16xf32>
        %parallel_loop3A_770 = arith.addf %parallel_loop3A_769, %get3A_667 : vector<16xf32>
        %parallel_loop3A_771 = arith.index_cast %parallel_loop3A_755 : i32 to index
        %parallel_loop3A_772 = arith.constant 784 : index
        %parallel_loop3A_773 = tpu.vector_load %arg11[%parallel_loop3A_771, %parallel_loop3A_772] {strides = array<i32>} : memref<16x1024xf32, #tpu.memory_space<vmem>>, vector<1x16xf32>,
        %parallel_loop3A_774 = vector.shape_cast %parallel_loop3A_773 : vector<1x16xf32> to vector<16xf32>
        %parallel_loop3A_775 = vector.shape_cast %parallel_loop3A_770 : vector<16xf32> to vector<1x16xf32>
        tpu.vector_store %arg11[%parallel_loop3A_771, %parallel_loop3A_772], %parallel_loop3A_775 {strides = array<i32>} : memref<16x1024xf32, #tpu.memory_space<vmem>>, vector<1x16xf32>,
        %parallel_loop3A_776 = arith.index_cast %parallel_loop3A_755 : i32 to index
        %parallel_loop3A_777 = arith.constant 800 : index
        %parallel_loop3A_778 = tpu.vector_load %arg9[%parallel_loop3A_776, %parallel_loop3A_777] {strides = array<i32>} : memref<16x1024xf32, #tpu.memory_space<vmem>>, vector<1x16xf32>,
        %parallel_loop3A_779 = vector.shape_cast %parallel_loop3A_778 : vector<1x16xf32> to vector<16xf32>
        %parallel_loop3A_780 = arith.addf %parallel_loop3A_779, %get3A_672 : vector<16xf32>
        %parallel_loop3A_781 = arith.index_cast %parallel_loop3A_755 : i32 to index
        %parallel_loop3A_782 = arith.constant 800 : index
        %parallel_loop3A_783 = tpu.vector_load %arg11[%parallel_loop3A_781, %parallel_loop3A_782] {strides = array<i32>} : memref<16x1024xf32, #tpu.memory_space<vmem>>, vector<1x16xf32>,
        %parallel_loop3A_784 = vector.shape_cast %parallel_loop3A_783 : vector<1x16xf32> to vector<16xf32>
        %parallel_loop3A_785 = vector.shape_cast %parallel_loop3A_780 : vector<16xf32> to vector<1x16xf32>
        tpu.vector_store %arg11[%parallel_loop3A_781, %parallel_loop3A_782], %parallel_loop3A_785 {strides = array<i32>} : memref<16x1024xf32, #tpu.memory_space<vmem>>, vector<1x16xf32>,
        %parallel_loop3A_786 = arith.index_cast %parallel_loop3A_755 : i32 to index
        %parallel_loop3A_787 = arith.constant 816 : index
        %parallel_loop3A_788 = tpu.vector_load %arg9[%parallel_loop3A_786, %parallel_loop3A_787] {strides = array<i32>} : memref<16x1024xf32, #tpu.memory_space<vmem>>, vector<1x16xf32>,
        %parallel_loop3A_789 = vector.shape_cast %parallel_loop3A_788 : vector<1x16xf32> to vector<16xf32>
        %parallel_loop3A_790 = arith.addf %parallel_loop3A_789, %get3A_677 : vector<16xf32>
        %parallel_loop3A_791 = arith.index_cast %parallel_loop3A_755 : i32 to index
        %parallel_loop3A_792 = arith.constant 816 : index
        %parallel_loop3A_793 = tpu.vector_load %arg11[%parallel_loop3A_791, %parallel_loop3A_792] {strides = array<i32>} : memref<16x1024xf32, #tpu.memory_space<vmem>>, vector<1x16xf32>,
        %parallel_loop3A_794 = vector.shape_cast %parallel_loop3A_793 : vector<1x16xf32> to vector<16xf32>
        %parallel_loop3A_795 = vector.shape_cast %parallel_loop3A_790 : vector<16xf32> to vector<1x16xf32>
        tpu.vector_store %arg11[%parallel_loop3A_791, %parallel_loop3A_792], %parallel_loop3A_795 {strides = array<i32>} : memref<16x1024xf32, #tpu.memory_space<vmem>>, vector<1x16xf32>,
        %parallel_loop3A_796 = arith.index_cast %parallel_loop3A_755 : i32 to index
        %parallel_loop3A_797 = arith.constant 832 : index
        %parallel_loop3A_798 = tpu.vector_load %arg9[%parallel_loop3A_796, %parallel_loop3A_797] {strides = array<i32>} : memref<16x1024xf32, #tpu.memory_space<vmem>>, vector<1x16xf32>,
        %parallel_loop3A_799 = vector.shape_cast %parallel_loop3A_798 : vector<1x16xf32> to vector<16xf32>
        %parallel_loop3A_800 = arith.addf %parallel_loop3A_799, %get3A_682 : vector<16xf32>
        %parallel_loop3A_801 = arith.index_cast %parallel_loop3A_755 : i32 to index
        %parallel_loop3A_802 = arith.constant 832 : index
        %parallel_loop3A_803 = tpu.vector_load %arg11[%parallel_loop3A_801, %parallel_loop3A_802] {strides = array<i32>} : memref<16x1024xf32, #tpu.memory_space<vmem>>, vector<1x16xf32>,
        %parallel_loop3A_804 = vector.shape_cast %parallel_loop3A_803 : vector<1x16xf32> to vector<16xf32>
        %parallel_loop3A_805 = vector.shape_cast %parallel_loop3A_800 : vector<16xf32> to vector<1x16xf32>
        tpu.vector_store %arg11[%parallel_loop3A_801, %parallel_loop3A_802], %parallel_loop3A_805 {strides = array<i32>} : memref<16x1024xf32, #tpu.memory_space<vmem>>, vector<1x16xf32>,
        %parallel_loop3A_806 = arith.index_cast %parallel_loop3A_755 : i32 to index
        %parallel_loop3A_807 = arith.constant 848 : index
        %parallel_loop3A_808 = tpu.vector_load %arg9[%parallel_loop3A_806, %parallel_loop3A_807] {strides = array<i32>} : memref<16x1024xf32, #tpu.memory_space<vmem>>, vector<1x16xf32>,
        %parallel_loop3A_809 = vector.shape_cast %parallel_loop3A_808 : vector<1x16xf32> to vector<16xf32>
        %parallel_loop3A_810 = arith.addf %parallel_loop3A_809, %get3A_687 : vector<16xf32>
        %parallel_loop3A_811 = arith.index_cast %parallel_loop3A_755 : i32 to index
        %parallel_loop3A_812 = arith.constant 848 : index
        %parallel_loop3A_813 = tpu.vector_load %arg11[%parallel_loop3A_811, %parallel_loop3A_812] {strides = array<i32>} : memref<16x1024xf32, #tpu.memory_space<vmem>>, vector<1x16xf32>,
        %parallel_loop3A_814 = vector.shape_cast %parallel_loop3A_813 : vector<1x16xf32> to vector<16xf32>
        %parallel_loop3A_815 = vector.shape_cast %parallel_loop3A_810 : vector<16xf32> to vector<1x16xf32>
        tpu.vector_store %arg11[%parallel_loop3A_811, %parallel_loop3A_812], %parallel_loop3A_815 {strides = array<i32>} : memref<16x1024xf32, #tpu.memory_space<vmem>>, vector<1x16xf32>,
        %parallel_loop3A_816 = arith.index_cast %parallel_loop3A_755 : i32 to index
        %parallel_loop3A_817 = arith.constant 864 : index
        %parallel_loop3A_818 = tpu.vector_load %arg9[%parallel_loop3A_816, %parallel_loop3A_817] {strides = array<i32>} : memref<16x1024xf32, #tpu.memory_space<vmem>>, vector<1x16xf32>,
        %parallel_loop3A_819 = vector.shape_cast %parallel_loop3A_818 : vector<1x16xf32> to vector<16xf32>
        %parallel_loop3A_820 = arith.addf %parallel_loop3A_819, %get3A_692 : vector<16xf32>
        %parallel_loop3A_821 = arith.index_cast %parallel_loop3A_755 : i32 to index
        %parallel_loop3A_822 = arith.constant 864 : index
        %parallel_loop3A_823 = tpu.vector_load %arg11[%parallel_loop3A_821, %parallel_loop3A_822] {strides = array<i32>} : memref<16x1024xf32, #tpu.memory_space<vmem>>, vector<1x16xf32>,
        %parallel_loop3A_824 = vector.shape_cast %parallel_loop3A_823 : vector<1x16xf32> to vector<16xf32>
        %parallel_loop3A_825 = vector.shape_cast %parallel_loop3A_820 : vector<16xf32> to vector<1x16xf32>
        tpu.vector_store %arg11[%parallel_loop3A_821, %parallel_loop3A_822], %parallel_loop3A_825 {strides = array<i32>} : memref<16x1024xf32, #tpu.memory_space<vmem>>, vector<1x16xf32>,
        %parallel_loop3A_826 = arith.index_cast %parallel_loop3A_755 : i32 to index
        %parallel_loop3A_827 = arith.constant 880 : index
        %parallel_loop3A_828 = tpu.vector_load %arg9[%parallel_loop3A_826, %parallel_loop3A_827] {strides = array<i32>} : memref<16x1024xf32, #tpu.memory_space<vmem>>, vector<1x16xf32>,
        %parallel_loop3A_829 = vector.shape_cast %parallel_loop3A_828 : vector<1x16xf32> to vector<16xf32>
        %parallel_loop3A_830 = arith.addf %parallel_loop3A_829, %get3A_697 : vector<16xf32>
        %parallel_loop3A_831 = arith.index_cast %parallel_loop3A_755 : i32 to index
        %parallel_loop3A_832 = arith.constant 880 : index
        %parallel_loop3A_833 = tpu.vector_load %arg11[%parallel_loop3A_831, %parallel_loop3A_832] {strides = array<i32>} : memref<16x1024xf32, #tpu.memory_space<vmem>>, vector<1x16xf32>,
        %parallel_loop3A_834 = vector.shape_cast %parallel_loop3A_833 : vector<1x16xf32> to vector<16xf32>
        %parallel_loop3A_835 = vector.shape_cast %parallel_loop3A_830 : vector<16xf32> to vector<1x16xf32>
        tpu.vector_store %arg11[%parallel_loop3A_831, %parallel_loop3A_832], %parallel_loop3A_835 {strides = array<i32>} : memref<16x1024xf32, #tpu.memory_space<vmem>>, vector<1x16xf32>,
        %parallel_loop3A_836 = arith.index_cast %parallel_loop3A_755 : i32 to index
        %parallel_loop3A_837 = arith.constant 896 : index
        %parallel_loop3A_838 = tpu.vector_load %arg9[%parallel_loop3A_836, %parallel_loop3A_837] {strides = array<i32>} : memref<16x1024xf32, #tpu.memory_space<vmem>>, vector<1x16xf32>,
        %parallel_loop3A_839 = vector.shape_cast %parallel_loop3A_838 : vector<1x16xf32> to vector<16xf32>
        %parallel_loop3A_840 = arith.addf %parallel_loop3A_839, %get3A_702 : vector<16xf32>
        %parallel_loop3A_841 = arith.index_cast %parallel_loop3A_755 : i32 to index
        %parallel_loop3A_842 = arith.constant 896 : index
        %parallel_loop3A_843 = tpu.vector_load %arg11[%parallel_loop3A_841, %parallel_loop3A_842] {strides = array<i32>} : memref<16x1024xf32, #tpu.memory_space<vmem>>, vector<1x16xf32>,
        %parallel_loop3A_844 = vector.shape_cast %parallel_loop3A_843 : vector<1x16xf32> to vector<16xf32>
        %parallel_loop3A_845 = vector.shape_cast %parallel_loop3A_840 : vector<16xf32> to vector<1x16xf32>
        tpu.vector_store %arg11[%parallel_loop3A_841, %parallel_loop3A_842], %parallel_loop3A_845 {strides = array<i32>} : memref<16x1024xf32, #tpu.memory_space<vmem>>, vector<1x16xf32>,
        %parallel_loop3A_846 = arith.index_cast %parallel_loop3A_755 : i32 to index
        %parallel_loop3A_847 = arith.constant 912 : index
        %parallel_loop3A_848 = tpu.vector_load %arg9[%parallel_loop3A_846, %parallel_loop3A_847] {strides = array<i32>} : memref<16x1024xf32, #tpu.memory_space<vmem>>, vector<1x16xf32>,
        %parallel_loop3A_849 = vector.shape_cast %parallel_loop3A_848 : vector<1x16xf32> to vector<16xf32>
        %parallel_loop3A_850 = arith.addf %parallel_loop3A_849, %get3A_707 : vector<16xf32>
        %parallel_loop3A_851 = arith.index_cast %parallel_loop3A_755 : i32 to index
        %parallel_loop3A_852 = arith.constant 912 : index
        %parallel_loop3A_853 = tpu.vector_load %arg11[%parallel_loop3A_851, %parallel_loop3A_852] {strides = array<i32>} : memref<16x1024xf32, #tpu.memory_space<vmem>>, vector<1x16xf32>,
        %parallel_loop3A_854 = vector.shape_cast %parallel_loop3A_853 : vector<1x16xf32> to vector<16xf32>
        %parallel_loop3A_855 = vector.shape_cast %parallel_loop3A_850 : vector<16xf32> to vector<1x16xf32>
        tpu.vector_store %arg11[%parallel_loop3A_851, %parallel_loop3A_852], %parallel_loop3A_855 {strides = array<i32>} : memref<16x1024xf32, #tpu.memory_space<vmem>>, vector<1x16xf32>,
        %parallel_loop3A_856 = arith.index_cast %parallel_loop3A_755 : i32 to index
        %parallel_loop3A_857 = arith.constant 928 : index
        %parallel_loop3A_858 = tpu.vector_load %arg9[%parallel_loop3A_856, %parallel_loop3A_857] {strides = array<i32>} : memref<16x1024xf32, #tpu.memory_space<vmem>>, vector<1x16xf32>,
        %parallel_loop3A_859 = vector.shape_cast %parallel_loop3A_858 : vector<1x16xf32> to vector<16xf32>
        %parallel_loop3A_860 = arith.addf %parallel_loop3A_859, %get3A_712 : vector<16xf32>
        %parallel_loop3A_861 = arith.index_cast %parallel_loop3A_755 : i32 to index
        %parallel_loop3A_862 = arith.constant 928 : index
        %parallel_loop3A_863 = tpu.vector_load %arg11[%parallel_loop3A_861, %parallel_loop3A_862] {strides = array<i32>} : memref<16x1024xf32, #tpu.memory_space<vmem>>, vector<1x16xf32>,
        %parallel_loop3A_864 = vector.shape_cast %parallel_loop3A_863 : vector<1x16xf32> to vector<16xf32>
        %parallel_loop3A_865 = vector.shape_cast %parallel_loop3A_860 : vector<16xf32> to vector<1x16xf32>
        tpu.vector_store %arg11[%parallel_loop3A_861, %parallel_loop3A_862], %parallel_loop3A_865 {strides = array<i32>} : memref<16x1024xf32, #tpu.memory_space<vmem>>, vector<1x16xf32>,
        %parallel_loop3A_866 = arith.index_cast %parallel_loop3A_755 : i32 to index
        %parallel_loop3A_867 = arith.constant 944 : index
        %parallel_loop3A_868 = tpu.vector_load %arg9[%parallel_loop3A_866, %parallel_loop3A_867] {strides = array<i32>} : memref<16x1024xf32, #tpu.memory_space<vmem>>, vector<1x16xf32>,
        %parallel_loop3A_869 = vector.shape_cast %parallel_loop3A_868 : vector<1x16xf32> to vector<16xf32>
        %parallel_loop3A_870 = arith.addf %parallel_loop3A_869, %get3A_717 : vector<16xf32>
        %parallel_loop3A_871 = arith.index_cast %parallel_loop3A_755 : i32 to index
        %parallel_loop3A_872 = arith.constant 944 : index
        %parallel_loop3A_873 = tpu.vector_load %arg11[%parallel_loop3A_871, %parallel_loop3A_872] {strides = array<i32>} : memref<16x1024xf32, #tpu.memory_space<vmem>>, vector<1x16xf32>,
        %parallel_loop3A_874 = vector.shape_cast %parallel_loop3A_873 : vector<1x16xf32> to vector<16xf32>
        %parallel_loop3A_875 = vector.shape_cast %parallel_loop3A_870 : vector<16xf32> to vector<1x16xf32>
        tpu.vector_store %arg11[%parallel_loop3A_871, %parallel_loop3A_872], %parallel_loop3A_875 {strides = array<i32>} : memref<16x1024xf32, #tpu.memory_space<vmem>>, vector<1x16xf32>,
        %parallel_loop3A_876 = arith.index_cast %parallel_loop3A_755 : i32 to index
        %parallel_loop3A_877 = arith.constant 960 : index
        %parallel_loop3A_878 = tpu.vector_load %arg9[%parallel_loop3A_876, %parallel_loop3A_877] {strides = array<i32>} : memref<16x1024xf32, #tpu.memory_space<vmem>>, vector<1x16xf32>,
        %parallel_loop3A_879 = vector.shape_cast %parallel_loop3A_878 : vector<1x16xf32> to vector<16xf32>
        %parallel_loop3A_880 = arith.addf %parallel_loop3A_879, %get3A_722 : vector<16xf32>
        %parallel_loop3A_881 = arith.index_cast %parallel_loop3A_755 : i32 to index
        %parallel_loop3A_882 = arith.constant 960 : index
        %parallel_loop3A_883 = tpu.vector_load %arg11[%parallel_loop3A_881, %parallel_loop3A_882] {strides = array<i32>} : memref<16x1024xf32, #tpu.memory_space<vmem>>, vector<1x16xf32>,
        %parallel_loop3A_884 = vector.shape_cast %parallel_loop3A_883 : vector<1x16xf32> to vector<16xf32>
        %parallel_loop3A_885 = vector.shape_cast %parallel_loop3A_880 : vector<16xf32> to vector<1x16xf32>
        tpu.vector_store %arg11[%parallel_loop3A_881, %parallel_loop3A_882], %parallel_loop3A_885 {strides = array<i32>} : memref<16x1024xf32, #tpu.memory_space<vmem>>, vector<1x16xf32>,
        %parallel_loop3A_886 = arith.index_cast %parallel_loop3A_755 : i32 to index
        %parallel_loop3A_887 = arith.constant 976 : index
        %parallel_loop3A_888 = tpu.vector_load %arg9[%parallel_loop3A_886, %parallel_loop3A_887] {strides = array<i32>} : memref<16x1024xf32, #tpu.memory_space<vmem>>, vector<1x16xf32>,
        %parallel_loop3A_889 = vector.shape_cast %parallel_loop3A_888 : vector<1x16xf32> to vector<16xf32>
        %parallel_loop3A_890 = arith.addf %parallel_loop3A_889, %get3A_727 : vector<16xf32>
        %parallel_loop3A_891 = arith.index_cast %parallel_loop3A_755 : i32 to index
        %parallel_loop3A_892 = arith.constant 976 : index
        %parallel_loop3A_893 = tpu.vector_load %arg11[%parallel_loop3A_891, %parallel_loop3A_892] {strides = array<i32>} : memref<16x1024xf32, #tpu.memory_space<vmem>>, vector<1x16xf32>,
        %parallel_loop3A_894 = vector.shape_cast %parallel_loop3A_893 : vector<1x16xf32> to vector<16xf32>
        %parallel_loop3A_895 = vector.shape_cast %parallel_loop3A_890 : vector<16xf32> to vector<1x16xf32>
        tpu.vector_store %arg11[%parallel_loop3A_891, %parallel_loop3A_892], %parallel_loop3A_895 {strides = array<i32>} : memref<16x1024xf32, #tpu.memory_space<vmem>>, vector<1x16xf32>,
        %parallel_loop3A_896 = arith.index_cast %parallel_loop3A_755 : i32 to index
        %parallel_loop3A_897 = arith.constant 992 : index
        %parallel_loop3A_898 = tpu.vector_load %arg9[%parallel_loop3A_896, %parallel_loop3A_897] {strides = array<i32>} : memref<16x1024xf32, #tpu.memory_space<vmem>>, vector<1x16xf32>,
        %parallel_loop3A_899 = vector.shape_cast %parallel_loop3A_898 : vector<1x16xf32> to vector<16xf32>
        %parallel_loop3A_900 = arith.addf %parallel_loop3A_899, %get3A_732 : vector<16xf32>
        %parallel_loop3A_901 = arith.index_cast %parallel_loop3A_755 : i32 to index
        %parallel_loop3A_902 = arith.constant 992 : index
        %parallel_loop3A_903 = tpu.vector_load %arg11[%parallel_loop3A_901, %parallel_loop3A_902] {strides = array<i32>} : memref<16x1024xf32, #tpu.memory_space<vmem>>, vector<1x16xf32>,
        %parallel_loop3A_904 = vector.shape_cast %parallel_loop3A_903 : vector<1x16xf32> to vector<16xf32>
        %parallel_loop3A_905 = vector.shape_cast %parallel_loop3A_900 : vector<16xf32> to vector<1x16xf32>
        tpu.vector_store %arg11[%parallel_loop3A_901, %parallel_loop3A_902], %parallel_loop3A_905 {strides = array<i32>} : memref<16x1024xf32, #tpu.memory_space<vmem>>, vector<1x16xf32>,
        %parallel_loop3A_906 = arith.index_cast %parallel_loop3A_755 : i32 to index
        %parallel_loop3A_907 = arith.constant 1008 : index
        %parallel_loop3A_908 = tpu.vector_load %arg9[%parallel_loop3A_906, %parallel_loop3A_907] {strides = array<i32>} : memref<16x1024xf32, #tpu.memory_space<vmem>>, vector<1x16xf32>,
        %parallel_loop3A_909 = vector.shape_cast %parallel_loop3A_908 : vector<1x16xf32> to vector<16xf32>
        %parallel_loop3A_910 = arith.addf %parallel_loop3A_909, %get3A_737 : vector<16xf32>
        %parallel_loop3A_911 = arith.index_cast %parallel_loop3A_755 : i32 to index
        %parallel_loop3A_912 = arith.constant 1008 : index
        %parallel_loop3A_913 = tpu.vector_load %arg11[%parallel_loop3A_911, %parallel_loop3A_912] {strides = array<i32>} : memref<16x1024xf32, #tpu.memory_space<vmem>>, vector<1x16xf32>,
        %parallel_loop3A_914 = vector.shape_cast %parallel_loop3A_913 : vector<1x16xf32> to vector<16xf32>
        %parallel_loop3A_915 = vector.shape_cast %parallel_loop3A_910 : vector<16xf32> to vector<1x16xf32>
        tpu.vector_store %arg11[%parallel_loop3A_911, %parallel_loop3A_912], %parallel_loop3A_915 {strides = array<i32>} : memref<16x1024xf32, #tpu.memory_space<vmem>>, vector<1x16xf32>,
      } {sc.loop_unroll_factor = 2 : i64, sc.parallel_access}
      %add3A_741 = arith.constant 2 : i32
      %add3A_742 = arith.addi %add3A_396, %add3A_741 : i32
      %lt3A_743 = arith.constant 32 : i32
      %lt3A_744 = arith.cmpi slt, %add3A_742, %lt3A_743 : i32
      %convert_element_type3A_745 = arith.extui %lt3A_744 : i1 to i32
      %cond3A_746 = arith.constant 0 : i32
      %cond3A_747 = arith.cmpi ne, %convert_element_type3A_745, %cond3A_746 : i32
      scf.if %cond3A_747 {
        %add3A_755 = arith.constant 2 : i32
        %add3A_756 = arith.addi %add3A_396, %add3A_755 : i32
        %mul3A_757 = arith.constant 16 : i32
        %mul3A_758 = arith.muli %add3A_756, %mul3A_757 : i32
        %add3A_759 = arith.addi %mul3A_2, %mul3A_758 : i32
        %dma_start3A_760 = arith.constant 0 : i32
        %dma_start3A_761 = tpu.memref_slice %arg4[%add3A_759, %dma_start3A_760] : memref<16384x1024xf32, #tpu.memory_space<hbm>> -> memref<16x1024xf32, #tpu.memory_space<hbm>>
        %dma_start3A_762 = arith.constant 0 : i32
        %dma_start3A_763 = tpu.memref_slice %arg4[%add3A_759, %dma_start3A_762] : memref<16384x1024xf32, #tpu.memory_space<hbm>> -> memref<16x1024xf32, #tpu.memory_space<hbm>>
        tpu.enqueue_dma source(%dma_start3A_763 : memref<16x1024xf32, #tpu.memory_space<hbm>>) target(%arg9 : memref<16x1024xf32, #tpu.memory_space<vmem>>) target_semaphore(%arg14 : memref<!tpu.dma_semaphore, #tpu.memory_space<semaphore_mem>>)
      } else {
      }
      %mul3A_748 = arith.constant 16 : i32
      %mul3A_749 = arith.muli %add3A_396, %mul3A_748 : i32
      %add3A_750 = arith.addi %mul3A_2, %mul3A_749 : i32
      %dma_start3A_751 = arith.constant 0 : i32
      %dma_start3A_752 = tpu.memref_slice %arg5[%add3A_750, %dma_start3A_751] : memref<16384x1024xf32, #tpu.memory_space<hbm>> -> memref<16x1024xf32, #tpu.memory_space<hbm>>
      %dma_start3A_753 = arith.constant 0 : i32
      %dma_start3A_754 = tpu.memref_slice %arg5[%add3A_750, %dma_start3A_753] : memref<16384x1024xf32, #tpu.memory_space<hbm>> -> memref<16x1024xf32, #tpu.memory_space<hbm>>
      tpu.enqueue_dma source(%arg11 : memref<16x1024xf32, #tpu.memory_space<vmem>>) target(%dma_start3A_754 : memref<16x1024xf32, #tpu.memory_space<hbm>>) target_semaphore(%arg16 : memref<!tpu.dma_semaphore, #tpu.memory_space<semaphore_mem>>)
    }
    %scan3A_23 = arith.constant 16 : i32
    %add3A_24 = arith.constant 480 : i32
    %add3A_25 = arith.addi %mul3A_2, %add3A_24 : i32
    %dma_wait3A_26 = arith.constant 0 : i32
    %dma_wait3A_27 = tpu.memref_slice %arg5[%add3A_25, %dma_wait3A_26] : memref<16384x1024xf32, #tpu.memory_space<hbm>> -> memref<16x1024xf32, #tpu.memory_space<hbm>>
    %dma_wait3A_28 = arith.constant 0 : i32
    %dma_wait3A_29 = tpu.memref_slice %arg5[%add3A_25, %dma_wait3A_28] : memref<16384x1024xf32, #tpu.memory_space<hbm>> -> memref<16x1024xf32, #tpu.memory_space<hbm>>
    tpu.wait_dma2 semaphore(%arg15 : memref<!tpu.dma_semaphore, #tpu.memory_space<semaphore_mem>>) src(%arg10 : memref<16x1024xf32, #tpu.memory_space<vmem>>) dst(%dma_wait3A_29 : memref<16x1024xf32, #tpu.memory_space<hbm>>)
    %add3A_30 = arith.constant 496 : i32
    %add3A_31 = arith.addi %mul3A_2, %add3A_30 : i32
    %dma_wait3A_32 = arith.constant 0 : i32
    %dma_wait3A_33 = tpu.memref_slice %arg5[%add3A_31, %dma_wait3A_32] : memref<16384x1024xf32, #tpu.memory_space<hbm>> -> memref<16x1024xf32, #tpu.memory_space<hbm>>
    %dma_wait3A_34 = arith.constant 0 : i32
    %dma_wait3A_35 = tpu.memref_slice %arg5[%add3A_31, %dma_wait3A_34] : memref<16384x1024xf32, #tpu.memory_space<hbm>> -> memref<16x1024xf32, #tpu.memory_space<hbm>>
    tpu.wait_dma2 semaphore(%arg16 : memref<!tpu.dma_semaphore, #tpu.memory_space<semaphore_mem>>) src(%arg11 : memref<16x1024xf32, #tpu.memory_space<vmem>>) dst(%dma_wait3A_35 : memref<16x1024xf32, #tpu.memory_space<hbm>>)
    return
  }
}

</mosaic_0001>

<sc_bundles>
// kernel: kernel.3.cloned.1.call-start
scs
__scs_entry_jumppad:
0x0: {  	(pc) =	sbr.rel $0x88, $3  }
0x1: {  	(tag) =	ssettag $0x0;
	lr =	simm.s32 $0x1  }
0x2: {  	[smem:$0x3F9E] =	sst lr;
	_ =	strace $0xD0000000  }
0x3: {  	_ = 	snop  }
0x4: {  	_ = 	snop  }
0x5: {  	_ = 	snop  }
0x6: {  	_ = 	snop  }
0x7: {  	_ = 	snop  }
__scs_overlays_trampoline_lowered:
0x8: {  	[smem:$0x3FAD] =	sst s0  }
0x9: {  	[smem:$0x3FAE] =	sst s1  }
0xa: {  	[smem:$0x3FAF] =	sst s2  }
0xb: {  	[smem:$0x3FB0] =	sst s3  }
0xc: {  	[smem:$0x3FB1] =	sst s4  }
0xd: {  	[smem:$0x3FB2] =	sst s5  }
0xe: {  	[smem:$0x3FB3] =	sst s6  }
0xf: {  	[smem:$0x3FB4] =	sst s7  }
0x10: {  	[smem:$0x3FB5] =	sst s8  }
0x11: {  	[smem:$0x3FB6] =	sst s9;
	s0 =	simm.s32 @!p0 $0x0  }
0x12: {  	s1 =	sld [smem:$0x3F9C];
	s0 =	simm.s32 @p0 $0x1  }
0x13: {  	[smem:$0x3FB7] =	sst s0;
	s0 =	simm.s32 @!p1 $0x0  }
0x14: {  	s2 =	sld [smem:$0x3F9B];
	s0 =	simm.s32 @p1 $0x1  }
0x15: {  	[smem:$0x3FB8] =	sst s0;
	s0 =	simm.s32 @!p2 $0x0  }
0x16: {  	s3 =	sld [smem:$0x3FDB];
	s0 =	simm.s32 @p2 $0x1  }
0x17: {  	s4 =	simm.s32 $0x1BF5;
	[smem:$0x3FBA] =	sst s0  }
0x18: {  	s0 =	sld [smem:$0x3F9D];
	_ =	swait.ge [sflag:s4], $0x0  }
0x19: {  	s7 =	sld [smem:$0x3F9E]  }
0x1a: {  	s8 =	sadd.s32 $0xFFFFE003, lr  }
0x1b: {  	s9 =	sadd.s32 $0xFFFFFEF7, lr;
	s5 =	simm.s32 $0xFFFFFFFF;
	p2 =	slt.u32 s8, $0xFFFFF086  }
0x1c: {  	p1 =	slt.u32 s9, $0xF7A;
	s5 =	simm.s32 @!p2 $0x0  }
0x1d: {  	s5 =	simm.s32 @p1 $0x1;
	p0 =	seq.s32 s7, s2  }
0x1e: {  	s7 =	smul.u32 @!p0 $0xF7A, s2;
	p2 =	seq.s32 @!p0 s5, $0x0  }
0x1f: {  	s9 =	smul.u32 $0xF7A, s1;
	s8 =	simm.s32 @!p0 $0x1BF5;
	p2 =	por !p2, p0  }
0x20: {  	[sflag:s8] =	ssyncset.s32 @!p0 $0xFFFFF086;
	s6 =	sadd.s32 @!p0 s3, s7;
	s7 =	simm.s32 @!p0 $0x108  }
0x21: {  	s3 =	sadd.s32 s3, s9;
	s6 =	sadd.s32 @!p0 $0x88, s6;
	s7 =	simm.s32 @p2 $0x1082  }
0x22: {  	[simem:s7], [sflag:s8] =	dma.local @!p0 [hbm:s6], $0xF7A  }
0x23: {  	s9 =	sor.u32 $0xD0000000, s2;
	s6 =	simm.s32 $0x108;
	_ =	swait.ge @!p0 [sflag:s8], $0x0  }
0x24: {  	s3 =	sadd.s32 $0x88, s3;
	s6 =	simm.s32 @!p1 $0x1082;
	[sflag:s4] =	ssyncset.s32 $0xFFFFF086  }
0x25: {  	[simem:s6], [sflag:s4] =	dma.local [hbm:s3], $0xF7A  }
0x26: {  	[smem:$0x3F9E] =	sst s1;
	(tag) =	ssettag s2;
	_ =	strace s9  }
0x27: {  	s1 =	sld [smem:$0x3FAE]  }
0x28: {  	s2 =	sld [smem:$0x3FAF]  }
0x29: {  	s4 =	sld [smem:$0x3FB1]  }
0x2a: {  	p0 =	seq.s32 s5, $0x0;
	s5 =	sld [smem:$0x3FB2]  }
0x2b: {  	s6 =	sld [smem:$0x3FB3]  }
0x2c: {  	s7 =	sld [smem:$0x3FB4]  }
0x2d: {  	s3 =	simm.s32 $0x108;
	s8 =	sld [smem:$0x3FB5]  }
0x2e: {  	s3 =	simm.s32 @!p0 $0x1082;
	s9 =	sld [smem:$0x3FB6]  }
0x2f: {  	lr =	sadd.s32 s0, s3;
	s0 =	sld [smem:$0x3FAD]  }
0x30: {  	s3 =	sld [smem:$0x3FB0]  }
0x31: {  	[smem:$0x3FB9] =	sst s10  }
0x32: {  	s10 =	sld [smem:$0x3FB7];
	_ =	sdelay $0x3  }
0x33: {  	p0 =	seq.s32 s10, $0x1;
	s10 =	sld [smem:$0x3FB9];
	_ =	sdelay $0x3  }
0x34: {  	[smem:$0x3FB9] =	sst s10  }
0x35: {  	s10 =	sld [smem:$0x3FB8];
	_ =	sdelay $0x3  }
0x36: {  	p1 =	seq.s32 s10, $0x1;
	s10 =	sld [smem:$0x3FB9];
	_ =	sdelay $0x3  }
0x37: {  	[smem:$0x3FB9] =	sst s10  }
0x38: {  	s10 =	sld [smem:$0x3FBA]  }
0x39: {  	_ = 	snop;
	(pc) =	sbr.ind lr, $3  }
0x3a: {  	_ = 	snop  }
0x3b: {  	_ = 	snop  }
0x3c: {  	p2 =	seq.s32 s10, $0x1;
	s10 =	sld [smem:$0x3FB9]  }
0x3d: {  	_ =	shalt  }
0x3e: {  	_ =	shalt  }
0x3f: {  	_ =	shalt  }
0x40: {  	_ =	shalt  }
0x41: {  	_ =	shalt  }
0x42: {  	_ =	shalt  }
0x43: {  	_ =	shalt  }
0x44: {  	_ =	shalt  }
0x45: {  	_ =	shalt  }
0x46: {  	_ =	shalt  }
0x47: {  	_ =	shalt  }
0x48: {  	_ =	shalt  }
0x49: {  	_ =	shalt  }
0x4a: {  	_ =	shalt  }
0x4b: {  	_ =	shalt  }
0x4c: {  	_ =	shalt  }
0x4d: {  	_ =	shalt  }
0x4e: {  	_ =	shalt  }
0x4f: {  	_ =	shalt  }
0x50: {  	_ =	shalt  }
0x51: {  	_ =	shalt  }
0x52: {  	_ =	shalt  }
0x53: {  	_ =	shalt  }
0x54: {  	_ =	shalt  }
0x55: {  	_ =	shalt  }
0x56: {  	_ =	shalt  }
0x57: {  	_ =	shalt  }
0x58: {  	_ =	shalt  }
0x59: {  	_ =	shalt  }
0x5a: {  	_ =	shalt  }
0x5b: {  	_ =	shalt  }
0x5c: {  	_ =	shalt  }
0x5d: {  	_ =	shalt  }
0x5e: {  	_ =	shalt  }
0x5f: {  	_ =	shalt  }
0x60: {  	_ =	shalt  }
0x61: {  	_ =	shalt  }
0x62: {  	_ =	shalt  }
0x63: {  	_ =	shalt  }
0x64: {  	_ =	shalt  }
0x65: {  	_ =	shalt  }
0x66: {  	_ =	shalt  }
0x67: {  	_ =	shalt  }
0x68: {  	_ =	shalt  }
0x69: {  	_ =	shalt  }
0x6a: {  	_ =	shalt  }
0x6b: {  	_ =	shalt  }
0x6c: {  	_ =	shalt  }
0x6d: {  	_ =	shalt  }
0x6e: {  	_ =	shalt  }
0x6f: {  	_ =	shalt  }
0x70: {  	_ =	shalt  }
0x71: {  	_ =	shalt  }
0x72: {  	_ =	shalt  }
0x73: {  	_ =	shalt  }
0x74: {  	_ =	shalt  }
0x75: {  	_ =	shalt  }
0x76: {  	_ =	shalt  }
0x77: {  	_ =	shalt  }
0x78: {  	_ =	shalt  }
0x79: {  	_ =	shalt  }
0x7a: {  	_ =	shalt  }
0x7b: {  	_ =	shalt  }
0x7c: {  	_ =	shalt  }
0x7d: {  	_ =	shalt  }
0x7e: {  	_ =	shalt  }
0x7f: {  	_ =	shalt  }
0x80: {  	_ =	shalt  }
0x81: {  	_ =	shalt  }
0x82: {  	_ =	shalt  }
0x83: {  	_ =	shalt  }
0x84: {  	_ =	shalt  }
0x85: {  	_ =	shalt  }
0x86: {  	_ =	shalt  }
0x87: {  	_ =	shalt  }
.Lfunc_end0:
.L_simem_size_0:
called_computation_lowered:
.L_overlay_start_0:
0x88: {  	s2 =	sld [smem:$0x3FD9]  }
0x89: {  	s3 =	sld [smem:$0x3FFE];
	_ =	sdelay $0x1  }
0x8a: {  	s1 =	srdreg.scid  }
0x8b: {  	s0 =	sand.u32 $0x1, s1  }
0x8c: {  	s17 =	sshll.u32 s0, $0xA;
	s2 =	sadd.s32 s3, s2  }
0x8d: {  	s2 =	sadd.s32 s2, s17  }
0x8e: {  	[smem:$0x3FC5] =	sst s2  }
0x8f: {  	_ = 	snop  }
0x90: {  	s2 =	sld [smem:$0x3FC9]  }
0x91: {  	s18 =	sld [smem:$0x3FC7]  }
0x92: {  	s4 =	sld [smem:$0x3FD0];
	(tm) =	ssettm $0x1  }
0x93: {  	s5 =	sld [smem:$0x3FFB];
	_ =	sdelay $0x3  }
0x94: {  	_ =	strace s5  }
0x95: {  	s5 =	sld [smem:$0x3FFC];
	_ =	sdelay $0x3  }
0x96: {  	_ =	strace s5  }
0x97: {  	s5 =	sld [smem:$0x3FFD];
	_ =	sdelay $0x3  }
0x98: {  	_ =	strace s5  }
0x99: {  	_ =	strace $0x8FFFFFFF  }
0x9a: {  	s19 =	sld [smem:$0x3FDB];
	_ =	sdelay $0x1  }
0x9b: {  	s6 =	simm.s32 $_scs_section_size  }
0x9c: {  	s7 =	simm.s32 $_size__tile_overlayer_lowered;
	s8 =	simm.s32 $_tile_overlayer_lowered  }
0x9d: {  	s22 =	simm.s32 $0x1BFF;
	s21 =	sshll.u32 s8, $0x1;
	s5 =	sadd.s32 s6, s19  }
0x9e: {  	s9 =	simm.s32 $0x0;
	s20 =	sshll.u32 s7, $0x1;
	s7 =	sadd.s32 s21, s5  }
0x9f: {  	[timem:s9], [sflag:s22] =	dma.local [hbm:s7], s20  }
0xa0: {  	_ =	swait.ge [sflag:s22], s20  }
0xa1: {  	s6 =	ssub.s32 $0x0, s20;
	[sflag:s22] =	ssyncset.done $0x0  }
0xa2: {  	[sflag:s22] =	ssyncadd.s32 s6;
	_ =	sdelay $0x1  }
0xa3: {  	s23 =	simm.s32 $0x1B8B  }
0xa4: {  	_ =	swait.ge [sflag:s23], $0x1  }
0xa5: {  	[sflag:s23] =	ssyncset.done $0x0  }
0xa6: {  	s25 =	simm.s32 $0x1B8E;
	s24 =	sld [smem:$0x3FFE];
	[sflag:s23] =	ssyncadd.s32 $0xFFFFFFFF  }
0xa7: {  	s26 =	simm.s32 $execute0_lowered;
	[smem:$0x3FD2] =	sst s25  }
0xa8: {  	s7 =	sshll.u32 s26, $0x1;
	_ =	strace $0x80000046;
	[dreg:$0x1] =	wrdreg $0xFFFFFFFF  }
0xa9: {  	s28 =	simm.s32 $_size_execute0_lowered;
	s5 =	sadd.s32 s5, s7;
	[dreg:$0x0] =	wrdreg $0x0  }
0xaa: {  	s7 =	sshll.u32 s28, $0x1;
	[dreg:$0x2] =	wrdreg s5  }
0xab: {  	[dreg:$0x3] =	wrdreg s7  }
0xac: {  	[dreg:$0x4] =	wrdreg $0xC0  }
0xad: {  	_ =	task [dreg:s9], $0x5FFFF  }
0xae: {  	[dreg:$0x1] =	wrdreg $0xFFFFFFFF  }
0xaf: {  	[dreg:$0x0] =	wrdreg $0x60  }
0xb0: {  	[dreg:$0x2] =	wrdreg s24  }
0xb1: {  	[dreg:$0x3] =	wrdreg s18  }
0xb2: {  	[dreg:$0x4] =	wrdreg s2  }
0xb3: {  	[dreg:$0x5] =	wrdreg s4  }
0xb4: {  	[dreg:$0x6] =	wrdreg $0x9  }
0xb5: {  	_ =	task.clear_ibuf [dreg:s9], $0x7FFFF;
	_ =	strace $0x90000046  }
0xb6: {  	s29 =	simm.s32 $0x9;
	_ =	strace $0x80000048  }
0xb7: {  	_ =	swait.ge [sflag:s29], $0x1  }
0xb8: {  	[sflag:s29] =	ssyncadd.s32 $0xFFFFFFFF  }
0xb9: {  	_ =	strace $0x90000048  }
0xba: {  	_ =	sfence  }
0xbb: {  	s30 =	sld [smem:$0x0];
	_ =	sdelay $0x2  }
0xbc: {  	s31 =	sshll.u32 s1, $0xD;
	s1 =	sshrl.u32 s1, $0x2  }
0xbd: {  	s3 =	sand.u32 $0x4000, s31;
	s1 =	sadd.s32 s1, s30  }
0xbe: {  	s0 =	sor.u32 s3, s0;
	s1 =	sshll.u32 s1, $0x11  }
0xbf: {  	s0 =	sor.u32 s1, s0  }
0xc0: {  	s0 =	sadd.s32 $0x8F2B, s0  }
0xc1: {  	[sflag:s0] =	ssyncadd.remote.s32 $0x1  }
0xc2: {  	_ =	sfence.sel $0xFFFF  }
0xc3: {  	[dreg:$0x0] =	wrdreg $0xFFFFFFFF;
	(pc) =	sbr.abs _section_cstart, $3  }
0xc4: {  	[dreg:$0x1] =	wrdreg $0xFFFFFFFF  }
0xc5: {  	_ =	task.clear_ibuf [dreg:s9], $0x2FFFF;
	_ =	strace $0x9FFFFFFF  }
0xc6: {  	(tm) =	ssettm $0x7FFFFFFF  }
0xc7: {  	_ =	shalt  }
tec
execute0_lowered:
.L_overlay_start_1:
0x0: {  	(tag) =	ssettag $0x1  }
0x1: {  	s0 =	rddreg [dreg:$0x0]  }
0x2: {  	s6 =	rddreg [dreg:$0x1]  }
0x3: {  	s1 =	rddreg [dreg:$0x2]  }
0x4: {  	s2 =	rddreg [dreg:$0x3];
	s3 =	simm.s32 $0x0;
	s23 =	srdreg.scid  }
0x5: {  	s5 =	stileid.u32;
	[smem:$0x7FF] =	sst s3;
	s3 =	sand.u32 $0x1, s23  }
0x6: {  	s0 =	sadd.s32 $0x400, s0;
	s5 =	sshll.u32 s5, $0x11;
	s25 =	sadd.s32 $0x100, s6  }
0x7: {  	s26 =	sadd.s32 $0x200, s6;
	_ =	strace $0x80000047;
	[smem:$0x7F3] =	sst s0  }
0x8: {  	s24 =	ssub.s32 $0x2, s3;
	s3 =	sshll.u32 s3, $0x10;
	[smem:$0x7F4] =	sst s25  }
0x9: {  	s28 =	sadd.s32 $0x300, s6;
	[smem:$0x7F5] =	sst s26;
	s3 =	sor.u32 s3, s5  }
0xa: {  	[smem:$0x7F6] =	sst s28;
	s1 =	sadd.s32 s1, s3  }
0xb: {  	s2 =	sadd.s32 s2, s3;
	[smem:$0x7F9] =	sst s1  }
0xc: {  	s29 =	sadd.s32 $0x800, s1;
	[smem:$0x7FC] =	sst s2  }
0xd: {  	s4 =	sshrl.u32 s24, $0x1;
	s30 =	sadd.s32 $0x1000, s1;
	[smem:$0x7F7] =	sst s29  }
0xe: {  	s0 =	ssub.s32 s24, s4;
	s1 =	sadd.s32 $0x1800, s1;
	[smem:$0x7F8] =	sst s30  }
0xf: {  	v0 =	vlaneseq.u32;
	s0 =	smax.u32 s0, $0x1;
	[smem:$0x7FA] =	sst s1  }
0x10: {  	v1 =	vshrl.u32 v0, $0x3;
	s31 =	sadd.s32 $0x800, s2;
	[smem:$0x7FB] =	sst s0  }
0x11: {  	vm0 =	vmmov $0xffff;
	v0 =	vand.u32 $0x7, v0;
	v1 =	vmul.u32 $0x8, v1;
	s2 =	simm.s32 $0x0;
	[smem:$0x7FD] =	sst s31  }
.LBB2_1:
0x12: {  	s0 =	sld [smem:$0x7F3];
	_ =	sdelay $0x1  }
0x13: {  	[smem:$0x7F2] =	sst s2;
	s1 =	simm.s32 $0x0;
	s18 =	simm.s32 $0x6  }
0x14: {  	[tilespmem:s1], [sflag:$0x6] =	stream.linear.gather [hbm4b:s0+s1], $0x80, $0x38;
	[tilespmem:$0x12080] =	vst v63  }
0x15: {  	_ =	swait.ge [sflag:s18], $0x80  }
0x16: {  	[sflag:s18] =	ssyncset.done $0x0  }
0x17: {  	[sflag:s18] =	ssyncadd.s32 $0xFFFFFF80  }
0x18: {  	v2 =	vld.msk [tilespmem:$0x0], $0xff;
	_ =	sdelay $0x4  }
0x19: {  	v3 =	vshll.u32 v2, $0x3  }
0x1a: {  	v2 =	vand.u32 $0x7, v2;
	v3 =	vand.u32 $0xFFFFFFC0, v3  }
0x1b: {  	v2 =	vor.u32 v2, v3  }
0x1c: {  	v2 =	vperm.xlane v2, v0;
	_ =	sdelay $0x1  }
0x1d: {  	v2 =	vadd.s32 v1, v2;
	_ =	sdelay $0x2  }
0x1e: {  	s20 =	sld [smem:$0x7F4]  }
0x1f: {  	s19 =	simm.s32 $0x80;
	s0 =	rddreg [dreg:$0x1]  }
0x20: {  	[tilespmem:s19], [sflag:$0x1] =	stream.indirect_vreg.gather [hbm4b:s0+s1], $0x80, v2, vm0, $0xb8;
	[tilespmem:$0x12080] =	vst v63  }
0x21: {  	s21 =	simm.s32 $0x880;
	s22 =	sld [smem:$0x7F5]  }
0x22: {  	[tilespmem:s21], [sflag:$0x1] =	stream.indirect_vreg.gather [hbm4b:s20+s1], $0x80, v2, vm0, $0xb8;
	[tilespmem:$0x12080] =	vst v63  }
0x23: {  	s23 =	simm.s32 $0x1080;
	s24 =	sld [smem:$0x7F6]  }
0x24: {  	[tilespmem:s23], [sflag:$0x1] =	stream.indirect_vreg.gather [hbm4b:s22+s1], $0x80, v2, vm0, $0xb8;
	[tilespmem:$0x12080] =	vst v63  }
0x25: {  	s25 =	simm.s32 $0x1880;
	s26 =	sld [smem:$0x7F9]  }
0x26: {  	[tilespmem:s25], [sflag:$0x1] =	stream.indirect_vreg.gather [hbm4b:s24+s1], $0x80, v2, vm0, $0xb8;
	[tilespmem:$0x12080] =	vst v63  }
0x27: {  	s28 =	simm.s32 $0x2080;
	s29 =	sld [smem:$0x7F7]  }
0x28: {  	[tilespmem:s28], [sflag:$0x2] =	stream.linear.gather [hbm4b:s26+s1], $0x4000, $0x38;
	[tilespmem:$0x12080] =	vst v63  }
0x29: {  	s30 =	simm.s32 $0x6080;
	s31 =	simm.s32 $0x1  }
0x2a: {  	[tilespmem:s30], [sflag:$0x3] =	stream.linear.gather [hbm4b:s29+s1], $0x4000, $0x38;
	[tilespmem:$0x12080] =	vst v63  }
0x2b: {  	_ =	swait.ge [sflag:s31], $0x2000  }
0x2c: {  	[sflag:s31] =	ssyncset.done $0x0  }
0x2d: {  	s2 =	simm.s32 $0x0;
	[sflag:s31] =	ssyncadd.s32 $0xFFFFE000  }
.LBB2_2:
0x2e: {  	s0 =	simm.s32 $0x2  }
0x2f: {  	_ =	swait.ge [sflag:s0], $0x4000  }
0x30: {  	p0 =	seq.s32 s2, $0x0;
	[sflag:s0] =	ssyncset.done $0x0  }
0x31: {  	[sflag:s0] =	ssyncadd.s32 $0xFFFFC000;
	s0 =	simm.s32 @!p0 $0x4  }
0x32: {  	_ =	swait.ge @!p0 [sflag:s0], $0x4000  }
0x33: {  	[sflag:s0] =	ssyncset.done @!p0 $0x0  }
0x34: {  	[sflag:s0] =	ssyncadd.s32 @!p0 $0xFFFFC000  }
0x35: {  	v5 =	vld [tilespmem:$0x80]  }
0x36: {  	v7 =	vld [tilespmem:$0x90]  }
0x37: {  	v9 =	vld [tilespmem:$0xA0]  }
0x38: {  	v10 =	vld [tilespmem:$0xB0]  }
0x39: {  	v12 =	vld [tilespmem:$0xC0]  }
0x3a: {  	v14 =	vld [tilespmem:$0xD0]  }
0x3b: {  	v15 =	vld [tilespmem:$0xE0]  }
0x3c: {  	v16 =	vld [tilespmem:$0xF0]  }
0x3d: {  	v13 =	vld [tilespmem:$0x480]  }
0x3e: {  	v11 =	vld [tilespmem:$0x490]  }
0x3f: {  	v8 =	vld [tilespmem:$0x4A0]  }
0x40: {  	v6 =	vld [tilespmem:$0x4B0]  }
0x41: {  	v4 =	vld [tilespmem:$0x4C0]  }
0x42: {  	s30 =	simm.s32 $0x0;
	v2 =	vld [tilespmem:$0x4D0]  }
0x43: {  	s1 =	sand.u32 $0x2000, s30;
	s0 =	sand.u32 $0x300, s30;
	v3 =	vld [tilespmem:$0x4E0]  }
0x44: {  	v17 =	vld [tilespmem:$0x4F0];
	s0 =	sor.u32 s0, s1  }
0x45: {  	v18 =	vld [tilespmem:s0+$0x2080]  }
0x46: {  	v19 =	vld [tilespmem:s0+$0x2090]  }
0x47: {  	v20 =	vld [tilespmem:s0+$0x20A0]  }
0x48: {  	v21 =	vld [tilespmem:s0+$0x20B0]  }
0x49: {  	v22 =	vld [tilespmem:s0+$0x20C0]  }
0x4a: {  	v23 =	vld [tilespmem:s0+$0x20D0];
	v18 =	vadd.f32 v18, v5  }
0x4b: {  	v24 =	vld [tilespmem:s0+$0x20E0];
	v19 =	vadd.f32 v19, v7  }
0x4c: {  	v20 =	vadd.f32 v20, v9;
	[tilespmem:s0+$0xA080] =	vst v18;
	v18 =	vld [tilespmem:s0+$0x20F0]  }
0x4d: {  	v21 =	vadd.f32 v21, v10;
	[tilespmem:s0+$0xA090] =	vst v19;
	v19 =	vld [tilespmem:s0+$0x2480]  }
0x4e: {  	v22 =	vadd.f32 v22, v12;
	[tilespmem:s0+$0xA0A0] =	vst v20;
	v20 =	vld [tilespmem:s0+$0x2490]  }
0x4f: {  	v25 =	vld [tilespmem:s0+$0x2570];
	v23 =	vadd.f32 v23, v14;
	[tilespmem:s0+$0xA0B0] =	vst v21  }
0x50: {  	v24 =	vadd.f32 v24, v15;
	v21 =	vld [tilespmem:s0+$0x24A0];
	[tilespmem:s0+$0xA0C0] =	vst v22  }
0x51: {  	v27 =	vld [tilespmem:s0+$0x2120];
	[tilespmem:s0+$0xA0D0] =	vst v23;
	v18 =	vadd.f32 v18, v16  }
0x52: {  	v23 =	vld [tilespmem:s0+$0x24C0];
	[tilespmem:s0+$0xA0E0] =	vst v24;
	v19 =	vadd.f32 v19, v13  }
0x53: {  	v24 =	vld [tilespmem:s0+$0x24D0];
	v20 =	vadd.f32 v20, v11;
	[tilespmem:s0+$0xA0F0] =	vst v18  }
0x54: {  	v28 =	vld [tilespmem:s0+$0x2130];
	v18 =	vadd.f32 v25, v17;
	[tilespmem:s0+$0xA480] =	vst v19  }
0x55: {  	v29 =	vld [tilespmem:s0+$0x2140];
	v21 =	vadd.f32 v21, v8;
	[tilespmem:s0+$0xA490] =	vst v20  }
0x56: {  	v20 =	vadd.f32 v27, v9;
	[tilespmem:s0+$0xA570] =	vst v18;
	v18 =	vld [tilespmem:s0+$0x2100]  }
0x57: {  	v25 =	vld [tilespmem:s0+$0x24E0];
	[tilespmem:s0+$0xA4A0] =	vst v21;
	v21 =	vadd.f32 v23, v4  }
0x58: {  	v19 =	vld [tilespmem:s0+$0x2110];
	v23 =	vadd.f32 v24, v2;
	[tilespmem:s0+$0xA120] =	vst v20  }
0x59: {  	v22 =	vld [tilespmem:s0+$0x24B0];
	v20 =	vadd.f32 v28, v10;
	[tilespmem:s0+$0xA4C0] =	vst v21  }
0x5a: {  	v26 =	vld [tilespmem:s0+$0x24F0];
	v21 =	vadd.f32 v29, v12;
	[tilespmem:s0+$0xA4D0] =	vst v23  }
0x5b: {  	v30 =	vld [tilespmem:s0+$0x2150];
	[tilespmem:s0+$0xA130] =	vst v20;
	v18 =	vadd.f32 v18, v5  }
0x5c: {  	v31 =	vld [tilespmem:s0+$0x2160];
	[tilespmem:s0+$0xA140] =	vst v21;
	v24 =	vadd.f32 v25, v3  }
0x5d: {  	v20 =	vld [tilespmem:s0+$0x2520];
	[tilespmem:s0+$0xA100] =	vst v18;
	v18 =	vadd.f32 v19, v7  }
0x5e: {  	v21 =	vld [tilespmem:s0+$0x2530];
	[tilespmem:s0+$0xA4E0] =	vst v24;
	v19 =	vadd.f32 v22, v6  }
0x5f: {  	v22 =	vld [tilespmem:s0+$0x2170];
	[tilespmem:s0+$0xA110] =	vst v18  }
0x60: {  	[tilespmem:s0+$0xA4B0] =	vst v19;
	v18 =	vld [tilespmem:s0+$0x2500]  }
0x61: {  	s31 =	sshll.u32 s2, $0xC;
	v23 =	vadd.f32 v30, v14;
	v19 =	vld [tilespmem:s0+$0x2510];
	[smem:$0x7F0] =	sst s2  }
0x62: {  	v25 =	vadd.f32 v26, v17;
	[smem:$0x7F1] =	sst s31  }
0x63: {  	v24 =	vadd.f32 v31, v15;
	[tilespmem:s0+$0xA150] =	vst v23  }
0x64: {  	s3 =	simm.s32 $0x800;
	s1 =	simm.s32 $0x0;
	s2 =	simm.s32 $0x100;
	[tilespmem:s0+$0xA4F0] =	vst v25;
	v23 =	vadd.f32 v22, v16;
	v22 =	vld [tilespmem:s0+$0x2540]  }
.LBB2_3:
0x65: {  	s4 =	sand.u32 $0x2000, s3;
	s5 =	sand.u32 $0x300, s2;
	s1 =	sadd.s32 $0x2, s1;
	[tilespmem:s0+$0xA160] =	vst v24;
	v18 =	vadd.f32 v18, v13;
	v24 =	vld [tilespmem:s0+$0x2550]  }
0x66: {  	s4 =	sor.u32 s5, s4;
	p1 =	slt.u32 s1, $0xE;
	[tilespmem:s0+$0xA170] =	vst v23;
	v19 =	vadd.f32 v19, v11;
	v23 =	vld [tilespmem:s0+$0x2560]  }
0x67: {  	v25 =	vld [tilespmem:s4+$0x2570];
	[tilespmem:s0+$0xA500] =	vst v18;
	v18 =	vadd.f32 v20, v8  }
0x68: {  	v20 =	vld [tilespmem:s4+$0x2080];
	[tilespmem:s0+$0xA510] =	vst v19;
	v19 =	vadd.f32 v21, v6  }
0x69: {  	v21 =	vld [tilespmem:s4+$0x2090];
	[tilespmem:s0+$0xA520] =	vst v18;
	v18 =	vadd.f32 v22, v4  }
0x6a: {  	v22 =	vld [tilespmem:s4+$0x20A0];
	[tilespmem:s0+$0xA530] =	vst v19;
	v19 =	vadd.f32 v24, v2  }
0x6b: {  	v24 =	vld [tilespmem:s4+$0x20B0];
	[tilespmem:s0+$0xA540] =	vst v18;
	v18 =	vadd.f32 v23, v3  }
0x6c: {  	v23 =	vld [tilespmem:s4+$0x20C0];
	v25 =	vadd.f32 v25, v17;
	[tilespmem:s0+$0xA550] =	vst v19  }
0x6d: {  	v19 =	vadd.f32 v20, v5;
	v20 =	vld [tilespmem:s4+$0x20D0];
	[tilespmem:s0+$0xA560] =	vst v18;
	s0 =	smov.u32 s4  }
0x6e: {  	v18 =	vadd.f32 v21, v7;
	v21 =	vld [tilespmem:s0+$0x20E0];
	[tilespmem:s0+$0xA570] =	vst v25  }
0x6f: {  	[tilespmem:s0+$0xA080] =	vst v19;
	v19 =	vadd.f32 v22, v9;
	v22 =	vld [tilespmem:s0+$0x20F0]  }
0x70: {  	[tilespmem:s0+$0xA090] =	vst v18;
	v18 =	vadd.f32 v24, v10;
	v24 =	vld [tilespmem:s0+$0x2480]  }
0x71: {  	[tilespmem:s0+$0xA0A0] =	vst v19;
	v19 =	vadd.f32 v23, v12;
	v23 =	vld [tilespmem:s0+$0x2490]  }
0x72: {  	[tilespmem:s0+$0xA0B0] =	vst v18;
	v18 =	vadd.f32 v20, v14;
	v20 =	vld [tilespmem:s0+$0x24A0]  }
0x73: {  	[tilespmem:s0+$0xA0C0] =	vst v19;
	v19 =	vadd.f32 v21, v15;
	v21 =	vld [tilespmem:s0+$0x24B0]  }
0x74: {  	[tilespmem:s0+$0xA0D0] =	vst v18;
	v18 =	vadd.f32 v22, v16;
	v22 =	vld [tilespmem:s0+$0x24C0]  }
0x75: {  	[tilespmem:s0+$0xA0E0] =	vst v19;
	v19 =	vadd.f32 v24, v13;
	v24 =	vld [tilespmem:s0+$0x24D0]  }
0x76: {  	[tilespmem:s0+$0xA0F0] =	vst v18;
	v18 =	vadd.f32 v23, v11;
	v23 =	vld [tilespmem:s0+$0x24E0]  }
0x77: {  	[tilespmem:s0+$0xA480] =	vst v19;
	v19 =	vadd.f32 v20, v8;
	v20 =	vld [tilespmem:s0+$0x24F0]  }
0x78: {  	[tilespmem:s0+$0xA490] =	vst v18;
	v18 =	vadd.f32 v21, v6;
	v21 =	vld [tilespmem:s0+$0x2100]  }
0x79: {  	[tilespmem:s0+$0xA4A0] =	vst v19;
	v19 =	vadd.f32 v22, v4;
	v22 =	vld [tilespmem:s0+$0x2110]  }
0x7a: {  	[tilespmem:s0+$0xA4B0] =	vst v18;
	v18 =	vadd.f32 v24, v2;
	v24 =	vld [tilespmem:s0+$0x2120]  }
0x7b: {  	[tilespmem:s0+$0xA4C0] =	vst v19;
	v19 =	vadd.f32 v23, v3;
	v23 =	vld [tilespmem:s0+$0x2130]  }
0x7c: {  	[tilespmem:s0+$0xA4D0] =	vst v18;
	v18 =	vadd.f32 v20, v17;
	v20 =	vld [tilespmem:s0+$0x2140]  }
0x7d: {  	[tilespmem:s0+$0xA4E0] =	vst v19;
	v19 =	vadd.f32 v21, v5;
	v21 =	vld [tilespmem:s0+$0x2150]  }
0x7e: {  	[tilespmem:s0+$0xA4F0] =	vst v18;
	v18 =	vadd.f32 v22, v7;
	v22 =	vld [tilespmem:s0+$0x2160]  }
0x7f: {  	[tilespmem:s0+$0xA100] =	vst v19;
	v19 =	vadd.f32 v24, v9;
	v25 =	vld [tilespmem:s0+$0x2170]  }
.Ltmp0:
0x80: {  	[tilespmem:s0+$0xA110] =	vst v18;
	v23 =	vadd.f32 v23, v10;
	v18 =	vld [tilespmem:s0+$0x2500];
	(pc) =	sbr.rel @p1 .LBB2_3-.Ltmp0, $4  }
0x81: {  	[tilespmem:s0+$0xA120] =	vst v19;
	v24 =	vadd.f32 v20, v12;
	v19 =	vld [tilespmem:s0+$0x2510]  }
0x82: {  	[tilespmem:s0+$0xA130] =	vst v23;
	v23 =	vadd.f32 v21, v14;
	v20 =	vld [tilespmem:s0+$0x2520]  }
0x83: {  	[tilespmem:s0+$0xA140] =	vst v24;
	v24 =	vadd.f32 v22, v15;
	v21 =	vld [tilespmem:s0+$0x2530]  }
0x84: {  	s2 =	sadd.s32 $0x100, s2;
	s3 =	sadd.s32 $0x800, s3;
	[tilespmem:s0+$0xA150] =	vst v23;
	v23 =	vadd.f32 v25, v16;
	v22 =	vld [tilespmem:s0+$0x2540]  }
0x85: {  	[tilespmem:s0+$0xA160] =	vst v24;
	v5 =	vld [tilespmem:s0+$0x2550];
	v7 =	vadd.f32 v18, v13  }
0x86: {  	v10 =	vld [tilespmem:s0+$0x2560];
	[tilespmem:s0+$0xA170] =	vst v23;
	v9 =	vadd.f32 v19, v11  }
0x87: {  	[tilespmem:s0+$0xA500] =	vst v7;
	v7 =	vadd.f32 v20, v8  }
0x88: {  	[tilespmem:s0+$0xA510] =	vst v9;
	v6 =	vadd.f32 v21, v6  }
0x89: {  	[tilespmem:s0+$0xA520] =	vst v7;
	v4 =	vadd.f32 v22, v4  }
0x8a: {  	[tilespmem:s0+$0xA530] =	vst v6;
	v2 =	vadd.f32 v5, v2  }
0x8b: {  	v3 =	vadd.f32 v10, v3;
	[tilespmem:s0+$0xA540] =	vst v4  }
0x8c: {  	[tilespmem:s0+$0xA550] =	vst v2  }
0x8d: {  	[tilespmem:s0+$0xA560] =	vst v3  }
0x8e: {  	v5 =	vld [tilespmem:$0x880]  }
0x8f: {  	v7 =	vld [tilespmem:$0x890]  }
0x90: {  	v9 =	vld [tilespmem:$0x8A0]  }
0x91: {  	v10 =	vld [tilespmem:$0x8B0]  }
0x92: {  	v12 =	vld [tilespmem:$0x8C0]  }
0x93: {  	v14 =	vld [tilespmem:$0x8D0]  }
0x94: {  	v15 =	vld [tilespmem:$0x8E0]  }
0x95: {  	v16 =	vld [tilespmem:$0x8F0]  }
0x96: {  	v13 =	vld [tilespmem:$0xC80]  }
0x97: {  	v11 =	vld [tilespmem:$0xC90]  }
0x98: {  	v8 =	vld [tilespmem:$0xCA0]  }
0x99: {  	v6 =	vld [tilespmem:$0xCB0]  }
0x9a: {  	v4 =	vld [tilespmem:$0xCC0]  }
0x9b: {  	s31 =	simm.s32 $0x0;
	v2 =	vld [tilespmem:$0xCD0]  }
0x9c: {  	s1 =	sand.u32 $0x2000, s31;
	s0 =	sand.u32 $0x300, s31;
	v3 =	vld [tilespmem:$0xCE0]  }
0x9d: {  	v17 =	vld [tilespmem:$0xCF0];
	s0 =	sor.u32 s0, s1  }
0x9e: {  	v18 =	vld [tilespmem:s0+$0x2880]  }
0x9f: {  	v19 =	vld [tilespmem:s0+$0x2890]  }
0xa0: {  	v20 =	vld [tilespmem:s0+$0x28A0]  }
0xa1: {  	v21 =	vld [tilespmem:s0+$0x28B0]  }
0xa2: {  	v22 =	vld [tilespmem:s0+$0x28C0]  }
0xa3: {  	v23 =	vld [tilespmem:s0+$0x28D0];
	v18 =	vadd.f32 v18, v5  }
0xa4: {  	v24 =	vld [tilespmem:s0+$0x28E0];
	v19 =	vadd.f32 v19, v7  }
0xa5: {  	v20 =	vadd.f32 v20, v9;
	[tilespmem:s0+$0xA880] =	vst v18;
	v18 =	vld [tilespmem:s0+$0x28F0]  }
0xa6: {  	v21 =	vadd.f32 v21, v10;
	[tilespmem:s0+$0xA890] =	vst v19;
	v19 =	vld [tilespmem:s0+$0x2C80]  }
0xa7: {  	v25 =	vld [tilespmem:s0+$0x2D70];
	v22 =	vadd.f32 v22, v12;
	[tilespmem:s0+$0xA8A0] =	vst v20  }
0xa8: {  	v23 =	vadd.f32 v23, v14;
	v20 =	vld [tilespmem:s0+$0x2C90];
	[tilespmem:s0+$0xA8B0] =	vst v21  }
0xa9: {  	v24 =	vadd.f32 v24, v15;
	v21 =	vld [tilespmem:s0+$0x2CA0];
	[tilespmem:s0+$0xA8C0] =	vst v22  }
0xaa: {  	v27 =	vld [tilespmem:s0+$0x2920];
	[tilespmem:s0+$0xA8D0] =	vst v23;
	v18 =	vadd.f32 v18, v16  }
0xab: {  	v23 =	vld [tilespmem:s0+$0x2CC0];
	[tilespmem:s0+$0xA8E0] =	vst v24;
	v19 =	vadd.f32 v19, v13  }
0xac: {  	v24 =	vld [tilespmem:s0+$0x2CD0];
	[tilespmem:s0+$0xA8F0] =	vst v18;
	v18 =	vadd.f32 v25, v17  }
0xad: {  	v28 =	vld [tilespmem:s0+$0x2930];
	v20 =	vadd.f32 v20, v11;
	[tilespmem:s0+$0xAC80] =	vst v19  }
0xae: {  	v21 =	vadd.f32 v21, v8;
	[tilespmem:s0+$0xAD70] =	vst v18;
	v18 =	vld [tilespmem:s0+$0x2900]  }
0xaf: {  	v29 =	vld [tilespmem:s0+$0x2940];
	[tilespmem:s0+$0xAC90] =	vst v20;
	v20 =	vadd.f32 v27, v9  }
0xb0: {  	v19 =	vld [tilespmem:s0+$0x2910];
	[tilespmem:s0+$0xACA0] =	vst v21;
	v21 =	vadd.f32 v23, v4  }
0xb1: {  	v22 =	vld [tilespmem:s0+$0x2CB0];
	v23 =	vadd.f32 v24, v2;
	[tilespmem:s0+$0xA920] =	vst v20  }
0xb2: {  	v30 =	vld [tilespmem:s0+$0x2950];
	v20 =	vadd.f32 v28, v10;
	[tilespmem:s0+$0xACC0] =	vst v21  }
0xb3: {  	v25 =	vld [tilespmem:s0+$0x2CE0];
	[tilespmem:s0+$0xACD0] =	vst v23;
	v18 =	vadd.f32 v18, v5  }
0xb4: {  	v26 =	vld [tilespmem:s0+$0x2CF0];
	v21 =	vadd.f32 v29, v12;
	[tilespmem:s0+$0xA930] =	vst v20  }
0xb5: {  	v31 =	vld [tilespmem:s0+$0x2960];
	[tilespmem:s0+$0xA900] =	vst v18;
	v18 =	vadd.f32 v19, v7  }
0xb6: {  	[tilespmem:s0+$0xA940] =	vst v21;
	v19 =	vadd.f32 v22, v6;
	v22 =	vld [tilespmem:s0+$0x2970]  }
0xb7: {  	v23 =	vadd.f32 v30, v14;
	[tilespmem:s0+$0xA910] =	vst v18;
	v18 =	vld [tilespmem:s0+$0x2D00]  }
0xb8: {  	v24 =	vadd.f32 v25, v3;
	[tilespmem:s0+$0xACB0] =	vst v19;
	v19 =	vld [tilespmem:s0+$0x2D10]  }
0xb9: {  	v20 =	vld [tilespmem:s0+$0x2D20];
	[tilespmem:s0+$0xA950] =	vst v23;
	v25 =	vadd.f32 v26, v17  }
0xba: {  	v21 =	vld [tilespmem:s0+$0x2D30];
	[tilespmem:s0+$0xACE0] =	vst v24;
	v24 =	vadd.f32 v31, v15  }
0xbb: {  	s2 =	simm.s32 $0x100;
	s3 =	simm.s32 $0x800;
	s1 =	simm.s32 $0x0;
	[tilespmem:s0+$0xACF0] =	vst v25;
	v23 =	vadd.f32 v22, v16;
	v22 =	vld [tilespmem:s0+$0x2D40]  }
.LBB2_5:
0xbc: {  	s4 =	sand.u32 $0x2000, s3;
	s5 =	sand.u32 $0x300, s2;
	s1 =	sadd.s32 $0x2, s1;
	[tilespmem:s0+$0xA960] =	vst v24;
	v18 =	vadd.f32 v18, v13;
	v24 =	vld [tilespmem:s0+$0x2D50]  }
0xbd: {  	s4 =	sor.u32 s5, s4;
	p1 =	slt.u32 s1, $0xE;
	[tilespmem:s0+$0xA970] =	vst v23;
	v19 =	vadd.f32 v19, v11;
	v23 =	vld [tilespmem:s0+$0x2D60]  }
0xbe: {  	v25 =	vld [tilespmem:s4+$0x2D70];
	[tilespmem:s0+$0xAD00] =	vst v18;
	v18 =	vadd.f32 v20, v8  }
0xbf: {  	v20 =	vld [tilespmem:s4+$0x2880];
	[tilespmem:s0+$0xAD10] =	vst v19;
	v19 =	vadd.f32 v21, v6  }
0xc0: {  	v21 =	vld [tilespmem:s4+$0x2890];
	[tilespmem:s0+$0xAD20] =	vst v18;
	v18 =	vadd.f32 v22, v4  }
0xc1: {  	v22 =	vld [tilespmem:s4+$0x28A0];
	[tilespmem:s0+$0xAD30] =	vst v19;
	v19 =	vadd.f32 v24, v2  }
0xc2: {  	v24 =	vld [tilespmem:s4+$0x28B0];
	[tilespmem:s0+$0xAD40] =	vst v18;
	v18 =	vadd.f32 v23, v3  }
0xc3: {  	v23 =	vld [tilespmem:s4+$0x28C0];
	v25 =	vadd.f32 v25, v17;
	[tilespmem:s0+$0xAD50] =	vst v19  }
0xc4: {  	v19 =	vadd.f32 v20, v5;
	v20 =	vld [tilespmem:s4+$0x28D0];
	[tilespmem:s0+$0xAD60] =	vst v18;
	s0 =	smov.u32 s4  }
0xc5: {  	v18 =	vadd.f32 v21, v7;
	v21 =	vld [tilespmem:s0+$0x28E0];
	[tilespmem:s0+$0xAD70] =	vst v25  }
0xc6: {  	[tilespmem:s0+$0xA880] =	vst v19;
	v19 =	vadd.f32 v22, v9;
	v22 =	vld [tilespmem:s0+$0x28F0]  }
0xc7: {  	[tilespmem:s0+$0xA890] =	vst v18;
	v18 =	vadd.f32 v24, v10;
	v24 =	vld [tilespmem:s0+$0x2C80]  }
0xc8: {  	[tilespmem:s0+$0xA8A0] =	vst v19;
	v19 =	vadd.f32 v23, v12;
	v23 =	vld [tilespmem:s0+$0x2C90]  }
0xc9: {  	[tilespmem:s0+$0xA8B0] =	vst v18;
	v18 =	vadd.f32 v20, v14;
	v20 =	vld [tilespmem:s0+$0x2CA0]  }
0xca: {  	[tilespmem:s0+$0xA8C0] =	vst v19;
	v19 =	vadd.f32 v21, v15;
	v21 =	vld [tilespmem:s0+$0x2CB0]  }
0xcb: {  	[tilespmem:s0+$0xA8D0] =	vst v18;
	v18 =	vadd.f32 v22, v16;
	v22 =	vld [tilespmem:s0+$0x2CC0]  }
0xcc: {  	[tilespmem:s0+$0xA8E0] =	vst v19;
	v19 =	vadd.f32 v24, v13;
	v24 =	vld [tilespmem:s0+$0x2CD0]  }
0xcd: {  	[tilespmem:s0+$0xA8F0] =	vst v18;
	v18 =	vadd.f32 v23, v11;
	v23 =	vld [tilespmem:s0+$0x2CE0]  }
0xce: {  	[tilespmem:s0+$0xAC80] =	vst v19;
	v19 =	vadd.f32 v20, v8;
	v20 =	vld [tilespmem:s0+$0x2CF0]  }
0xcf: {  	[tilespmem:s0+$0xAC90] =	vst v18;
	v18 =	vadd.f32 v21, v6;
	v21 =	vld [tilespmem:s0+$0x2900]  }
0xd0: {  	[tilespmem:s0+$0xACA0] =	vst v19;
	v19 =	vadd.f32 v22, v4;
	v22 =	vld [tilespmem:s0+$0x2910]  }
0xd1: {  	[tilespmem:s0+$0xACB0] =	vst v18;
	v18 =	vadd.f32 v24, v2;
	v24 =	vld [tilespmem:s0+$0x2920]  }
0xd2: {  	[tilespmem:s0+$0xACC0] =	vst v19;
	v19 =	vadd.f32 v23, v3;
	v23 =	vld [tilespmem:s0+$0x2930]  }
0xd3: {  	[tilespmem:s0+$0xACD0] =	vst v18;
	v18 =	vadd.f32 v20, v17;
	v20 =	vld [tilespmem:s0+$0x2940]  }
0xd4: {  	[tilespmem:s0+$0xACE0] =	vst v19;
	v19 =	vadd.f32 v21, v5;
	v21 =	vld [tilespmem:s0+$0x2950]  }
0xd5: {  	[tilespmem:s0+$0xACF0] =	vst v18;
	v18 =	vadd.f32 v22, v7;
	v22 =	vld [tilespmem:s0+$0x2960]  }
0xd6: {  	[tilespmem:s0+$0xA900] =	vst v19;
	v19 =	vadd.f32 v24, v9;
	v25 =	vld [tilespmem:s0+$0x2970]  }
.Ltmp1:
0xd7: {  	[tilespmem:s0+$0xA910] =	vst v18;
	v23 =	vadd.f32 v23, v10;
	v18 =	vld [tilespmem:s0+$0x2D00];
	(pc) =	sbr.rel @p1 .LBB2_5-.Ltmp1, $4  }
0xd8: {  	[tilespmem:s0+$0xA920] =	vst v19;
	v24 =	vadd.f32 v20, v12;
	v19 =	vld [tilespmem:s0+$0x2D10]  }
0xd9: {  	[tilespmem:s0+$0xA930] =	vst v23;
	v23 =	vadd.f32 v21, v14;
	v20 =	vld [tilespmem:s0+$0x2D20]  }
0xda: {  	[tilespmem:s0+$0xA940] =	vst v24;
	v24 =	vadd.f32 v22, v15;
	v21 =	vld [tilespmem:s0+$0x2D30]  }
0xdb: {  	s2 =	sadd.s32 $0x100, s2;
	s3 =	sadd.s32 $0x800, s3;
	[tilespmem:s0+$0xA950] =	vst v23;
	v23 =	vadd.f32 v25, v16;
	v22 =	vld [tilespmem:s0+$0x2D40]  }
0xdc: {  	[tilespmem:s0+$0xA960] =	vst v24;
	v5 =	vld [tilespmem:s0+$0x2D50];
	v7 =	vadd.f32 v18, v13  }
0xdd: {  	v10 =	vld [tilespmem:s0+$0x2D60];
	[tilespmem:s0+$0xA970] =	vst v23;
	v9 =	vadd.f32 v19, v11  }
0xde: {  	[tilespmem:s0+$0xAD00] =	vst v7;
	v7 =	vadd.f32 v20, v8  }
0xdf: {  	[tilespmem:s0+$0xAD10] =	vst v9;
	v6 =	vadd.f32 v21, v6  }
0xe0: {  	[tilespmem:s0+$0xAD20] =	vst v7;
	v4 =	vadd.f32 v22, v4  }
0xe1: {  	[tilespmem:s0+$0xAD30] =	vst v6;
	v2 =	vadd.f32 v5, v2  }
0xe2: {  	v3 =	vadd.f32 v10, v3;
	[tilespmem:s0+$0xAD40] =	vst v4  }
0xe3: {  	[tilespmem:s0+$0xAD50] =	vst v2  }
0xe4: {  	[tilespmem:s0+$0xAD60] =	vst v3  }
0xe5: {  	v5 =	vld [tilespmem:$0x1080]  }
0xe6: {  	v7 =	vld [tilespmem:$0x1090]  }
0xe7: {  	v9 =	vld [tilespmem:$0x10A0]  }
0xe8: {  	v10 =	vld [tilespmem:$0x10B0]  }
0xe9: {  	v12 =	vld [tilespmem:$0x10C0]  }
0xea: {  	v14 =	vld [tilespmem:$0x10D0]  }
0xeb: {  	v15 =	vld [tilespmem:$0x10E0]  }
0xec: {  	v16 =	vld [tilespmem:$0x10F0]  }
0xed: {  	v13 =	vld [tilespmem:$0x1480]  }
0xee: {  	v11 =	vld [tilespmem:$0x1490]  }
0xef: {  	v8 =	vld [tilespmem:$0x14A0]  }
0xf0: {  	v6 =	vld [tilespmem:$0x14B0]  }
0xf1: {  	v4 =	vld [tilespmem:$0x14C0]  }
0xf2: {  	s31 =	simm.s32 $0x0;
	v2 =	vld [tilespmem:$0x14D0]  }
0xf3: {  	s1 =	sand.u32 $0x2000, s31;
	s0 =	sand.u32 $0x300, s31;
	v3 =	vld [tilespmem:$0x14E0]  }
0xf4: {  	v17 =	vld [tilespmem:$0x14F0];
	s0 =	sor.u32 s0, s1  }
0xf5: {  	v18 =	vld [tilespmem:s0+$0x3080]  }
0xf6: {  	v19 =	vld [tilespmem:s0+$0x3090]  }
0xf7: {  	v20 =	vld [tilespmem:s0+$0x30A0]  }
0xf8: {  	v21 =	vld [tilespmem:s0+$0x30B0]  }
0xf9: {  	v22 =	vld [tilespmem:s0+$0x30C0]  }
0xfa: {  	v23 =	vld [tilespmem:s0+$0x30D0];
	v18 =	vadd.f32 v18, v5  }
0xfb: {  	v24 =	vld [tilespmem:s0+$0x30E0];
	v19 =	vadd.f32 v19, v7  }
0xfc: {  	v20 =	vadd.f32 v20, v9;
	[tilespmem:s0+$0xB080] =	vst v18;
	v18 =	vld [tilespmem:s0+$0x30F0]  }
0xfd: {  	v21 =	vadd.f32 v21, v10;
	[tilespmem:s0+$0xB090] =	vst v19;
	v19 =	vld [tilespmem:s0+$0x3480]  }
0xfe: {  	v25 =	vld [tilespmem:s0+$0x3570];
	v22 =	vadd.f32 v22, v12;
	[tilespmem:s0+$0xB0A0] =	vst v20  }
0xff: {  	v23 =	vadd.f32 v23, v14;
	v20 =	vld [tilespmem:s0+$0x3490];
	[tilespmem:s0+$0xB0B0] =	vst v21  }
0x100: {  	v24 =	vadd.f32 v24, v15;
	v21 =	vld [tilespmem:s0+$0x34A0];
	[tilespmem:s0+$0xB0C0] =	vst v22  }
0x101: {  	v27 =	vld [tilespmem:s0+$0x3120];
	[tilespmem:s0+$0xB0D0] =	vst v23;
	v18 =	vadd.f32 v18, v16  }
0x102: {  	v23 =	vld [tilespmem:s0+$0x34C0];
	[tilespmem:s0+$0xB0E0] =	vst v24;
	v19 =	vadd.f32 v19, v13  }
0x103: {  	v24 =	vld [tilespmem:s0+$0x34D0];
	[tilespmem:s0+$0xB0F0] =	vst v18;
	v18 =	vadd.f32 v25, v17  }
0x104: {  	v28 =	vld [tilespmem:s0+$0x3130];
	v20 =	vadd.f32 v20, v11;
	[tilespmem:s0+$0xB480] =	vst v19  }
0x105: {  	v21 =	vadd.f32 v21, v8;
	[tilespmem:s0+$0xB570] =	vst v18;
	v18 =	vld [tilespmem:s0+$0x3100]  }
0x106: {  	v29 =	vld [tilespmem:s0+$0x3140];
	[tilespmem:s0+$0xB490] =	vst v20;
	v20 =	vadd.f32 v27, v9  }
0x107: {  	v19 =	vld [tilespmem:s0+$0x3110];
	[tilespmem:s0+$0xB4A0] =	vst v21;
	v21 =	vadd.f32 v23, v4  }
0x108: {  	v22 =	vld [tilespmem:s0+$0x34B0];
	v23 =	vadd.f32 v24, v2;
	[tilespmem:s0+$0xB120] =	vst v20  }
0x109: {  	v30 =	vld [tilespmem:s0+$0x3150];
	v20 =	vadd.f32 v28, v10;
	[tilespmem:s0+$0xB4C0] =	vst v21  }
0x10a: {  	v25 =	vld [tilespmem:s0+$0x34E0];
	[tilespmem:s0+$0xB4D0] =	vst v23;
	v18 =	vadd.f32 v18, v5  }
0x10b: {  	v26 =	vld [tilespmem:s0+$0x34F0];
	v21 =	vadd.f32 v29, v12;
	[tilespmem:s0+$0xB130] =	vst v20  }
0x10c: {  	v31 =	vld [tilespmem:s0+$0x3160];
	[tilespmem:s0+$0xB100] =	vst v18;
	v18 =	vadd.f32 v19, v7  }
0x10d: {  	[tilespmem:s0+$0xB140] =	vst v21;
	v19 =	vadd.f32 v22, v6;
	v22 =	vld [tilespmem:s0+$0x3170]  }
0x10e: {  	v23 =	vadd.f32 v30, v14;
	[tilespmem:s0+$0xB110] =	vst v18;
	v18 =	vld [tilespmem:s0+$0x3500]  }
0x10f: {  	v24 =	vadd.f32 v25, v3;
	[tilespmem:s0+$0xB4B0] =	vst v19;
	v19 =	vld [tilespmem:s0+$0x3510]  }
0x110: {  	v20 =	vld [tilespmem:s0+$0x3520];
	[tilespmem:s0+$0xB150] =	vst v23;
	v25 =	vadd.f32 v26, v17  }
0x111: {  	v21 =	vld [tilespmem:s0+$0x3530];
	[tilespmem:s0+$0xB4E0] =	vst v24;
	v24 =	vadd.f32 v31, v15  }
0x112: {  	s2 =	simm.s32 $0x100;
	s3 =	simm.s32 $0x800;
	s1 =	simm.s32 $0x0;
	[tilespmem:s0+$0xB4F0] =	vst v25;
	v23 =	vadd.f32 v22, v16;
	v22 =	vld [tilespmem:s0+$0x3540]  }
.LBB2_7:
0x113: {  	s4 =	sand.u32 $0x2000, s3;
	s5 =	sand.u32 $0x300, s2;
	s1 =	sadd.s32 $0x2, s1;
	[tilespmem:s0+$0xB160] =	vst v24;
	v18 =	vadd.f32 v18, v13;
	v24 =	vld [tilespmem:s0+$0x3550]  }
0x114: {  	s4 =	sor.u32 s5, s4;
	p1 =	slt.u32 s1, $0xE;
	[tilespmem:s0+$0xB170] =	vst v23;
	v19 =	vadd.f32 v19, v11;
	v23 =	vld [tilespmem:s0+$0x3560]  }
0x115: {  	v25 =	vld [tilespmem:s4+$0x3570];
	[tilespmem:s0+$0xB500] =	vst v18;
	v18 =	vadd.f32 v20, v8  }
0x116: {  	v20 =	vld [tilespmem:s4+$0x3080];
	[tilespmem:s0+$0xB510] =	vst v19;
	v19 =	vadd.f32 v21, v6  }
0x117: {  	v21 =	vld [tilespmem:s4+$0x3090];
	[tilespmem:s0+$0xB520] =	vst v18;
	v18 =	vadd.f32 v22, v4  }
0x118: {  	v22 =	vld [tilespmem:s4+$0x30A0];
	[tilespmem:s0+$0xB530] =	vst v19;
	v19 =	vadd.f32 v24, v2  }
0x119: {  	v24 =	vld [tilespmem:s4+$0x30B0];
	[tilespmem:s0+$0xB540] =	vst v18;
	v18 =	vadd.f32 v23, v3  }
0x11a: {  	v23 =	vld [tilespmem:s4+$0x30C0];
	v25 =	vadd.f32 v25, v17;
	[tilespmem:s0+$0xB550] =	vst v19  }
0x11b: {  	v19 =	vadd.f32 v20, v5;
	v20 =	vld [tilespmem:s4+$0x30D0];
	[tilespmem:s0+$0xB560] =	vst v18;
	s0 =	smov.u32 s4  }
0x11c: {  	v18 =	vadd.f32 v21, v7;
	v21 =	vld [tilespmem:s0+$0x30E0];
	[tilespmem:s0+$0xB570] =	vst v25  }
0x11d: {  	[tilespmem:s0+$0xB080] =	vst v19;
	v19 =	vadd.f32 v22, v9;
	v22 =	vld [tilespmem:s0+$0x30F0]  }
0x11e: {  	[tilespmem:s0+$0xB090] =	vst v18;
	v18 =	vadd.f32 v24, v10;
	v24 =	vld [tilespmem:s0+$0x3480]  }
0x11f: {  	[tilespmem:s0+$0xB0A0] =	vst v19;
	v19 =	vadd.f32 v23, v12;
	v23 =	vld [tilespmem:s0+$0x3490]  }
0x120: {  	[tilespmem:s0+$0xB0B0] =	vst v18;
	v18 =	vadd.f32 v20, v14;
	v20 =	vld [tilespmem:s0+$0x34A0]  }
0x121: {  	[tilespmem:s0+$0xB0C0] =	vst v19;
	v19 =	vadd.f32 v21, v15;
	v21 =	vld [tilespmem:s0+$0x34B0]  }
0x122: {  	[tilespmem:s0+$0xB0D0] =	vst v18;
	v18 =	vadd.f32 v22, v16;
	v22 =	vld [tilespmem:s0+$0x34C0]  }
0x123: {  	[tilespmem:s0+$0xB0E0] =	vst v19;
	v19 =	vadd.f32 v24, v13;
	v24 =	vld [tilespmem:s0+$0x34D0]  }
0x124: {  	[tilespmem:s0+$0xB0F0] =	vst v18;
	v18 =	vadd.f32 v23, v11;
	v23 =	vld [tilespmem:s0+$0x34E0]  }
0x125: {  	[tilespmem:s0+$0xB480] =	vst v19;
	v19 =	vadd.f32 v20, v8;
	v20 =	vld [tilespmem:s0+$0x34F0]  }
0x126: {  	[tilespmem:s0+$0xB490] =	vst v18;
	v18 =	vadd.f32 v21, v6;
	v21 =	vld [tilespmem:s0+$0x3100]  }
0x127: {  	[tilespmem:s0+$0xB4A0] =	vst v19;
	v19 =	vadd.f32 v22, v4;
	v22 =	vld [tilespmem:s0+$0x3110]  }
0x128: {  	[tilespmem:s0+$0xB4B0] =	vst v18;
	v18 =	vadd.f32 v24, v2;
	v24 =	vld [tilespmem:s0+$0x3120]  }
0x129: {  	[tilespmem:s0+$0xB4C0] =	vst v19;
	v19 =	vadd.f32 v23, v3;
	v23 =	vld [tilespmem:s0+$0x3130]  }
0x12a: {  	[tilespmem:s0+$0xB4D0] =	vst v18;
	v18 =	vadd.f32 v20, v17;
	v20 =	vld [tilespmem:s0+$0x3140]  }
0x12b: {  	[tilespmem:s0+$0xB4E0] =	vst v19;
	v19 =	vadd.f32 v21, v5;
	v21 =	vld [tilespmem:s0+$0x3150]  }
0x12c: {  	[tilespmem:s0+$0xB4F0] =	vst v18;
	v18 =	vadd.f32 v22, v7;
	v22 =	vld [tilespmem:s0+$0x3160]  }
0x12d: {  	[tilespmem:s0+$0xB100] =	vst v19;
	v19 =	vadd.f32 v24, v9;
	v25 =	vld [tilespmem:s0+$0x3170]  }
.Ltmp2:
0x12e: {  	[tilespmem:s0+$0xB110] =	vst v18;
	v23 =	vadd.f32 v23, v10;
	v18 =	vld [tilespmem:s0+$0x3500];
	(pc) =	sbr.rel @p1 .LBB2_7-.Ltmp2, $4  }
0x12f: {  	[tilespmem:s0+$0xB120] =	vst v19;
	v24 =	vadd.f32 v20, v12;
	v19 =	vld [tilespmem:s0+$0x3510]  }
0x130: {  	[tilespmem:s0+$0xB130] =	vst v23;
	v23 =	vadd.f32 v21, v14;
	v20 =	vld [tilespmem:s0+$0x3520]  }
0x131: {  	[tilespmem:s0+$0xB140] =	vst v24;
	v24 =	vadd.f32 v22, v15;
	v21 =	vld [tilespmem:s0+$0x3530]  }
0x132: {  	s2 =	sadd.s32 $0x100, s2;
	s3 =	sadd.s32 $0x800, s3;
	[tilespmem:s0+$0xB150] =	vst v23;
	v23 =	vadd.f32 v25, v16;
	v22 =	vld [tilespmem:s0+$0x3540]  }
0x133: {  	[tilespmem:s0+$0xB160] =	vst v24;
	v5 =	vld [tilespmem:s0+$0x3550];
	v7 =	vadd.f32 v18, v13  }
0x134: {  	v10 =	vld [tilespmem:s0+$0x3560];
	[tilespmem:s0+$0xB170] =	vst v23;
	v9 =	vadd.f32 v19, v11  }
0x135: {  	[tilespmem:s0+$0xB500] =	vst v7;
	v7 =	vadd.f32 v20, v8  }
0x136: {  	[tilespmem:s0+$0xB510] =	vst v9;
	v6 =	vadd.f32 v21, v6  }
0x137: {  	[tilespmem:s0+$0xB520] =	vst v7;
	v4 =	vadd.f32 v22, v4  }
0x138: {  	[tilespmem:s0+$0xB530] =	vst v6;
	v2 =	vadd.f32 v5, v2  }
0x139: {  	v3 =	vadd.f32 v10, v3;
	[tilespmem:s0+$0xB540] =	vst v4  }
0x13a: {  	[tilespmem:s0+$0xB550] =	vst v2  }
0x13b: {  	[tilespmem:s0+$0xB560] =	vst v3  }
0x13c: {  	v15 =	vld [tilespmem:$0x1880]  }
0x13d: {  	v16 =	vld [tilespmem:$0x1890]  }
0x13e: {  	v17 =	vld [tilespmem:$0x18A0]  }
0x13f: {  	v14 =	vld [tilespmem:$0x18B0]  }
0x140: {  	v13 =	vld [tilespmem:$0x18C0]  }
0x141: {  	s7 =	simm.s32 $0x0;
	v12 =	vld [tilespmem:$0x18D0]  }
0x142: {  	s0 =	sand.u32 $0x3, s7;
	v11 =	vld [tilespmem:$0x18E0]  }
0x143: {  	v10 =	vld [tilespmem:$0x18F0];
	s0 =	sshll.u32 s0, $0x8  }
0x144: {  	v9 =	vld [tilespmem:$0x1C80];
	s4 =	sadd.s32 $0x0, s0  }
0x145: {  	v8 =	vld [tilespmem:$0x1C90];
	s0 =	sor.u32 $0x1880, s4  }
0x146: {  	v2 =	vld [tilespmem:s0+$0x2080]  }
0x147: {  	v7 =	vld [tilespmem:$0x1CA0]  }
0x148: {  	v6 =	vld [tilespmem:$0x1CB0]  }
0x149: {  	v5 =	vld [tilespmem:$0x1CC0];
	s1 =	sor.u32 $0x1800, s4  }
0x14a: {  	v18 =	vld [tilespmem:s1+$0x2080]  }
0x14b: {  	v4 =	vld [tilespmem:$0x1CD0];
	v19 =	vadd.f32 v2, v15  }
0x14c: {  	v3 =	vld [tilespmem:$0x1CE0]  }
0x14d: {  	s8 =	sor.u32 $0x1890, s4;
	v2 =	vld [tilespmem:$0x1CF0];
	[tilespmem:s0+$0xA080] =	vst v19  }
0x14e: {  	v19 =	vld [tilespmem:s8+$0x2080]  }
0x14f: {  	v18 =	vadd.f32 v18, v15;
	_ =	sdelay $0x1  }
0x150: {  	s2 =	sor.u32 $0x1810, s4;
	[tilespmem:s1+$0xA080] =	vst v18  }
0x151: {  	v18 =	vld [tilespmem:s2+$0x2080]  }
0x152: {  	v19 =	vadd.f32 v19, v16;
	_ =	sdelay $0x1  }
0x153: {  	s9 =	sor.u32 $0x18A0, s4;
	[tilespmem:s8+$0xA080] =	vst v19  }
0x154: {  	v19 =	vld [tilespmem:s9+$0x2080]  }
0x155: {  	v18 =	vadd.f32 v18, v16;
	_ =	sdelay $0x1  }
0x156: {  	s10 =	sor.u32 $0x1820, s4;
	[tilespmem:s2+$0xA080] =	vst v18  }
0x157: {  	v18 =	vld [tilespmem:s10+$0x2080]  }
0x158: {  	v19 =	vadd.f32 v19, v17;
	_ =	sdelay $0x1  }
0x159: {  	s11 =	sor.u32 $0x18B0, s4;
	[tilespmem:s9+$0xA080] =	vst v19  }
0x15a: {  	v19 =	vld [tilespmem:s11+$0x2080]  }
0x15b: {  	v18 =	vadd.f32 v18, v17  }
0x15c: {  	s12 =	simm.s32 $0x1  }
0x15d: {  	s13 =	sand.u32 $0x3, s12;
	s3 =	sor.u32 $0x1830, s4;
	[tilespmem:s10+$0xA080] =	vst v18  }
0x15e: {  	s1 =	sshll.u32 s13, $0x8;
	v18 =	vld [tilespmem:s3+$0x2080]  }
0x15f: {  	s26 =	sadd.s32 $0x800, s1;
	v19 =	vadd.f32 v19, v14  }
0x160: {  	s1 =	sor.u32 $0x1880, s26  }
0x161: {  	s14 =	sor.u32 $0x18C0, s4;
	[tilespmem:s11+$0xA080] =	vst v19;
	v19 =	vld [tilespmem:s1+$0x2080]  }
0x162: {  	v20 =	vld [tilespmem:s14+$0x2080]  }
0x163: {  	v18 =	vadd.f32 v18, v14  }
0x164: {  	s15 =	sor.u32 $0x1800, s26  }
0x165: {  	s5 =	sor.u32 $0x1840, s4;
	[tilespmem:s3+$0xA080] =	vst v18;
	v18 =	vld [tilespmem:s15+$0x2080]  }
0x166: {  	v21 =	vld [tilespmem:s5+$0x2080];
	v19 =	vadd.f32 v19, v15  }
0x167: {  	v20 =	vadd.f32 v20, v13  }
0x168: {  	s16 =	sor.u32 $0x1890, s26;
	[tilespmem:s1+$0xA080] =	vst v19  }
0x169: {  	s17 =	sor.u32 $0x18D0, s4;
	v19 =	vld [tilespmem:s16+$0x2080];
	[tilespmem:s14+$0xA080] =	vst v20  }
0x16a: {  	v18 =	vadd.f32 v18, v15;
	v20 =	vld [tilespmem:s17+$0x2080]  }
0x16b: {  	v21 =	vadd.f32 v21, v13  }
0x16c: {  	s18 =	sor.u32 $0x1810, s26;
	[tilespmem:s15+$0xA080] =	vst v18  }
0x16d: {  	s19 =	sor.u32 $0x1850, s4;
	v18 =	vld [tilespmem:s18+$0x2080];
	[tilespmem:s5+$0xA080] =	vst v21  }
0x16e: {  	v21 =	vld [tilespmem:s19+$0x2080];
	v19 =	vadd.f32 v19, v16  }
0x16f: {  	v20 =	vadd.f32 v20, v12  }
0x170: {  	s20 =	sor.u32 $0x18A0, s26;
	[tilespmem:s16+$0xA080] =	vst v19  }
0x171: {  	s21 =	sor.u32 $0x18E0, s4;
	v19 =	vld [tilespmem:s20+$0x2080];
	[tilespmem:s17+$0xA080] =	vst v20  }
0x172: {  	v18 =	vadd.f32 v18, v16;
	v20 =	vld [tilespmem:s21+$0x2080]  }
0x173: {  	v21 =	vadd.f32 v21, v12  }
0x174: {  	s22 =	sor.u32 $0x1820, s26;
	[tilespmem:s18+$0xA080] =	vst v18  }
0x175: {  	s23 =	sor.u32 $0x1860, s4;
	v18 =	vld [tilespmem:s22+$0x2080];
	[tilespmem:s19+$0xA080] =	vst v21  }
0x176: {  	v21 =	vld [tilespmem:s23+$0x2080];
	v19 =	vadd.f32 v19, v17  }
0x177: {  	v20 =	vadd.f32 v20, v11  }
0x178: {  	s24 =	sor.u32 $0x18B0, s26;
	[tilespmem:s20+$0xA080] =	vst v19  }
0x179: {  	s25 =	sor.u32 $0x18F0, s4;
	v19 =	vld [tilespmem:s24+$0x2080];
	[tilespmem:s21+$0xA080] =	vst v20  }
0x17a: {  	v18 =	vadd.f32 v18, v17;
	v20 =	vld [tilespmem:s25+$0x2080]  }
0x17b: {  	s7 =	simm.s32 $0x2;
	v21 =	vadd.f32 v21, v11  }
0x17c: {  	s6 =	sor.u32 $0x1830, s26;
	s2 =	sand.u32 $0x3, s7;
	[tilespmem:s22+$0xA080] =	vst v18  }
0x17d: {  	s8 =	sor.u32 $0x1870, s4;
	s2 =	sshll.u32 s2, $0x8;
	v18 =	vld [tilespmem:s6+$0x2080];
	[tilespmem:s23+$0xA080] =	vst v21  }
0x17e: {  	s19 =	sadd.s32 $0x1000, s2;
	v21 =	vld [tilespmem:s8+$0x2080];
	v19 =	vadd.f32 v19, v14  }
0x17f: {  	s2 =	sor.u32 $0x1880, s19;
	v20 =	vadd.f32 v20, v10  }
0x180: {  	s9 =	sor.u32 $0x18C0, s26;
	[tilespmem:s24+$0xA080] =	vst v19;
	v19 =	vld [tilespmem:s2+$0x2080]  }
0x181: {  	s10 =	sor.u32 $0x1C80, s4;
	[tilespmem:s25+$0xA080] =	vst v20;
	v20 =	vld [tilespmem:s9+$0x2080]  }
0x182: {  	v18 =	vadd.f32 v18, v14;
	v22 =	vld [tilespmem:s10+$0x2080]  }
0x183: {  	s11 =	sor.u32 $0x1800, s19;
	v21 =	vadd.f32 v21, v10  }
0x184: {  	s7 =	sor.u32 $0x1840, s26;
	[tilespmem:s6+$0xA080] =	vst v18;
	v18 =	vld [tilespmem:s11+$0x2080]  }
0x185: {  	s12 =	sor.u32 $0x1C00, s4;
	[tilespmem:s8+$0xA080] =	vst v21;
	v21 =	vld [tilespmem:s7+$0x2080];
	v19 =	vadd.f32 v19, v15  }
0x186: {  	v23 =	vld [tilespmem:s12+$0x2080];
	v20 =	vadd.f32 v20, v13  }
0x187: {  	s13 =	sor.u32 $0x1890, s19;
	[tilespmem:s2+$0xA080] =	vst v19;
	v19 =	vadd.f32 v22, v9  }
0x188: {  	s14 =	sor.u32 $0x18D0, s26;
	v22 =	vld [tilespmem:s13+$0x2080];
	[tilespmem:s9+$0xA080] =	vst v20  }
0x189: {  	s15 =	sor.u32 $0x1C90, s4;
	v18 =	vadd.f32 v18, v15;
	v20 =	vld [tilespmem:s14+$0x2080];
	[tilespmem:s10+$0xA080] =	vst v19  }
0x18a: {  	v19 =	vadd.f32 v21, v13;
	v21 =	vld [tilespmem:s15+$0x2080]  }
0x18b: {  	s16 =	sor.u32 $0x1810, s19;
	[tilespmem:s11+$0xA080] =	vst v18;
	v18 =	vadd.f32 v23, v9  }
0x18c: {  	s17 =	sor.u32 $0x1850, s26;
	v23 =	vld [tilespmem:s16+$0x2080];
	[tilespmem:s7+$0xA080] =	vst v19  }
0x18d: {  	s18 =	sor.u32 $0x1C10, s4;
	[tilespmem:s12+$0xA080] =	vst v18;
	v19 =	vadd.f32 v22, v16;
	v22 =	vld [tilespmem:s17+$0x2080]  }
0x18e: {  	v18 =	vadd.f32 v20, v12;
	v20 =	vld [tilespmem:s18+$0x2080]  }
0x18f: {  	s20 =	sor.u32 $0x18A0, s19;
	[tilespmem:s13+$0xA080] =	vst v19;
	v19 =	vadd.f32 v21, v8  }
0x190: {  	s21 =	sor.u32 $0x18E0, s26;
	v21 =	vld [tilespmem:s20+$0x2080];
	[tilespmem:s14+$0xA080] =	vst v18  }
0x191: {  	s22 =	sor.u32 $0x1CA0, s4;
	v18 =	vadd.f32 v23, v16;
	v23 =	vld [tilespmem:s21+$0x2080];
	[tilespmem:s15+$0xA080] =	vst v19  }
0x192: {  	v19 =	vadd.f32 v22, v12;
	v22 =	vld [tilespmem:s22+$0x2080]  }
0x193: {  	s23 =	sor.u32 $0x1820, s19;
	[tilespmem:s16+$0xA080] =	vst v18;
	v18 =	vadd.f32 v20, v8  }
0x194: {  	s24 =	sor.u32 $0x1860, s26;
	v20 =	vld [tilespmem:s23+$0x2080];
	[tilespmem:s17+$0xA080] =	vst v19  }
0x195: {  	s25 =	sor.u32 $0x1C20, s4;
	v19 =	vadd.f32 v21, v17;
	v21 =	vld [tilespmem:s24+$0x2080];
	[tilespmem:s18+$0xA080] =	vst v18  }
0x196: {  	v18 =	vadd.f32 v23, v11;
	v23 =	vld [tilespmem:s25+$0x2080]  }
0x197: {  	s9 =	sor.u32 $0x18B0, s19;
	[tilespmem:s20+$0xA080] =	vst v19;
	v19 =	vadd.f32 v22, v7  }
0x198: {  	s10 =	sor.u32 $0x18F0, s26;
	v22 =	vld [tilespmem:s9+$0x2080];
	[tilespmem:s21+$0xA080] =	vst v18  }
0x199: {  	s11 =	sor.u32 $0x1CB0, s4;
	v18 =	vadd.f32 v20, v17;
	v20 =	vld [tilespmem:s10+$0x2080];
	[tilespmem:s22+$0xA080] =	vst v19  }
0x19a: {  	s13 =	simm.s32 $0x3;
	v19 =	vadd.f32 v21, v11;
	v21 =	vld [tilespmem:s11+$0x2080]  }
0x19b: {  	s8 =	sor.u32 $0x1830, s19;
	s14 =	sand.u32 $0x3, s13;
	[tilespmem:s23+$0xA080] =	vst v18;
	v18 =	vadd.f32 v23, v7  }
0x19c: {  	s15 =	sor.u32 $0x1870, s26;
	s16 =	sshll.u32 s14, $0x8;
	v23 =	vld [tilespmem:s8+$0x2080];
	[tilespmem:s24+$0xA080] =	vst v19  }
0x19d: {  	s12 =	sadd.s32 $0x1800, s16;
	s17 =	sor.u32 $0x1C30, s4;
	v19 =	vadd.f32 v22, v14;
	v22 =	vld [tilespmem:s15+$0x2080];
	[tilespmem:s25+$0xA080] =	vst v18  }
0x19e: {  	s18 =	sor.u32 $0x1880, s12;
	v18 =	vadd.f32 v20, v10;
	v20 =	vld [tilespmem:s17+$0x2080]  }
0x19f: {  	s20 =	sor.u32 $0x18C0, s19;
	[tilespmem:s9+$0xA080] =	vst v19;
	v19 =	vadd.f32 v21, v6;
	v21 =	vld [tilespmem:s18+$0x2080]  }
0x1a0: {  	s21 =	sor.u32 $0x1C80, s26;
	[tilespmem:s10+$0xA080] =	vst v18;
	v18 =	vld [tilespmem:s20+$0x2080]  }
0x1a1: {  	s22 =	sor.u32 $0x1CC0, s4;
	v23 =	vadd.f32 v23, v14;
	[tilespmem:s11+$0xA080] =	vst v19;
	v19 =	vld [tilespmem:s21+$0x2080]  }
0x1a2: {  	s5 =	sor.u32 $0x1800, s12;
	v22 =	vadd.f32 v22, v10;
	v24 =	vld [tilespmem:s22+$0x2080]  }
0x1a3: {  	s9 =	sor.u32 $0x1840, s19;
	[tilespmem:s8+$0xA080] =	vst v23;
	v23 =	vld [tilespmem:s5+$0x2080];
	v20 =	vadd.f32 v20, v6  }
0x1a4: {  	s23 =	sor.u32 $0x1C00, s26;
	[tilespmem:s15+$0xA080] =	vst v22;
	v21 =	vadd.f32 v21, v15;
	v22 =	vld [tilespmem:s9+$0x2080]  }
0x1a5: {  	[tilespmem:s17+$0xA080] =	vst v20;
	v18 =	vadd.f32 v18, v13;
	v20 =	vld [tilespmem:s23+$0x2080]  }
0x1a6: {  	s24 =	sor.u32 $0x1C40, s4;
	[tilespmem:s18+$0xA080] =	vst v21;
	v19 =	vadd.f32 v19, v9  }
0x1a7: {  	s25 =	sor.u32 $0x1890, s12;
	v21 =	vld [tilespmem:s24+$0x2080];
	[tilespmem:s20+$0xA080] =	vst v18;
	v18 =	vadd.f32 v24, v5  }
0x1a8: {  	s11 =	sor.u32 $0x18D0, s19;
	v25 =	vld [tilespmem:s25+$0x2080];
	v23 =	vadd.f32 v23, v15;
	[tilespmem:s21+$0xA080] =	vst v19  }
0x1a9: {  	s13 =	sor.u32 $0x1C90, s26;
	v24 =	vld [tilespmem:s11+$0x2080];
	v19 =	vadd.f32 v22, v13;
	[tilespmem:s22+$0xA080] =	vst v18  }
0x1aa: {  	s14 =	sor.u32 $0x1CD0, s4;
	v22 =	vld [tilespmem:s13+$0x2080];
	[tilespmem:s5+$0xA080] =	vst v23;
	v18 =	vadd.f32 v20, v9  }
0x1ab: {  	s10 =	sor.u32 $0x1810, s12;
	v20 =	vld [tilespmem:s14+$0x2080];
	[tilespmem:s9+$0xA080] =	vst v19  }
0x1ac: {  	s5 =	sor.u32 $0x1850, s19;
	v23 =	vld [tilespmem:s10+$0x2080];
	v19 =	vadd.f32 v21, v5;
	[tilespmem:s23+$0xA080] =	vst v18;
	s23 =	sor.u32 $0x1C70, s4  }
0x1ad: {  	v21 =	vadd.f32 v25, v16;
	v25 =	vld [tilespmem:s5+$0x2080];
	[dreg:$0x15] =	wrdreg s23  }
0x1ae: {  	s20 =	sor.u32 $0x1C10, s26;
	[tilespmem:s24+$0xA080] =	vst v19  }
0x1af: {  	s22 =	sor.u32 $0x1C50, s4;
	v18 =	vadd.f32 v24, v12;
	v24 =	vld [tilespmem:s20+$0x2080];
	[tilespmem:s25+$0xA080] =	vst v21;
	s24 =	sor.u32 $0x1C60, s26  }
0x1b0: {  	s25 =	sor.u32 $0x1C70, s26;
	v21 =	vld [tilespmem:s22+$0x2080];
	[smem:$0x7EF] =	sst s24  }
0x1b1: {  	v19 =	vadd.f32 v22, v8;
	[dreg:$0x11] =	wrdreg s25  }
0x1b2: {  	s3 =	sor.u32 $0x18A0, s12;
	[tilespmem:s11+$0xA080] =	vst v18  }
0x1b3: {  	s7 =	sor.u32 $0x18E0, s19;
	s23 =	sor.u32 $0x1C00, s19;
	v22 =	vld [tilespmem:s3+$0x2080];
	[tilespmem:s13+$0xA080] =	vst v19  }
0x1b4: {  	s24 =	sor.u32 $0x1C10, s19;
	v18 =	vadd.f32 v20, v4;
	v20 =	vadd.f32 v23, v16;
	v23 =	vld [tilespmem:s7+$0x2080];
	[dreg:$0xf] =	wrdreg s23  }
0x1b5: {  	[dreg:$0xb] =	wrdreg s24  }
0x1b6: {  	s1 =	sor.u32 $0x1CA0, s26;
	s25 =	sor.u32 $0x1C30, s19;
	[tilespmem:s14+$0xA080] =	vst v18  }
0x1b7: {  	v19 =	vadd.f32 v25, v12;
	v25 =	vld [tilespmem:s1+$0x2080];
	[dreg:$0x9] =	wrdreg s25  }
0x1b8: {  	s6 =	sor.u32 $0x1CE0, s4;
	v18 =	vadd.f32 v24, v8;
	[tilespmem:s10+$0xA080] =	vst v20  }
0x1b9: {  	s13 =	sor.u32 $0x1820, s12;
	v20 =	vld [tilespmem:s6+$0x2080];
	[tilespmem:s5+$0xA080] =	vst v19  }
0x1ba: {  	s11 =	sor.u32 $0x1860, s19;
	v19 =	vadd.f32 v21, v4;
	s5 =	sor.u32 $0x1C60, s19;
	v24 =	vld [tilespmem:s13+$0x2080];
	[tilespmem:s20+$0xA080] =	vst v18  }
0x1bb: {  	v18 =	vadd.f32 v22, v17;
	v21 =	vld [tilespmem:s11+$0x2080];
	[dreg:$0x5] =	wrdreg s5  }
0x1bc: {  	s2 =	smov.u32 s19;
	s16 =	sor.u32 $0x1C30, s26;
	s21 =	sor.u32 $0x1C20, s26;
	v22 =	vadd.f32 v23, v11;
	[tilespmem:s22+$0xA080] =	vst v19  }
0x1bd: {  	s30 =	sor.u32 $0x1830, s12;
	s29 =	sor.u32 $0x18B0, s12;
	s15 =	sor.u32 $0x1C60, s4;
	v26 =	vld [tilespmem:s21+$0x2080];
	[tilespmem:s3+$0xA080] =	vst v18  }
0x1be: {  	s17 =	sor.u32 $0x1870, s19;
	s9 =	sor.u32 $0x1C40, s19;
	v19 =	vld [tilespmem:s15+$0x2080];
	[tilespmem:s7+$0xA080] =	vst v22;
	s7 =	sor.u32 $0x1870, s12  }
0x1bf: {  	s25 =	smov.u32 s11;
	s11 =	sor.u32 $0x1C00, s12;
	v18 =	vadd.f32 v25, v7;
	v23 =	vld [tilespmem:s29+$0x2080];
	[dreg:$0x1d] =	wrdreg s7  }
0x1c0: {  	s14 =	sor.u32 $0x1C20, s19;
	s10 =	sor.u32 $0x1C50, s19;
	[dreg:$0x19] =	wrdreg s11  }
0x1c1: {  	s20 =	sor.u32 $0x1C70, s19;
	s19 =	sor.u32 $0x18F0, s19;
	s22 =	sor.u32 $0x1C10, s12;
	[tilespmem:s1+$0xA080] =	vst v18  }
0x1c2: {  	s31 =	sor.u32 $0x1840, s12;
	v20 =	vadd.f32 v20, v3;
	v22 =	vld [tilespmem:s19+$0x2080];
	s1 =	sor.u32 $0x1C20, s12;
	[dreg:$0x17] =	wrdreg s22  }
0x1c3: {  	s28 =	sor.u32 $0x1C50, s12;
	s8 =	sor.u32 $0x1C50, s26;
	[dreg:$0x1b] =	wrdreg s1  }
0x1c4: {  	s18 =	sor.u32 $0x1C40, s26;
	v18 =	vadd.f32 v24, v17;
	s22 =	sor.u32 $0x1CB0, s26;
	[tilespmem:s6+$0xA080] =	vst v20;
	s6 =	sor.u32 $0x1C30, s12  }
0x1c5: {  	s24 =	sor.u32 $0x1CF0, s4;
	s4 =	simm.s32 $0x1800;
	v20 =	vld [tilespmem:s22+$0x2080];
	[dreg:$0xd] =	wrdreg s6  }
0x1c6: {  	s23 =	sor.u32 $0x1850, s12;
	s5 =	simm.s32 $0x6;
	s7 =	sor.u32 $0x1C60, s12;
	[tilespmem:s13+$0xA080] =	vst v18  }
0x1c7: {  	s3 =	sor.u32 $0x1860, s12;
	v18 =	vld [tilespmem:s24+$0x2080];
	s13 =	sor.u32 $0x1C70, s12;
	[dreg:$0x7] =	wrdreg s7  }
0x1c8: {  	s11 =	sor.u32 $0x1C40, s12;
	v24 =	vadd.f32 v21, v11;
	v21 =	vadd.f32 v26, v7;
	[dreg:$0x13] =	wrdreg s13;
	s13 =	simm.s32 $0x4  }
.LBB2_9:
0x1c9: {  	[smem:$0x7E4] =	sst s11  }
0x1ca: {  	[smem:$0x7E3] =	sst s20  }
0x1cb: {  	[smem:$0x7E5] =	sst s8  }
0x1cc: {  	[smem:$0x7EB] =	sst s28  }
0x1cd: {  	[smem:$0x7EA] =	sst s10  }
0x1ce: {  	s20 =	rddreg [dreg:$0x1b]  }
0x1cf: {  	s1 =	sand.u32 $0x3, s13;
	s28 =	rddreg [dreg:$0xf];
	s6 =	smov.u32 s20  }
0x1d0: {  	v25 =	vld [tilespmem:s30+$0x2080];
	s4 =	sadd.s32 $0x800, s4;
	[tilespmem:s25+$0xA080] =	vst v24;
	s1 =	sshll.u32 s1, $0x8;
	[smem:$0x7ED] =	sst s6  }
0x1d1: {  	s0 =	smov.u32 s3;
	v24 =	vld [tilespmem:s17+$0x2080];
	[tilespmem:s21+$0xA080] =	vst v21;
	s3 =	sadd.s32 s1, s4;
	s21 =	sld [smem:$0x7EF]  }
0x1d2: {  	s8 =	sor.u32 $0x1C80, s2;
	v23 =	vadd.f32 v23, v14;
	[smem:$0x7E8] =	sst s0;
	s1 =	sor.u32 $0x1820, s3  }
0x1d3: {  	v21 =	vadd.f32 v22, v10;
	s0 =	smov.u32 s2;
	s2 =	sor.u32 $0x1850, s3;
	[smem:$0x7E6] =	sst s1  }
0x1d4: {  	v22 =	vld [tilespmem:s16+$0x2080];
	s10 =	sor.u32 $0x1880, s3;
	[tilespmem:s29+$0xA080] =	vst v23;
	s11 =	sor.u32 $0x1860, s3;
	v19 =	vadd.f32 v19, v3;
	[smem:$0x7E7] =	sst s2  }
0x1d5: {  	v23 =	vld [tilespmem:s10+$0x2080];
	[tilespmem:s19+$0xA080] =	vst v21;
	[smem:$0x7EE] =	sst s11  }
0x1d6: {  	s7 =	smov.u32 s14;
	s14 =	sor.u32 $0x1C10, s3;
	v21 =	vadd.f32 v25, v14;
	[tilespmem:s15+$0xA080] =	vst v19;
	s15 =	rddreg [dreg:$0x15]  }
0x1d7: {  	s6 =	sor.u32 $0x18C0, s12;
	[smem:$0x7E9] =	sst s14;
	s11 =	sor.u32 $0x1C50, s3;
	v19 =	vadd.f32 v20, v6;
	v20 =	vld [tilespmem:s15+$0x2080]  }
0x1d8: {  	s20 =	sor.u32 $0x1800, s3;
	v18 =	vadd.f32 v18, v2;
	s25 =	smov.u32 s21;
	[smem:$0x7EC] =	sst s11;
	[tilespmem:s30+$0xA080] =	vst v21  }
0x1d9: {  	s21 =	sor.u32 $0x1830, s3;
	v25 =	vld [tilespmem:s6+$0x2080];
	[smem:$0x7E2] =	sst s25;
	s25 =	sor.u32 $0x1C20, s3;
	[tilespmem:s22+$0xA080] =	vst v19;
	v19 =	vadd.f32 v24, v10  }
0x1da: {  	[dreg:$0x1b] =	wrdreg s25;
	s25 =	sor.u32 $0x1C30, s3;
	s30 =	smov.u32 s21;
	v24 =	vld [tilespmem:s8+$0x2080];
	[tilespmem:s24+$0xA080] =	vst v18;
	v18 =	vadd.f32 v22, v6  }
0x1db: {  	s21 =	smov.u32 s7;
	s22 =	smov.u32 s9;
	s9 =	sor.u32 $0x1870, s3;
	v22 =	vld [tilespmem:s20+$0x2080];
	[tilespmem:s17+$0xA080] =	vst v19  }
0x1dc: {  	s7 =	rddreg [dreg:$0xd];
	v19 =	vadd.f32 v20, v2;
	v20 =	vadd.f32 v23, v15;
	v23 =	vld [tilespmem:s31+$0x2080];
	[tilespmem:s16+$0xA080] =	vst v18;
	s16 =	smov.u32 s9;
	s9 =	smov.u32 s25  }
0x1dd: {  	s2 =	sor.u32 $0x1CC0, s26;
	[dreg:$0xd] =	wrdreg s9  }
0x1de: {  	v21 =	vld [tilespmem:s2+$0x2080];
	s9 =	rddreg [dreg:$0x7]  }
0x1df: {  	s14 =	smov.u32 s12;
	v18 =	vadd.f32 v25, v13;
	v25 =	vld [tilespmem:s28+$0x2080];
	[tilespmem:s15+$0xA080] =	vst v19;
	s15 =	rddreg [dreg:$0x1d]  }
0x1e0: {  	s12 =	smov.u32 s0;
	s17 =	smov.u32 s15;
	s15 =	rddreg [dreg:$0x9]  }
0x1e1: {  	[dreg:$0x1d] =	wrdreg s16;
	s16 =	smov.u32 s15;
	s15 =	smov.u32 s7  }
0x1e2: {  	s0 =	sor.u32 $0x1C60, s3;
	[tilespmem:s10+$0xA080] =	vst v20;
	s10 =	sor.u32 $0x1890, s3;
	v19 =	vadd.f32 v24, v9;
	[dreg:$0x9] =	wrdreg s15  }
0x1e3: {  	v24 =	vld [tilespmem:s10+$0x2080];
	[tilespmem:s6+$0xA080] =	vst v18;
	v18 =	vadd.f32 v21, v5;
	v21 =	vadd.f32 v22, v15;
	s7 =	smov.u32 s0;
	s15 =	rddreg [dreg:$0x5]  }
0x1e4: {  	[dreg:$0x7] =	wrdreg s7  }
0x1e5: {  	s29 =	sor.u32 $0x1810, s3;
	v20 =	vld [tilespmem:s18+$0x2080];
	[tilespmem:s20+$0xA080] =	vst v21;
	s20 =	sld [smem:$0x7E3]  }
0x1e6: {  	s6 =	sor.u32 $0x18D0, s14;
	s7 =	rddreg [dreg:$0x19];
	s25 =	smov.u32 s15  }
0x1e7: {  	s19 =	sor.u32 $0x1840, s3;
	v22 =	vld [tilespmem:s6+$0x2080];
	[tilespmem:s8+$0xA080] =	vst v19;
	s8 =	sor.u32 $0x1C90, s12;
	v19 =	vadd.f32 v23, v13;
	[smem:$0x7EF] =	sst s25  }
0x1e8: {  	s24 =	sor.u32 $0x1C00, s3;
	v23 =	vld [tilespmem:s8+$0x2080];
	[tilespmem:s2+$0xA080] =	vst v18;
	s25 =	smov.u32 s9;
	s9 =	rddreg [dreg:$0x11]  }
0x1e9: {  	v18 =	vadd.f32 v25, v9;
	v25 =	vld [tilespmem:s29+$0x2080];
	[tilespmem:s31+$0xA080] =	vst v19;
	s31 =	smov.u32 s19;
	s19 =	smov.u32 s24;
	s24 =	rddreg [dreg:$0xb]  }
0x1ea: {  	[dreg:$0x5] =	wrdreg s25  }
0x1eb: {  	s15 =	smov.u32 s9;
	s9 =	rddreg [dreg:$0x13]  }
0x1ec: {  	[dreg:$0x19] =	wrdreg s19  }
0x1ed: {  	s2 =	sor.u32 $0x1CD0, s26;
	s19 =	sld [smem:$0x7E5]  }
0x1ee: {  	v21 =	vld [tilespmem:s2+$0x2080];
	[dreg:$0x15] =	wrdreg s15  }
0x1ef: {  	s25 =	smov.u32 s20;
	v19 =	vadd.f32 v20, v5;
	s15 =	sld [smem:$0x7E2]  }
0x1f0: {  	s11 =	sor.u32 $0x1C70, s3;
	v20 =	vadd.f32 v24, v16;
	v24 =	vld [tilespmem:s23+$0x2080];
	[tilespmem:s28+$0xA080] =	vst v18;
	[dreg:$0x11] =	wrdreg s25  }
0x1f1: {  	s25 =	smov.u32 s11;
	s11 =	smov.u32 s7;
	v18 =	vadd.f32 v22, v12;
	v22 =	vld [tilespmem:s24+$0x2080];
	s7 =	sld [smem:$0x7E6];
	[tilespmem:s18+$0xA080] =	vst v19  }
0x1f2: {  	s1 =	sor.u32 $0x1C40, s3;
	s0 =	sor.u32 $0x18A0, s3;
	[dreg:$0x13] =	wrdreg s25;
	[tilespmem:s10+$0xA080] =	vst v20;
	v19 =	vadd.f32 v23, v8;
	v20 =	vld [tilespmem:s19+$0x2080]  }
0x1f3: {  	[dreg:$0xf] =	wrdreg s11;
	s11 =	smov.u32 s1;
	s1 =	sor.u32 $0x18E0, s14;
	v23 =	vld [tilespmem:s0+$0x2080];
	[tilespmem:s6+$0xA080] =	vst v18;
	v18 =	vadd.f32 v21, v4  }
0x1f4: {  	s18 =	smov.u32 s22;
	s22 =	sld [smem:$0x7E4];
	v21 =	vadd.f32 v25, v16;
	s6 =	sor.u32 $0x1CA0, s12;
	v25 =	vld [tilespmem:s1+$0x2080];
	[tilespmem:s8+$0xA080] =	vst v19  }
0x1f5: {  	s10 =	sld [smem:$0x7E8];
	v19 =	vadd.f32 v24, v12;
	v24 =	vld [tilespmem:s6+$0x2080];
	[tilespmem:s2+$0xA080] =	vst v18  }
0x1f6: {  	s25 =	sld [smem:$0x7E7];
	[tilespmem:s29+$0xA080] =	vst v21;
	v18 =	vadd.f32 v22, v8  }
0x1f7: {  	s20 =	smov.u32 s9;
	s9 =	smov.u32 s22;
	s22 =	rddreg [dreg:$0x17];
	v22 =	vld [tilespmem:s7+$0x2080];
	[tilespmem:s23+$0xA080] =	vst v19  }
0x1f8: {  	s2 =	sor.u32 $0x1CE0, s26;
	v19 =	vadd.f32 v20, v4;
	v26 =	vld [tilespmem:s10+$0x2080];
	[tilespmem:s24+$0xA080] =	vst v18;
	s24 =	smov.u32 s22;
	s22 =	sld [smem:$0x7E9]  }
0x1f9: {  	v21 =	vld [tilespmem:s2+$0x2080];
	[dreg:$0xb] =	wrdreg s24  }
0x1fa: {  	v18 =	vadd.f32 v25, v11;
	v25 =	vld [tilespmem:s21+$0x2080];
	[tilespmem:s19+$0xA080] =	vst v19;
	s19 =	sld [smem:$0x7EA]  }
0x1fb: {  	s24 =	smov.u32 s22;
	s22 =	sld [smem:$0x7EB]  }
0x1fc: {  	s5 =	sadd.s32 $0x2, s5;
	v20 =	vadd.f32 v23, v17;
	[dreg:$0x17] =	wrdreg s24  }
0x1fd: {  	s13 =	sadd.s32 $0x1, s13;
	p1 =	slt.u32 s5, $0xE;
	s24 =	sld [smem:$0x7EC]  }
.Ltmp3:
0x1fe: {  	s29 =	sor.u32 $0x18B0, s3;
	s23 =	smov.u32 s25;
	[tilespmem:s0+$0xA080] =	vst v20;
	v20 =	vadd.f32 v24, v7;
	v19 =	vld [tilespmem:s15+$0x2080];
	(pc) =	sbr.rel @p1 .LBB2_9-.Ltmp3, $4  }
0x1ff: {  	s25 =	smov.u32 s10;
	v23 =	vld [tilespmem:s29+$0x2080];
	[tilespmem:s1+$0xA080] =	vst v18;
	v18 =	vadd.f32 v21, v3;
	s8 =	smov.u32 s19;
	s19 =	sor.u32 $0x18F0, s14  }
0x200: {  	v21 =	vadd.f32 v22, v17;
	s10 =	smov.u32 s22;
	v22 =	vld [tilespmem:s19+$0x2080];
	[tilespmem:s6+$0xA080] =	vst v20;
	s22 =	sor.u32 $0x1CB0, s12;
	s28 =	smov.u32 s24  }
0x201: {  	v20 =	vld [tilespmem:s22+$0x2080];
	[tilespmem:s2+$0xA080] =	vst v18;
	s24 =	sor.u32 $0x1CF0, s26;
	s2 =	smov.u32 s14;
	s14 =	sld [smem:$0x7ED]  }
0x202: {  	v24 =	vadd.f32 v26, v11;
	[tilespmem:s7+$0xA080] =	vst v21;
	v21 =	vadd.f32 v25, v7;
	s26 =	smov.u32 s12;
	s12 =	smov.u32 s3;
	s3 =	sld [smem:$0x7EE];
	v18 =	vld [tilespmem:s24+$0x2080]  }
0x203: {  	v15 =	vld [tilespmem:s30+$0x2080];
	_ =	sdelay $0x3  }
0x204: {  	v16 =	vadd.f32 v23, v14  }
0x205: {  	v14 =	vadd.f32 v15, v14  }
0x206: {  	s0 =	sor.u32 $0x18C0, s12;
	[tilespmem:s29+$0xA080] =	vst v16  }
0x207: {  	[tilespmem:s30+$0xA080] =	vst v14;
	v14 =	vld [tilespmem:s0+$0x2080]  }
0x208: {  	v15 =	vld [tilespmem:s31+$0x2080];
	_ =	sdelay $0x3  }
0x209: {  	v14 =	vadd.f32 v14, v13  }
0x20a: {  	v13 =	vadd.f32 v15, v13  }
0x20b: {  	s30 =	sor.u32 $0x18D0, s12;
	[tilespmem:s0+$0xA080] =	vst v14  }
0x20c: {  	[tilespmem:s31+$0xA080] =	vst v13;
	v13 =	vld [tilespmem:s30+$0x2080]  }
0x20d: {  	v14 =	vld [tilespmem:s23+$0x2080];
	_ =	sdelay $0x3  }
0x20e: {  	v13 =	vadd.f32 v13, v12  }
0x20f: {  	v12 =	vadd.f32 v14, v12  }
0x210: {  	s1 =	sor.u32 $0x18E0, s12;
	[tilespmem:s30+$0xA080] =	vst v13  }
0x211: {  	[tilespmem:s23+$0xA080] =	vst v12;
	v12 =	vld [tilespmem:s1+$0x2080]  }
0x212: {  	v13 =	vld [tilespmem:s3+$0x2080];
	_ =	sdelay $0x3  }
0x213: {  	v12 =	vadd.f32 v12, v11  }
0x214: {  	[tilespmem:s25+$0xA080] =	vst v24;
	v11 =	vadd.f32 v13, v11  }
0x215: {  	s4 =	sor.u32 $0x18F0, s12;
	[tilespmem:s1+$0xA080] =	vst v12;
	v12 =	vld [tilespmem:s17+$0x2080]  }
0x216: {  	[tilespmem:s3+$0xA080] =	vst v11;
	v11 =	vld [tilespmem:s4+$0x2080];
	_ =	sdelay $0x1  }
0x217: {  	s23 =	rddreg [dreg:$0x1d]  }
0x218: {  	v14 =	vadd.f32 v22, v10;
	v13 =	vld [tilespmem:s23+$0x2080]  }
0x219: {  	v12 =	vadd.f32 v12, v10  }
0x21a: {  	[tilespmem:s19+$0xA080] =	vst v14;
	v11 =	vadd.f32 v11, v10  }
0x21b: {  	[tilespmem:s17+$0xA080] =	vst v12  }
0x21c: {  	s1 =	sor.u32 $0x1C80, s2;
	[tilespmem:s4+$0xA080] =	vst v11  }
0x21d: {  	v12 =	vld [tilespmem:s1+$0x2080];
	v10 =	vadd.f32 v13, v10;
	s6 =	rddreg [dreg:$0xf]  }
0x21e: {  	s7 =	sor.u32 $0x1C80, s12;
	v11 =	vld [tilespmem:s6+$0x2080]  }
0x21f: {  	[tilespmem:s23+$0xA080] =	vst v10;
	v10 =	vld [tilespmem:s7+$0x2080]  }
0x220: {  	s3 =	rddreg [dreg:$0x19]  }
0x221: {  	v13 =	vld [tilespmem:s3+$0x2080]  }
0x222: {  	v12 =	vadd.f32 v12, v9  }
0x223: {  	v11 =	vadd.f32 v11, v9  }
0x224: {  	[tilespmem:s1+$0xA080] =	vst v12;
	v10 =	vadd.f32 v10, v9  }
0x225: {  	s5 =	smov.u32 s2;
	[tilespmem:s6+$0xA080] =	vst v11  }
0x226: {  	s13 =	sor.u32 $0x1C90, s5;
	v9 =	vadd.f32 v13, v9;
	[tilespmem:s7+$0xA080] =	vst v10  }
0x227: {  	v11 =	vld [tilespmem:s13+$0x2080];
	s2 =	rddreg [dreg:$0xb]  }
0x228: {  	s17 =	sor.u32 $0x1C90, s12;
	v10 =	vld [tilespmem:s2+$0x2080];
	[tilespmem:s3+$0xA080] =	vst v9  }
0x229: {  	v9 =	vld [tilespmem:s17+$0x2080];
	s3 =	rddreg [dreg:$0x17]  }
0x22a: {  	v12 =	vld [tilespmem:s3+$0x2080];
	_ =	sdelay $0x1  }
0x22b: {  	v11 =	vadd.f32 v11, v8  }
0x22c: {  	v10 =	vadd.f32 v10, v8  }
0x22d: {  	[tilespmem:s13+$0xA080] =	vst v11;
	v9 =	vadd.f32 v9, v8  }
0x22e: {  	s19 =	sor.u32 $0x1CA0, s5;
	[tilespmem:s2+$0xA080] =	vst v10;
	v8 =	vadd.f32 v12, v8  }
0x22f: {  	v10 =	vld [tilespmem:s19+$0x2080];
	[tilespmem:s17+$0xA080] =	vst v9  }
0x230: {  	s25 =	sor.u32 $0x1CA0, s12;
	v9 =	vld [tilespmem:s14+$0x2080];
	[tilespmem:s3+$0xA080] =	vst v8  }
0x231: {  	v8 =	vld [tilespmem:s25+$0x2080];
	s23 =	rddreg [dreg:$0x1b]  }
0x232: {  	v11 =	vld [tilespmem:s23+$0x2080]  }
0x233: {  	[tilespmem:s21+$0xA080] =	vst v21  }
0x234: {  	v12 =	vld [tilespmem:s16+$0x2080];
	v10 =	vadd.f32 v10, v7  }
0x235: {  	v9 =	vadd.f32 v9, v7  }
0x236: {  	s29 =	sor.u32 $0x1CB0, s5;
	[tilespmem:s19+$0xA080] =	vst v10;
	v8 =	vadd.f32 v8, v7  }
0x237: {  	[tilespmem:s14+$0xA080] =	vst v9;
	v9 =	vld [tilespmem:s29+$0x2080];
	v7 =	vadd.f32 v11, v7  }
0x238: {  	s3 =	rddreg [dreg:$0x9];
	[tilespmem:s25+$0xA080] =	vst v8  }
0x239: {  	s30 =	sor.u32 $0x1CB0, s12;
	v12 =	vadd.f32 v12, v6;
	v10 =	vld [tilespmem:s3+$0x2080];
	[tilespmem:s23+$0xA080] =	vst v7  }
0x23a: {  	v8 =	vadd.f32 v20, v6;
	v7 =	vld [tilespmem:s30+$0x2080];
	s4 =	rddreg [dreg:$0xd]  }
0x23b: {  	[tilespmem:s16+$0xA080] =	vst v12;
	v11 =	vld [tilespmem:s4+$0x2080]  }
0x23c: {  	s31 =	sor.u32 $0x1CC0, s26;
	[tilespmem:s22+$0xA080] =	vst v8;
	v8 =	vadd.f32 v9, v6;
	v12 =	vld [tilespmem:s18+$0x2080]  }
0x23d: {  	v9 =	vld [tilespmem:s31+$0x2080]  }
0x23e: {  	s6 =	sor.u32 $0x1CC0, s5;
	v10 =	vadd.f32 v10, v6;
	[tilespmem:s29+$0xA080] =	vst v8  }
0x23f: {  	v7 =	vadd.f32 v7, v6;
	v8 =	vld [tilespmem:s6+$0x2080]  }
0x240: {  	[tilespmem:s3+$0xA080] =	vst v10;
	v6 =	vadd.f32 v11, v6  }
0x241: {  	s7 =	sor.u32 $0x1CC0, s12;
	v10 =	vld [tilespmem:s9+$0x2080];
	[tilespmem:s30+$0xA080] =	vst v7;
	v11 =	vadd.f32 v12, v5  }
0x242: {  	v7 =	vadd.f32 v9, v5;
	[tilespmem:s4+$0xA080] =	vst v6;
	v6 =	vld [tilespmem:s7+$0x2080]  }
0x243: {  	[tilespmem:s18+$0xA080] =	vst v11;
	v9 =	vld [tilespmem:s11+$0x2080]  }
0x244: {  	s13 =	sor.u32 $0x1CD0, s26;
	[tilespmem:s31+$0xA080] =	vst v7;
	v7 =	vadd.f32 v8, v5;
	v11 =	vld [tilespmem:s8+$0x2080]  }
0x245: {  	v8 =	vld [tilespmem:s13+$0x2080]  }
0x246: {  	s14 =	sor.u32 $0x1CD0, s5;
	v10 =	vadd.f32 v10, v5;
	[tilespmem:s6+$0xA080] =	vst v7  }
0x247: {  	v7 =	vld [tilespmem:s14+$0x2080];
	v6 =	vadd.f32 v6, v5  }
0x248: {  	[tilespmem:s9+$0xA080] =	vst v10;
	v5 =	vadd.f32 v9, v5  }
0x249: {  	s16 =	sor.u32 $0x1CD0, s12;
	v9 =	vld [tilespmem:s10+$0x2080];
	v10 =	vadd.f32 v11, v4;
	[tilespmem:s7+$0xA080] =	vst v6  }
0x24a: {  	v6 =	vadd.f32 v8, v4;
	[tilespmem:s11+$0xA080] =	vst v5;
	v5 =	vld [tilespmem:s16+$0x2080]  }
0x24b: {  	[tilespmem:s8+$0xA080] =	vst v10;
	v8 =	vld [tilespmem:s28+$0x2080]  }
0x24c: {  	s17 =	sor.u32 $0x1CE0, s26;
	[tilespmem:s13+$0xA080] =	vst v6;
	v6 =	vadd.f32 v7, v4  }
0x24d: {  	v7 =	vld [tilespmem:s17+$0x2080];
	s6 =	sld [smem:$0x7EF]  }
0x24e: {  	s18 =	sor.u32 $0x1CE0, s5;
	v9 =	vadd.f32 v9, v4;
	[tilespmem:s14+$0xA080] =	vst v6  }
0x24f: {  	v6 =	vld [tilespmem:s18+$0x2080];
	v5 =	vadd.f32 v5, v4  }
0x250: {  	v10 =	vld [tilespmem:s6+$0x2080];
	[tilespmem:s10+$0xA080] =	vst v9;
	v4 =	vadd.f32 v8, v4  }
0x251: {  	s3 =	rddreg [dreg:$0x5];
	[tilespmem:s16+$0xA080] =	vst v5  }
0x252: {  	s19 =	sor.u32 $0x1CE0, s12;
	v8 =	vld [tilespmem:s3+$0x2080];
	v7 =	vadd.f32 v7, v3;
	[tilespmem:s28+$0xA080] =	vst v4  }
0x253: {  	v4 =	vadd.f32 v19, v3;
	v5 =	vld [tilespmem:s19+$0x2080];
	s4 =	rddreg [dreg:$0x7]  }
0x254: {  	[tilespmem:s17+$0xA080] =	vst v7;
	v6 =	vadd.f32 v6, v3;
	v9 =	vld [tilespmem:s4+$0x2080]  }
0x255: {  	[tilespmem:s15+$0xA080] =	vst v4;
	v4 =	vadd.f32 v10, v3  }
0x256: {  	s15 =	rddreg [dreg:$0x15];
	[tilespmem:s18+$0xA080] =	vst v6  }
0x257: {  	s21 =	sor.u32 $0x1CF0, s26;
	v7 =	vld [tilespmem:s15+$0x2080];
	[tilespmem:s6+$0xA080] =	vst v4;
	v8 =	vadd.f32 v8, v3  }
0x258: {  	v4 =	vld [tilespmem:s21+$0x2080];
	s25 =	rddreg [dreg:$0x11];
	v5 =	vadd.f32 v5, v3  }
0x259: {  	s22 =	sor.u32 $0x1CF0, s5;
	v6 =	vld [tilespmem:s25+$0x2080];
	[tilespmem:s3+$0xA080] =	vst v8;
	v3 =	vadd.f32 v9, v3  }
0x25a: {  	v8 =	vld [tilespmem:s22+$0x2080];
	[tilespmem:s19+$0xA080] =	vst v5;
	v5 =	vadd.f32 v18, v2  }
0x25b: {  	s23 =	sor.u32 $0x1CF0, s12;
	v9 =	vld [tilespmem:s20+$0x2080];
	[tilespmem:s4+$0xA080] =	vst v3  }
0x25c: {  	v3 =	vadd.f32 v7, v2;
	v7 =	vld [tilespmem:s23+$0x2080];
	[tilespmem:s24+$0xA080] =	vst v5  }
0x25d: {  	v4 =	vadd.f32 v4, v2;
	s3 =	rddreg [dreg:$0x13]  }
0x25e: {  	v5 =	vld [tilespmem:s3+$0x2080];
	[tilespmem:s15+$0xA080] =	vst v3;
	v3 =	vadd.f32 v6, v2  }
0x25f: {  	[tilespmem:s21+$0xA080] =	vst v4;
	v4 =	vadd.f32 v8, v2  }
0x260: {  	[tilespmem:s25+$0xA080] =	vst v3;
	v3 =	vadd.f32 v9, v2  }
0x261: {  	[tilespmem:s22+$0xA080] =	vst v4;
	v4 =	vadd.f32 v7, v2  }
0x262: {  	[tilespmem:s20+$0xA080] =	vst v3  }
0x263: {  	v2 =	vadd.f32 v5, v2;
	[tilespmem:s23+$0xA080] =	vst v4  }
0x264: {  	s0 =	sld [smem:$0x7F0]  }
0x265: {  	[tilespmem:s3+$0xA080] =	vst v2  }
0x266: {  	s3 =	sld [smem:$0x7F1]  }
0x267: {  	p1 =	seq.s32 s0, $0xF;
	s0 =	sld [smem:$0x7F8];
	_ =	sdelay $0x1  }
0x268: {  	s26 =	simm.s32 $0x0;
	s25 =	sld [smem:$0x7FC]  }
0x269: {  	s1 =	simm.s32 @!p1 $0x0;
	s2 =	simm.s32 @!p1 $0x2080;
	s0 =	sadd.s32 @!p1 s3, s0  }
0x26a: {  	[tilespmem:s2], [sflag:$0x2] =	stream.linear.gather @!p1 [hbm4b:s0+s1], $0x4000, $0x38;
	[tilespmem:$0x12080] =	vst v63  }
0x26b: {  	s29 =	simm.s32 $0x3;
	s28 =	simm.s32 $0xA080;
	s0 =	sadd.s32 s3, s25  }
0x26c: {  	[hbm4b:s0+s26] =	stream.linear.scatter [tilespmem:s28], [sflag:$0x4], $0x4000, $0x38;
	[tilespmem:$0x12080] =	vst v63  }
0x26d: {  	_ =	swait.ge [sflag:s29], $0x4000  }
0x26e: {  	[sflag:s29] =	ssyncset.done $0x0  }
0x26f: {  	s0 =	simm.s32 @!p0 $0x5;
	[sflag:s29] =	ssyncadd.s32 $0xFFFFC000  }
0x270: {  	_ =	swait.ge @!p0 [sflag:s0], $0x4000  }
0x271: {  	[sflag:s0] =	ssyncset.done @!p0 $0x0  }
0x272: {  	[sflag:s0] =	ssyncadd.s32 @!p0 $0xFFFFC000  }
0x273: {  	v5 =	vld [tilespmem:$0x80]  }
0x274: {  	v7 =	vld [tilespmem:$0x90]  }
0x275: {  	v9 =	vld [tilespmem:$0xA0]  }
0x276: {  	v10 =	vld [tilespmem:$0xB0]  }
0x277: {  	v12 =	vld [tilespmem:$0xC0]  }
0x278: {  	v14 =	vld [tilespmem:$0xD0]  }
0x279: {  	v15 =	vld [tilespmem:$0xE0]  }
0x27a: {  	v16 =	vld [tilespmem:$0xF0]  }
0x27b: {  	v13 =	vld [tilespmem:$0x480]  }
0x27c: {  	v11 =	vld [tilespmem:$0x490]  }
0x27d: {  	v8 =	vld [tilespmem:$0x4A0]  }
0x27e: {  	v6 =	vld [tilespmem:$0x4B0]  }
0x27f: {  	v4 =	vld [tilespmem:$0x4C0]  }
0x280: {  	s30 =	simm.s32 $0x0;
	v2 =	vld [tilespmem:$0x4D0]  }
0x281: {  	s31 =	sand.u32 $0x2000, s30;
	s0 =	sand.u32 $0x300, s30;
	v3 =	vld [tilespmem:$0x4E0]  }
0x282: {  	v17 =	vld [tilespmem:$0x4F0];
	s0 =	sor.u32 s0, s31  }
0x283: {  	v18 =	vld [tilespmem:s0+$0x6080]  }
0x284: {  	v19 =	vld [tilespmem:s0+$0x6090]  }
0x285: {  	v20 =	vld [tilespmem:s0+$0x60A0]  }
0x286: {  	v21 =	vld [tilespmem:s0+$0x60B0]  }
0x287: {  	v22 =	vld [tilespmem:s0+$0x60C0]  }
0x288: {  	v23 =	vld [tilespmem:s0+$0x60D0];
	v18 =	vadd.f32 v18, v5  }
0x289: {  	v24 =	vld [tilespmem:s0+$0x60E0];
	v19 =	vadd.f32 v19, v7  }
0x28a: {  	v20 =	vadd.f32 v20, v9;
	[tilespmem:s0+$0xE080] =	vst v18;
	v18 =	vld [tilespmem:s0+$0x60F0]  }
0x28b: {  	v21 =	vadd.f32 v21, v10;
	[tilespmem:s0+$0xE090] =	vst v19;
	v19 =	vld [tilespmem:s0+$0x6480]  }
0x28c: {  	v25 =	vld [tilespmem:s0+$0x6570];
	v22 =	vadd.f32 v22, v12;
	[tilespmem:s0+$0xE0A0] =	vst v20  }
0x28d: {  	v23 =	vadd.f32 v23, v14;
	v20 =	vld [tilespmem:s0+$0x6490];
	[tilespmem:s0+$0xE0B0] =	vst v21  }
0x28e: {  	v24 =	vadd.f32 v24, v15;
	v21 =	vld [tilespmem:s0+$0x64A0];
	[tilespmem:s0+$0xE0C0] =	vst v22  }
0x28f: {  	v27 =	vld [tilespmem:s0+$0x6120];
	[tilespmem:s0+$0xE0D0] =	vst v23;
	v18 =	vadd.f32 v18, v16  }
0x290: {  	v23 =	vld [tilespmem:s0+$0x64C0];
	[tilespmem:s0+$0xE0E0] =	vst v24;
	v19 =	vadd.f32 v19, v13  }
0x291: {  	v24 =	vld [tilespmem:s0+$0x64D0];
	[tilespmem:s0+$0xE0F0] =	vst v18;
	v18 =	vadd.f32 v25, v17  }
0x292: {  	v28 =	vld [tilespmem:s0+$0x6130];
	v20 =	vadd.f32 v20, v11;
	[tilespmem:s0+$0xE480] =	vst v19  }
0x293: {  	v21 =	vadd.f32 v21, v8;
	[tilespmem:s0+$0xE570] =	vst v18;
	v18 =	vld [tilespmem:s0+$0x6100]  }
0x294: {  	v29 =	vld [tilespmem:s0+$0x6140];
	[tilespmem:s0+$0xE490] =	vst v20;
	v20 =	vadd.f32 v27, v9  }
0x295: {  	v19 =	vld [tilespmem:s0+$0x6110];
	[tilespmem:s0+$0xE4A0] =	vst v21;
	v21 =	vadd.f32 v23, v4  }
0x296: {  	v22 =	vld [tilespmem:s0+$0x64B0];
	v23 =	vadd.f32 v24, v2;
	[tilespmem:s0+$0xE120] =	vst v20  }
0x297: {  	v30 =	vld [tilespmem:s0+$0x6150];
	v20 =	vadd.f32 v28, v10;
	[tilespmem:s0+$0xE4C0] =	vst v21  }
0x298: {  	v25 =	vld [tilespmem:s0+$0x64E0];
	[tilespmem:s0+$0xE4D0] =	vst v23;
	v18 =	vadd.f32 v18, v5  }
0x299: {  	v26 =	vld [tilespmem:s0+$0x64F0];
	v21 =	vadd.f32 v29, v12;
	[tilespmem:s0+$0xE130] =	vst v20  }
0x29a: {  	v31 =	vld [tilespmem:s0+$0x6160];
	[tilespmem:s0+$0xE100] =	vst v18;
	v18 =	vadd.f32 v19, v7  }
0x29b: {  	[tilespmem:s0+$0xE140] =	vst v21;
	v19 =	vadd.f32 v22, v6;
	v22 =	vld [tilespmem:s0+$0x6170]  }
0x29c: {  	v23 =	vadd.f32 v30, v14;
	[tilespmem:s0+$0xE110] =	vst v18;
	v18 =	vld [tilespmem:s0+$0x6500]  }
0x29d: {  	v24 =	vadd.f32 v25, v3;
	[tilespmem:s0+$0xE4B0] =	vst v19;
	v19 =	vld [tilespmem:s0+$0x6510]  }
0x29e: {  	v20 =	vld [tilespmem:s0+$0x6520];
	[tilespmem:s0+$0xE150] =	vst v23;
	v25 =	vadd.f32 v26, v17  }
0x29f: {  	v21 =	vld [tilespmem:s0+$0x6530];
	[tilespmem:s0+$0xE4E0] =	vst v24;
	v24 =	vadd.f32 v31, v15  }
0x2a0: {  	s1 =	simm.s32 $0x0;
	s2 =	simm.s32 $0x100;
	s3 =	simm.s32 $0x800;
	[tilespmem:s0+$0xE4F0] =	vst v25;
	v23 =	vadd.f32 v22, v16;
	v22 =	vld [tilespmem:s0+$0x6540]  }
.LBB2_11:
0x2a1: {  	s4 =	sand.u32 $0x2000, s3;
	s5 =	sand.u32 $0x300, s2;
	s1 =	sadd.s32 $0x2, s1;
	[tilespmem:s0+$0xE160] =	vst v24;
	v18 =	vadd.f32 v18, v13;
	v24 =	vld [tilespmem:s0+$0x6550]  }
0x2a2: {  	s4 =	sor.u32 s5, s4;
	p0 =	slt.u32 s1, $0xE;
	[tilespmem:s0+$0xE170] =	vst v23;
	v19 =	vadd.f32 v19, v11;
	v23 =	vld [tilespmem:s0+$0x6560]  }
0x2a3: {  	v25 =	vld [tilespmem:s4+$0x6570];
	[tilespmem:s0+$0xE500] =	vst v18;
	v18 =	vadd.f32 v20, v8  }
0x2a4: {  	v20 =	vld [tilespmem:s4+$0x6080];
	[tilespmem:s0+$0xE510] =	vst v19;
	v19 =	vadd.f32 v21, v6  }
0x2a5: {  	v21 =	vld [tilespmem:s4+$0x6090];
	[tilespmem:s0+$0xE520] =	vst v18;
	v18 =	vadd.f32 v22, v4  }
0x2a6: {  	v22 =	vld [tilespmem:s4+$0x60A0];
	[tilespmem:s0+$0xE530] =	vst v19;
	v19 =	vadd.f32 v24, v2  }
0x2a7: {  	v24 =	vld [tilespmem:s4+$0x60B0];
	[tilespmem:s0+$0xE540] =	vst v18;
	v18 =	vadd.f32 v23, v3  }
0x2a8: {  	v23 =	vld [tilespmem:s4+$0x60C0];
	v25 =	vadd.f32 v25, v17;
	[tilespmem:s0+$0xE550] =	vst v19  }
0x2a9: {  	v19 =	vadd.f32 v20, v5;
	v20 =	vld [tilespmem:s4+$0x60D0];
	[tilespmem:s0+$0xE560] =	vst v18;
	s0 =	smov.u32 s4  }
0x2aa: {  	v18 =	vadd.f32 v21, v7;
	v21 =	vld [tilespmem:s0+$0x60E0];
	[tilespmem:s0+$0xE570] =	vst v25  }
0x2ab: {  	[tilespmem:s0+$0xE080] =	vst v19;
	v19 =	vadd.f32 v22, v9;
	v22 =	vld [tilespmem:s0+$0x60F0]  }
0x2ac: {  	[tilespmem:s0+$0xE090] =	vst v18;
	v18 =	vadd.f32 v24, v10;
	v24 =	vld [tilespmem:s0+$0x6480]  }
0x2ad: {  	[tilespmem:s0+$0xE0A0] =	vst v19;
	v19 =	vadd.f32 v23, v12;
	v23 =	vld [tilespmem:s0+$0x6490]  }
0x2ae: {  	[tilespmem:s0+$0xE0B0] =	vst v18;
	v18 =	vadd.f32 v20, v14;
	v20 =	vld [tilespmem:s0+$0x64A0]  }
0x2af: {  	[tilespmem:s0+$0xE0C0] =	vst v19;
	v19 =	vadd.f32 v21, v15;
	v21 =	vld [tilespmem:s0+$0x64B0]  }
0x2b0: {  	[tilespmem:s0+$0xE0D0] =	vst v18;
	v18 =	vadd.f32 v22, v16;
	v22 =	vld [tilespmem:s0+$0x64C0]  }
0x2b1: {  	[tilespmem:s0+$0xE0E0] =	vst v19;
	v19 =	vadd.f32 v24, v13;
	v24 =	vld [tilespmem:s0+$0x64D0]  }
0x2b2: {  	[tilespmem:s0+$0xE0F0] =	vst v18;
	v18 =	vadd.f32 v23, v11;
	v23 =	vld [tilespmem:s0+$0x64E0]  }
0x2b3: {  	[tilespmem:s0+$0xE480] =	vst v19;
	v19 =	vadd.f32 v20, v8;
	v20 =	vld [tilespmem:s0+$0x64F0]  }
0x2b4: {  	[tilespmem:s0+$0xE490] =	vst v18;
	v18 =	vadd.f32 v21, v6;
	v21 =	vld [tilespmem:s0+$0x6100]  }
0x2b5: {  	[tilespmem:s0+$0xE4A0] =	vst v19;
	v19 =	vadd.f32 v22, v4;
	v22 =	vld [tilespmem:s0+$0x6110]  }
0x2b6: {  	[tilespmem:s0+$0xE4B0] =	vst v18;
	v18 =	vadd.f32 v24, v2;
	v24 =	vld [tilespmem:s0+$0x6120]  }
0x2b7: {  	[tilespmem:s0+$0xE4C0] =	vst v19;
	v19 =	vadd.f32 v23, v3;
	v23 =	vld [tilespmem:s0+$0x6130]  }
0x2b8: {  	[tilespmem:s0+$0xE4D0] =	vst v18;
	v18 =	vadd.f32 v20, v17;
	v20 =	vld [tilespmem:s0+$0x6140]  }
0x2b9: {  	[tilespmem:s0+$0xE4E0] =	vst v19;
	v19 =	vadd.f32 v21, v5;
	v21 =	vld [tilespmem:s0+$0x6150]  }
0x2ba: {  	[tilespmem:s0+$0xE4F0] =	vst v18;
	v18 =	vadd.f32 v22, v7;
	v22 =	vld [tilespmem:s0+$0x6160]  }
0x2bb: {  	[tilespmem:s0+$0xE100] =	vst v19;
	v19 =	vadd.f32 v24, v9;
	v25 =	vld [tilespmem:s0+$0x6170]  }
.Ltmp4:
0x2bc: {  	[tilespmem:s0+$0xE110] =	vst v18;
	v23 =	vadd.f32 v23, v10;
	v18 =	vld [tilespmem:s0+$0x6500];
	(pc) =	sbr.rel @p0 .LBB2_11-.Ltmp4, $4  }
0x2bd: {  	[tilespmem:s0+$0xE120] =	vst v19;
	v24 =	vadd.f32 v20, v12;
	v19 =	vld [tilespmem:s0+$0x6510]  }
0x2be: {  	[tilespmem:s0+$0xE130] =	vst v23;
	v23 =	vadd.f32 v21, v14;
	v20 =	vld [tilespmem:s0+$0x6520]  }
0x2bf: {  	[tilespmem:s0+$0xE140] =	vst v24;
	v24 =	vadd.f32 v22, v15;
	v21 =	vld [tilespmem:s0+$0x6530]  }
0x2c0: {  	s2 =	sadd.s32 $0x100, s2;
	s3 =	sadd.s32 $0x800, s3;
	[tilespmem:s0+$0xE150] =	vst v23;
	v23 =	vadd.f32 v25, v16;
	v22 =	vld [tilespmem:s0+$0x6540]  }
0x2c1: {  	[tilespmem:s0+$0xE160] =	vst v24;
	v5 =	vld [tilespmem:s0+$0x6550];
	v7 =	vadd.f32 v18, v13  }
0x2c2: {  	v10 =	vld [tilespmem:s0+$0x6560];
	[tilespmem:s0+$0xE170] =	vst v23;
	v9 =	vadd.f32 v19, v11  }
0x2c3: {  	[tilespmem:s0+$0xE500] =	vst v7;
	v7 =	vadd.f32 v20, v8  }
0x2c4: {  	[tilespmem:s0+$0xE510] =	vst v9;
	v6 =	vadd.f32 v21, v6  }
0x2c5: {  	[tilespmem:s0+$0xE520] =	vst v7;
	v4 =	vadd.f32 v22, v4  }
0x2c6: {  	[tilespmem:s0+$0xE530] =	vst v6;
	v2 =	vadd.f32 v5, v2  }
0x2c7: {  	v3 =	vadd.f32 v10, v3;
	[tilespmem:s0+$0xE540] =	vst v4  }
0x2c8: {  	[tilespmem:s0+$0xE550] =	vst v2  }
0x2c9: {  	[tilespmem:s0+$0xE560] =	vst v3  }
0x2ca: {  	v5 =	vld [tilespmem:$0x880]  }
0x2cb: {  	v7 =	vld [tilespmem:$0x890]  }
0x2cc: {  	v9 =	vld [tilespmem:$0x8A0]  }
0x2cd: {  	v10 =	vld [tilespmem:$0x8B0]  }
0x2ce: {  	v12 =	vld [tilespmem:$0x8C0]  }
0x2cf: {  	v14 =	vld [tilespmem:$0x8D0]  }
0x2d0: {  	v15 =	vld [tilespmem:$0x8E0]  }
0x2d1: {  	v16 =	vld [tilespmem:$0x8F0]  }
0x2d2: {  	v13 =	vld [tilespmem:$0xC80]  }
0x2d3: {  	v11 =	vld [tilespmem:$0xC90]  }
0x2d4: {  	v8 =	vld [tilespmem:$0xCA0]  }
0x2d5: {  	v6 =	vld [tilespmem:$0xCB0]  }
0x2d6: {  	v4 =	vld [tilespmem:$0xCC0]  }
0x2d7: {  	s31 =	simm.s32 $0x0;
	v2 =	vld [tilespmem:$0xCD0]  }
0x2d8: {  	s1 =	sand.u32 $0x2000, s31;
	s0 =	sand.u32 $0x300, s31;
	v3 =	vld [tilespmem:$0xCE0]  }
0x2d9: {  	v17 =	vld [tilespmem:$0xCF0];
	s0 =	sor.u32 s0, s1  }
0x2da: {  	v18 =	vld [tilespmem:s0+$0x6880]  }
0x2db: {  	v19 =	vld [tilespmem:s0+$0x6890]  }
0x2dc: {  	v20 =	vld [tilespmem:s0+$0x68A0]  }
0x2dd: {  	v21 =	vld [tilespmem:s0+$0x68B0]  }
0x2de: {  	v22 =	vld [tilespmem:s0+$0x68C0]  }
0x2df: {  	v23 =	vld [tilespmem:s0+$0x68D0];
	v18 =	vadd.f32 v18, v5  }
0x2e0: {  	v24 =	vld [tilespmem:s0+$0x68E0];
	v19 =	vadd.f32 v19, v7  }
0x2e1: {  	v20 =	vadd.f32 v20, v9;
	[tilespmem:s0+$0xE880] =	vst v18;
	v18 =	vld [tilespmem:s0+$0x68F0]  }
0x2e2: {  	v21 =	vadd.f32 v21, v10;
	[tilespmem:s0+$0xE890] =	vst v19;
	v19 =	vld [tilespmem:s0+$0x6C80]  }
0x2e3: {  	v25 =	vld [tilespmem:s0+$0x6D70];
	v22 =	vadd.f32 v22, v12;
	[tilespmem:s0+$0xE8A0] =	vst v20  }
0x2e4: {  	v23 =	vadd.f32 v23, v14;
	v20 =	vld [tilespmem:s0+$0x6C90];
	[tilespmem:s0+$0xE8B0] =	vst v21  }
0x2e5: {  	v24 =	vadd.f32 v24, v15;
	v21 =	vld [tilespmem:s0+$0x6CA0];
	[tilespmem:s0+$0xE8C0] =	vst v22  }
0x2e6: {  	v27 =	vld [tilespmem:s0+$0x6920];
	[tilespmem:s0+$0xE8D0] =	vst v23;
	v18 =	vadd.f32 v18, v16  }
0x2e7: {  	v23 =	vld [tilespmem:s0+$0x6CC0];
	[tilespmem:s0+$0xE8E0] =	vst v24;
	v19 =	vadd.f32 v19, v13  }
0x2e8: {  	v24 =	vld [tilespmem:s0+$0x6CD0];
	[tilespmem:s0+$0xE8F0] =	vst v18;
	v18 =	vadd.f32 v25, v17  }
0x2e9: {  	v28 =	vld [tilespmem:s0+$0x6930];
	v20 =	vadd.f32 v20, v11;
	[tilespmem:s0+$0xEC80] =	vst v19  }
0x2ea: {  	v21 =	vadd.f32 v21, v8;
	[tilespmem:s0+$0xED70] =	vst v18;
	v18 =	vld [tilespmem:s0+$0x6900]  }
0x2eb: {  	v29 =	vld [tilespmem:s0+$0x6940];
	[tilespmem:s0+$0xEC90] =	vst v20;
	v20 =	vadd.f32 v27, v9  }
0x2ec: {  	v19 =	vld [tilespmem:s0+$0x6910];
	[tilespmem:s0+$0xECA0] =	vst v21;
	v21 =	vadd.f32 v23, v4  }
0x2ed: {  	v22 =	vld [tilespmem:s0+$0x6CB0];
	v23 =	vadd.f32 v24, v2;
	[tilespmem:s0+$0xE920] =	vst v20  }
0x2ee: {  	v30 =	vld [tilespmem:s0+$0x6950];
	v20 =	vadd.f32 v28, v10;
	[tilespmem:s0+$0xECC0] =	vst v21  }
0x2ef: {  	v25 =	vld [tilespmem:s0+$0x6CE0];
	[tilespmem:s0+$0xECD0] =	vst v23;
	v18 =	vadd.f32 v18, v5  }
0x2f0: {  	v26 =	vld [tilespmem:s0+$0x6CF0];
	v21 =	vadd.f32 v29, v12;
	[tilespmem:s0+$0xE930] =	vst v20  }
0x2f1: {  	v31 =	vld [tilespmem:s0+$0x6960];
	[tilespmem:s0+$0xE900] =	vst v18;
	v18 =	vadd.f32 v19, v7  }
0x2f2: {  	[tilespmem:s0+$0xE940] =	vst v21;
	v19 =	vadd.f32 v22, v6;
	v22 =	vld [tilespmem:s0+$0x6970]  }
0x2f3: {  	v23 =	vadd.f32 v30, v14;
	[tilespmem:s0+$0xE910] =	vst v18;
	v18 =	vld [tilespmem:s0+$0x6D00]  }
0x2f4: {  	v24 =	vadd.f32 v25, v3;
	[tilespmem:s0+$0xECB0] =	vst v19;
	v19 =	vld [tilespmem:s0+$0x6D10]  }
0x2f5: {  	v20 =	vld [tilespmem:s0+$0x6D20];
	[tilespmem:s0+$0xE950] =	vst v23;
	v25 =	vadd.f32 v26, v17  }
0x2f6: {  	v21 =	vld [tilespmem:s0+$0x6D30];
	[tilespmem:s0+$0xECE0] =	vst v24;
	v24 =	vadd.f32 v31, v15  }
0x2f7: {  	s2 =	simm.s32 $0x100;
	s3 =	simm.s32 $0x800;
	s1 =	simm.s32 $0x0;
	[tilespmem:s0+$0xECF0] =	vst v25;
	v23 =	vadd.f32 v22, v16;
	v22 =	vld [tilespmem:s0+$0x6D40]  }
.LBB2_13:
0x2f8: {  	s4 =	sand.u32 $0x2000, s3;
	s5 =	sand.u32 $0x300, s2;
	s1 =	sadd.s32 $0x2, s1;
	[tilespmem:s0+$0xE960] =	vst v24;
	v18 =	vadd.f32 v18, v13;
	v24 =	vld [tilespmem:s0+$0x6D50]  }
0x2f9: {  	s4 =	sor.u32 s5, s4;
	p0 =	slt.u32 s1, $0xE;
	[tilespmem:s0+$0xE970] =	vst v23;
	v19 =	vadd.f32 v19, v11;
	v23 =	vld [tilespmem:s0+$0x6D60]  }
0x2fa: {  	v25 =	vld [tilespmem:s4+$0x6D70];
	[tilespmem:s0+$0xED00] =	vst v18;
	v18 =	vadd.f32 v20, v8  }
0x2fb: {  	v20 =	vld [tilespmem:s4+$0x6880];
	[tilespmem:s0+$0xED10] =	vst v19;
	v19 =	vadd.f32 v21, v6  }
0x2fc: {  	v21 =	vld [tilespmem:s4+$0x6890];
	[tilespmem:s0+$0xED20] =	vst v18;
	v18 =	vadd.f32 v22, v4  }
0x2fd: {  	v22 =	vld [tilespmem:s4+$0x68A0];
	[tilespmem:s0+$0xED30] =	vst v19;
	v19 =	vadd.f32 v24, v2  }
0x2fe: {  	v24 =	vld [tilespmem:s4+$0x68B0];
	[tilespmem:s0+$0xED40] =	vst v18;
	v18 =	vadd.f32 v23, v3  }
0x2ff: {  	v23 =	vld [tilespmem:s4+$0x68C0];
	v25 =	vadd.f32 v25, v17;
	[tilespmem:s0+$0xED50] =	vst v19  }
0x300: {  	v19 =	vadd.f32 v20, v5;
	v20 =	vld [tilespmem:s4+$0x68D0];
	[tilespmem:s0+$0xED60] =	vst v18;
	s0 =	smov.u32 s4  }
0x301: {  	v18 =	vadd.f32 v21, v7;
	v21 =	vld [tilespmem:s0+$0x68E0];
	[tilespmem:s0+$0xED70] =	vst v25  }
0x302: {  	[tilespmem:s0+$0xE880] =	vst v19;
	v19 =	vadd.f32 v22, v9;
	v22 =	vld [tilespmem:s0+$0x68F0]  }
0x303: {  	[tilespmem:s0+$0xE890] =	vst v18;
	v18 =	vadd.f32 v24, v10;
	v24 =	vld [tilespmem:s0+$0x6C80]  }
0x304: {  	[tilespmem:s0+$0xE8A0] =	vst v19;
	v19 =	vadd.f32 v23, v12;
	v23 =	vld [tilespmem:s0+$0x6C90]  }
0x305: {  	[tilespmem:s0+$0xE8B0] =	vst v18;
	v18 =	vadd.f32 v20, v14;
	v20 =	vld [tilespmem:s0+$0x6CA0]  }
0x306: {  	[tilespmem:s0+$0xE8C0] =	vst v19;
	v19 =	vadd.f32 v21, v15;
	v21 =	vld [tilespmem:s0+$0x6CB0]  }
0x307: {  	[tilespmem:s0+$0xE8D0] =	vst v18;
	v18 =	vadd.f32 v22, v16;
	v22 =	vld [tilespmem:s0+$0x6CC0]  }
0x308: {  	[tilespmem:s0+$0xE8E0] =	vst v19;
	v19 =	vadd.f32 v24, v13;
	v24 =	vld [tilespmem:s0+$0x6CD0]  }
0x309: {  	[tilespmem:s0+$0xE8F0] =	vst v18;
	v18 =	vadd.f32 v23, v11;
	v23 =	vld [tilespmem:s0+$0x6CE0]  }
0x30a: {  	[tilespmem:s0+$0xEC80] =	vst v19;
	v19 =	vadd.f32 v20, v8;
	v20 =	vld [tilespmem:s0+$0x6CF0]  }
0x30b: {  	[tilespmem:s0+$0xEC90] =	vst v18;
	v18 =	vadd.f32 v21, v6;
	v21 =	vld [tilespmem:s0+$0x6900]  }
0x30c: {  	[tilespmem:s0+$0xECA0] =	vst v19;
	v19 =	vadd.f32 v22, v4;
	v22 =	vld [tilespmem:s0+$0x6910]  }
0x30d: {  	[tilespmem:s0+$0xECB0] =	vst v18;
	v18 =	vadd.f32 v24, v2;
	v24 =	vld [tilespmem:s0+$0x6920]  }
0x30e: {  	[tilespmem:s0+$0xECC0] =	vst v19;
	v19 =	vadd.f32 v23, v3;
	v23 =	vld [tilespmem:s0+$0x6930]  }
0x30f: {  	[tilespmem:s0+$0xECD0] =	vst v18;
	v18 =	vadd.f32 v20, v17;
	v20 =	vld [tilespmem:s0+$0x6940]  }
0x310: {  	[tilespmem:s0+$0xECE0] =	vst v19;
	v19 =	vadd.f32 v21, v5;
	v21 =	vld [tilespmem:s0+$0x6950]  }
0x311: {  	[tilespmem:s0+$0xECF0] =	vst v18;
	v18 =	vadd.f32 v22, v7;
	v22 =	vld [tilespmem:s0+$0x6960]  }
0x312: {  	[tilespmem:s0+$0xE900] =	vst v19;
	v19 =	vadd.f32 v24, v9;
	v25 =	vld [tilespmem:s0+$0x6970]  }
.Ltmp5:
0x313: {  	[tilespmem:s0+$0xE910] =	vst v18;
	v23 =	vadd.f32 v23, v10;
	v18 =	vld [tilespmem:s0+$0x6D00];
	(pc) =	sbr.rel @p0 .LBB2_13-.Ltmp5, $4  }
0x314: {  	[tilespmem:s0+$0xE920] =	vst v19;
	v24 =	vadd.f32 v20, v12;
	v19 =	vld [tilespmem:s0+$0x6D10]  }
0x315: {  	[tilespmem:s0+$0xE930] =	vst v23;
	v23 =	vadd.f32 v21, v14;
	v20 =	vld [tilespmem:s0+$0x6D20]  }
0x316: {  	[tilespmem:s0+$0xE940] =	vst v24;
	v24 =	vadd.f32 v22, v15;
	v21 =	vld [tilespmem:s0+$0x6D30]  }
0x317: {  	s2 =	sadd.s32 $0x100, s2;
	s3 =	sadd.s32 $0x800, s3;
	[tilespmem:s0+$0xE950] =	vst v23;
	v23 =	vadd.f32 v25, v16;
	v22 =	vld [tilespmem:s0+$0x6D40]  }
0x318: {  	[tilespmem:s0+$0xE960] =	vst v24;
	v5 =	vld [tilespmem:s0+$0x6D50];
	v7 =	vadd.f32 v18, v13  }
0x319: {  	v10 =	vld [tilespmem:s0+$0x6D60];
	[tilespmem:s0+$0xE970] =	vst v23;
	v9 =	vadd.f32 v19, v11  }
0x31a: {  	[tilespmem:s0+$0xED00] =	vst v7;
	v7 =	vadd.f32 v20, v8  }
0x31b: {  	[tilespmem:s0+$0xED10] =	vst v9;
	v6 =	vadd.f32 v21, v6  }
0x31c: {  	[tilespmem:s0+$0xED20] =	vst v7;
	v4 =	vadd.f32 v22, v4  }
0x31d: {  	[tilespmem:s0+$0xED30] =	vst v6;
	v2 =	vadd.f32 v5, v2  }
0x31e: {  	v3 =	vadd.f32 v10, v3;
	[tilespmem:s0+$0xED40] =	vst v4  }
0x31f: {  	[tilespmem:s0+$0xED50] =	vst v2  }
0x320: {  	[tilespmem:s0+$0xED60] =	vst v3  }
0x321: {  	v5 =	vld [tilespmem:$0x1080]  }
0x322: {  	v7 =	vld [tilespmem:$0x1090]  }
0x323: {  	v9 =	vld [tilespmem:$0x10A0]  }
0x324: {  	v10 =	vld [tilespmem:$0x10B0]  }
0x325: {  	v12 =	vld [tilespmem:$0x10C0]  }
0x326: {  	v14 =	vld [tilespmem:$0x10D0]  }
0x327: {  	v15 =	vld [tilespmem:$0x10E0]  }
0x328: {  	v16 =	vld [tilespmem:$0x10F0]  }
0x329: {  	v13 =	vld [tilespmem:$0x1480]  }
0x32a: {  	v11 =	vld [tilespmem:$0x1490]  }
0x32b: {  	v8 =	vld [tilespmem:$0x14A0]  }
0x32c: {  	v6 =	vld [tilespmem:$0x14B0]  }
0x32d: {  	v4 =	vld [tilespmem:$0x14C0]  }
0x32e: {  	s31 =	simm.s32 $0x0;
	v2 =	vld [tilespmem:$0x14D0]  }
0x32f: {  	s1 =	sand.u32 $0x2000, s31;
	s0 =	sand.u32 $0x300, s31;
	v3 =	vld [tilespmem:$0x14E0]  }
0x330: {  	v17 =	vld [tilespmem:$0x14F0];
	s0 =	sor.u32 s0, s1  }
0x331: {  	v18 =	vld [tilespmem:s0+$0x7080]  }
0x332: {  	v19 =	vld [tilespmem:s0+$0x7090]  }
0x333: {  	v20 =	vld [tilespmem:s0+$0x70A0]  }
0x334: {  	v21 =	vld [tilespmem:s0+$0x70B0]  }
0x335: {  	v22 =	vld [tilespmem:s0+$0x70C0]  }
0x336: {  	v23 =	vld [tilespmem:s0+$0x70D0];
	v18 =	vadd.f32 v18, v5  }
0x337: {  	v24 =	vld [tilespmem:s0+$0x70E0];
	v19 =	vadd.f32 v19, v7  }
0x338: {  	v20 =	vadd.f32 v20, v9;
	[tilespmem:s0+$0xF080] =	vst v18;
	v18 =	vld [tilespmem:s0+$0x70F0]  }
0x339: {  	v21 =	vadd.f32 v21, v10;
	[tilespmem:s0+$0xF090] =	vst v19;
	v19 =	vld [tilespmem:s0+$0x7480]  }
0x33a: {  	v25 =	vld [tilespmem:s0+$0x7570];
	v22 =	vadd.f32 v22, v12;
	[tilespmem:s0+$0xF0A0] =	vst v20  }
0x33b: {  	v23 =	vadd.f32 v23, v14;
	v20 =	vld [tilespmem:s0+$0x7490];
	[tilespmem:s0+$0xF0B0] =	vst v21  }
0x33c: {  	v24 =	vadd.f32 v24, v15;
	v21 =	vld [tilespmem:s0+$0x74A0];
	[tilespmem:s0+$0xF0C0] =	vst v22  }
0x33d: {  	v27 =	vld [tilespmem:s0+$0x7120];
	[tilespmem:s0+$0xF0D0] =	vst v23;
	v18 =	vadd.f32 v18, v16  }
0x33e: {  	v23 =	vld [tilespmem:s0+$0x74C0];
	[tilespmem:s0+$0xF0E0] =	vst v24;
	v19 =	vadd.f32 v19, v13  }
0x33f: {  	v24 =	vld [tilespmem:s0+$0x74D0];
	[tilespmem:s0+$0xF0F0] =	vst v18;
	v18 =	vadd.f32 v25, v17  }
0x340: {  	v28 =	vld [tilespmem:s0+$0x7130];
	v20 =	vadd.f32 v20, v11;
	[tilespmem:s0+$0xF480] =	vst v19  }
0x341: {  	v21 =	vadd.f32 v21, v8;
	[tilespmem:s0+$0xF570] =	vst v18;
	v18 =	vld [tilespmem:s0+$0x7100]  }
0x342: {  	v29 =	vld [tilespmem:s0+$0x7140];
	[tilespmem:s0+$0xF490] =	vst v20;
	v20 =	vadd.f32 v27, v9  }
0x343: {  	v19 =	vld [tilespmem:s0+$0x7110];
	[tilespmem:s0+$0xF4A0] =	vst v21;
	v21 =	vadd.f32 v23, v4  }
0x344: {  	v22 =	vld [tilespmem:s0+$0x74B0];
	v23 =	vadd.f32 v24, v2;
	[tilespmem:s0+$0xF120] =	vst v20  }
0x345: {  	v30 =	vld [tilespmem:s0+$0x7150];
	v20 =	vadd.f32 v28, v10;
	[tilespmem:s0+$0xF4C0] =	vst v21  }
0x346: {  	v25 =	vld [tilespmem:s0+$0x74E0];
	[tilespmem:s0+$0xF4D0] =	vst v23;
	v18 =	vadd.f32 v18, v5  }
0x347: {  	v26 =	vld [tilespmem:s0+$0x74F0];
	v21 =	vadd.f32 v29, v12;
	[tilespmem:s0+$0xF130] =	vst v20  }
0x348: {  	v31 =	vld [tilespmem:s0+$0x7160];
	[tilespmem:s0+$0xF100] =	vst v18;
	v18 =	vadd.f32 v19, v7  }
0x349: {  	[tilespmem:s0+$0xF140] =	vst v21;
	v19 =	vadd.f32 v22, v6;
	v22 =	vld [tilespmem:s0+$0x7170]  }
0x34a: {  	v23 =	vadd.f32 v30, v14;
	[tilespmem:s0+$0xF110] =	vst v18;
	v18 =	vld [tilespmem:s0+$0x7500]  }
0x34b: {  	v24 =	vadd.f32 v25, v3;
	[tilespmem:s0+$0xF4B0] =	vst v19;
	v19 =	vld [tilespmem:s0+$0x7510]  }
0x34c: {  	v20 =	vld [tilespmem:s0+$0x7520];
	[tilespmem:s0+$0xF150] =	vst v23;
	v25 =	vadd.f32 v26, v17  }
0x34d: {  	v21 =	vld [tilespmem:s0+$0x7530];
	[tilespmem:s0+$0xF4E0] =	vst v24;
	v24 =	vadd.f32 v31, v15  }
0x34e: {  	s2 =	simm.s32 $0x100;
	s3 =	simm.s32 $0x800;
	s1 =	simm.s32 $0x0;
	[tilespmem:s0+$0xF4F0] =	vst v25;
	v23 =	vadd.f32 v22, v16;
	v22 =	vld [tilespmem:s0+$0x7540]  }
.LBB2_15:
0x34f: {  	s4 =	sand.u32 $0x2000, s3;
	s5 =	sand.u32 $0x300, s2;
	s1 =	sadd.s32 $0x2, s1;
	[tilespmem:s0+$0xF160] =	vst v24;
	v18 =	vadd.f32 v18, v13;
	v24 =	vld [tilespmem:s0+$0x7550]  }
0x350: {  	s4 =	sor.u32 s5, s4;
	p0 =	slt.u32 s1, $0xE;
	[tilespmem:s0+$0xF170] =	vst v23;
	v19 =	vadd.f32 v19, v11;
	v23 =	vld [tilespmem:s0+$0x7560]  }
0x351: {  	v25 =	vld [tilespmem:s4+$0x7570];
	[tilespmem:s0+$0xF500] =	vst v18;
	v18 =	vadd.f32 v20, v8  }
0x352: {  	v20 =	vld [tilespmem:s4+$0x7080];
	[tilespmem:s0+$0xF510] =	vst v19;
	v19 =	vadd.f32 v21, v6  }
0x353: {  	v21 =	vld [tilespmem:s4+$0x7090];
	[tilespmem:s0+$0xF520] =	vst v18;
	v18 =	vadd.f32 v22, v4  }
0x354: {  	v22 =	vld [tilespmem:s4+$0x70A0];
	[tilespmem:s0+$0xF530] =	vst v19;
	v19 =	vadd.f32 v24, v2  }
0x355: {  	v24 =	vld [tilespmem:s4+$0x70B0];
	[tilespmem:s0+$0xF540] =	vst v18;
	v18 =	vadd.f32 v23, v3  }
0x356: {  	v23 =	vld [tilespmem:s4+$0x70C0];
	v25 =	vadd.f32 v25, v17;
	[tilespmem:s0+$0xF550] =	vst v19  }
0x357: {  	v19 =	vadd.f32 v20, v5;
	v20 =	vld [tilespmem:s4+$0x70D0];
	[tilespmem:s0+$0xF560] =	vst v18;
	s0 =	smov.u32 s4  }
0x358: {  	v18 =	vadd.f32 v21, v7;
	v21 =	vld [tilespmem:s0+$0x70E0];
	[tilespmem:s0+$0xF570] =	vst v25  }
0x359: {  	[tilespmem:s0+$0xF080] =	vst v19;
	v19 =	vadd.f32 v22, v9;
	v22 =	vld [tilespmem:s0+$0x70F0]  }
0x35a: {  	[tilespmem:s0+$0xF090] =	vst v18;
	v18 =	vadd.f32 v24, v10;
	v24 =	vld [tilespmem:s0+$0x7480]  }
0x35b: {  	[tilespmem:s0+$0xF0A0] =	vst v19;
	v19 =	vadd.f32 v23, v12;
	v23 =	vld [tilespmem:s0+$0x7490]  }
0x35c: {  	[tilespmem:s0+$0xF0B0] =	vst v18;
	v18 =	vadd.f32 v20, v14;
	v20 =	vld [tilespmem:s0+$0x74A0]  }
0x35d: {  	[tilespmem:s0+$0xF0C0] =	vst v19;
	v19 =	vadd.f32 v21, v15;
	v21 =	vld [tilespmem:s0+$0x74B0]  }
0x35e: {  	[tilespmem:s0+$0xF0D0] =	vst v18;
	v18 =	vadd.f32 v22, v16;
	v22 =	vld [tilespmem:s0+$0x74C0]  }
0x35f: {  	[tilespmem:s0+$0xF0E0] =	vst v19;
	v19 =	vadd.f32 v24, v13;
	v24 =	vld [tilespmem:s0+$0x74D0]  }
0x360: {  	[tilespmem:s0+$0xF0F0] =	vst v18;
	v18 =	vadd.f32 v23, v11;
	v23 =	vld [tilespmem:s0+$0x74E0]  }
0x361: {  	[tilespmem:s0+$0xF480] =	vst v19;
	v19 =	vadd.f32 v20, v8;
	v20 =	vld [tilespmem:s0+$0x74F0]  }
0x362: {  	[tilespmem:s0+$0xF490] =	vst v18;
	v18 =	vadd.f32 v21, v6;
	v21 =	vld [tilespmem:s0+$0x7100]  }
0x363: {  	[tilespmem:s0+$0xF4A0] =	vst v19;
	v19 =	vadd.f32 v22, v4;
	v22 =	vld [tilespmem:s0+$0x7110]  }
0x364: {  	[tilespmem:s0+$0xF4B0] =	vst v18;
	v18 =	vadd.f32 v24, v2;
	v24 =	vld [tilespmem:s0+$0x7120]  }
0x365: {  	[tilespmem:s0+$0xF4C0] =	vst v19;
	v19 =	vadd.f32 v23, v3;
	v23 =	vld [tilespmem:s0+$0x7130]  }
0x366: {  	[tilespmem:s0+$0xF4D0] =	vst v18;
	v18 =	vadd.f32 v20, v17;
	v20 =	vld [tilespmem:s0+$0x7140]  }
0x367: {  	[tilespmem:s0+$0xF4E0] =	vst v19;
	v19 =	vadd.f32 v21, v5;
	v21 =	vld [tilespmem:s0+$0x7150]  }
0x368: {  	[tilespmem:s0+$0xF4F0] =	vst v18;
	v18 =	vadd.f32 v22, v7;
	v22 =	vld [tilespmem:s0+$0x7160]  }
0x369: {  	[tilespmem:s0+$0xF100] =	vst v19;
	v19 =	vadd.f32 v24, v9;
	v25 =	vld [tilespmem:s0+$0x7170]  }
.Ltmp6:
0x36a: {  	[tilespmem:s0+$0xF110] =	vst v18;
	v23 =	vadd.f32 v23, v10;
	v18 =	vld [tilespmem:s0+$0x7500];
	(pc) =	sbr.rel @p0 .LBB2_15-.Ltmp6, $4  }
0x36b: {  	[tilespmem:s0+$0xF120] =	vst v19;
	v24 =	vadd.f32 v20, v12;
	v19 =	vld [tilespmem:s0+$0x7510]  }
0x36c: {  	[tilespmem:s0+$0xF130] =	vst v23;
	v23 =	vadd.f32 v21, v14;
	v20 =	vld [tilespmem:s0+$0x7520]  }
0x36d: {  	[tilespmem:s0+$0xF140] =	vst v24;
	v24 =	vadd.f32 v22, v15;
	v21 =	vld [tilespmem:s0+$0x7530]  }
0x36e: {  	s2 =	sadd.s32 $0x100, s2;
	s3 =	sadd.s32 $0x800, s3;
	[tilespmem:s0+$0xF150] =	vst v23;
	v23 =	vadd.f32 v25, v16;
	v22 =	vld [tilespmem:s0+$0x7540]  }
0x36f: {  	[tilespmem:s0+$0xF160] =	vst v24;
	v5 =	vld [tilespmem:s0+$0x7550];
	v7 =	vadd.f32 v18, v13  }
0x370: {  	v10 =	vld [tilespmem:s0+$0x7560];
	[tilespmem:s0+$0xF170] =	vst v23;
	v9 =	vadd.f32 v19, v11  }
0x371: {  	[tilespmem:s0+$0xF500] =	vst v7;
	v7 =	vadd.f32 v20, v8  }
0x372: {  	[tilespmem:s0+$0xF510] =	vst v9;
	v6 =	vadd.f32 v21, v6  }
0x373: {  	[tilespmem:s0+$0xF520] =	vst v7;
	v4 =	vadd.f32 v22, v4  }
0x374: {  	[tilespmem:s0+$0xF530] =	vst v6;
	v2 =	vadd.f32 v5, v2  }
0x375: {  	v3 =	vadd.f32 v10, v3;
	[tilespmem:s0+$0xF540] =	vst v4  }
0x376: {  	[tilespmem:s0+$0xF550] =	vst v2  }
0x377: {  	[tilespmem:s0+$0xF560] =	vst v3  }
0x378: {  	v15 =	vld [tilespmem:$0x1880]  }
0x379: {  	v16 =	vld [tilespmem:$0x1890]  }
0x37a: {  	v17 =	vld [tilespmem:$0x18A0]  }
0x37b: {  	v14 =	vld [tilespmem:$0x18B0]  }
0x37c: {  	v13 =	vld [tilespmem:$0x18C0]  }
0x37d: {  	s16 =	simm.s32 $0x0;
	v12 =	vld [tilespmem:$0x18D0]  }
0x37e: {  	s0 =	sand.u32 $0x3, s16;
	v11 =	vld [tilespmem:$0x18E0]  }
0x37f: {  	v10 =	vld [tilespmem:$0x18F0];
	s0 =	sshll.u32 s0, $0x8  }
0x380: {  	v9 =	vld [tilespmem:$0x1C80];
	s4 =	sadd.s32 $0x0, s0  }
0x381: {  	v8 =	vld [tilespmem:$0x1C90];
	s0 =	sor.u32 $0x1880, s4  }
0x382: {  	v2 =	vld [tilespmem:s0+$0x6080]  }
0x383: {  	v7 =	vld [tilespmem:$0x1CA0]  }
0x384: {  	v6 =	vld [tilespmem:$0x1CB0]  }
0x385: {  	v5 =	vld [tilespmem:$0x1CC0];
	s1 =	sor.u32 $0x1800, s4  }
0x386: {  	v18 =	vld [tilespmem:s1+$0x6080]  }
0x387: {  	v4 =	vld [tilespmem:$0x1CD0];
	v19 =	vadd.f32 v2, v15  }
0x388: {  	v3 =	vld [tilespmem:$0x1CE0]  }
0x389: {  	s17 =	sor.u32 $0x1890, s4;
	v2 =	vld [tilespmem:$0x1CF0];
	[tilespmem:s0+$0xE080] =	vst v19  }
0x38a: {  	v19 =	vld [tilespmem:s17+$0x6080]  }
0x38b: {  	v18 =	vadd.f32 v18, v15;
	_ =	sdelay $0x1  }
0x38c: {  	s2 =	sor.u32 $0x1810, s4;
	[tilespmem:s1+$0xE080] =	vst v18  }
0x38d: {  	v18 =	vld [tilespmem:s2+$0x6080]  }
0x38e: {  	v19 =	vadd.f32 v19, v16;
	_ =	sdelay $0x1  }
0x38f: {  	s18 =	sor.u32 $0x18A0, s4;
	[tilespmem:s17+$0xE080] =	vst v19  }
0x390: {  	v19 =	vld [tilespmem:s18+$0x6080]  }
0x391: {  	v18 =	vadd.f32 v18, v16;
	_ =	sdelay $0x1  }
0x392: {  	s19 =	sor.u32 $0x1820, s4;
	[tilespmem:s2+$0xE080] =	vst v18  }
0x393: {  	v18 =	vld [tilespmem:s19+$0x6080]  }
0x394: {  	v19 =	vadd.f32 v19, v17;
	_ =	sdelay $0x1  }
0x395: {  	s20 =	sor.u32 $0x18B0, s4;
	[tilespmem:s18+$0xE080] =	vst v19  }
0x396: {  	v19 =	vld [tilespmem:s20+$0x6080]  }
0x397: {  	v18 =	vadd.f32 v18, v17  }
0x398: {  	s21 =	simm.s32 $0x1  }
0x399: {  	s22 =	sand.u32 $0x3, s21;
	s3 =	sor.u32 $0x1830, s4;
	[tilespmem:s19+$0xE080] =	vst v18  }
0x39a: {  	s1 =	sshll.u32 s22, $0x8;
	v18 =	vld [tilespmem:s3+$0x6080]  }
0x39b: {  	s26 =	sadd.s32 $0x800, s1;
	v19 =	vadd.f32 v19, v14  }
0x39c: {  	s1 =	sor.u32 $0x1880, s26  }
0x39d: {  	s23 =	sor.u32 $0x18C0, s4;
	[tilespmem:s20+$0xE080] =	vst v19;
	v19 =	vld [tilespmem:s1+$0x6080]  }
0x39e: {  	v20 =	vld [tilespmem:s23+$0x6080]  }
0x39f: {  	v18 =	vadd.f32 v18, v14  }
0x3a0: {  	s24 =	sor.u32 $0x1800, s26  }
0x3a1: {  	s5 =	sor.u32 $0x1840, s4;
	[tilespmem:s3+$0xE080] =	vst v18;
	v18 =	vld [tilespmem:s24+$0x6080]  }
0x3a2: {  	v21 =	vld [tilespmem:s5+$0x6080];
	v19 =	vadd.f32 v19, v15  }
0x3a3: {  	v20 =	vadd.f32 v20, v13  }
0x3a4: {  	s25 =	sor.u32 $0x1890, s26;
	[tilespmem:s1+$0xE080] =	vst v19  }
0x3a5: {  	s3 =	sor.u32 $0x18D0, s4;
	v19 =	vld [tilespmem:s25+$0x6080];
	[tilespmem:s23+$0xE080] =	vst v20  }
0x3a6: {  	v18 =	vadd.f32 v18, v15;
	v20 =	vld [tilespmem:s3+$0x6080]  }
0x3a7: {  	v21 =	vadd.f32 v21, v13  }
0x3a8: {  	s6 =	sor.u32 $0x1810, s26;
	[tilespmem:s24+$0xE080] =	vst v18  }
0x3a9: {  	s7 =	sor.u32 $0x1850, s4;
	v18 =	vld [tilespmem:s6+$0x6080];
	[tilespmem:s5+$0xE080] =	vst v21  }
0x3aa: {  	v21 =	vld [tilespmem:s7+$0x6080];
	v19 =	vadd.f32 v19, v16  }
0x3ab: {  	v20 =	vadd.f32 v20, v12  }
0x3ac: {  	s8 =	sor.u32 $0x18A0, s26;
	[tilespmem:s25+$0xE080] =	vst v19  }
0x3ad: {  	s9 =	sor.u32 $0x18E0, s4;
	v19 =	vld [tilespmem:s8+$0x6080];
	[tilespmem:s3+$0xE080] =	vst v20  }
0x3ae: {  	v18 =	vadd.f32 v18, v16;
	v20 =	vld [tilespmem:s9+$0x6080]  }
0x3af: {  	v21 =	vadd.f32 v21, v12  }
0x3b0: {  	s10 =	sor.u32 $0x1820, s26;
	[tilespmem:s6+$0xE080] =	vst v18  }
0x3b1: {  	s11 =	sor.u32 $0x1860, s4;
	v18 =	vld [tilespmem:s10+$0x6080];
	[tilespmem:s7+$0xE080] =	vst v21  }
0x3b2: {  	v21 =	vld [tilespmem:s11+$0x6080];
	v19 =	vadd.f32 v19, v17  }
0x3b3: {  	v20 =	vadd.f32 v20, v11  }
0x3b4: {  	s12 =	sor.u32 $0x18B0, s26;
	[tilespmem:s8+$0xE080] =	vst v19  }
0x3b5: {  	s13 =	sor.u32 $0x18F0, s4;
	v19 =	vld [tilespmem:s12+$0x6080];
	[tilespmem:s9+$0xE080] =	vst v20  }
0x3b6: {  	v18 =	vadd.f32 v18, v17;
	v20 =	vld [tilespmem:s13+$0x6080]  }
0x3b7: {  	s14 =	simm.s32 $0x2;
	v21 =	vadd.f32 v21, v11  }
0x3b8: {  	s2 =	sand.u32 $0x3, s14;
	s6 =	sor.u32 $0x1830, s26;
	[tilespmem:s10+$0xE080] =	vst v18  }
0x3b9: {  	s15 =	sor.u32 $0x1870, s4;
	s2 =	sshll.u32 s2, $0x8;
	v18 =	vld [tilespmem:s6+$0x6080];
	[tilespmem:s11+$0xE080] =	vst v21  }
0x3ba: {  	s19 =	sadd.s32 $0x1000, s2;
	v21 =	vld [tilespmem:s15+$0x6080];
	v19 =	vadd.f32 v19, v14  }
0x3bb: {  	s2 =	sor.u32 $0x1880, s19;
	v20 =	vadd.f32 v20, v10  }
0x3bc: {  	s16 =	sor.u32 $0x18C0, s26;
	[tilespmem:s12+$0xE080] =	vst v19;
	v19 =	vld [tilespmem:s2+$0x6080]  }
0x3bd: {  	s17 =	sor.u32 $0x1C80, s4;
	[tilespmem:s13+$0xE080] =	vst v20;
	v20 =	vld [tilespmem:s16+$0x6080]  }
0x3be: {  	v18 =	vadd.f32 v18, v14;
	v22 =	vld [tilespmem:s17+$0x6080]  }
0x3bf: {  	s18 =	sor.u32 $0x1800, s19;
	v21 =	vadd.f32 v21, v10  }
0x3c0: {  	s7 =	sor.u32 $0x1840, s26;
	[tilespmem:s6+$0xE080] =	vst v18;
	v18 =	vld [tilespmem:s18+$0x6080]  }
0x3c1: {  	s20 =	sor.u32 $0x1C00, s4;
	[tilespmem:s15+$0xE080] =	vst v21;
	v21 =	vld [tilespmem:s7+$0x6080];
	v19 =	vadd.f32 v19, v15  }
0x3c2: {  	v23 =	vld [tilespmem:s20+$0x6080];
	v20 =	vadd.f32 v20, v13  }
0x3c3: {  	s21 =	sor.u32 $0x1890, s19;
	[tilespmem:s2+$0xE080] =	vst v19;
	v19 =	vadd.f32 v22, v9  }
0x3c4: {  	s22 =	sor.u32 $0x18D0, s26;
	v22 =	vld [tilespmem:s21+$0x6080];
	[tilespmem:s16+$0xE080] =	vst v20  }
0x3c5: {  	s23 =	sor.u32 $0x1C90, s4;
	v18 =	vadd.f32 v18, v15;
	v20 =	vld [tilespmem:s22+$0x6080];
	[tilespmem:s17+$0xE080] =	vst v19  }
0x3c6: {  	v19 =	vadd.f32 v21, v13;
	v21 =	vld [tilespmem:s23+$0x6080]  }
0x3c7: {  	s24 =	sor.u32 $0x1810, s19;
	[tilespmem:s18+$0xE080] =	vst v18;
	v18 =	vadd.f32 v23, v9  }
0x3c8: {  	s25 =	sor.u32 $0x1850, s26;
	v23 =	vld [tilespmem:s24+$0x6080];
	[tilespmem:s7+$0xE080] =	vst v19  }
0x3c9: {  	s8 =	sor.u32 $0x1C10, s4;
	[tilespmem:s20+$0xE080] =	vst v18;
	v19 =	vadd.f32 v22, v16;
	v22 =	vld [tilespmem:s25+$0x6080]  }
0x3ca: {  	v18 =	vadd.f32 v20, v12;
	v20 =	vld [tilespmem:s8+$0x6080]  }
0x3cb: {  	s9 =	sor.u32 $0x18A0, s19;
	[tilespmem:s21+$0xE080] =	vst v19;
	v19 =	vadd.f32 v21, v8  }
0x3cc: {  	s10 =	sor.u32 $0x18E0, s26;
	v21 =	vld [tilespmem:s9+$0x6080];
	[tilespmem:s22+$0xE080] =	vst v18  }
0x3cd: {  	s11 =	sor.u32 $0x1CA0, s4;
	v18 =	vadd.f32 v23, v16;
	v23 =	vld [tilespmem:s10+$0x6080];
	[tilespmem:s23+$0xE080] =	vst v19  }
0x3ce: {  	v19 =	vadd.f32 v22, v12;
	v22 =	vld [tilespmem:s11+$0x6080]  }
0x3cf: {  	s12 =	sor.u32 $0x1820, s19;
	[tilespmem:s24+$0xE080] =	vst v18;
	v18 =	vadd.f32 v20, v8  }
0x3d0: {  	s13 =	sor.u32 $0x1860, s26;
	v20 =	vld [tilespmem:s12+$0x6080];
	[tilespmem:s25+$0xE080] =	vst v19  }
0x3d1: {  	s14 =	sor.u32 $0x1C20, s4;
	v19 =	vadd.f32 v21, v17;
	v21 =	vld [tilespmem:s13+$0x6080];
	[tilespmem:s8+$0xE080] =	vst v18  }
0x3d2: {  	v18 =	vadd.f32 v23, v11;
	v23 =	vld [tilespmem:s14+$0x6080]  }
0x3d3: {  	s15 =	sor.u32 $0x18B0, s19;
	[tilespmem:s9+$0xE080] =	vst v19;
	v19 =	vadd.f32 v22, v7  }
0x3d4: {  	s16 =	sor.u32 $0x18F0, s26;
	v22 =	vld [tilespmem:s15+$0x6080];
	[tilespmem:s10+$0xE080] =	vst v18  }
0x3d5: {  	s17 =	sor.u32 $0x1CB0, s4;
	v18 =	vadd.f32 v20, v17;
	v20 =	vld [tilespmem:s16+$0x6080];
	[tilespmem:s11+$0xE080] =	vst v19  }
0x3d6: {  	s18 =	simm.s32 $0x3;
	v19 =	vadd.f32 v21, v11;
	v21 =	vld [tilespmem:s17+$0x6080]  }
0x3d7: {  	s20 =	sand.u32 $0x3, s18;
	s8 =	sor.u32 $0x1830, s19;
	[tilespmem:s12+$0xE080] =	vst v18;
	v18 =	vadd.f32 v23, v7  }
0x3d8: {  	s21 =	sor.u32 $0x1870, s26;
	s22 =	sshll.u32 s20, $0x8;
	v23 =	vld [tilespmem:s8+$0x6080];
	[tilespmem:s13+$0xE080] =	vst v19  }
0x3d9: {  	s23 =	sor.u32 $0x1C30, s4;
	s12 =	sadd.s32 $0x1800, s22;
	v19 =	vadd.f32 v22, v14;
	v22 =	vld [tilespmem:s21+$0x6080];
	[tilespmem:s14+$0xE080] =	vst v18  }
0x3da: {  	s24 =	sor.u32 $0x1880, s12;
	v18 =	vadd.f32 v20, v10;
	v20 =	vld [tilespmem:s23+$0x6080]  }
0x3db: {  	s25 =	sor.u32 $0x18C0, s19;
	[tilespmem:s15+$0xE080] =	vst v19;
	v19 =	vadd.f32 v21, v6;
	v21 =	vld [tilespmem:s24+$0x6080]  }
0x3dc: {  	s10 =	sor.u32 $0x1C80, s26;
	[tilespmem:s16+$0xE080] =	vst v18;
	v18 =	vld [tilespmem:s25+$0x6080]  }
0x3dd: {  	s11 =	sor.u32 $0x1CC0, s4;
	v23 =	vadd.f32 v23, v14;
	[tilespmem:s17+$0xE080] =	vst v19;
	v19 =	vld [tilespmem:s10+$0x6080]  }
0x3de: {  	s5 =	sor.u32 $0x1800, s12;
	v22 =	vadd.f32 v22, v10;
	v24 =	vld [tilespmem:s11+$0x6080]  }
0x3df: {  	s9 =	sor.u32 $0x1840, s19;
	[tilespmem:s8+$0xE080] =	vst v23;
	v23 =	vld [tilespmem:s5+$0x6080];
	v20 =	vadd.f32 v20, v6  }
0x3e0: {  	s13 =	sor.u32 $0x1C00, s26;
	[tilespmem:s21+$0xE080] =	vst v22;
	v21 =	vadd.f32 v21, v15;
	v22 =	vld [tilespmem:s9+$0x6080]  }
0x3e1: {  	[tilespmem:s23+$0xE080] =	vst v20;
	v18 =	vadd.f32 v18, v13;
	v20 =	vld [tilespmem:s13+$0x6080]  }
0x3e2: {  	s14 =	sor.u32 $0x1C40, s4;
	[tilespmem:s24+$0xE080] =	vst v21;
	v19 =	vadd.f32 v19, v9  }
0x3e3: {  	s17 =	sor.u32 $0x1890, s12;
	v21 =	vld [tilespmem:s14+$0x6080];
	[tilespmem:s25+$0xE080] =	vst v18;
	v18 =	vadd.f32 v24, v5  }
0x3e4: {  	s20 =	sor.u32 $0x18D0, s19;
	v25 =	vld [tilespmem:s17+$0x6080];
	v23 =	vadd.f32 v23, v15;
	[tilespmem:s10+$0xE080] =	vst v19  }
0x3e5: {  	s24 =	sor.u32 $0x1C90, s26;
	v24 =	vld [tilespmem:s20+$0x6080];
	v19 =	vadd.f32 v22, v13;
	[tilespmem:s11+$0xE080] =	vst v18  }
0x3e6: {  	s25 =	sor.u32 $0x1CD0, s4;
	v22 =	vld [tilespmem:s24+$0x6080];
	[tilespmem:s5+$0xE080] =	vst v23;
	v18 =	vadd.f32 v20, v9  }
0x3e7: {  	s6 =	sor.u32 $0x1810, s12;
	v20 =	vld [tilespmem:s25+$0x6080];
	[tilespmem:s9+$0xE080] =	vst v19  }
0x3e8: {  	s10 =	sor.u32 $0x1850, s19;
	v23 =	vld [tilespmem:s6+$0x6080];
	v19 =	vadd.f32 v21, v5;
	[tilespmem:s13+$0xE080] =	vst v18;
	s13 =	sor.u32 $0x1C70, s4  }
0x3e9: {  	v21 =	vadd.f32 v25, v16;
	v25 =	vld [tilespmem:s10+$0x6080];
	[dreg:$0x16] =	wrdreg s13  }
0x3ea: {  	s18 =	sor.u32 $0x1C10, s26;
	[tilespmem:s14+$0xE080] =	vst v19  }
0x3eb: {  	s22 =	sor.u32 $0x1C50, s4;
	v18 =	vadd.f32 v24, v12;
	v24 =	vld [tilespmem:s18+$0x6080];
	[tilespmem:s17+$0xE080] =	vst v21;
	s14 =	sor.u32 $0x1C60, s26  }
0x3ec: {  	s17 =	sor.u32 $0x1C70, s26;
	v21 =	vld [tilespmem:s22+$0x6080];
	[smem:$0x7E1] =	sst s14  }
0x3ed: {  	v19 =	vadd.f32 v22, v8;
	[dreg:$0x12] =	wrdreg s17  }
0x3ee: {  	s3 =	sor.u32 $0x18A0, s12;
	[tilespmem:s20+$0xE080] =	vst v18  }
0x3ef: {  	s2 =	sor.u32 $0x18E0, s19;
	v22 =	vld [tilespmem:s3+$0x6080];
	[tilespmem:s24+$0xE080] =	vst v19;
	s20 =	sor.u32 $0x1C00, s19  }
0x3f0: {  	v18 =	vadd.f32 v20, v4;
	v20 =	vadd.f32 v23, v16;
	s24 =	sor.u32 $0x1C10, s19;
	v23 =	vld [tilespmem:s2+$0x6080];
	[dreg:$0x10] =	wrdreg s20  }
0x3f1: {  	[dreg:$0xc] =	wrdreg s24  }
0x3f2: {  	s1 =	sor.u32 $0x1CA0, s26;
	[tilespmem:s25+$0xE080] =	vst v18;
	s25 =	sor.u32 $0x1C30, s19  }
0x3f3: {  	v19 =	vadd.f32 v25, v12;
	v25 =	vld [tilespmem:s1+$0x6080];
	[dreg:$0xa] =	wrdreg s25  }
0x3f4: {  	s5 =	sor.u32 $0x1CE0, s4;
	v18 =	vadd.f32 v24, v8;
	[tilespmem:s6+$0xE080] =	vst v20  }
0x3f5: {  	s13 =	sor.u32 $0x1820, s12;
	v20 =	vld [tilespmem:s5+$0x6080];
	[tilespmem:s10+$0xE080] =	vst v19  }
0x3f6: {  	s7 =	sor.u32 $0x1C60, s19;
	s11 =	sor.u32 $0x1860, s19;
	v19 =	vadd.f32 v21, v4;
	v24 =	vld [tilespmem:s13+$0x6080];
	[tilespmem:s18+$0xE080] =	vst v18  }
0x3f7: {  	v18 =	vadd.f32 v22, v17;
	v21 =	vld [tilespmem:s11+$0x6080];
	[dreg:$0x6] =	wrdreg s7  }
0x3f8: {  	s21 =	sor.u32 $0x1C20, s26;
	[tilespmem:s22+$0xE080] =	vst v19  }
0x3f9: {  	s15 =	sor.u32 $0x1C60, s4;
	s25 =	smov.u32 s11;
	s11 =	sor.u32 $0x1850, s12;
	v22 =	vadd.f32 v23, v11;
	v26 =	vld [tilespmem:s21+$0x6080];
	[tilespmem:s3+$0xE080] =	vst v18  }
0x3fa: {  	s30 =	sor.u32 $0x1830, s12;
	s29 =	sor.u32 $0x18B0, s12;
	v19 =	vld [tilespmem:s15+$0x6080];
	[dreg:$0x1f] =	wrdreg s11  }
0x3fb: {  	s9 =	sor.u32 $0x1C40, s19;
	s17 =	sor.u32 $0x1870, s19;
	s18 =	sor.u32 $0x1870, s12;
	[tilespmem:s2+$0xE080] =	vst v22  }
0x3fc: {  	s14 =	sor.u32 $0x1C20, s19;
	v18 =	vadd.f32 v25, v7;
	s22 =	sor.u32 $0x1C00, s12;
	v23 =	vld [tilespmem:s29+$0x6080];
	[dreg:$0x1e] =	wrdreg s18  }
0x3fd: {  	s20 =	sor.u32 $0x1C70, s19;
	s10 =	sor.u32 $0x1C50, s19;
	[dreg:$0x1a] =	wrdreg s22  }
0x3fe: {  	s2 =	smov.u32 s19;
	s19 =	sor.u32 $0x18F0, s19;
	[tilespmem:s1+$0xE080] =	vst v18;
	s1 =	sor.u32 $0x1C10, s12  }
0x3ff: {  	s31 =	sor.u32 $0x1840, s12;
	s7 =	sor.u32 $0x1C20, s12;
	v20 =	vadd.f32 v20, v3;
	v22 =	vld [tilespmem:s19+$0x6080];
	[dreg:$0x18] =	wrdreg s1  }
0x400: {  	s28 =	sor.u32 $0x1C50, s12;
	s16 =	sor.u32 $0x1C30, s26;
	[dreg:$0x1c] =	wrdreg s7  }
0x401: {  	s8 =	sor.u32 $0x1C50, s26;
	s11 =	sor.u32 $0x1C30, s12;
	s22 =	sor.u32 $0x1CB0, s26;
	v18 =	vadd.f32 v24, v17;
	[tilespmem:s5+$0xE080] =	vst v20  }
0x402: {  	s23 =	sor.u32 $0x1C40, s26;
	s24 =	sor.u32 $0x1CF0, s4;
	v20 =	vld [tilespmem:s22+$0x6080];
	[dreg:$0xe] =	wrdreg s11  }
0x403: {  	s4 =	simm.s32 $0x1800;
	s6 =	simm.s32 $0x6;
	[tilespmem:s13+$0xE080] =	vst v18;
	s13 =	sor.u32 $0x1C60, s12  }
0x404: {  	s3 =	sor.u32 $0x1860, s12;
	s18 =	sor.u32 $0x1C70, s12;
	v18 =	vld [tilespmem:s24+$0x6080];
	[dreg:$0x8] =	wrdreg s13  }
0x405: {  	v24 =	vadd.f32 v21, v11;
	v21 =	vadd.f32 v26, v7;
	s11 =	sor.u32 $0x1C40, s12;
	[dreg:$0x14] =	wrdreg s18;
	s13 =	simm.s32 $0x4  }
.LBB2_17:
0x406: {  	[smem:$0x7D6] =	sst s20  }
0x407: {  	[smem:$0x7D7] =	sst s8  }
0x408: {  	[smem:$0x7DD] =	sst s28  }
0x409: {  	[smem:$0x7DC] =	sst s10  }
0x40a: {  	s1 =	sand.u32 $0x3, s13;
	s4 =	sadd.s32 $0x800, s4;
	s20 =	rddreg [dreg:$0x1c]  }
0x40b: {  	s8 =	sor.u32 $0x1C80, s2;
	s28 =	rddreg [dreg:$0x10];
	s5 =	smov.u32 s20  }
0x40c: {  	v25 =	vld [tilespmem:s30+$0x6080];
	[tilespmem:s25+$0xE080] =	vst v24;
	s1 =	sshll.u32 s1, $0x8;
	s0 =	smov.u32 s3;
	[smem:$0x7DF] =	sst s5  }
0x40d: {  	v23 =	vadd.f32 v23, v14;
	v24 =	vld [tilespmem:s17+$0x6080];
	[tilespmem:s21+$0xE080] =	vst v21;
	s7 =	smov.u32 s14;
	s3 =	sadd.s32 s1, s4;
	s21 =	sld [smem:$0x7E1]  }
0x40e: {  	v21 =	vadd.f32 v22, v10;
	[smem:$0x7DA] =	sst s0;
	s10 =	sor.u32 $0x1880, s3;
	s1 =	sor.u32 $0x1820, s3  }
0x40f: {  	v22 =	vld [tilespmem:s16+$0x6080];
	[tilespmem:s29+$0xE080] =	vst v23;
	s0 =	smov.u32 s2;
	s2 =	sor.u32 $0x1850, s3;
	v19 =	vadd.f32 v19, v3;
	[smem:$0x7D8] =	sst s1  }
0x410: {  	s5 =	sor.u32 $0x18C0, s12;
	s20 =	sor.u32 $0x1800, s3;
	v23 =	vld [tilespmem:s10+$0x6080];
	[tilespmem:s19+$0xE080] =	vst v21;
	[smem:$0x7D9] =	sst s2  }
0x411: {  	s14 =	sor.u32 $0x1C10, s3;
	s19 =	smov.u32 s9;
	v21 =	vadd.f32 v25, v14;
	[tilespmem:s15+$0xE080] =	vst v19;
	s15 =	rddreg [dreg:$0x16]  }
0x412: {  	s9 =	sor.u32 $0x1870, s3;
	[smem:$0x7DB] =	sst s14;
	s25 =	smov.u32 s21;
	v19 =	vadd.f32 v20, v6;
	v20 =	vld [tilespmem:s15+$0x6080]  }
0x413: {  	v18 =	vadd.f32 v18, v2;
	s21 =	sor.u32 $0x1830, s3;
	[smem:$0x7D5] =	sst s25;
	s25 =	sor.u32 $0x1C20, s3;
	[tilespmem:s30+$0xE080] =	vst v21  }
0x414: {  	v25 =	vld [tilespmem:s5+$0x6080];
	[dreg:$0x1c] =	wrdreg s25;
	s30 =	smov.u32 s21;
	s21 =	smov.u32 s7;
	[tilespmem:s22+$0xE080] =	vst v19;
	v19 =	vadd.f32 v24, v10  }
0x415: {  	s7 =	rddreg [dreg:$0xe];
	s22 =	smov.u32 s11;
	s11 =	sor.u32 $0x1860, s3;
	v24 =	vld [tilespmem:s8+$0x6080];
	[tilespmem:s24+$0xE080] =	vst v18;
	v18 =	vadd.f32 v22, v6  }
0x416: {  	s25 =	sor.u32 $0x1C30, s3;
	[smem:$0x7E0] =	sst s11;
	v22 =	vld [tilespmem:s20+$0x6080];
	s11 =	sor.u32 $0x1C50, s3;
	[tilespmem:s17+$0xE080] =	vst v19  }
0x417: {  	[smem:$0x7DE] =	sst s11;
	v19 =	vadd.f32 v20, v2;
	v20 =	vadd.f32 v23, v15;
	v23 =	vld [tilespmem:s31+$0x6080];
	[tilespmem:s16+$0xE080] =	vst v18;
	s16 =	smov.u32 s9;
	s9 =	smov.u32 s25  }
0x418: {  	s2 =	sor.u32 $0x1CC0, s26;
	[dreg:$0xe] =	wrdreg s9  }
0x419: {  	v21 =	vld [tilespmem:s2+$0x6080];
	s9 =	rddreg [dreg:$0x8]  }
0x41a: {  	s14 =	smov.u32 s12;
	v18 =	vadd.f32 v25, v13;
	v25 =	vld [tilespmem:s28+$0x6080];
	[tilespmem:s15+$0xE080] =	vst v19;
	s15 =	rddreg [dreg:$0x1e]  }
0x41b: {  	s12 =	smov.u32 s0;
	s17 =	smov.u32 s15;
	s15 =	rddreg [dreg:$0xa]  }
0x41c: {  	s0 =	sor.u32 $0x1C60, s3;
	[dreg:$0x1e] =	wrdreg s16;
	s16 =	smov.u32 s15  }
0x41d: {  	s15 =	smov.u32 s7;
	s7 =	smov.u32 s0;
	s0 =	rddreg [dreg:$0x1a]  }
0x41e: {  	[tilespmem:s10+$0xE080] =	vst v20;
	s10 =	sor.u32 $0x1890, s3;
	v19 =	vadd.f32 v24, v9;
	[dreg:$0xa] =	wrdreg s15  }
0x41f: {  	v24 =	vld [tilespmem:s10+$0x6080];
	[tilespmem:s5+$0xE080] =	vst v18;
	v18 =	vadd.f32 v21, v5;
	v21 =	vadd.f32 v22, v15;
	s15 =	rddreg [dreg:$0x6]  }
0x420: {  	[dreg:$0x8] =	wrdreg s7  }
0x421: {  	v20 =	vld [tilespmem:s23+$0x6080];
	[tilespmem:s20+$0xE080] =	vst v21;
	s20 =	sld [smem:$0x7D6]  }
0x422: {  	s5 =	sor.u32 $0x18D0, s14;
	s7 =	rddreg [dreg:$0x14];
	s25 =	smov.u32 s15  }
0x423: {  	s29 =	sor.u32 $0x1810, s3;
	v22 =	vld [tilespmem:s5+$0x6080];
	[tilespmem:s8+$0xE080] =	vst v19;
	s8 =	sor.u32 $0x1C90, s12;
	v19 =	vadd.f32 v23, v13;
	[smem:$0x7E1] =	sst s25  }
0x424: {  	s18 =	sor.u32 $0x1840, s3;
	v23 =	vld [tilespmem:s8+$0x6080];
	[tilespmem:s2+$0xE080] =	vst v18;
	s25 =	smov.u32 s9;
	s9 =	rddreg [dreg:$0x12]  }
0x425: {  	s24 =	sor.u32 $0x1C00, s3;
	v18 =	vadd.f32 v25, v9;
	v25 =	vld [tilespmem:s29+$0x6080];
	[tilespmem:s31+$0xE080] =	vst v19;
	s31 =	smov.u32 s18;
	s18 =	sld [smem:$0x7DA]  }
0x426: {  	s11 =	sor.u32 $0x1C70, s3;
	[dreg:$0x6] =	wrdreg s25;
	s15 =	smov.u32 s9  }
0x427: {  	s9 =	smov.u32 s11;
	s11 =	smov.u32 s24;
	s24 =	rddreg [dreg:$0xc]  }
0x428: {  	s25 =	smov.u32 s20;
	[dreg:$0x16] =	wrdreg s15  }
0x429: {  	s2 =	sor.u32 $0x1CD0, s26;
	[dreg:$0x12] =	wrdreg s25  }
0x42a: {  	v21 =	vld [tilespmem:s2+$0x6080];
	v19 =	vadd.f32 v20, v5;
	v20 =	vadd.f32 v24, v16;
	s25 =	rddreg [dreg:$0x1f]  }
0x42b: {  	s20 =	smov.u32 s7;
	s7 =	smov.u32 s0;
	[dreg:$0x14] =	wrdreg s9;
	v24 =	vld [tilespmem:s25+$0x6080];
	[tilespmem:s28+$0xE080] =	vst v18  }
0x42c: {  	s1 =	sor.u32 $0x1C40, s3;
	[dreg:$0x10] =	wrdreg s7;
	v18 =	vadd.f32 v22, v12;
	[tilespmem:s10+$0xE080] =	vst v20  }
0x42d: {  	s0 =	sor.u32 $0x18A0, s3;
	v22 =	vld [tilespmem:s24+$0x6080];
	[tilespmem:s23+$0xE080] =	vst v19;
	s23 =	smov.u32 s19;
	s19 =	sld [smem:$0x7D7]  }
0x42e: {  	[dreg:$0x1a] =	wrdreg s11;
	s11 =	smov.u32 s1;
	s1 =	sor.u32 $0x18E0, s14;
	v19 =	vadd.f32 v23, v8;
	v23 =	vld [tilespmem:s0+$0x6080];
	[tilespmem:s5+$0xE080] =	vst v18  }
0x42f: {  	s7 =	sld [smem:$0x7D8];
	v18 =	vadd.f32 v21, v4;
	v21 =	vadd.f32 v25, v16;
	v25 =	vld [tilespmem:s1+$0x6080]  }
0x430: {  	s9 =	smov.u32 s22;
	s22 =	sld [smem:$0x7D9];
	[tilespmem:s8+$0xE080] =	vst v19;
	v20 =	vld [tilespmem:s19+$0x6080]  }
0x431: {  	s15 =	sld [smem:$0x7D5];
	s5 =	sor.u32 $0x1CA0, s12;
	[tilespmem:s29+$0xE080] =	vst v21;
	v19 =	vadd.f32 v24, v12  }
0x432: {  	s8 =	sld [smem:$0x7DB];
	v24 =	vld [tilespmem:s5+$0x6080];
	[tilespmem:s2+$0xE080] =	vst v18  }
0x433: {  	s2 =	sor.u32 $0x1CE0, s26;
	v18 =	vadd.f32 v22, v8;
	v22 =	vld [tilespmem:s7+$0x6080];
	[tilespmem:s25+$0xE080] =	vst v19;
	s25 =	smov.u32 s22;
	s22 =	rddreg [dreg:$0x18]  }
0x434: {  	v21 =	vld [tilespmem:s2+$0x6080];
	[dreg:$0x1f] =	wrdreg s25  }
0x435: {  	v26 =	vld [tilespmem:s18+$0x6080];
	[tilespmem:s24+$0xE080] =	vst v18;
	s24 =	smov.u32 s22;
	s22 =	sld [smem:$0x7DD];
	v19 =	vadd.f32 v20, v4  }
0x436: {  	s6 =	sadd.s32 $0x2, s6;
	[dreg:$0xc] =	wrdreg s24  }
0x437: {  	p0 =	slt.u32 s6, $0xE;
	v18 =	vadd.f32 v25, v11;
	v20 =	vadd.f32 v23, v17;
	v25 =	vld [tilespmem:s21+$0x6080];
	[tilespmem:s19+$0xE080] =	vst v19;
	s19 =	sld [smem:$0x7DC]  }
0x438: {  	s25 =	smov.u32 s18;
	s18 =	smov.u32 s8;
	s24 =	sld [smem:$0x7DE]  }
.Ltmp7:
0x439: {  	s29 =	sor.u32 $0x18B0, s3;
	[dreg:$0x18] =	wrdreg s18;
	[tilespmem:s0+$0xE080] =	vst v20;
	v20 =	vadd.f32 v24, v7;
	v19 =	vld [tilespmem:s15+$0x6080];
	(pc) =	sbr.rel @p0 .LBB2_17-.Ltmp7, $4  }
0x43a: {  	s10 =	smov.u32 s22;
	v23 =	vld [tilespmem:s29+$0x6080];
	[tilespmem:s1+$0xE080] =	vst v18;
	v18 =	vadd.f32 v21, v3;
	s8 =	smov.u32 s19;
	s19 =	sor.u32 $0x18F0, s14  }
0x43b: {  	s22 =	sor.u32 $0x1CB0, s12;
	s28 =	smov.u32 s24;
	v21 =	vadd.f32 v22, v17;
	s24 =	sor.u32 $0x1CF0, s26;
	v22 =	vld [tilespmem:s19+$0x6080];
	[tilespmem:s5+$0xE080] =	vst v20  }
0x43c: {  	s26 =	smov.u32 s12;
	s12 =	smov.u32 s3;
	s3 =	sld [smem:$0x7E0];
	v20 =	vld [tilespmem:s22+$0x6080];
	[tilespmem:s2+$0xE080] =	vst v18  }
0x43d: {  	s13 =	sadd.s32 $0x1, s13;
	v24 =	vadd.f32 v26, v11;
	[tilespmem:s7+$0xE080] =	vst v21;
	v21 =	vadd.f32 v25, v7;
	s2 =	smov.u32 s14;
	s14 =	sld [smem:$0x7DF];
	v18 =	vld [tilespmem:s24+$0x6080]  }
0x43e: {  	v15 =	vld [tilespmem:s30+$0x6080];
	_ =	sdelay $0x3  }
0x43f: {  	v16 =	vadd.f32 v23, v14  }
0x440: {  	v40 =	vadd.f32 v15, v14  }
0x441: {  	s0 =	sor.u32 $0x18C0, s12;
	[tilespmem:s29+$0xE080] =	vst v16  }
0x442: {  	v41 =	vld [tilespmem:s0+$0x6080];
	[tilespmem:s30+$0xE080] =	vst v40  }
0x443: {  	v42 =	vld [tilespmem:s31+$0x6080];
	_ =	sdelay $0x3  }
0x444: {  	v14 =	vadd.f32 v41, v13  }
0x445: {  	v43 =	vadd.f32 v42, v13  }
0x446: {  	[tilespmem:s0+$0xE080] =	vst v14  }
0x447: {  	s5 =	sor.u32 $0x18D0, s12;
	[tilespmem:s31+$0xE080] =	vst v43  }
0x448: {  	v44 =	vld [tilespmem:s5+$0x6080];
	s18 =	rddreg [dreg:$0x1f]  }
0x449: {  	v45 =	vld [tilespmem:s18+$0x6080];
	_ =	sdelay $0x3  }
0x44a: {  	v13 =	vadd.f32 v44, v12  }
0x44b: {  	v46 =	vadd.f32 v45, v12  }
0x44c: {  	s6 =	sor.u32 $0x18E0, s12;
	[tilespmem:s5+$0xE080] =	vst v13  }
0x44d: {  	v47 =	vld [tilespmem:s6+$0x6080];
	[tilespmem:s18+$0xE080] =	vst v46  }
0x44e: {  	v48 =	vld [tilespmem:s3+$0x6080];
	_ =	sdelay $0x3  }
0x44f: {  	v12 =	vadd.f32 v47, v11  }
0x450: {  	[tilespmem:s25+$0xE080] =	vst v24;
	v49 =	vadd.f32 v48, v11  }
0x451: {  	s7 =	sor.u32 $0x18F0, s12;
	v50 =	vld [tilespmem:s17+$0x6080];
	[tilespmem:s6+$0xE080] =	vst v12  }
0x452: {  	v51 =	vld [tilespmem:s7+$0x6080];
	[tilespmem:s3+$0xE080] =	vst v49  }
0x453: {  	s18 =	rddreg [dreg:$0x1e]  }
0x454: {  	v52 =	vld [tilespmem:s18+$0x6080]  }
0x455: {  	v53 =	vadd.f32 v22, v10  }
0x456: {  	v12 =	vadd.f32 v50, v10  }
0x457: {  	[tilespmem:s19+$0xE080] =	vst v53;
	v11 =	vadd.f32 v51, v10  }
0x458: {  	s1 =	sor.u32 $0x1C80, s2;
	[tilespmem:s17+$0xE080] =	vst v12  }
0x459: {  	s17 =	sor.u32 $0x1C80, s12;
	v54 =	vld [tilespmem:s1+$0x6080];
	[tilespmem:s7+$0xE080] =	vst v11;
	v55 =	vadd.f32 v52, v10  }
0x45a: {  	s13 =	rddreg [dreg:$0x10];
	v57 =	vld [tilespmem:s17+$0x6080]  }
0x45b: {  	v56 =	vld [tilespmem:s13+$0x6080];
	[tilespmem:s18+$0xE080] =	vst v55  }
0x45c: {  	s3 =	rddreg [dreg:$0x1a]  }
0x45d: {  	v58 =	vld [tilespmem:s3+$0x6080]  }
0x45e: {  	v12 =	vadd.f32 v54, v9  }
0x45f: {  	v10 =	vadd.f32 v57, v9  }
0x460: {  	v11 =	vadd.f32 v56, v9;
	[tilespmem:s1+$0xE080] =	vst v12  }
0x461: {  	s5 =	smov.u32 s2;
	[tilespmem:s17+$0xE080] =	vst v10  }
0x462: {  	s19 =	sor.u32 $0x1C90, s5;
	[tilespmem:s13+$0xE080] =	vst v11;
	v60 =	vadd.f32 v58, v9  }
0x463: {  	v59 =	vld [tilespmem:s19+$0x6080];
	s2 =	rddreg [dreg:$0xc]  }
0x464: {  	s25 =	sor.u32 $0x1C90, s12;
	v61 =	vld [tilespmem:s2+$0x6080];
	[tilespmem:s3+$0xE080] =	vst v60  }
0x465: {  	v62 =	vld [tilespmem:s25+$0x6080];
	s3 =	rddreg [dreg:$0x18]  }
0x466: {  	v63 =	vld [tilespmem:s3+$0x6080];
	_ =	sdelay $0x1  }
0x467: {  	v11 =	vadd.f32 v59, v8  }
0x468: {  	v10 =	vadd.f32 v61, v8  }
0x469: {  	s29 =	sor.u32 $0x1CA0, s5;
	v9 =	vadd.f32 v62, v8;
	[tilespmem:s19+$0xE080] =	vst v11  }
0x46a: {  	v15 =	vld [tilespmem:s29+$0x6080];
	[tilespmem:s2+$0xE080] =	vst v10;
	v16 =	vadd.f32 v63, v8  }
0x46b: {  	[tilespmem:s25+$0xE080] =	vst v9;
	v17 =	vld [tilespmem:s14+$0x6080]  }
0x46c: {  	s30 =	sor.u32 $0x1CA0, s12;
	[tilespmem:s3+$0xE080] =	vst v16  }
0x46d: {  	v22 =	vld [tilespmem:s30+$0x6080];
	s18 =	rddreg [dreg:$0x1c]  }
0x46e: {  	v23 =	vld [tilespmem:s18+$0x6080]  }
0x46f: {  	v10 =	vadd.f32 v15, v7  }
0x470: {  	v9 =	vadd.f32 v17, v7;
	[tilespmem:s21+$0xE080] =	vst v21  }
0x471: {  	[tilespmem:s29+$0xE080] =	vst v10;
	v24 =	vld [tilespmem:s16+$0x6080]  }
0x472: {  	s31 =	sor.u32 $0x1CB0, s5;
	v8 =	vadd.f32 v22, v7;
	[tilespmem:s14+$0xE080] =	vst v9  }
0x473: {  	v25 =	vld [tilespmem:s31+$0x6080];
	s3 =	rddreg [dreg:$0xa];
	v26 =	vadd.f32 v23, v7  }
0x474: {  	[tilespmem:s30+$0xE080] =	vst v8;
	v27 =	vld [tilespmem:s3+$0x6080]  }
0x475: {  	v29 =	vadd.f32 v20, v6;
	s2 =	sor.u32 $0x1CB0, s12;
	[tilespmem:s18+$0xE080] =	vst v26  }
0x476: {  	v28 =	vld [tilespmem:s2+$0x6080];
	v10 =	vadd.f32 v24, v6;
	s4 =	rddreg [dreg:$0xe]  }
0x477: {  	s6 =	sor.u32 $0x1CC0, s26;
	[tilespmem:s22+$0xE080] =	vst v29;
	v30 =	vld [tilespmem:s4+$0x6080]  }
0x478: {  	v31 =	vadd.f32 v25, v6;
	[tilespmem:s16+$0xE080] =	vst v10;
	v32 =	vld [tilespmem:s6+$0x6080]  }
0x479: {  	v33 =	vadd.f32 v27, v6;
	v34 =	vld [tilespmem:s23+$0x6080]  }
0x47a: {  	s7 =	sor.u32 $0x1CC0, s5;
	[tilespmem:s31+$0xE080] =	vst v31  }
0x47b: {  	v7 =	vadd.f32 v28, v6;
	[tilespmem:s3+$0xE080] =	vst v33;
	v8 =	vld [tilespmem:s7+$0x6080]  }
0x47c: {  	v10 =	vld [tilespmem:s9+$0x6080];
	v35 =	vadd.f32 v30, v6  }
0x47d: {  	s13 =	sor.u32 $0x1CC0, s12;
	[tilespmem:s2+$0xE080] =	vst v7;
	v37 =	vadd.f32 v32, v5  }
0x47e: {  	v36 =	vld [tilespmem:s13+$0x6080];
	v11 =	vadd.f32 v34, v5;
	[tilespmem:s4+$0xE080] =	vst v35  }
0x47f: {  	s14 =	sor.u32 $0x1CD0, s26;
	[tilespmem:s6+$0xE080] =	vst v37;
	v38 =	vld [tilespmem:s11+$0x6080]  }
0x480: {  	v39 =	vadd.f32 v8, v5;
	[tilespmem:s23+$0xE080] =	vst v11;
	v40 =	vld [tilespmem:s14+$0x6080]  }
0x481: {  	v10 =	vadd.f32 v10, v5;
	v11 =	vld [tilespmem:s8+$0x6080]  }
0x482: {  	s16 =	sor.u32 $0x1CD0, s5;
	[tilespmem:s7+$0xE080] =	vst v39  }
0x483: {  	v6 =	vadd.f32 v36, v5;
	[tilespmem:s9+$0xE080] =	vst v10;
	v7 =	vld [tilespmem:s16+$0x6080]  }
0x484: {  	v42 =	vld [tilespmem:s10+$0x6080];
	v41 =	vadd.f32 v38, v5  }
0x485: {  	s17 =	sor.u32 $0x1CD0, s12;
	[tilespmem:s13+$0xE080] =	vst v6;
	v44 =	vadd.f32 v40, v4  }
0x486: {  	v43 =	vld [tilespmem:s17+$0x6080];
	v46 =	vadd.f32 v11, v4;
	[tilespmem:s11+$0xE080] =	vst v41  }
0x487: {  	[tilespmem:s14+$0xE080] =	vst v44;
	v45 =	vld [tilespmem:s28+$0x6080]  }
0x488: {  	v47 =	vadd.f32 v7, v4;
	[tilespmem:s8+$0xE080] =	vst v46  }
0x489: {  	s18 =	sor.u32 $0x1CE0, s26;
	v9 =	vadd.f32 v42, v4;
	s6 =	sld [smem:$0x7E1]  }
0x48a: {  	s19 =	sor.u32 $0x1CE0, s5;
	v48 =	vld [tilespmem:s18+$0x6080];
	[tilespmem:s16+$0xE080] =	vst v47  }
0x48b: {  	v5 =	vadd.f32 v43, v4;
	[tilespmem:s10+$0xE080] =	vst v9;
	v6 =	vld [tilespmem:s19+$0x6080]  }
0x48c: {  	s3 =	rddreg [dreg:$0x6];
	v10 =	vld [tilespmem:s6+$0x6080];
	v49 =	vadd.f32 v45, v4  }
0x48d: {  	s21 =	sor.u32 $0x1CE0, s12;
	[tilespmem:s17+$0xE080] =	vst v5;
	v50 =	vld [tilespmem:s3+$0x6080]  }
0x48e: {  	v51 =	vadd.f32 v19, v3;
	v5 =	vld [tilespmem:s21+$0x6080];
	[tilespmem:s28+$0xE080] =	vst v49  }
0x48f: {  	v7 =	vadd.f32 v48, v3;
	s4 =	rddreg [dreg:$0x8]  }
0x490: {  	v6 =	vadd.f32 v6, v3;
	[tilespmem:s15+$0xE080] =	vst v51;
	v52 =	vld [tilespmem:s4+$0x6080]  }
0x491: {  	v53 =	vadd.f32 v10, v3;
	[tilespmem:s18+$0xE080] =	vst v7  }
0x492: {  	s22 =	sor.u32 $0x1CF0, s26;
	v8 =	vadd.f32 v50, v3;
	s15 =	rddreg [dreg:$0x16];
	[tilespmem:s19+$0xE080] =	vst v6  }
0x493: {  	v5 =	vadd.f32 v5, v3;
	v55 =	vld [tilespmem:s22+$0x6080];
	[tilespmem:s6+$0xE080] =	vst v53  }
0x494: {  	v58 =	vadd.f32 v18, v2;
	s23 =	sor.u32 $0x1CF0, s5;
	v54 =	vld [tilespmem:s15+$0x6080];
	s25 =	rddreg [dreg:$0x12];
	[tilespmem:s3+$0xE080] =	vst v8  }
0x495: {  	v57 =	vld [tilespmem:s23+$0x6080];
	[tilespmem:s21+$0xE080] =	vst v5;
	v3 =	vadd.f32 v52, v3  }
0x496: {  	s26 =	sor.u32 $0x1CF0, s12;
	[tilespmem:s24+$0xE080] =	vst v58;
	v56 =	vld [tilespmem:s25+$0x6080]  }
0x497: {  	v60 =	vld [tilespmem:s26+$0x6080];
	[tilespmem:s4+$0xE080] =	vst v3  }
0x498: {  	v59 =	vld [tilespmem:s20+$0x6080];
	v4 =	vadd.f32 v55, v2;
	s3 =	rddreg [dreg:$0x14]  }
0x499: {  	v3 =	vadd.f32 v54, v2;
	v61 =	vld [tilespmem:s3+$0x6080]  }
0x49a: {  	v62 =	vadd.f32 v57, v2;
	[tilespmem:s22+$0xE080] =	vst v4  }
0x49b: {  	[tilespmem:s15+$0xE080] =	vst v3;
	v3 =	vadd.f32 v56, v2  }
0x49c: {  	[tilespmem:s23+$0xE080] =	vst v62;
	v63 =	vadd.f32 v60, v2  }
0x49d: {  	[tilespmem:s25+$0xE080] =	vst v3;
	v3 =	vadd.f32 v59, v2  }
0x49e: {  	[tilespmem:s26+$0xE080] =	vst v63;
	v2 =	vadd.f32 v61, v2  }
0x49f: {  	[tilespmem:s20+$0xE080] =	vst v3  }
0x4a0: {  	[tilespmem:s3+$0xE080] =	vst v2  }
0x4a1: {  	s0 =	sld [smem:$0x7FA]  }
0x4a2: {  	s3 =	sld [smem:$0x7F1];
	_ =	sdelay $0x1  }
0x4a3: {  	s31 =	sld [smem:$0x7F0]  }
0x4a4: {  	s1 =	simm.s32 @!p1 $0x0;
	s2 =	simm.s32 @!p1 $0x6080;
	s0 =	sadd.s32 @!p1 s3, s0  }
0x4a5: {  	[tilespmem:s2], [sflag:$0x3] =	stream.linear.gather @!p1 [hbm4b:s0+s1], $0x4000, $0x38;
	[tilespmem:$0x12080] =	vst v63  }
0x4a6: {  	s2 =	sadd.s32 $0x1, s31  }
0x4a7: {  	p0 =	sne.s32 s2, $0x10  }
.Ltmp8:
0x4a8: {  	s28 =	sld [smem:$0x7FD];
	(pc) =	sbr.rel @p0 .LBB2_2-.Ltmp8, $3  }
0x4a9: {  	_ =	sdelay $0x1  }
0x4aa: {  	s29 =	simm.s32 $0x0;
	s30 =	simm.s32 $0xE080;
	s0 =	sadd.s32 s28, s3  }
0x4ab: {  	[hbm4b:s0+s29] =	stream.linear.scatter [tilespmem:s30], [sflag:$0x5], $0x4000, $0x38;
	[tilespmem:$0x12080] =	vst v63  }
0x4ac: {  	s0 =	simm.s32 $0x4  }
0x4ad: {  	_ =	swait.ge [sflag:s0], $0x4000  }
0x4ae: {  	[sflag:s0] =	ssyncset.done $0x0  }
0x4af: {  	s1 =	simm.s32 $0x5;
	[sflag:s0] =	ssyncadd.s32 $0xFFFFC000  }
0x4b0: {  	_ =	swait.ge [sflag:s1], $0x4000  }
0x4b1: {  	s2 =	sld [smem:$0x7F2]  }
0x4b2: {  	s31 =	sld [smem:$0x7FB];
	_ =	sdelay $0x1  }
0x4b3: {  	s2 =	sadd.s32 $0x1, s2  }
0x4b4: {  	p0 =	sne.s32 s2, s31  }
.Ltmp9:
0x4b5: {  	_ = 	snop;
	(pc) =	sbr.rel @p0 .LBB2_1-.Ltmp9, $3  }
0x4b6: {  	_ =	sdelay $0x1  }
0x4b7: {  	[sflag:s1] =	ssyncset.done $0x0  }
0x4b8: {  	[sflag:s1] =	ssyncadd.s32 $0xFFFFC000  }
0x4b9: {  	_ =	sfence.sel $0x180000  }
0x4ba: {  	[bflag:$0x0] =	sbarrier.arrive $0xFFFF  }
0x4bb: {  	_ =	strace $0x90000047  }
0x4bc: {  	s0 =	stileid.u32;
	[bflag:$0x2] =	sbarrier.arrive $0xFFFF  }
0x4bd: {  	p0 =	sne.s32 s0, $0x0;
	s0 =	rddreg [dreg:$0x4]  }
0x4be: {  	s0 =	sadd.s32 @!p0 $0x100000, s0  }
0x4bf: {  	[sflag:s0] =	ssyncadd.tile.s32 @!p0 $0x1;
	_ =	shalt  }
.Lfunc_end2:
_tile_overlayer_lowered:
.L_overlay_start_2:
0x4c0: {  	(tag) =	ssettag $0x2  }
0x4c1: {  	s0 =	rddreg [dreg:$0x0];
	s2 =	stileid.u32  }
0x4c2: {  	s1 =	rddreg [dreg:$0x1];
	p0 =	sne.s32 s2, $0x0  }
0x4c3: {  	s3 =	rddreg [dreg:$0x2];
	[bflag:$0x3] =	sbarrier.arrive $0xFFFF;
	s2 =	simm.s32 @!p0 $0x1C06  }
0x4c4: {  	[timem:s3], [sflag:s2] =	dma.local @!p0 [hbm:s0], s1  }
0x4c5: {  	s0 =	simm.s32 @!p0 $0x6  }
0x4c6: {  	_ =	swait.ge @!p0 [sflag:s0], s1  }
0x4c7: {  	s1 =	ssub.s32 @!p0 $0x0, s1;
	[sflag:s0] =	ssyncset.done @!p0 $0x0  }
0x4c8: {  	[sflag:s0] =	ssyncadd.s32 @!p0 s1  }
0x4c9: {  	[bflag:$0x3] =	sbarrier.arrive $0xFFFF  }
0x4ca: {  	_ =	shalt  }

</sc_bundles>
